<compile_context>
chip_gen: v7x
topology: tpu7x:2x2x1
jax: 0.10.2.dev20260603
libtpu: 0.0.44.dev20260713+nightly
codegen_flags: <defaults>
</compile_context>

<pallas_src>
import functools

import jax
import jax.numpy as jnp
import numpy as np
from jax import lax
from jax.experimental import pallas as pl
from jax.experimental.pallas import tpu as pltpu
from jax.experimental.pallas import tpu_sc as plsc

K = 128
HW = 1024
L = 16
NV = HW // L
NROWS = 32 * 384
NC = 2
NS = 16
NW = NC * NS
CH = 16
IMIN = np.int32(-2**31)

SC_ROWS = 3584
TC_BLK = 512

_mesh = plsc.VectorSubcoreMesh(core_axis_name="c", subcore_axis_name="s")

_GATHER_DNUMS = lax.GatherDimensionNumbers(
    offset_dims=(), collapsed_slice_dims=(0,), start_index_map=(0,)
)


def _permute(v, p):
    return lax.gather(
        v,
        p[:, None],
        _GATHER_DNUMS,
        slice_sizes=(1,),
        mode=lax.GatherScatterMode.PROMISE_IN_BOUNDS,
    )


def _allsum(v, perms):
    for p in perms:
        v = v + _permute(v, p)
    return v


def _sc_body(x_hbm, out_hbm, in_v, out_v, keys_v):
    rows_per_w = SC_ROWS // NW
    nchunk = rows_per_w // CH
    wid = lax.axis_index("s") * NC + lax.axis_index("c")
    base_row = wid * rows_per_w
    imin_v = jnp.full((L,), IMIN, jnp.int32)
    k_f = jnp.full((L,), np.float32(K), jnp.float32)
    one_f = jnp.ones((L,), jnp.float32)
    zero_f = jnp.zeros((L,), jnp.float32)
    lanes = lax.iota(jnp.int32, L)
    perms = [lanes ^ jnp.int32(1 << p) for p in range(4)]

    def row_body(r, _):
        for j in range(NV):
            xv = in_v[r, pl.ds(j * L, L)]
            bv = lax.bitcast_convert_type(xv, jnp.int32)
            keys_v[pl.ds(j * L, L)] = jnp.where(bv >= 0, bv, imin_v - bv)

        def bit_body(_i, carry):
            prefix_v, bit_v = carry
            cand_v = prefix_v | bit_v
            ckey_v = cand_v ^ imin_v
            acc0 = jnp.zeros((L,), jnp.float32)
            acc1 = jnp.zeros((L,), jnp.float32)
            for j in range(0, NV, 2):
                acc0 = acc0 + jnp.where(keys_v[pl.ds(j * L, L)] >= ckey_v, one_f, zero_f)
                acc1 = acc1 + jnp.where(keys_v[pl.ds((j + 1) * L, L)] >= ckey_v, one_f, zero_f)
            cnt_v = _allsum(acc0 + acc1, perms)
            prefix_v = jnp.where(cnt_v >= k_f, cand_v, prefix_v)
            return prefix_v, lax.shift_right_logical(bit_v, 1)

        prefix_v, _bv = lax.fori_loop(
            0, 32, bit_body, (jnp.zeros((L,), jnp.int32), imin_v)
        )

        tk_v = prefix_v ^ imin_v
        tb_v = jnp.where(tk_v >= 0, tk_v, imin_v - tk_v)
        tf_v = lax.bitcast_convert_type(tb_v, jnp.float32)

        accs = jnp.zeros((L,), jnp.float32)
        accc = jnp.zeros((L,), jnp.float32)
        for j in range(NV):
            xv = in_v[r, pl.ds(j * L, L)]
            m = xv > tf_v
            accs = accs + jnp.where(m, xv, zero_f)
            accc = accc + jnp.where(m, one_f, zero_f)
        sum_gt = _allsum(accs, perms)
        cnt_gt = _allsum(accc, perms)
        mean_v = (sum_gt + (k_f - cnt_gt) * tf_v) * jnp.float32(1.0 / K)

        for j in range(NV):
            xv = in_v[r, pl.ds(j * L, L)]
            out_v[r, pl.ds(j * L, L)] = jnp.where(xv >= tf_v, mean_v, zero_f)
        return _

    def chunk_body(ci, _):
        row0 = base_row + ci * CH
        pltpu.sync_copy(x_hbm.at[pl.ds(row0, CH)], in_v)
        lax.fori_loop(0, CH, row_body, 0)
        pltpu.sync_copy(out_v, out_hbm.at[pl.ds(row0, CH)])
        return _

    lax.fori_loop(0, nchunk, chunk_body, 0)


_topk_sc = functools.partial(
    pl.kernel,
    out_type=jax.ShapeDtypeStruct((SC_ROWS, HW), jnp.float32),
    mesh=_mesh,
    scratch_types=[
        pltpu.VMEM((CH, HW), jnp.float32),
        pltpu.VMEM((CH, HW), jnp.float32),
        pltpu.VMEM((HW,), jnp.int32),
    ],
)(_sc_body)


def _tc_body(x_ref, o_ref):
    x = x_ref[...]
    bts = lax.bitcast_convert_type(x, jnp.int32)
    keys = jnp.where(bts >= 0, bts, IMIN - bts)
    r = x.shape[0]

    def bit_body(_i, carry):
        prefix, bit = carry
        cand = prefix | bit
        ck = cand ^ IMIN
        cnt = jnp.sum((keys >= ck).astype(jnp.int32), axis=1, keepdims=True)
        prefix = jnp.where(cnt >= K, cand, prefix)
        return prefix, lax.shift_right_logical(bit, 1)

    prefix, _bv = lax.fori_loop(
        0, 32, bit_body,
        (jnp.zeros((r, 1), jnp.int32), jnp.full((r, 1), IMIN, jnp.int32)),
    )
    tk = prefix ^ IMIN
    tb = jnp.where(tk >= 0, tk, IMIN - tk)
    t = lax.bitcast_convert_type(tb, jnp.float32)
    m_gt = x > t
    sum_gt = jnp.sum(jnp.where(m_gt, x, 0.0), axis=1, keepdims=True)
    cnt_gt = jnp.sum(m_gt.astype(jnp.int32), axis=1, keepdims=True)
    mean = (sum_gt + (np.float32(K) - cnt_gt.astype(jnp.float32)) * t) * np.float32(1.0 / K)
    o_ref[...] = jnp.where(x >= t, mean, 0.0)


def _topk_tc(xr):
    n = xr.shape[0]
    return pl.pallas_call(
        _tc_body,
        grid=(n // TC_BLK,),
        in_specs=[pl.BlockSpec((TC_BLK, HW), lambda i: (i, 0))],
        out_specs=pl.BlockSpec((TC_BLK, HW), lambda i: (i, 0)),
        out_shape=jax.ShapeDtypeStruct((n, HW), jnp.float32),
    )(xr)


def kernel(x, tau):
    b, c, h, w = x.shape
    xr = x.reshape(b * c, h * w)
    out_sc = _topk_sc(xr[:SC_ROWS])
    out_tc = _topk_tc(xr[SC_ROWS:])
    out = jnp.concatenate([out_sc, out_tc], axis=0)
    return out.reshape(b, c, h, w)

# --- scband reference (transcript-rebuilt; emitter-appended) ---
"""Pipeline reference for scband-top-kmask-hwmean-replace-36902359007389 (READ-ONLY COPY).

The authoritative reference and input builder live on the scoring server;
editing this copy changes nothing except your own understanding.
"""

import jax, jax.numpy as jnp
import numpy as np

TOPK_KEEP_NUM = 128

def setup_inputs(seed: int = 0) -> dict:
    key = jax.random.key(seed)
    x = jax.random.normal(key, (32, 384, 32, 32), dtype=jnp.float32)
    return {"x": x, "tau": 1}

def reference(x, tau):
    b, c, h, w = x.shape
    k = TOPK_KEEP_NUM
    x_reshape = x.reshape(b, c, h * w)
    value, index = jax.lax.top_k(x_reshape, k)
    value_mean = jnp.broadcast_to(value.mean(axis=2, keepdims=True), (b, c, k))
    bi = jnp.arange(b)[:, None, None]
    ci = jnp.arange(c)[None, :, None]
    out = jnp.zeros_like(x_reshape).at[bi, ci, index].set(value_mean)
    out = out.reshape(b, c, h, w)
    return out

if __name__ == "__main__":
    import jax
    _d = setup_inputs()
    print(jax.jit(kernel)(*tuple(_d.values())))

</pallas_src>

<mosaic_0001>
#map = affine_map<(d0, d1) -> (0, 0)>
module attributes {stable_mosaic.version = 14 : i64} {
  func.func @_sc_body(%arg0: i32, %arg1: i32, %arg2: memref<3584x1024xf32, #tpu.memory_space<hbm>>, %arg3: memref<3584x1024xf32, #tpu.memory_space<hbm>>, %arg4: memref<16x1024xf32, #tpu.memory_space<vmem>>, %arg5: memref<16x1024xf32, #tpu.memory_space<vmem>>, %arg6: memref<1024xi32, #tpu.memory_space<vmem>>) attributes {dimension_semantics = [#tpu.dimension_semantics<core_parallel>, #tpu.dimension_semantics<subcore_parallel>], iteration_bounds = array<i64: 2, 16>, scalar_prefetch = 0 : i64, scratch_operands = 3 : i64, tpu.core_type = #tpu.core_type<sc_vector_subcore>, window_params = [{transform_indices = #map}, {transform_indices = #map}]} {
    %mul3A = arith.constant 2 : i32
    %mul3A_0 = arith.muli %arg1, %mul3A : i32
    %add3A = arith.addi %mul3A_0, %arg0 : i32
    %mul3A_1 = arith.constant 112 : i32
    %mul3A_2 = arith.muli %add3A, %mul3A_1 : i32
    %broadcast_in_dim3A = arith.constant -2147483648 : i32
    %broadcast_in_dim3A_3 = vector.broadcast %broadcast_in_dim3A : i32 to vector<16xi32>
    %broadcast_in_dim3A_4 = arith.constant 1.280000e+02 : f32
    %broadcast_in_dim3A_5 = vector.broadcast %broadcast_in_dim3A_4 : f32 to vector<16xf32>
    %broadcast_in_dim3A_6 = arith.constant 1.000000e+00 : f32
    %broadcast_in_dim3A_7 = vector.broadcast %broadcast_in_dim3A_6 : f32 to vector<16xf32>
    %broadcast_in_dim3A_8 = arith.constant 0.000000e+00 : f32
    %broadcast_in_dim3A_9 = vector.broadcast %broadcast_in_dim3A_8 : f32 to vector<16xf32>
    %iota3A = tpu.iota {dimensions = array<i32: 0>} : vector<16xi32>
    %xor3A = arith.constant 1 : i32
    %xor3A_10 = vector.broadcast %xor3A : i32 to vector<16xi32>
    %xor3A_11 = arith.xori %iota3A, %xor3A_10 : vector<16xi32>
    %xor3A_12 = arith.constant 2 : i32
    %xor3A_13 = vector.broadcast %xor3A_12 : i32 to vector<16xi32>
    %xor3A_14 = arith.xori %iota3A, %xor3A_13 : vector<16xi32>
    %xor3A_15 = arith.constant 4 : i32
    %xor3A_16 = vector.broadcast %xor3A_15 : i32 to vector<16xi32>
    %xor3A_17 = arith.xori %iota3A, %xor3A_16 : vector<16xi32>
    %xor3A_18 = arith.constant 8 : i32
    %xor3A_19 = vector.broadcast %xor3A_18 : i32 to vector<16xi32>
    %xor3A_20 = arith.xori %iota3A, %xor3A_19 : vector<16xi32>
    %scan3A = arith.constant 0 : i32
    %scan3A_21 = arith.constant 0 : i32
    %scan3A_22 = arith.constant 7 : i32
    %scan3A_23 = arith.addi %scan3A_21, %scan3A_22 : i32
    %scan3A_24 = arith.constant 1 : i32
    scf.for %scan3A_26 = %scan3A_21 to %scan3A_23 step %scan3A_24  : i32 {
      %mul3A_27 = arith.constant 16 : i32
      %mul3A_28 = arith.muli %scan3A_26, %mul3A_27 : i32
      %add3A_29 = arith.addi %mul3A_2, %mul3A_28 : i32
      "tpu.region"() ({
        %run_scoped3A = tpu.sem_alloc : memref<!tpu.dma_semaphore, #tpu.memory_space<semaphore_mem>>
        %dma_start3A = arith.constant 0 : i32
        %dma_start3A_36 = tpu.memref_slice %arg2[%add3A_29, %dma_start3A] : memref<3584x1024xf32, #tpu.memory_space<hbm>> -> memref<16x1024xf32, #tpu.memory_space<hbm>>
        %dma_start3A_37 = arith.constant 0 : i32
        %dma_start3A_38 = tpu.memref_slice %arg2[%add3A_29, %dma_start3A_37] : memref<3584x1024xf32, #tpu.memory_space<hbm>> -> memref<16x1024xf32, #tpu.memory_space<hbm>>
        tpu.enqueue_dma source(%dma_start3A_38 : memref<16x1024xf32, #tpu.memory_space<hbm>>) target(%arg4 : memref<16x1024xf32, #tpu.memory_space<vmem>>) target_semaphore(%run_scoped3A : memref<!tpu.dma_semaphore, #tpu.memory_space<semaphore_mem>>)
        %dma_wait3A = arith.constant 0 : i32
        %dma_wait3A_39 = tpu.memref_slice %arg2[%add3A_29, %dma_wait3A] : memref<3584x1024xf32, #tpu.memory_space<hbm>> -> memref<16x1024xf32, #tpu.memory_space<hbm>>
        %dma_wait3A_40 = arith.constant 0 : i32
        %dma_wait3A_41 = tpu.memref_slice %arg2[%add3A_29, %dma_wait3A_40] : memref<3584x1024xf32, #tpu.memory_space<hbm>> -> memref<16x1024xf32, #tpu.memory_space<hbm>>
        tpu.wait_dma2 semaphore(%run_scoped3A : memref<!tpu.dma_semaphore, #tpu.memory_space<semaphore_mem>>) src(%dma_wait3A_41 : memref<16x1024xf32, #tpu.memory_space<hbm>>) dst(%arg4 : memref<16x1024xf32, #tpu.memory_space<vmem>>)
        tpu.yield
      }) : () -> ()
      %scan3A_30 = arith.constant 0 : i32
      %scan3A_31 = arith.constant 0 : i32
      %scan3A_32 = arith.constant 16 : i32
      %scan3A_33 = arith.addi %scan3A_31, %scan3A_32 : i32
      %scan3A_34 = arith.constant 1 : i32
      scf.for %scan3A_36 = %scan3A_31 to %scan3A_33 step %scan3A_34  : i32 {
        %get3A = arith.index_cast %scan3A_36 : i32 to index
        %get3A_37 = arith.constant 0 : index
        %get3A_38 = tpu.vector_load %arg4[%get3A, %get3A_37] {strides = array<i32>} : memref<16x1024xf32, #tpu.memory_space<vmem>>, vector<1x16xf32>,
        %get3A_39 = vector.shape_cast %get3A_38 : vector<1x16xf32> to vector<16xf32>
        %bitcast_convert_type3A = tpu.bitcast %get3A_39 : vector<16xf32> -> vector<16xi32>
        %ge3A = arith.constant 0 : i32
        %ge3A_40 = vector.broadcast %ge3A : i32 to vector<16xi32>
        %ge3A_41 = arith.cmpi sge, %bitcast_convert_type3A, %ge3A_40 : vector<16xi32>
        %sub3A = arith.subi %broadcast_in_dim3A_3, %bitcast_convert_type3A : vector<16xi32>
        %select_n3A = arith.select %ge3A_41, %bitcast_convert_type3A, %sub3A : vector<16xi1>, vector<16xi32>
        %swap3A = arith.constant 0 : index
        %swap3A_42 = tpu.vector_load %arg6[%swap3A] {strides = array<i32>} : memref<1024xi32, #tpu.memory_space<vmem>>, vector<16xi32>,
        %swap3A_43 = vector.shape_cast %swap3A_42 : vector<16xi32> to vector<16xi32>
        %swap3A_44 = vector.shape_cast %select_n3A : vector<16xi32> to vector<16xi32>
        tpu.vector_store %arg6[%swap3A], %swap3A_44 {strides = array<i32>} : memref<1024xi32, #tpu.memory_space<vmem>>, vector<16xi32>,
        %get3A_45 = arith.index_cast %scan3A_36 : i32 to index
        %get3A_46 = arith.constant 16 : index
        %get3A_47 = tpu.vector_load %arg4[%get3A_45, %get3A_46] {strides = array<i32>} : memref<16x1024xf32, #tpu.memory_space<vmem>>, vector<1x16xf32>,
        %get3A_48 = vector.shape_cast %get3A_47 : vector<1x16xf32> to vector<16xf32>
        %bitcast_convert_type3A_49 = tpu.bitcast %get3A_48 : vector<16xf32> -> vector<16xi32>
        %ge3A_50 = arith.constant 0 : i32
        %ge3A_51 = vector.broadcast %ge3A_50 : i32 to vector<16xi32>
        %ge3A_52 = arith.cmpi sge, %bitcast_convert_type3A_49, %ge3A_51 : vector<16xi32>
        %sub3A_53 = arith.subi %broadcast_in_dim3A_3, %bitcast_convert_type3A_49 : vector<16xi32>
        %select_n3A_54 = arith.select %ge3A_52, %bitcast_convert_type3A_49, %sub3A_53 : vector<16xi1>, vector<16xi32>
        %swap3A_55 = arith.constant 16 : index
        %swap3A_56 = tpu.vector_load %arg6[%swap3A_55] {strides = array<i32>} : memref<1024xi32, #tpu.memory_space<vmem>>, vector<16xi32>,
        %swap3A_57 = vector.shape_cast %swap3A_56 : vector<16xi32> to vector<16xi32>
        %swap3A_58 = vector.shape_cast %select_n3A_54 : vector<16xi32> to vector<16xi32>
        tpu.vector_store %arg6[%swap3A_55], %swap3A_58 {strides = array<i32>} : memref<1024xi32, #tpu.memory_space<vmem>>, vector<16xi32>,
        %get3A_59 = arith.index_cast %scan3A_36 : i32 to index
        %get3A_60 = arith.constant 32 : index
        %get3A_61 = tpu.vector_load %arg4[%get3A_59, %get3A_60] {strides = array<i32>} : memref<16x1024xf32, #tpu.memory_space<vmem>>, vector<1x16xf32>,
        %get3A_62 = vector.shape_cast %get3A_61 : vector<1x16xf32> to vector<16xf32>
        %bitcast_convert_type3A_63 = tpu.bitcast %get3A_62 : vector<16xf32> -> vector<16xi32>
        %ge3A_64 = arith.constant 0 : i32
        %ge3A_65 = vector.broadcast %ge3A_64 : i32 to vector<16xi32>
        %ge3A_66 = arith.cmpi sge, %bitcast_convert_type3A_63, %ge3A_65 : vector<16xi32>
        %sub3A_67 = arith.subi %broadcast_in_dim3A_3, %bitcast_convert_type3A_63 : vector<16xi32>
        %select_n3A_68 = arith.select %ge3A_66, %bitcast_convert_type3A_63, %sub3A_67 : vector<16xi1>, vector<16xi32>
        %swap3A_69 = arith.constant 32 : index
        %swap3A_70 = tpu.vector_load %arg6[%swap3A_69] {strides = array<i32>} : memref<1024xi32, #tpu.memory_space<vmem>>, vector<16xi32>,
        %swap3A_71 = vector.shape_cast %swap3A_70 : vector<16xi32> to vector<16xi32>
        %swap3A_72 = vector.shape_cast %select_n3A_68 : vector<16xi32> to vector<16xi32>
        tpu.vector_store %arg6[%swap3A_69], %swap3A_72 {strides = array<i32>} : memref<1024xi32, #tpu.memory_space<vmem>>, vector<16xi32>,
        %get3A_73 = arith.index_cast %scan3A_36 : i32 to index
        %get3A_74 = arith.constant 48 : index
        %get3A_75 = tpu.vector_load %arg4[%get3A_73, %get3A_74] {strides = array<i32>} : memref<16x1024xf32, #tpu.memory_space<vmem>>, vector<1x16xf32>,
        %get3A_76 = vector.shape_cast %get3A_75 : vector<1x16xf32> to vector<16xf32>
        %bitcast_convert_type3A_77 = tpu.bitcast %get3A_76 : vector<16xf32> -> vector<16xi32>
        %ge3A_78 = arith.constant 0 : i32
        %ge3A_79 = vector.broadcast %ge3A_78 : i32 to vector<16xi32>
        %ge3A_80 = arith.cmpi sge, %bitcast_convert_type3A_77, %ge3A_79 : vector<16xi32>
        %sub3A_81 = arith.subi %broadcast_in_dim3A_3, %bitcast_convert_type3A_77 : vector<16xi32>
        %select_n3A_82 = arith.select %ge3A_80, %bitcast_convert_type3A_77, %sub3A_81 : vector<16xi1>, vector<16xi32>
        %swap3A_83 = arith.constant 48 : index
        %swap3A_84 = tpu.vector_load %arg6[%swap3A_83] {strides = array<i32>} : memref<1024xi32, #tpu.memory_space<vmem>>, vector<16xi32>,
        %swap3A_85 = vector.shape_cast %swap3A_84 : vector<16xi32> to vector<16xi32>
        %swap3A_86 = vector.shape_cast %select_n3A_82 : vector<16xi32> to vector<16xi32>
        tpu.vector_store %arg6[%swap3A_83], %swap3A_86 {strides = array<i32>} : memref<1024xi32, #tpu.memory_space<vmem>>, vector<16xi32>,
        %get3A_87 = arith.index_cast %scan3A_36 : i32 to index
        %get3A_88 = arith.constant 64 : index
        %get3A_89 = tpu.vector_load %arg4[%get3A_87, %get3A_88] {strides = array<i32>} : memref<16x1024xf32, #tpu.memory_space<vmem>>, vector<1x16xf32>,
        %get3A_90 = vector.shape_cast %get3A_89 : vector<1x16xf32> to vector<16xf32>
        %bitcast_convert_type3A_91 = tpu.bitcast %get3A_90 : vector<16xf32> -> vector<16xi32>
        %ge3A_92 = arith.constant 0 : i32
        %ge3A_93 = vector.broadcast %ge3A_92 : i32 to vector<16xi32>
        %ge3A_94 = arith.cmpi sge, %bitcast_convert_type3A_91, %ge3A_93 : vector<16xi32>
        %sub3A_95 = arith.subi %broadcast_in_dim3A_3, %bitcast_convert_type3A_91 : vector<16xi32>
        %select_n3A_96 = arith.select %ge3A_94, %bitcast_convert_type3A_91, %sub3A_95 : vector<16xi1>, vector<16xi32>
        %swap3A_97 = arith.constant 64 : index
        %swap3A_98 = tpu.vector_load %arg6[%swap3A_97] {strides = array<i32>} : memref<1024xi32, #tpu.memory_space<vmem>>, vector<16xi32>,
        %swap3A_99 = vector.shape_cast %swap3A_98 : vector<16xi32> to vector<16xi32>
        %swap3A_100 = vector.shape_cast %select_n3A_96 : vector<16xi32> to vector<16xi32>
        tpu.vector_store %arg6[%swap3A_97], %swap3A_100 {strides = array<i32>} : memref<1024xi32, #tpu.memory_space<vmem>>, vector<16xi32>,
        %get3A_101 = arith.index_cast %scan3A_36 : i32 to index
        %get3A_102 = arith.constant 80 : index
        %get3A_103 = tpu.vector_load %arg4[%get3A_101, %get3A_102] {strides = array<i32>} : memref<16x1024xf32, #tpu.memory_space<vmem>>, vector<1x16xf32>,
        %get3A_104 = vector.shape_cast %get3A_103 : vector<1x16xf32> to vector<16xf32>
        %bitcast_convert_type3A_105 = tpu.bitcast %get3A_104 : vector<16xf32> -> vector<16xi32>
        %ge3A_106 = arith.constant 0 : i32
        %ge3A_107 = vector.broadcast %ge3A_106 : i32 to vector<16xi32>
        %ge3A_108 = arith.cmpi sge, %bitcast_convert_type3A_105, %ge3A_107 : vector<16xi32>
        %sub3A_109 = arith.subi %broadcast_in_dim3A_3, %bitcast_convert_type3A_105 : vector<16xi32>
        %select_n3A_110 = arith.select %ge3A_108, %bitcast_convert_type3A_105, %sub3A_109 : vector<16xi1>, vector<16xi32>
        %swap3A_111 = arith.constant 80 : index
        %swap3A_112 = tpu.vector_load %arg6[%swap3A_111] {strides = array<i32>} : memref<1024xi32, #tpu.memory_space<vmem>>, vector<16xi32>,
        %swap3A_113 = vector.shape_cast %swap3A_112 : vector<16xi32> to vector<16xi32>
        %swap3A_114 = vector.shape_cast %select_n3A_110 : vector<16xi32> to vector<16xi32>
        tpu.vector_store %arg6[%swap3A_111], %swap3A_114 {strides = array<i32>} : memref<1024xi32, #tpu.memory_space<vmem>>, vector<16xi32>,
        %get3A_115 = arith.index_cast %scan3A_36 : i32 to index
        %get3A_116 = arith.constant 96 : index
        %get3A_117 = tpu.vector_load %arg4[%get3A_115, %get3A_116] {strides = array<i32>} : memref<16x1024xf32, #tpu.memory_space<vmem>>, vector<1x16xf32>,
        %get3A_118 = vector.shape_cast %get3A_117 : vector<1x16xf32> to vector<16xf32>
        %bitcast_convert_type3A_119 = tpu.bitcast %get3A_118 : vector<16xf32> -> vector<16xi32>
        %ge3A_120 = arith.constant 0 : i32
        %ge3A_121 = vector.broadcast %ge3A_120 : i32 to vector<16xi32>
        %ge3A_122 = arith.cmpi sge, %bitcast_convert_type3A_119, %ge3A_121 : vector<16xi32>
        %sub3A_123 = arith.subi %broadcast_in_dim3A_3, %bitcast_convert_type3A_119 : vector<16xi32>
        %select_n3A_124 = arith.select %ge3A_122, %bitcast_convert_type3A_119, %sub3A_123 : vector<16xi1>, vector<16xi32>
        %swap3A_125 = arith.constant 96 : index
        %swap3A_126 = tpu.vector_load %arg6[%swap3A_125] {strides = array<i32>} : memref<1024xi32, #tpu.memory_space<vmem>>, vector<16xi32>,
        %swap3A_127 = vector.shape_cast %swap3A_126 : vector<16xi32> to vector<16xi32>
        %swap3A_128 = vector.shape_cast %select_n3A_124 : vector<16xi32> to vector<16xi32>
        tpu.vector_store %arg6[%swap3A_125], %swap3A_128 {strides = array<i32>} : memref<1024xi32, #tpu.memory_space<vmem>>, vector<16xi32>,
        %get3A_129 = arith.index_cast %scan3A_36 : i32 to index
        %get3A_130 = arith.constant 112 : index
        %get3A_131 = tpu.vector_load %arg4[%get3A_129, %get3A_130] {strides = array<i32>} : memref<16x1024xf32, #tpu.memory_space<vmem>>, vector<1x16xf32>,
        %get3A_132 = vector.shape_cast %get3A_131 : vector<1x16xf32> to vector<16xf32>
        %bitcast_convert_type3A_133 = tpu.bitcast %get3A_132 : vector<16xf32> -> vector<16xi32>
        %ge3A_134 = arith.constant 0 : i32
        %ge3A_135 = vector.broadcast %ge3A_134 : i32 to vector<16xi32>
        %ge3A_136 = arith.cmpi sge, %bitcast_convert_type3A_133, %ge3A_135 : vector<16xi32>
        %sub3A_137 = arith.subi %broadcast_in_dim3A_3, %bitcast_convert_type3A_133 : vector<16xi32>
        %select_n3A_138 = arith.select %ge3A_136, %bitcast_convert_type3A_133, %sub3A_137 : vector<16xi1>, vector<16xi32>
        %swap3A_139 = arith.constant 112 : index
        %swap3A_140 = tpu.vector_load %arg6[%swap3A_139] {strides = array<i32>} : memref<1024xi32, #tpu.memory_space<vmem>>, vector<16xi32>,
        %swap3A_141 = vector.shape_cast %swap3A_140 : vector<16xi32> to vector<16xi32>
        %swap3A_142 = vector.shape_cast %select_n3A_138 : vector<16xi32> to vector<16xi32>
        tpu.vector_store %arg6[%swap3A_139], %swap3A_142 {strides = array<i32>} : memref<1024xi32, #tpu.memory_space<vmem>>, vector<16xi32>,
        %get3A_143 = arith.index_cast %scan3A_36 : i32 to index
        %get3A_144 = arith.constant 128 : index
        %get3A_145 = tpu.vector_load %arg4[%get3A_143, %get3A_144] {strides = array<i32>} : memref<16x1024xf32, #tpu.memory_space<vmem>>, vector<1x16xf32>,
        %get3A_146 = vector.shape_cast %get3A_145 : vector<1x16xf32> to vector<16xf32>
        %bitcast_convert_type3A_147 = tpu.bitcast %get3A_146 : vector<16xf32> -> vector<16xi32>
        %ge3A_148 = arith.constant 0 : i32
        %ge3A_149 = vector.broadcast %ge3A_148 : i32 to vector<16xi32>
        %ge3A_150 = arith.cmpi sge, %bitcast_convert_type3A_147, %ge3A_149 : vector<16xi32>
        %sub3A_151 = arith.subi %broadcast_in_dim3A_3, %bitcast_convert_type3A_147 : vector<16xi32>
        %select_n3A_152 = arith.select %ge3A_150, %bitcast_convert_type3A_147, %sub3A_151 : vector<16xi1>, vector<16xi32>
        %swap3A_153 = arith.constant 128 : index
        %swap3A_154 = tpu.vector_load %arg6[%swap3A_153] {strides = array<i32>} : memref<1024xi32, #tpu.memory_space<vmem>>, vector<16xi32>,
        %swap3A_155 = vector.shape_cast %swap3A_154 : vector<16xi32> to vector<16xi32>
        %swap3A_156 = vector.shape_cast %select_n3A_152 : vector<16xi32> to vector<16xi32>
        tpu.vector_store %arg6[%swap3A_153], %swap3A_156 {strides = array<i32>} : memref<1024xi32, #tpu.memory_space<vmem>>, vector<16xi32>,
        %get3A_157 = arith.index_cast %scan3A_36 : i32 to index
        %get3A_158 = arith.constant 144 : index
        %get3A_159 = tpu.vector_load %arg4[%get3A_157, %get3A_158] {strides = array<i32>} : memref<16x1024xf32, #tpu.memory_space<vmem>>, vector<1x16xf32>,
        %get3A_160 = vector.shape_cast %get3A_159 : vector<1x16xf32> to vector<16xf32>
        %bitcast_convert_type3A_161 = tpu.bitcast %get3A_160 : vector<16xf32> -> vector<16xi32>
        %ge3A_162 = arith.constant 0 : i32
        %ge3A_163 = vector.broadcast %ge3A_162 : i32 to vector<16xi32>
        %ge3A_164 = arith.cmpi sge, %bitcast_convert_type3A_161, %ge3A_163 : vector<16xi32>
        %sub3A_165 = arith.subi %broadcast_in_dim3A_3, %bitcast_convert_type3A_161 : vector<16xi32>
        %select_n3A_166 = arith.select %ge3A_164, %bitcast_convert_type3A_161, %sub3A_165 : vector<16xi1>, vector<16xi32>
        %swap3A_167 = arith.constant 144 : index
        %swap3A_168 = tpu.vector_load %arg6[%swap3A_167] {strides = array<i32>} : memref<1024xi32, #tpu.memory_space<vmem>>, vector<16xi32>,
        %swap3A_169 = vector.shape_cast %swap3A_168 : vector<16xi32> to vector<16xi32>
        %swap3A_170 = vector.shape_cast %select_n3A_166 : vector<16xi32> to vector<16xi32>
        tpu.vector_store %arg6[%swap3A_167], %swap3A_170 {strides = array<i32>} : memref<1024xi32, #tpu.memory_space<vmem>>, vector<16xi32>,
        %get3A_171 = arith.index_cast %scan3A_36 : i32 to index
        %get3A_172 = arith.constant 160 : index
        %get3A_173 = tpu.vector_load %arg4[%get3A_171, %get3A_172] {strides = array<i32>} : memref<16x1024xf32, #tpu.memory_space<vmem>>, vector<1x16xf32>,
        %get3A_174 = vector.shape_cast %get3A_173 : vector<1x16xf32> to vector<16xf32>
        %bitcast_convert_type3A_175 = tpu.bitcast %get3A_174 : vector<16xf32> -> vector<16xi32>
        %ge3A_176 = arith.constant 0 : i32
        %ge3A_177 = vector.broadcast %ge3A_176 : i32 to vector<16xi32>
        %ge3A_178 = arith.cmpi sge, %bitcast_convert_type3A_175, %ge3A_177 : vector<16xi32>
        %sub3A_179 = arith.subi %broadcast_in_dim3A_3, %bitcast_convert_type3A_175 : vector<16xi32>
        %select_n3A_180 = arith.select %ge3A_178, %bitcast_convert_type3A_175, %sub3A_179 : vector<16xi1>, vector<16xi32>
        %swap3A_181 = arith.constant 160 : index
        %swap3A_182 = tpu.vector_load %arg6[%swap3A_181] {strides = array<i32>} : memref<1024xi32, #tpu.memory_space<vmem>>, vector<16xi32>,
        %swap3A_183 = vector.shape_cast %swap3A_182 : vector<16xi32> to vector<16xi32>
        %swap3A_184 = vector.shape_cast %select_n3A_180 : vector<16xi32> to vector<16xi32>
        tpu.vector_store %arg6[%swap3A_181], %swap3A_184 {strides = array<i32>} : memref<1024xi32, #tpu.memory_space<vmem>>, vector<16xi32>,
        %get3A_185 = arith.index_cast %scan3A_36 : i32 to index
        %get3A_186 = arith.constant 176 : index
        %get3A_187 = tpu.vector_load %arg4[%get3A_185, %get3A_186] {strides = array<i32>} : memref<16x1024xf32, #tpu.memory_space<vmem>>, vector<1x16xf32>,
        %get3A_188 = vector.shape_cast %get3A_187 : vector<1x16xf32> to vector<16xf32>
        %bitcast_convert_type3A_189 = tpu.bitcast %get3A_188 : vector<16xf32> -> vector<16xi32>
        %ge3A_190 = arith.constant 0 : i32
        %ge3A_191 = vector.broadcast %ge3A_190 : i32 to vector<16xi32>
        %ge3A_192 = arith.cmpi sge, %bitcast_convert_type3A_189, %ge3A_191 : vector<16xi32>
        %sub3A_193 = arith.subi %broadcast_in_dim3A_3, %bitcast_convert_type3A_189 : vector<16xi32>
        %select_n3A_194 = arith.select %ge3A_192, %bitcast_convert_type3A_189, %sub3A_193 : vector<16xi1>, vector<16xi32>
        %swap3A_195 = arith.constant 176 : index
        %swap3A_196 = tpu.vector_load %arg6[%swap3A_195] {strides = array<i32>} : memref<1024xi32, #tpu.memory_space<vmem>>, vector<16xi32>,
        %swap3A_197 = vector.shape_cast %swap3A_196 : vector<16xi32> to vector<16xi32>
        %swap3A_198 = vector.shape_cast %select_n3A_194 : vector<16xi32> to vector<16xi32>
        tpu.vector_store %arg6[%swap3A_195], %swap3A_198 {strides = array<i32>} : memref<1024xi32, #tpu.memory_space<vmem>>, vector<16xi32>,
        %get3A_199 = arith.index_cast %scan3A_36 : i32 to index
        %get3A_200 = arith.constant 192 : index
        %get3A_201 = tpu.vector_load %arg4[%get3A_199, %get3A_200] {strides = array<i32>} : memref<16x1024xf32, #tpu.memory_space<vmem>>, vector<1x16xf32>,
        %get3A_202 = vector.shape_cast %get3A_201 : vector<1x16xf32> to vector<16xf32>
        %bitcast_convert_type3A_203 = tpu.bitcast %get3A_202 : vector<16xf32> -> vector<16xi32>
        %ge3A_204 = arith.constant 0 : i32
        %ge3A_205 = vector.broadcast %ge3A_204 : i32 to vector<16xi32>
        %ge3A_206 = arith.cmpi sge, %bitcast_convert_type3A_203, %ge3A_205 : vector<16xi32>
        %sub3A_207 = arith.subi %broadcast_in_dim3A_3, %bitcast_convert_type3A_203 : vector<16xi32>
        %select_n3A_208 = arith.select %ge3A_206, %bitcast_convert_type3A_203, %sub3A_207 : vector<16xi1>, vector<16xi32>
        %swap3A_209 = arith.constant 192 : index
        %swap3A_210 = tpu.vector_load %arg6[%swap3A_209] {strides = array<i32>} : memref<1024xi32, #tpu.memory_space<vmem>>, vector<16xi32>,
        %swap3A_211 = vector.shape_cast %swap3A_210 : vector<16xi32> to vector<16xi32>
        %swap3A_212 = vector.shape_cast %select_n3A_208 : vector<16xi32> to vector<16xi32>
        tpu.vector_store %arg6[%swap3A_209], %swap3A_212 {strides = array<i32>} : memref<1024xi32, #tpu.memory_space<vmem>>, vector<16xi32>,
        %get3A_213 = arith.index_cast %scan3A_36 : i32 to index
        %get3A_214 = arith.constant 208 : index
        %get3A_215 = tpu.vector_load %arg4[%get3A_213, %get3A_214] {strides = array<i32>} : memref<16x1024xf32, #tpu.memory_space<vmem>>, vector<1x16xf32>,
        %get3A_216 = vector.shape_cast %get3A_215 : vector<1x16xf32> to vector<16xf32>
        %bitcast_convert_type3A_217 = tpu.bitcast %get3A_216 : vector<16xf32> -> vector<16xi32>
        %ge3A_218 = arith.constant 0 : i32
        %ge3A_219 = vector.broadcast %ge3A_218 : i32 to vector<16xi32>
        %ge3A_220 = arith.cmpi sge, %bitcast_convert_type3A_217, %ge3A_219 : vector<16xi32>
        %sub3A_221 = arith.subi %broadcast_in_dim3A_3, %bitcast_convert_type3A_217 : vector<16xi32>
        %select_n3A_222 = arith.select %ge3A_220, %bitcast_convert_type3A_217, %sub3A_221 : vector<16xi1>, vector<16xi32>
        %swap3A_223 = arith.constant 208 : index
        %swap3A_224 = tpu.vector_load %arg6[%swap3A_223] {strides = array<i32>} : memref<1024xi32, #tpu.memory_space<vmem>>, vector<16xi32>,
        %swap3A_225 = vector.shape_cast %swap3A_224 : vector<16xi32> to vector<16xi32>
        %swap3A_226 = vector.shape_cast %select_n3A_222 : vector<16xi32> to vector<16xi32>
        tpu.vector_store %arg6[%swap3A_223], %swap3A_226 {strides = array<i32>} : memref<1024xi32, #tpu.memory_space<vmem>>, vector<16xi32>,
        %get3A_227 = arith.index_cast %scan3A_36 : i32 to index
        %get3A_228 = arith.constant 224 : index
        %get3A_229 = tpu.vector_load %arg4[%get3A_227, %get3A_228] {strides = array<i32>} : memref<16x1024xf32, #tpu.memory_space<vmem>>, vector<1x16xf32>,
        %get3A_230 = vector.shape_cast %get3A_229 : vector<1x16xf32> to vector<16xf32>
        %bitcast_convert_type3A_231 = tpu.bitcast %get3A_230 : vector<16xf32> -> vector<16xi32>
        %ge3A_232 = arith.constant 0 : i32
        %ge3A_233 = vector.broadcast %ge3A_232 : i32 to vector<16xi32>
        %ge3A_234 = arith.cmpi sge, %bitcast_convert_type3A_231, %ge3A_233 : vector<16xi32>
        %sub3A_235 = arith.subi %broadcast_in_dim3A_3, %bitcast_convert_type3A_231 : vector<16xi32>
        %select_n3A_236 = arith.select %ge3A_234, %bitcast_convert_type3A_231, %sub3A_235 : vector<16xi1>, vector<16xi32>
        %swap3A_237 = arith.constant 224 : index
        %swap3A_238 = tpu.vector_load %arg6[%swap3A_237] {strides = array<i32>} : memref<1024xi32, #tpu.memory_space<vmem>>, vector<16xi32>,
        %swap3A_239 = vector.shape_cast %swap3A_238 : vector<16xi32> to vector<16xi32>
        %swap3A_240 = vector.shape_cast %select_n3A_236 : vector<16xi32> to vector<16xi32>
        tpu.vector_store %arg6[%swap3A_237], %swap3A_240 {strides = array<i32>} : memref<1024xi32, #tpu.memory_space<vmem>>, vector<16xi32>,
        %get3A_241 = arith.index_cast %scan3A_36 : i32 to index
        %get3A_242 = arith.constant 240 : index
        %get3A_243 = tpu.vector_load %arg4[%get3A_241, %get3A_242] {strides = array<i32>} : memref<16x1024xf32, #tpu.memory_space<vmem>>, vector<1x16xf32>,
        %get3A_244 = vector.shape_cast %get3A_243 : vector<1x16xf32> to vector<16xf32>
        %bitcast_convert_type3A_245 = tpu.bitcast %get3A_244 : vector<16xf32> -> vector<16xi32>
        %ge3A_246 = arith.constant 0 : i32
        %ge3A_247 = vector.broadcast %ge3A_246 : i32 to vector<16xi32>
        %ge3A_248 = arith.cmpi sge, %bitcast_convert_type3A_245, %ge3A_247 : vector<16xi32>
        %sub3A_249 = arith.subi %broadcast_in_dim3A_3, %bitcast_convert_type3A_245 : vector<16xi32>
        %select_n3A_250 = arith.select %ge3A_248, %bitcast_convert_type3A_245, %sub3A_249 : vector<16xi1>, vector<16xi32>
        %swap3A_251 = arith.constant 240 : index
        %swap3A_252 = tpu.vector_load %arg6[%swap3A_251] {strides = array<i32>} : memref<1024xi32, #tpu.memory_space<vmem>>, vector<16xi32>,
        %swap3A_253 = vector.shape_cast %swap3A_252 : vector<16xi32> to vector<16xi32>
        %swap3A_254 = vector.shape_cast %select_n3A_250 : vector<16xi32> to vector<16xi32>
        tpu.vector_store %arg6[%swap3A_251], %swap3A_254 {strides = array<i32>} : memref<1024xi32, #tpu.memory_space<vmem>>, vector<16xi32>,
        %get3A_255 = arith.index_cast %scan3A_36 : i32 to index
        %get3A_256 = arith.constant 256 : index
        %get3A_257 = tpu.vector_load %arg4[%get3A_255, %get3A_256] {strides = array<i32>} : memref<16x1024xf32, #tpu.memory_space<vmem>>, vector<1x16xf32>,
        %get3A_258 = vector.shape_cast %get3A_257 : vector<1x16xf32> to vector<16xf32>
        %bitcast_convert_type3A_259 = tpu.bitcast %get3A_258 : vector<16xf32> -> vector<16xi32>
        %ge3A_260 = arith.constant 0 : i32
        %ge3A_261 = vector.broadcast %ge3A_260 : i32 to vector<16xi32>
        %ge3A_262 = arith.cmpi sge, %bitcast_convert_type3A_259, %ge3A_261 : vector<16xi32>
        %sub3A_263 = arith.subi %broadcast_in_dim3A_3, %bitcast_convert_type3A_259 : vector<16xi32>
        %select_n3A_264 = arith.select %ge3A_262, %bitcast_convert_type3A_259, %sub3A_263 : vector<16xi1>, vector<16xi32>
        %swap3A_265 = arith.constant 256 : index
        %swap3A_266 = tpu.vector_load %arg6[%swap3A_265] {strides = array<i32>} : memref<1024xi32, #tpu.memory_space<vmem>>, vector<16xi32>,
        %swap3A_267 = vector.shape_cast %swap3A_266 : vector<16xi32> to vector<16xi32>
        %swap3A_268 = vector.shape_cast %select_n3A_264 : vector<16xi32> to vector<16xi32>
        tpu.vector_store %arg6[%swap3A_265], %swap3A_268 {strides = array<i32>} : memref<1024xi32, #tpu.memory_space<vmem>>, vector<16xi32>,
        %get3A_269 = arith.index_cast %scan3A_36 : i32 to index
        %get3A_270 = arith.constant 272 : index
        %get3A_271 = tpu.vector_load %arg4[%get3A_269, %get3A_270] {strides = array<i32>} : memref<16x1024xf32, #tpu.memory_space<vmem>>, vector<1x16xf32>,
        %get3A_272 = vector.shape_cast %get3A_271 : vector<1x16xf32> to vector<16xf32>
        %bitcast_convert_type3A_273 = tpu.bitcast %get3A_272 : vector<16xf32> -> vector<16xi32>
        %ge3A_274 = arith.constant 0 : i32
        %ge3A_275 = vector.broadcast %ge3A_274 : i32 to vector<16xi32>
        %ge3A_276 = arith.cmpi sge, %bitcast_convert_type3A_273, %ge3A_275 : vector<16xi32>
        %sub3A_277 = arith.subi %broadcast_in_dim3A_3, %bitcast_convert_type3A_273 : vector<16xi32>
        %select_n3A_278 = arith.select %ge3A_276, %bitcast_convert_type3A_273, %sub3A_277 : vector<16xi1>, vector<16xi32>
        %swap3A_279 = arith.constant 272 : index
        %swap3A_280 = tpu.vector_load %arg6[%swap3A_279] {strides = array<i32>} : memref<1024xi32, #tpu.memory_space<vmem>>, vector<16xi32>,
        %swap3A_281 = vector.shape_cast %swap3A_280 : vector<16xi32> to vector<16xi32>
        %swap3A_282 = vector.shape_cast %select_n3A_278 : vector<16xi32> to vector<16xi32>
        tpu.vector_store %arg6[%swap3A_279], %swap3A_282 {strides = array<i32>} : memref<1024xi32, #tpu.memory_space<vmem>>, vector<16xi32>,
        %get3A_283 = arith.index_cast %scan3A_36 : i32 to index
        %get3A_284 = arith.constant 288 : index
        %get3A_285 = tpu.vector_load %arg4[%get3A_283, %get3A_284] {strides = array<i32>} : memref<16x1024xf32, #tpu.memory_space<vmem>>, vector<1x16xf32>,
        %get3A_286 = vector.shape_cast %get3A_285 : vector<1x16xf32> to vector<16xf32>
        %bitcast_convert_type3A_287 = tpu.bitcast %get3A_286 : vector<16xf32> -> vector<16xi32>
        %ge3A_288 = arith.constant 0 : i32
        %ge3A_289 = vector.broadcast %ge3A_288 : i32 to vector<16xi32>
        %ge3A_290 = arith.cmpi sge, %bitcast_convert_type3A_287, %ge3A_289 : vector<16xi32>
        %sub3A_291 = arith.subi %broadcast_in_dim3A_3, %bitcast_convert_type3A_287 : vector<16xi32>
        %select_n3A_292 = arith.select %ge3A_290, %bitcast_convert_type3A_287, %sub3A_291 : vector<16xi1>, vector<16xi32>
        %swap3A_293 = arith.constant 288 : index
        %swap3A_294 = tpu.vector_load %arg6[%swap3A_293] {strides = array<i32>} : memref<1024xi32, #tpu.memory_space<vmem>>, vector<16xi32>,
        %swap3A_295 = vector.shape_cast %swap3A_294 : vector<16xi32> to vector<16xi32>
        %swap3A_296 = vector.shape_cast %select_n3A_292 : vector<16xi32> to vector<16xi32>
        tpu.vector_store %arg6[%swap3A_293], %swap3A_296 {strides = array<i32>} : memref<1024xi32, #tpu.memory_space<vmem>>, vector<16xi32>,
        %get3A_297 = arith.index_cast %scan3A_36 : i32 to index
        %get3A_298 = arith.constant 304 : index
        %get3A_299 = tpu.vector_load %arg4[%get3A_297, %get3A_298] {strides = array<i32>} : memref<16x1024xf32, #tpu.memory_space<vmem>>, vector<1x16xf32>,
        %get3A_300 = vector.shape_cast %get3A_299 : vector<1x16xf32> to vector<16xf32>
        %bitcast_convert_type3A_301 = tpu.bitcast %get3A_300 : vector<16xf32> -> vector<16xi32>
        %ge3A_302 = arith.constant 0 : i32
        %ge3A_303 = vector.broadcast %ge3A_302 : i32 to vector<16xi32>
        %ge3A_304 = arith.cmpi sge, %bitcast_convert_type3A_301, %ge3A_303 : vector<16xi32>
        %sub3A_305 = arith.subi %broadcast_in_dim3A_3, %bitcast_convert_type3A_301 : vector<16xi32>
        %select_n3A_306 = arith.select %ge3A_304, %bitcast_convert_type3A_301, %sub3A_305 : vector<16xi1>, vector<16xi32>
        %swap3A_307 = arith.constant 304 : index
        %swap3A_308 = tpu.vector_load %arg6[%swap3A_307] {strides = array<i32>} : memref<1024xi32, #tpu.memory_space<vmem>>, vector<16xi32>,
        %swap3A_309 = vector.shape_cast %swap3A_308 : vector<16xi32> to vector<16xi32>
        %swap3A_310 = vector.shape_cast %select_n3A_306 : vector<16xi32> to vector<16xi32>
        tpu.vector_store %arg6[%swap3A_307], %swap3A_310 {strides = array<i32>} : memref<1024xi32, #tpu.memory_space<vmem>>, vector<16xi32>,
        %get3A_311 = arith.index_cast %scan3A_36 : i32 to index
        %get3A_312 = arith.constant 320 : index
        %get3A_313 = tpu.vector_load %arg4[%get3A_311, %get3A_312] {strides = array<i32>} : memref<16x1024xf32, #tpu.memory_space<vmem>>, vector<1x16xf32>,
        %get3A_314 = vector.shape_cast %get3A_313 : vector<1x16xf32> to vector<16xf32>
        %bitcast_convert_type3A_315 = tpu.bitcast %get3A_314 : vector<16xf32> -> vector<16xi32>
        %ge3A_316 = arith.constant 0 : i32
        %ge3A_317 = vector.broadcast %ge3A_316 : i32 to vector<16xi32>
        %ge3A_318 = arith.cmpi sge, %bitcast_convert_type3A_315, %ge3A_317 : vector<16xi32>
        %sub3A_319 = arith.subi %broadcast_in_dim3A_3, %bitcast_convert_type3A_315 : vector<16xi32>
        %select_n3A_320 = arith.select %ge3A_318, %bitcast_convert_type3A_315, %sub3A_319 : vector<16xi1>, vector<16xi32>
        %swap3A_321 = arith.constant 320 : index
        %swap3A_322 = tpu.vector_load %arg6[%swap3A_321] {strides = array<i32>} : memref<1024xi32, #tpu.memory_space<vmem>>, vector<16xi32>,
        %swap3A_323 = vector.shape_cast %swap3A_322 : vector<16xi32> to vector<16xi32>
        %swap3A_324 = vector.shape_cast %select_n3A_320 : vector<16xi32> to vector<16xi32>
        tpu.vector_store %arg6[%swap3A_321], %swap3A_324 {strides = array<i32>} : memref<1024xi32, #tpu.memory_space<vmem>>, vector<16xi32>,
        %get3A_325 = arith.index_cast %scan3A_36 : i32 to index
        %get3A_326 = arith.constant 336 : index
        %get3A_327 = tpu.vector_load %arg4[%get3A_325, %get3A_326] {strides = array<i32>} : memref<16x1024xf32, #tpu.memory_space<vmem>>, vector<1x16xf32>,
        %get3A_328 = vector.shape_cast %get3A_327 : vector<1x16xf32> to vector<16xf32>
        %bitcast_convert_type3A_329 = tpu.bitcast %get3A_328 : vector<16xf32> -> vector<16xi32>
        %ge3A_330 = arith.constant 0 : i32
        %ge3A_331 = vector.broadcast %ge3A_330 : i32 to vector<16xi32>
        %ge3A_332 = arith.cmpi sge, %bitcast_convert_type3A_329, %ge3A_331 : vector<16xi32>
        %sub3A_333 = arith.subi %broadcast_in_dim3A_3, %bitcast_convert_type3A_329 : vector<16xi32>
        %select_n3A_334 = arith.select %ge3A_332, %bitcast_convert_type3A_329, %sub3A_333 : vector<16xi1>, vector<16xi32>
        %swap3A_335 = arith.constant 336 : index
        %swap3A_336 = tpu.vector_load %arg6[%swap3A_335] {strides = array<i32>} : memref<1024xi32, #tpu.memory_space<vmem>>, vector<16xi32>,
        %swap3A_337 = vector.shape_cast %swap3A_336 : vector<16xi32> to vector<16xi32>
        %swap3A_338 = vector.shape_cast %select_n3A_334 : vector<16xi32> to vector<16xi32>
        tpu.vector_store %arg6[%swap3A_335], %swap3A_338 {strides = array<i32>} : memref<1024xi32, #tpu.memory_space<vmem>>, vector<16xi32>,
        %get3A_339 = arith.index_cast %scan3A_36 : i32 to index
        %get3A_340 = arith.constant 352 : index
        %get3A_341 = tpu.vector_load %arg4[%get3A_339, %get3A_340] {strides = array<i32>} : memref<16x1024xf32, #tpu.memory_space<vmem>>, vector<1x16xf32>,
        %get3A_342 = vector.shape_cast %get3A_341 : vector<1x16xf32> to vector<16xf32>
        %bitcast_convert_type3A_343 = tpu.bitcast %get3A_342 : vector<16xf32> -> vector<16xi32>
        %ge3A_344 = arith.constant 0 : i32
        %ge3A_345 = vector.broadcast %ge3A_344 : i32 to vector<16xi32>
        %ge3A_346 = arith.cmpi sge, %bitcast_convert_type3A_343, %ge3A_345 : vector<16xi32>
        %sub3A_347 = arith.subi %broadcast_in_dim3A_3, %bitcast_convert_type3A_343 : vector<16xi32>
        %select_n3A_348 = arith.select %ge3A_346, %bitcast_convert_type3A_343, %sub3A_347 : vector<16xi1>, vector<16xi32>
        %swap3A_349 = arith.constant 352 : index
        %swap3A_350 = tpu.vector_load %arg6[%swap3A_349] {strides = array<i32>} : memref<1024xi32, #tpu.memory_space<vmem>>, vector<16xi32>,
        %swap3A_351 = vector.shape_cast %swap3A_350 : vector<16xi32> to vector<16xi32>
        %swap3A_352 = vector.shape_cast %select_n3A_348 : vector<16xi32> to vector<16xi32>
        tpu.vector_store %arg6[%swap3A_349], %swap3A_352 {strides = array<i32>} : memref<1024xi32, #tpu.memory_space<vmem>>, vector<16xi32>,
        %get3A_353 = arith.index_cast %scan3A_36 : i32 to index
        %get3A_354 = arith.constant 368 : index
        %get3A_355 = tpu.vector_load %arg4[%get3A_353, %get3A_354] {strides = array<i32>} : memref<16x1024xf32, #tpu.memory_space<vmem>>, vector<1x16xf32>,
        %get3A_356 = vector.shape_cast %get3A_355 : vector<1x16xf32> to vector<16xf32>
        %bitcast_convert_type3A_357 = tpu.bitcast %get3A_356 : vector<16xf32> -> vector<16xi32>
        %ge3A_358 = arith.constant 0 : i32
        %ge3A_359 = vector.broadcast %ge3A_358 : i32 to vector<16xi32>
        %ge3A_360 = arith.cmpi sge, %bitcast_convert_type3A_357, %ge3A_359 : vector<16xi32>
        %sub3A_361 = arith.subi %broadcast_in_dim3A_3, %bitcast_convert_type3A_357 : vector<16xi32>
        %select_n3A_362 = arith.select %ge3A_360, %bitcast_convert_type3A_357, %sub3A_361 : vector<16xi1>, vector<16xi32>
        %swap3A_363 = arith.constant 368 : index
        %swap3A_364 = tpu.vector_load %arg6[%swap3A_363] {strides = array<i32>} : memref<1024xi32, #tpu.memory_space<vmem>>, vector<16xi32>,
        %swap3A_365 = vector.shape_cast %swap3A_364 : vector<16xi32> to vector<16xi32>
        %swap3A_366 = vector.shape_cast %select_n3A_362 : vector<16xi32> to vector<16xi32>
        tpu.vector_store %arg6[%swap3A_363], %swap3A_366 {strides = array<i32>} : memref<1024xi32, #tpu.memory_space<vmem>>, vector<16xi32>,
        %get3A_367 = arith.index_cast %scan3A_36 : i32 to index
        %get3A_368 = arith.constant 384 : index
        %get3A_369 = tpu.vector_load %arg4[%get3A_367, %get3A_368] {strides = array<i32>} : memref<16x1024xf32, #tpu.memory_space<vmem>>, vector<1x16xf32>,
        %get3A_370 = vector.shape_cast %get3A_369 : vector<1x16xf32> to vector<16xf32>
        %bitcast_convert_type3A_371 = tpu.bitcast %get3A_370 : vector<16xf32> -> vector<16xi32>
        %ge3A_372 = arith.constant 0 : i32
        %ge3A_373 = vector.broadcast %ge3A_372 : i32 to vector<16xi32>
        %ge3A_374 = arith.cmpi sge, %bitcast_convert_type3A_371, %ge3A_373 : vector<16xi32>
        %sub3A_375 = arith.subi %broadcast_in_dim3A_3, %bitcast_convert_type3A_371 : vector<16xi32>
        %select_n3A_376 = arith.select %ge3A_374, %bitcast_convert_type3A_371, %sub3A_375 : vector<16xi1>, vector<16xi32>
        %swap3A_377 = arith.constant 384 : index
        %swap3A_378 = tpu.vector_load %arg6[%swap3A_377] {strides = array<i32>} : memref<1024xi32, #tpu.memory_space<vmem>>, vector<16xi32>,
        %swap3A_379 = vector.shape_cast %swap3A_378 : vector<16xi32> to vector<16xi32>
        %swap3A_380 = vector.shape_cast %select_n3A_376 : vector<16xi32> to vector<16xi32>
        tpu.vector_store %arg6[%swap3A_377], %swap3A_380 {strides = array<i32>} : memref<1024xi32, #tpu.memory_space<vmem>>, vector<16xi32>,
        %get3A_381 = arith.index_cast %scan3A_36 : i32 to index
        %get3A_382 = arith.constant 400 : index
        %get3A_383 = tpu.vector_load %arg4[%get3A_381, %get3A_382] {strides = array<i32>} : memref<16x1024xf32, #tpu.memory_space<vmem>>, vector<1x16xf32>,
        %get3A_384 = vector.shape_cast %get3A_383 : vector<1x16xf32> to vector<16xf32>
        %bitcast_convert_type3A_385 = tpu.bitcast %get3A_384 : vector<16xf32> -> vector<16xi32>
        %ge3A_386 = arith.constant 0 : i32
        %ge3A_387 = vector.broadcast %ge3A_386 : i32 to vector<16xi32>
        %ge3A_388 = arith.cmpi sge, %bitcast_convert_type3A_385, %ge3A_387 : vector<16xi32>
        %sub3A_389 = arith.subi %broadcast_in_dim3A_3, %bitcast_convert_type3A_385 : vector<16xi32>
        %select_n3A_390 = arith.select %ge3A_388, %bitcast_convert_type3A_385, %sub3A_389 : vector<16xi1>, vector<16xi32>
        %swap3A_391 = arith.constant 400 : index
        %swap3A_392 = tpu.vector_load %arg6[%swap3A_391] {strides = array<i32>} : memref<1024xi32, #tpu.memory_space<vmem>>, vector<16xi32>,
        %swap3A_393 = vector.shape_cast %swap3A_392 : vector<16xi32> to vector<16xi32>
        %swap3A_394 = vector.shape_cast %select_n3A_390 : vector<16xi32> to vector<16xi32>
        tpu.vector_store %arg6[%swap3A_391], %swap3A_394 {strides = array<i32>} : memref<1024xi32, #tpu.memory_space<vmem>>, vector<16xi32>,
        %get3A_395 = arith.index_cast %scan3A_36 : i32 to index
        %get3A_396 = arith.constant 416 : index
        %get3A_397 = tpu.vector_load %arg4[%get3A_395, %get3A_396] {strides = array<i32>} : memref<16x1024xf32, #tpu.memory_space<vmem>>, vector<1x16xf32>,
        %get3A_398 = vector.shape_cast %get3A_397 : vector<1x16xf32> to vector<16xf32>
        %bitcast_convert_type3A_399 = tpu.bitcast %get3A_398 : vector<16xf32> -> vector<16xi32>
        %ge3A_400 = arith.constant 0 : i32
        %ge3A_401 = vector.broadcast %ge3A_400 : i32 to vector<16xi32>
        %ge3A_402 = arith.cmpi sge, %bitcast_convert_type3A_399, %ge3A_401 : vector<16xi32>
        %sub3A_403 = arith.subi %broadcast_in_dim3A_3, %bitcast_convert_type3A_399 : vector<16xi32>
        %select_n3A_404 = arith.select %ge3A_402, %bitcast_convert_type3A_399, %sub3A_403 : vector<16xi1>, vector<16xi32>
        %swap3A_405 = arith.constant 416 : index
        %swap3A_406 = tpu.vector_load %arg6[%swap3A_405] {strides = array<i32>} : memref<1024xi32, #tpu.memory_space<vmem>>, vector<16xi32>,
        %swap3A_407 = vector.shape_cast %swap3A_406 : vector<16xi32> to vector<16xi32>
        %swap3A_408 = vector.shape_cast %select_n3A_404 : vector<16xi32> to vector<16xi32>
        tpu.vector_store %arg6[%swap3A_405], %swap3A_408 {strides = array<i32>} : memref<1024xi32, #tpu.memory_space<vmem>>, vector<16xi32>,
        %get3A_409 = arith.index_cast %scan3A_36 : i32 to index
        %get3A_410 = arith.constant 432 : index
        %get3A_411 = tpu.vector_load %arg4[%get3A_409, %get3A_410] {strides = array<i32>} : memref<16x1024xf32, #tpu.memory_space<vmem>>, vector<1x16xf32>,
        %get3A_412 = vector.shape_cast %get3A_411 : vector<1x16xf32> to vector<16xf32>
        %bitcast_convert_type3A_413 = tpu.bitcast %get3A_412 : vector<16xf32> -> vector<16xi32>
        %ge3A_414 = arith.constant 0 : i32
        %ge3A_415 = vector.broadcast %ge3A_414 : i32 to vector<16xi32>
        %ge3A_416 = arith.cmpi sge, %bitcast_convert_type3A_413, %ge3A_415 : vector<16xi32>
        %sub3A_417 = arith.subi %broadcast_in_dim3A_3, %bitcast_convert_type3A_413 : vector<16xi32>
        %select_n3A_418 = arith.select %ge3A_416, %bitcast_convert_type3A_413, %sub3A_417 : vector<16xi1>, vector<16xi32>
        %swap3A_419 = arith.constant 432 : index
        %swap3A_420 = tpu.vector_load %arg6[%swap3A_419] {strides = array<i32>} : memref<1024xi32, #tpu.memory_space<vmem>>, vector<16xi32>,
        %swap3A_421 = vector.shape_cast %swap3A_420 : vector<16xi32> to vector<16xi32>
        %swap3A_422 = vector.shape_cast %select_n3A_418 : vector<16xi32> to vector<16xi32>
        tpu.vector_store %arg6[%swap3A_419], %swap3A_422 {strides = array<i32>} : memref<1024xi32, #tpu.memory_space<vmem>>, vector<16xi32>,
        %get3A_423 = arith.index_cast %scan3A_36 : i32 to index
        %get3A_424 = arith.constant 448 : index
        %get3A_425 = tpu.vector_load %arg4[%get3A_423, %get3A_424] {strides = array<i32>} : memref<16x1024xf32, #tpu.memory_space<vmem>>, vector<1x16xf32>,
        %get3A_426 = vector.shape_cast %get3A_425 : vector<1x16xf32> to vector<16xf32>
        %bitcast_convert_type3A_427 = tpu.bitcast %get3A_426 : vector<16xf32> -> vector<16xi32>
        %ge3A_428 = arith.constant 0 : i32
        %ge3A_429 = vector.broadcast %ge3A_428 : i32 to vector<16xi32>
        %ge3A_430 = arith.cmpi sge, %bitcast_convert_type3A_427, %ge3A_429 : vector<16xi32>
        %sub3A_431 = arith.subi %broadcast_in_dim3A_3, %bitcast_convert_type3A_427 : vector<16xi32>
        %select_n3A_432 = arith.select %ge3A_430, %bitcast_convert_type3A_427, %sub3A_431 : vector<16xi1>, vector<16xi32>
        %swap3A_433 = arith.constant 448 : index
        %swap3A_434 = tpu.vector_load %arg6[%swap3A_433] {strides = array<i32>} : memref<1024xi32, #tpu.memory_space<vmem>>, vector<16xi32>,
        %swap3A_435 = vector.shape_cast %swap3A_434 : vector<16xi32> to vector<16xi32>
        %swap3A_436 = vector.shape_cast %select_n3A_432 : vector<16xi32> to vector<16xi32>
        tpu.vector_store %arg6[%swap3A_433], %swap3A_436 {strides = array<i32>} : memref<1024xi32, #tpu.memory_space<vmem>>, vector<16xi32>,
        %get3A_437 = arith.index_cast %scan3A_36 : i32 to index
        %get3A_438 = arith.constant 464 : index
        %get3A_439 = tpu.vector_load %arg4[%get3A_437, %get3A_438] {strides = array<i32>} : memref<16x1024xf32, #tpu.memory_space<vmem>>, vector<1x16xf32>,
        %get3A_440 = vector.shape_cast %get3A_439 : vector<1x16xf32> to vector<16xf32>
        %bitcast_convert_type3A_441 = tpu.bitcast %get3A_440 : vector<16xf32> -> vector<16xi32>
        %ge3A_442 = arith.constant 0 : i32
        %ge3A_443 = vector.broadcast %ge3A_442 : i32 to vector<16xi32>
        %ge3A_444 = arith.cmpi sge, %bitcast_convert_type3A_441, %ge3A_443 : vector<16xi32>
        %sub3A_445 = arith.subi %broadcast_in_dim3A_3, %bitcast_convert_type3A_441 : vector<16xi32>
        %select_n3A_446 = arith.select %ge3A_444, %bitcast_convert_type3A_441, %sub3A_445 : vector<16xi1>, vector<16xi32>
        %swap3A_447 = arith.constant 464 : index
        %swap3A_448 = tpu.vector_load %arg6[%swap3A_447] {strides = array<i32>} : memref<1024xi32, #tpu.memory_space<vmem>>, vector<16xi32>,
        %swap3A_449 = vector.shape_cast %swap3A_448 : vector<16xi32> to vector<16xi32>
        %swap3A_450 = vector.shape_cast %select_n3A_446 : vector<16xi32> to vector<16xi32>
        tpu.vector_store %arg6[%swap3A_447], %swap3A_450 {strides = array<i32>} : memref<1024xi32, #tpu.memory_space<vmem>>, vector<16xi32>,
        %get3A_451 = arith.index_cast %scan3A_36 : i32 to index
        %get3A_452 = arith.constant 480 : index
        %get3A_453 = tpu.vector_load %arg4[%get3A_451, %get3A_452] {strides = array<i32>} : memref<16x1024xf32, #tpu.memory_space<vmem>>, vector<1x16xf32>,
        %get3A_454 = vector.shape_cast %get3A_453 : vector<1x16xf32> to vector<16xf32>
        %bitcast_convert_type3A_455 = tpu.bitcast %get3A_454 : vector<16xf32> -> vector<16xi32>
        %ge3A_456 = arith.constant 0 : i32
        %ge3A_457 = vector.broadcast %ge3A_456 : i32 to vector<16xi32>
        %ge3A_458 = arith.cmpi sge, %bitcast_convert_type3A_455, %ge3A_457 : vector<16xi32>
        %sub3A_459 = arith.subi %broadcast_in_dim3A_3, %bitcast_convert_type3A_455 : vector<16xi32>
        %select_n3A_460 = arith.select %ge3A_458, %bitcast_convert_type3A_455, %sub3A_459 : vector<16xi1>, vector<16xi32>
        %swap3A_461 = arith.constant 480 : index
        %swap3A_462 = tpu.vector_load %arg6[%swap3A_461] {strides = array<i32>} : memref<1024xi32, #tpu.memory_space<vmem>>, vector<16xi32>,
        %swap3A_463 = vector.shape_cast %swap3A_462 : vector<16xi32> to vector<16xi32>
        %swap3A_464 = vector.shape_cast %select_n3A_460 : vector<16xi32> to vector<16xi32>
        tpu.vector_store %arg6[%swap3A_461], %swap3A_464 {strides = array<i32>} : memref<1024xi32, #tpu.memory_space<vmem>>, vector<16xi32>,
        %get3A_465 = arith.index_cast %scan3A_36 : i32 to index
        %get3A_466 = arith.constant 496 : index
        %get3A_467 = tpu.vector_load %arg4[%get3A_465, %get3A_466] {strides = array<i32>} : memref<16x1024xf32, #tpu.memory_space<vmem>>, vector<1x16xf32>,
        %get3A_468 = vector.shape_cast %get3A_467 : vector<1x16xf32> to vector<16xf32>
        %bitcast_convert_type3A_469 = tpu.bitcast %get3A_468 : vector<16xf32> -> vector<16xi32>
        %ge3A_470 = arith.constant 0 : i32
        %ge3A_471 = vector.broadcast %ge3A_470 : i32 to vector<16xi32>
        %ge3A_472 = arith.cmpi sge, %bitcast_convert_type3A_469, %ge3A_471 : vector<16xi32>
        %sub3A_473 = arith.subi %broadcast_in_dim3A_3, %bitcast_convert_type3A_469 : vector<16xi32>
        %select_n3A_474 = arith.select %ge3A_472, %bitcast_convert_type3A_469, %sub3A_473 : vector<16xi1>, vector<16xi32>
        %swap3A_475 = arith.constant 496 : index
        %swap3A_476 = tpu.vector_load %arg6[%swap3A_475] {strides = array<i32>} : memref<1024xi32, #tpu.memory_space<vmem>>, vector<16xi32>,
        %swap3A_477 = vector.shape_cast %swap3A_476 : vector<16xi32> to vector<16xi32>
        %swap3A_478 = vector.shape_cast %select_n3A_474 : vector<16xi32> to vector<16xi32>
        tpu.vector_store %arg6[%swap3A_475], %swap3A_478 {strides = array<i32>} : memref<1024xi32, #tpu.memory_space<vmem>>, vector<16xi32>,
        %get3A_479 = arith.index_cast %scan3A_36 : i32 to index
        %get3A_480 = arith.constant 512 : index
        %get3A_481 = tpu.vector_load %arg4[%get3A_479, %get3A_480] {strides = array<i32>} : memref<16x1024xf32, #tpu.memory_space<vmem>>, vector<1x16xf32>,
        %get3A_482 = vector.shape_cast %get3A_481 : vector<1x16xf32> to vector<16xf32>
        %bitcast_convert_type3A_483 = tpu.bitcast %get3A_482 : vector<16xf32> -> vector<16xi32>
        %ge3A_484 = arith.constant 0 : i32
        %ge3A_485 = vector.broadcast %ge3A_484 : i32 to vector<16xi32>
        %ge3A_486 = arith.cmpi sge, %bitcast_convert_type3A_483, %ge3A_485 : vector<16xi32>
        %sub3A_487 = arith.subi %broadcast_in_dim3A_3, %bitcast_convert_type3A_483 : vector<16xi32>
        %select_n3A_488 = arith.select %ge3A_486, %bitcast_convert_type3A_483, %sub3A_487 : vector<16xi1>, vector<16xi32>
        %swap3A_489 = arith.constant 512 : index
        %swap3A_490 = tpu.vector_load %arg6[%swap3A_489] {strides = array<i32>} : memref<1024xi32, #tpu.memory_space<vmem>>, vector<16xi32>,
        %swap3A_491 = vector.shape_cast %swap3A_490 : vector<16xi32> to vector<16xi32>
        %swap3A_492 = vector.shape_cast %select_n3A_488 : vector<16xi32> to vector<16xi32>
        tpu.vector_store %arg6[%swap3A_489], %swap3A_492 {strides = array<i32>} : memref<1024xi32, #tpu.memory_space<vmem>>, vector<16xi32>,
        %get3A_493 = arith.index_cast %scan3A_36 : i32 to index
        %get3A_494 = arith.constant 528 : index
        %get3A_495 = tpu.vector_load %arg4[%get3A_493, %get3A_494] {strides = array<i32>} : memref<16x1024xf32, #tpu.memory_space<vmem>>, vector<1x16xf32>,
        %get3A_496 = vector.shape_cast %get3A_495 : vector<1x16xf32> to vector<16xf32>
        %bitcast_convert_type3A_497 = tpu.bitcast %get3A_496 : vector<16xf32> -> vector<16xi32>
        %ge3A_498 = arith.constant 0 : i32
        %ge3A_499 = vector.broadcast %ge3A_498 : i32 to vector<16xi32>
        %ge3A_500 = arith.cmpi sge, %bitcast_convert_type3A_497, %ge3A_499 : vector<16xi32>
        %sub3A_501 = arith.subi %broadcast_in_dim3A_3, %bitcast_convert_type3A_497 : vector<16xi32>
        %select_n3A_502 = arith.select %ge3A_500, %bitcast_convert_type3A_497, %sub3A_501 : vector<16xi1>, vector<16xi32>
        %swap3A_503 = arith.constant 528 : index
        %swap3A_504 = tpu.vector_load %arg6[%swap3A_503] {strides = array<i32>} : memref<1024xi32, #tpu.memory_space<vmem>>, vector<16xi32>,
        %swap3A_505 = vector.shape_cast %swap3A_504 : vector<16xi32> to vector<16xi32>
        %swap3A_506 = vector.shape_cast %select_n3A_502 : vector<16xi32> to vector<16xi32>
        tpu.vector_store %arg6[%swap3A_503], %swap3A_506 {strides = array<i32>} : memref<1024xi32, #tpu.memory_space<vmem>>, vector<16xi32>,
        %get3A_507 = arith.index_cast %scan3A_36 : i32 to index
        %get3A_508 = arith.constant 544 : index
        %get3A_509 = tpu.vector_load %arg4[%get3A_507, %get3A_508] {strides = array<i32>} : memref<16x1024xf32, #tpu.memory_space<vmem>>, vector<1x16xf32>,
        %get3A_510 = vector.shape_cast %get3A_509 : vector<1x16xf32> to vector<16xf32>
        %bitcast_convert_type3A_511 = tpu.bitcast %get3A_510 : vector<16xf32> -> vector<16xi32>
        %ge3A_512 = arith.constant 0 : i32
        %ge3A_513 = vector.broadcast %ge3A_512 : i32 to vector<16xi32>
        %ge3A_514 = arith.cmpi sge, %bitcast_convert_type3A_511, %ge3A_513 : vector<16xi32>
        %sub3A_515 = arith.subi %broadcast_in_dim3A_3, %bitcast_convert_type3A_511 : vector<16xi32>
        %select_n3A_516 = arith.select %ge3A_514, %bitcast_convert_type3A_511, %sub3A_515 : vector<16xi1>, vector<16xi32>
        %swap3A_517 = arith.constant 544 : index
        %swap3A_518 = tpu.vector_load %arg6[%swap3A_517] {strides = array<i32>} : memref<1024xi32, #tpu.memory_space<vmem>>, vector<16xi32>,
        %swap3A_519 = vector.shape_cast %swap3A_518 : vector<16xi32> to vector<16xi32>
        %swap3A_520 = vector.shape_cast %select_n3A_516 : vector<16xi32> to vector<16xi32>
        tpu.vector_store %arg6[%swap3A_517], %swap3A_520 {strides = array<i32>} : memref<1024xi32, #tpu.memory_space<vmem>>, vector<16xi32>,
        %get3A_521 = arith.index_cast %scan3A_36 : i32 to index
        %get3A_522 = arith.constant 560 : index
        %get3A_523 = tpu.vector_load %arg4[%get3A_521, %get3A_522] {strides = array<i32>} : memref<16x1024xf32, #tpu.memory_space<vmem>>, vector<1x16xf32>,
        %get3A_524 = vector.shape_cast %get3A_523 : vector<1x16xf32> to vector<16xf32>
        %bitcast_convert_type3A_525 = tpu.bitcast %get3A_524 : vector<16xf32> -> vector<16xi32>
        %ge3A_526 = arith.constant 0 : i32
        %ge3A_527 = vector.broadcast %ge3A_526 : i32 to vector<16xi32>
        %ge3A_528 = arith.cmpi sge, %bitcast_convert_type3A_525, %ge3A_527 : vector<16xi32>
        %sub3A_529 = arith.subi %broadcast_in_dim3A_3, %bitcast_convert_type3A_525 : vector<16xi32>
        %select_n3A_530 = arith.select %ge3A_528, %bitcast_convert_type3A_525, %sub3A_529 : vector<16xi1>, vector<16xi32>
        %swap3A_531 = arith.constant 560 : index
        %swap3A_532 = tpu.vector_load %arg6[%swap3A_531] {strides = array<i32>} : memref<1024xi32, #tpu.memory_space<vmem>>, vector<16xi32>,
        %swap3A_533 = vector.shape_cast %swap3A_532 : vector<16xi32> to vector<16xi32>
        %swap3A_534 = vector.shape_cast %select_n3A_530 : vector<16xi32> to vector<16xi32>
        tpu.vector_store %arg6[%swap3A_531], %swap3A_534 {strides = array<i32>} : memref<1024xi32, #tpu.memory_space<vmem>>, vector<16xi32>,
        %get3A_535 = arith.index_cast %scan3A_36 : i32 to index
        %get3A_536 = arith.constant 576 : index
        %get3A_537 = tpu.vector_load %arg4[%get3A_535, %get3A_536] {strides = array<i32>} : memref<16x1024xf32, #tpu.memory_space<vmem>>, vector<1x16xf32>,
        %get3A_538 = vector.shape_cast %get3A_537 : vector<1x16xf32> to vector<16xf32>
        %bitcast_convert_type3A_539 = tpu.bitcast %get3A_538 : vector<16xf32> -> vector<16xi32>
        %ge3A_540 = arith.constant 0 : i32
        %ge3A_541 = vector.broadcast %ge3A_540 : i32 to vector<16xi32>
        %ge3A_542 = arith.cmpi sge, %bitcast_convert_type3A_539, %ge3A_541 : vector<16xi32>
        %sub3A_543 = arith.subi %broadcast_in_dim3A_3, %bitcast_convert_type3A_539 : vector<16xi32>
        %select_n3A_544 = arith.select %ge3A_542, %bitcast_convert_type3A_539, %sub3A_543 : vector<16xi1>, vector<16xi32>
        %swap3A_545 = arith.constant 576 : index
        %swap3A_546 = tpu.vector_load %arg6[%swap3A_545] {strides = array<i32>} : memref<1024xi32, #tpu.memory_space<vmem>>, vector<16xi32>,
        %swap3A_547 = vector.shape_cast %swap3A_546 : vector<16xi32> to vector<16xi32>
        %swap3A_548 = vector.shape_cast %select_n3A_544 : vector<16xi32> to vector<16xi32>
        tpu.vector_store %arg6[%swap3A_545], %swap3A_548 {strides = array<i32>} : memref<1024xi32, #tpu.memory_space<vmem>>, vector<16xi32>,
        %get3A_549 = arith.index_cast %scan3A_36 : i32 to index
        %get3A_550 = arith.constant 592 : index
        %get3A_551 = tpu.vector_load %arg4[%get3A_549, %get3A_550] {strides = array<i32>} : memref<16x1024xf32, #tpu.memory_space<vmem>>, vector<1x16xf32>,
        %get3A_552 = vector.shape_cast %get3A_551 : vector<1x16xf32> to vector<16xf32>
        %bitcast_convert_type3A_553 = tpu.bitcast %get3A_552 : vector<16xf32> -> vector<16xi32>
        %ge3A_554 = arith.constant 0 : i32
        %ge3A_555 = vector.broadcast %ge3A_554 : i32 to vector<16xi32>
        %ge3A_556 = arith.cmpi sge, %bitcast_convert_type3A_553, %ge3A_555 : vector<16xi32>
        %sub3A_557 = arith.subi %broadcast_in_dim3A_3, %bitcast_convert_type3A_553 : vector<16xi32>
        %select_n3A_558 = arith.select %ge3A_556, %bitcast_convert_type3A_553, %sub3A_557 : vector<16xi1>, vector<16xi32>
        %swap3A_559 = arith.constant 592 : index
        %swap3A_560 = tpu.vector_load %arg6[%swap3A_559] {strides = array<i32>} : memref<1024xi32, #tpu.memory_space<vmem>>, vector<16xi32>,
        %swap3A_561 = vector.shape_cast %swap3A_560 : vector<16xi32> to vector<16xi32>
        %swap3A_562 = vector.shape_cast %select_n3A_558 : vector<16xi32> to vector<16xi32>
        tpu.vector_store %arg6[%swap3A_559], %swap3A_562 {strides = array<i32>} : memref<1024xi32, #tpu.memory_space<vmem>>, vector<16xi32>,
        %get3A_563 = arith.index_cast %scan3A_36 : i32 to index
        %get3A_564 = arith.constant 608 : index
        %get3A_565 = tpu.vector_load %arg4[%get3A_563, %get3A_564] {strides = array<i32>} : memref<16x1024xf32, #tpu.memory_space<vmem>>, vector<1x16xf32>,
        %get3A_566 = vector.shape_cast %get3A_565 : vector<1x16xf32> to vector<16xf32>
        %bitcast_convert_type3A_567 = tpu.bitcast %get3A_566 : vector<16xf32> -> vector<16xi32>
        %ge3A_568 = arith.constant 0 : i32
        %ge3A_569 = vector.broadcast %ge3A_568 : i32 to vector<16xi32>
        %ge3A_570 = arith.cmpi sge, %bitcast_convert_type3A_567, %ge3A_569 : vector<16xi32>
        %sub3A_571 = arith.subi %broadcast_in_dim3A_3, %bitcast_convert_type3A_567 : vector<16xi32>
        %select_n3A_572 = arith.select %ge3A_570, %bitcast_convert_type3A_567, %sub3A_571 : vector<16xi1>, vector<16xi32>
        %swap3A_573 = arith.constant 608 : index
        %swap3A_574 = tpu.vector_load %arg6[%swap3A_573] {strides = array<i32>} : memref<1024xi32, #tpu.memory_space<vmem>>, vector<16xi32>,
        %swap3A_575 = vector.shape_cast %swap3A_574 : vector<16xi32> to vector<16xi32>
        %swap3A_576 = vector.shape_cast %select_n3A_572 : vector<16xi32> to vector<16xi32>
        tpu.vector_store %arg6[%swap3A_573], %swap3A_576 {strides = array<i32>} : memref<1024xi32, #tpu.memory_space<vmem>>, vector<16xi32>,
        %get3A_577 = arith.index_cast %scan3A_36 : i32 to index
        %get3A_578 = arith.constant 624 : index
        %get3A_579 = tpu.vector_load %arg4[%get3A_577, %get3A_578] {strides = array<i32>} : memref<16x1024xf32, #tpu.memory_space<vmem>>, vector<1x16xf32>,
        %get3A_580 = vector.shape_cast %get3A_579 : vector<1x16xf32> to vector<16xf32>
        %bitcast_convert_type3A_581 = tpu.bitcast %get3A_580 : vector<16xf32> -> vector<16xi32>
        %ge3A_582 = arith.constant 0 : i32
        %ge3A_583 = vector.broadcast %ge3A_582 : i32 to vector<16xi32>
        %ge3A_584 = arith.cmpi sge, %bitcast_convert_type3A_581, %ge3A_583 : vector<16xi32>
        %sub3A_585 = arith.subi %broadcast_in_dim3A_3, %bitcast_convert_type3A_581 : vector<16xi32>
        %select_n3A_586 = arith.select %ge3A_584, %bitcast_convert_type3A_581, %sub3A_585 : vector<16xi1>, vector<16xi32>
        %swap3A_587 = arith.constant 624 : index
        %swap3A_588 = tpu.vector_load %arg6[%swap3A_587] {strides = array<i32>} : memref<1024xi32, #tpu.memory_space<vmem>>, vector<16xi32>,
        %swap3A_589 = vector.shape_cast %swap3A_588 : vector<16xi32> to vector<16xi32>
        %swap3A_590 = vector.shape_cast %select_n3A_586 : vector<16xi32> to vector<16xi32>
        tpu.vector_store %arg6[%swap3A_587], %swap3A_590 {strides = array<i32>} : memref<1024xi32, #tpu.memory_space<vmem>>, vector<16xi32>,
        %get3A_591 = arith.index_cast %scan3A_36 : i32 to index
        %get3A_592 = arith.constant 640 : index
        %get3A_593 = tpu.vector_load %arg4[%get3A_591, %get3A_592] {strides = array<i32>} : memref<16x1024xf32, #tpu.memory_space<vmem>>, vector<1x16xf32>,
        %get3A_594 = vector.shape_cast %get3A_593 : vector<1x16xf32> to vector<16xf32>
        %bitcast_convert_type3A_595 = tpu.bitcast %get3A_594 : vector<16xf32> -> vector<16xi32>
        %ge3A_596 = arith.constant 0 : i32
        %ge3A_597 = vector.broadcast %ge3A_596 : i32 to vector<16xi32>
        %ge3A_598 = arith.cmpi sge, %bitcast_convert_type3A_595, %ge3A_597 : vector<16xi32>
        %sub3A_599 = arith.subi %broadcast_in_dim3A_3, %bitcast_convert_type3A_595 : vector<16xi32>
        %select_n3A_600 = arith.select %ge3A_598, %bitcast_convert_type3A_595, %sub3A_599 : vector<16xi1>, vector<16xi32>
        %swap3A_601 = arith.constant 640 : index
        %swap3A_602 = tpu.vector_load %arg6[%swap3A_601] {strides = array<i32>} : memref<1024xi32, #tpu.memory_space<vmem>>, vector<16xi32>,
        %swap3A_603 = vector.shape_cast %swap3A_602 : vector<16xi32> to vector<16xi32>
        %swap3A_604 = vector.shape_cast %select_n3A_600 : vector<16xi32> to vector<16xi32>
        tpu.vector_store %arg6[%swap3A_601], %swap3A_604 {strides = array<i32>} : memref<1024xi32, #tpu.memory_space<vmem>>, vector<16xi32>,
        %get3A_605 = arith.index_cast %scan3A_36 : i32 to index
        %get3A_606 = arith.constant 656 : index
        %get3A_607 = tpu.vector_load %arg4[%get3A_605, %get3A_606] {strides = array<i32>} : memref<16x1024xf32, #tpu.memory_space<vmem>>, vector<1x16xf32>,
        %get3A_608 = vector.shape_cast %get3A_607 : vector<1x16xf32> to vector<16xf32>
        %bitcast_convert_type3A_609 = tpu.bitcast %get3A_608 : vector<16xf32> -> vector<16xi32>
        %ge3A_610 = arith.constant 0 : i32
        %ge3A_611 = vector.broadcast %ge3A_610 : i32 to vector<16xi32>
        %ge3A_612 = arith.cmpi sge, %bitcast_convert_type3A_609, %ge3A_611 : vector<16xi32>
        %sub3A_613 = arith.subi %broadcast_in_dim3A_3, %bitcast_convert_type3A_609 : vector<16xi32>
        %select_n3A_614 = arith.select %ge3A_612, %bitcast_convert_type3A_609, %sub3A_613 : vector<16xi1>, vector<16xi32>
        %swap3A_615 = arith.constant 656 : index
        %swap3A_616 = tpu.vector_load %arg6[%swap3A_615] {strides = array<i32>} : memref<1024xi32, #tpu.memory_space<vmem>>, vector<16xi32>,
        %swap3A_617 = vector.shape_cast %swap3A_616 : vector<16xi32> to vector<16xi32>
        %swap3A_618 = vector.shape_cast %select_n3A_614 : vector<16xi32> to vector<16xi32>
        tpu.vector_store %arg6[%swap3A_615], %swap3A_618 {strides = array<i32>} : memref<1024xi32, #tpu.memory_space<vmem>>, vector<16xi32>,
        %get3A_619 = arith.index_cast %scan3A_36 : i32 to index
        %get3A_620 = arith.constant 672 : index
        %get3A_621 = tpu.vector_load %arg4[%get3A_619, %get3A_620] {strides = array<i32>} : memref<16x1024xf32, #tpu.memory_space<vmem>>, vector<1x16xf32>,
        %get3A_622 = vector.shape_cast %get3A_621 : vector<1x16xf32> to vector<16xf32>
        %bitcast_convert_type3A_623 = tpu.bitcast %get3A_622 : vector<16xf32> -> vector<16xi32>
        %ge3A_624 = arith.constant 0 : i32
        %ge3A_625 = vector.broadcast %ge3A_624 : i32 to vector<16xi32>
        %ge3A_626 = arith.cmpi sge, %bitcast_convert_type3A_623, %ge3A_625 : vector<16xi32>
        %sub3A_627 = arith.subi %broadcast_in_dim3A_3, %bitcast_convert_type3A_623 : vector<16xi32>
        %select_n3A_628 = arith.select %ge3A_626, %bitcast_convert_type3A_623, %sub3A_627 : vector<16xi1>, vector<16xi32>
        %swap3A_629 = arith.constant 672 : index
        %swap3A_630 = tpu.vector_load %arg6[%swap3A_629] {strides = array<i32>} : memref<1024xi32, #tpu.memory_space<vmem>>, vector<16xi32>,
        %swap3A_631 = vector.shape_cast %swap3A_630 : vector<16xi32> to vector<16xi32>
        %swap3A_632 = vector.shape_cast %select_n3A_628 : vector<16xi32> to vector<16xi32>
        tpu.vector_store %arg6[%swap3A_629], %swap3A_632 {strides = array<i32>} : memref<1024xi32, #tpu.memory_space<vmem>>, vector<16xi32>,
        %get3A_633 = arith.index_cast %scan3A_36 : i32 to index
        %get3A_634 = arith.constant 688 : index
        %get3A_635 = tpu.vector_load %arg4[%get3A_633, %get3A_634] {strides = array<i32>} : memref<16x1024xf32, #tpu.memory_space<vmem>>, vector<1x16xf32>,
        %get3A_636 = vector.shape_cast %get3A_635 : vector<1x16xf32> to vector<16xf32>
        %bitcast_convert_type3A_637 = tpu.bitcast %get3A_636 : vector<16xf32> -> vector<16xi32>
        %ge3A_638 = arith.constant 0 : i32
        %ge3A_639 = vector.broadcast %ge3A_638 : i32 to vector<16xi32>
        %ge3A_640 = arith.cmpi sge, %bitcast_convert_type3A_637, %ge3A_639 : vector<16xi32>
        %sub3A_641 = arith.subi %broadcast_in_dim3A_3, %bitcast_convert_type3A_637 : vector<16xi32>
        %select_n3A_642 = arith.select %ge3A_640, %bitcast_convert_type3A_637, %sub3A_641 : vector<16xi1>, vector<16xi32>
        %swap3A_643 = arith.constant 688 : index
        %swap3A_644 = tpu.vector_load %arg6[%swap3A_643] {strides = array<i32>} : memref<1024xi32, #tpu.memory_space<vmem>>, vector<16xi32>,
        %swap3A_645 = vector.shape_cast %swap3A_644 : vector<16xi32> to vector<16xi32>
        %swap3A_646 = vector.shape_cast %select_n3A_642 : vector<16xi32> to vector<16xi32>
        tpu.vector_store %arg6[%swap3A_643], %swap3A_646 {strides = array<i32>} : memref<1024xi32, #tpu.memory_space<vmem>>, vector<16xi32>,
        %get3A_647 = arith.index_cast %scan3A_36 : i32 to index
        %get3A_648 = arith.constant 704 : index
        %get3A_649 = tpu.vector_load %arg4[%get3A_647, %get3A_648] {strides = array<i32>} : memref<16x1024xf32, #tpu.memory_space<vmem>>, vector<1x16xf32>,
        %get3A_650 = vector.shape_cast %get3A_649 : vector<1x16xf32> to vector<16xf32>
        %bitcast_convert_type3A_651 = tpu.bitcast %get3A_650 : vector<16xf32> -> vector<16xi32>
        %ge3A_652 = arith.constant 0 : i32
        %ge3A_653 = vector.broadcast %ge3A_652 : i32 to vector<16xi32>
        %ge3A_654 = arith.cmpi sge, %bitcast_convert_type3A_651, %ge3A_653 : vector<16xi32>
        %sub3A_655 = arith.subi %broadcast_in_dim3A_3, %bitcast_convert_type3A_651 : vector<16xi32>
        %select_n3A_656 = arith.select %ge3A_654, %bitcast_convert_type3A_651, %sub3A_655 : vector<16xi1>, vector<16xi32>
        %swap3A_657 = arith.constant 704 : index
        %swap3A_658 = tpu.vector_load %arg6[%swap3A_657] {strides = array<i32>} : memref<1024xi32, #tpu.memory_space<vmem>>, vector<16xi32>,
        %swap3A_659 = vector.shape_cast %swap3A_658 : vector<16xi32> to vector<16xi32>
        %swap3A_660 = vector.shape_cast %select_n3A_656 : vector<16xi32> to vector<16xi32>
        tpu.vector_store %arg6[%swap3A_657], %swap3A_660 {strides = array<i32>} : memref<1024xi32, #tpu.memory_space<vmem>>, vector<16xi32>,
        %get3A_661 = arith.index_cast %scan3A_36 : i32 to index
        %get3A_662 = arith.constant 720 : index
        %get3A_663 = tpu.vector_load %arg4[%get3A_661, %get3A_662] {strides = array<i32>} : memref<16x1024xf32, #tpu.memory_space<vmem>>, vector<1x16xf32>,
        %get3A_664 = vector.shape_cast %get3A_663 : vector<1x16xf32> to vector<16xf32>
        %bitcast_convert_type3A_665 = tpu.bitcast %get3A_664 : vector<16xf32> -> vector<16xi32>
        %ge3A_666 = arith.constant 0 : i32
        %ge3A_667 = vector.broadcast %ge3A_666 : i32 to vector<16xi32>
        %ge3A_668 = arith.cmpi sge, %bitcast_convert_type3A_665, %ge3A_667 : vector<16xi32>
        %sub3A_669 = arith.subi %broadcast_in_dim3A_3, %bitcast_convert_type3A_665 : vector<16xi32>
        %select_n3A_670 = arith.select %ge3A_668, %bitcast_convert_type3A_665, %sub3A_669 : vector<16xi1>, vector<16xi32>
        %swap3A_671 = arith.constant 720 : index
        %swap3A_672 = tpu.vector_load %arg6[%swap3A_671] {strides = array<i32>} : memref<1024xi32, #tpu.memory_space<vmem>>, vector<16xi32>,
        %swap3A_673 = vector.shape_cast %swap3A_672 : vector<16xi32> to vector<16xi32>
        %swap3A_674 = vector.shape_cast %select_n3A_670 : vector<16xi32> to vector<16xi32>
        tpu.vector_store %arg6[%swap3A_671], %swap3A_674 {strides = array<i32>} : memref<1024xi32, #tpu.memory_space<vmem>>, vector<16xi32>,
        %get3A_675 = arith.index_cast %scan3A_36 : i32 to index
        %get3A_676 = arith.constant 736 : index
        %get3A_677 = tpu.vector_load %arg4[%get3A_675, %get3A_676] {strides = array<i32>} : memref<16x1024xf32, #tpu.memory_space<vmem>>, vector<1x16xf32>,
        %get3A_678 = vector.shape_cast %get3A_677 : vector<1x16xf32> to vector<16xf32>
        %bitcast_convert_type3A_679 = tpu.bitcast %get3A_678 : vector<16xf32> -> vector<16xi32>
        %ge3A_680 = arith.constant 0 : i32
        %ge3A_681 = vector.broadcast %ge3A_680 : i32 to vector<16xi32>
        %ge3A_682 = arith.cmpi sge, %bitcast_convert_type3A_679, %ge3A_681 : vector<16xi32>
        %sub3A_683 = arith.subi %broadcast_in_dim3A_3, %bitcast_convert_type3A_679 : vector<16xi32>
        %select_n3A_684 = arith.select %ge3A_682, %bitcast_convert_type3A_679, %sub3A_683 : vector<16xi1>, vector<16xi32>
        %swap3A_685 = arith.constant 736 : index
        %swap3A_686 = tpu.vector_load %arg6[%swap3A_685] {strides = array<i32>} : memref<1024xi32, #tpu.memory_space<vmem>>, vector<16xi32>,
        %swap3A_687 = vector.shape_cast %swap3A_686 : vector<16xi32> to vector<16xi32>
        %swap3A_688 = vector.shape_cast %select_n3A_684 : vector<16xi32> to vector<16xi32>
        tpu.vector_store %arg6[%swap3A_685], %swap3A_688 {strides = array<i32>} : memref<1024xi32, #tpu.memory_space<vmem>>, vector<16xi32>,
        %get3A_689 = arith.index_cast %scan3A_36 : i32 to index
        %get3A_690 = arith.constant 752 : index
        %get3A_691 = tpu.vector_load %arg4[%get3A_689, %get3A_690] {strides = array<i32>} : memref<16x1024xf32, #tpu.memory_space<vmem>>, vector<1x16xf32>,
        %get3A_692 = vector.shape_cast %get3A_691 : vector<1x16xf32> to vector<16xf32>
        %bitcast_convert_type3A_693 = tpu.bitcast %get3A_692 : vector<16xf32> -> vector<16xi32>
        %ge3A_694 = arith.constant 0 : i32
        %ge3A_695 = vector.broadcast %ge3A_694 : i32 to vector<16xi32>
        %ge3A_696 = arith.cmpi sge, %bitcast_convert_type3A_693, %ge3A_695 : vector<16xi32>
        %sub3A_697 = arith.subi %broadcast_in_dim3A_3, %bitcast_convert_type3A_693 : vector<16xi32>
        %select_n3A_698 = arith.select %ge3A_696, %bitcast_convert_type3A_693, %sub3A_697 : vector<16xi1>, vector<16xi32>
        %swap3A_699 = arith.constant 752 : index
        %swap3A_700 = tpu.vector_load %arg6[%swap3A_699] {strides = array<i32>} : memref<1024xi32, #tpu.memory_space<vmem>>, vector<16xi32>,
        %swap3A_701 = vector.shape_cast %swap3A_700 : vector<16xi32> to vector<16xi32>
        %swap3A_702 = vector.shape_cast %select_n3A_698 : vector<16xi32> to vector<16xi32>
        tpu.vector_store %arg6[%swap3A_699], %swap3A_702 {strides = array<i32>} : memref<1024xi32, #tpu.memory_space<vmem>>, vector<16xi32>,
        %get3A_703 = arith.index_cast %scan3A_36 : i32 to index
        %get3A_704 = arith.constant 768 : index
        %get3A_705 = tpu.vector_load %arg4[%get3A_703, %get3A_704] {strides = array<i32>} : memref<16x1024xf32, #tpu.memory_space<vmem>>, vector<1x16xf32>,
        %get3A_706 = vector.shape_cast %get3A_705 : vector<1x16xf32> to vector<16xf32>
        %bitcast_convert_type3A_707 = tpu.bitcast %get3A_706 : vector<16xf32> -> vector<16xi32>
        %ge3A_708 = arith.constant 0 : i32
        %ge3A_709 = vector.broadcast %ge3A_708 : i32 to vector<16xi32>
        %ge3A_710 = arith.cmpi sge, %bitcast_convert_type3A_707, %ge3A_709 : vector<16xi32>
        %sub3A_711 = arith.subi %broadcast_in_dim3A_3, %bitcast_convert_type3A_707 : vector<16xi32>
        %select_n3A_712 = arith.select %ge3A_710, %bitcast_convert_type3A_707, %sub3A_711 : vector<16xi1>, vector<16xi32>
        %swap3A_713 = arith.constant 768 : index
        %swap3A_714 = tpu.vector_load %arg6[%swap3A_713] {strides = array<i32>} : memref<1024xi32, #tpu.memory_space<vmem>>, vector<16xi32>,
        %swap3A_715 = vector.shape_cast %swap3A_714 : vector<16xi32> to vector<16xi32>
        %swap3A_716 = vector.shape_cast %select_n3A_712 : vector<16xi32> to vector<16xi32>
        tpu.vector_store %arg6[%swap3A_713], %swap3A_716 {strides = array<i32>} : memref<1024xi32, #tpu.memory_space<vmem>>, vector<16xi32>,
        %get3A_717 = arith.index_cast %scan3A_36 : i32 to index
        %get3A_718 = arith.constant 784 : index
        %get3A_719 = tpu.vector_load %arg4[%get3A_717, %get3A_718] {strides = array<i32>} : memref<16x1024xf32, #tpu.memory_space<vmem>>, vector<1x16xf32>,
        %get3A_720 = vector.shape_cast %get3A_719 : vector<1x16xf32> to vector<16xf32>
        %bitcast_convert_type3A_721 = tpu.bitcast %get3A_720 : vector<16xf32> -> vector<16xi32>
        %ge3A_722 = arith.constant 0 : i32
        %ge3A_723 = vector.broadcast %ge3A_722 : i32 to vector<16xi32>
        %ge3A_724 = arith.cmpi sge, %bitcast_convert_type3A_721, %ge3A_723 : vector<16xi32>
        %sub3A_725 = arith.subi %broadcast_in_dim3A_3, %bitcast_convert_type3A_721 : vector<16xi32>
        %select_n3A_726 = arith.select %ge3A_724, %bitcast_convert_type3A_721, %sub3A_725 : vector<16xi1>, vector<16xi32>
        %swap3A_727 = arith.constant 784 : index
        %swap3A_728 = tpu.vector_load %arg6[%swap3A_727] {strides = array<i32>} : memref<1024xi32, #tpu.memory_space<vmem>>, vector<16xi32>,
        %swap3A_729 = vector.shape_cast %swap3A_728 : vector<16xi32> to vector<16xi32>
        %swap3A_730 = vector.shape_cast %select_n3A_726 : vector<16xi32> to vector<16xi32>
        tpu.vector_store %arg6[%swap3A_727], %swap3A_730 {strides = array<i32>} : memref<1024xi32, #tpu.memory_space<vmem>>, vector<16xi32>,
        %get3A_731 = arith.index_cast %scan3A_36 : i32 to index
        %get3A_732 = arith.constant 800 : index
        %get3A_733 = tpu.vector_load %arg4[%get3A_731, %get3A_732] {strides = array<i32>} : memref<16x1024xf32, #tpu.memory_space<vmem>>, vector<1x16xf32>,
        %get3A_734 = vector.shape_cast %get3A_733 : vector<1x16xf32> to vector<16xf32>
        %bitcast_convert_type3A_735 = tpu.bitcast %get3A_734 : vector<16xf32> -> vector<16xi32>
        %ge3A_736 = arith.constant 0 : i32
        %ge3A_737 = vector.broadcast %ge3A_736 : i32 to vector<16xi32>
        %ge3A_738 = arith.cmpi sge, %bitcast_convert_type3A_735, %ge3A_737 : vector<16xi32>
        %sub3A_739 = arith.subi %broadcast_in_dim3A_3, %bitcast_convert_type3A_735 : vector<16xi32>
        %select_n3A_740 = arith.select %ge3A_738, %bitcast_convert_type3A_735, %sub3A_739 : vector<16xi1>, vector<16xi32>
        %swap3A_741 = arith.constant 800 : index
        %swap3A_742 = tpu.vector_load %arg6[%swap3A_741] {strides = array<i32>} : memref<1024xi32, #tpu.memory_space<vmem>>, vector<16xi32>,
        %swap3A_743 = vector.shape_cast %swap3A_742 : vector<16xi32> to vector<16xi32>
        %swap3A_744 = vector.shape_cast %select_n3A_740 : vector<16xi32> to vector<16xi32>
        tpu.vector_store %arg6[%swap3A_741], %swap3A_744 {strides = array<i32>} : memref<1024xi32, #tpu.memory_space<vmem>>, vector<16xi32>,
        %get3A_745 = arith.index_cast %scan3A_36 : i32 to index
        %get3A_746 = arith.constant 816 : index
        %get3A_747 = tpu.vector_load %arg4[%get3A_745, %get3A_746] {strides = array<i32>} : memref<16x1024xf32, #tpu.memory_space<vmem>>, vector<1x16xf32>,
        %get3A_748 = vector.shape_cast %get3A_747 : vector<1x16xf32> to vector<16xf32>
        %bitcast_convert_type3A_749 = tpu.bitcast %get3A_748 : vector<16xf32> -> vector<16xi32>
        %ge3A_750 = arith.constant 0 : i32
        %ge3A_751 = vector.broadcast %ge3A_750 : i32 to vector<16xi32>
        %ge3A_752 = arith.cmpi sge, %bitcast_convert_type3A_749, %ge3A_751 : vector<16xi32>
        %sub3A_753 = arith.subi %broadcast_in_dim3A_3, %bitcast_convert_type3A_749 : vector<16xi32>
        %select_n3A_754 = arith.select %ge3A_752, %bitcast_convert_type3A_749, %sub3A_753 : vector<16xi1>, vector<16xi32>
        %swap3A_755 = arith.constant 816 : index
        %swap3A_756 = tpu.vector_load %arg6[%swap3A_755] {strides = array<i32>} : memref<1024xi32, #tpu.memory_space<vmem>>, vector<16xi32>,
        %swap3A_757 = vector.shape_cast %swap3A_756 : vector<16xi32> to vector<16xi32>
        %swap3A_758 = vector.shape_cast %select_n3A_754 : vector<16xi32> to vector<16xi32>
        tpu.vector_store %arg6[%swap3A_755], %swap3A_758 {strides = array<i32>} : memref<1024xi32, #tpu.memory_space<vmem>>, vector<16xi32>,
        %get3A_759 = arith.index_cast %scan3A_36 : i32 to index
        %get3A_760 = arith.constant 832 : index
        %get3A_761 = tpu.vector_load %arg4[%get3A_759, %get3A_760] {strides = array<i32>} : memref<16x1024xf32, #tpu.memory_space<vmem>>, vector<1x16xf32>,
        %get3A_762 = vector.shape_cast %get3A_761 : vector<1x16xf32> to vector<16xf32>
        %bitcast_convert_type3A_763 = tpu.bitcast %get3A_762 : vector<16xf32> -> vector<16xi32>
        %ge3A_764 = arith.constant 0 : i32
        %ge3A_765 = vector.broadcast %ge3A_764 : i32 to vector<16xi32>
        %ge3A_766 = arith.cmpi sge, %bitcast_convert_type3A_763, %ge3A_765 : vector<16xi32>
        %sub3A_767 = arith.subi %broadcast_in_dim3A_3, %bitcast_convert_type3A_763 : vector<16xi32>
        %select_n3A_768 = arith.select %ge3A_766, %bitcast_convert_type3A_763, %sub3A_767 : vector<16xi1>, vector<16xi32>
        %swap3A_769 = arith.constant 832 : index
        %swap3A_770 = tpu.vector_load %arg6[%swap3A_769] {strides = array<i32>} : memref<1024xi32, #tpu.memory_space<vmem>>, vector<16xi32>,
        %swap3A_771 = vector.shape_cast %swap3A_770 : vector<16xi32> to vector<16xi32>
        %swap3A_772 = vector.shape_cast %select_n3A_768 : vector<16xi32> to vector<16xi32>
        tpu.vector_store %arg6[%swap3A_769], %swap3A_772 {strides = array<i32>} : memref<1024xi32, #tpu.memory_space<vmem>>, vector<16xi32>,
        %get3A_773 = arith.index_cast %scan3A_36 : i32 to index
        %get3A_774 = arith.constant 848 : index
        %get3A_775 = tpu.vector_load %arg4[%get3A_773, %get3A_774] {strides = array<i32>} : memref<16x1024xf32, #tpu.memory_space<vmem>>, vector<1x16xf32>,
        %get3A_776 = vector.shape_cast %get3A_775 : vector<1x16xf32> to vector<16xf32>
        %bitcast_convert_type3A_777 = tpu.bitcast %get3A_776 : vector<16xf32> -> vector<16xi32>
        %ge3A_778 = arith.constant 0 : i32
        %ge3A_779 = vector.broadcast %ge3A_778 : i32 to vector<16xi32>
        %ge3A_780 = arith.cmpi sge, %bitcast_convert_type3A_777, %ge3A_779 : vector<16xi32>
        %sub3A_781 = arith.subi %broadcast_in_dim3A_3, %bitcast_convert_type3A_777 : vector<16xi32>
        %select_n3A_782 = arith.select %ge3A_780, %bitcast_convert_type3A_777, %sub3A_781 : vector<16xi1>, vector<16xi32>
        %swap3A_783 = arith.constant 848 : index
        %swap3A_784 = tpu.vector_load %arg6[%swap3A_783] {strides = array<i32>} : memref<1024xi32, #tpu.memory_space<vmem>>, vector<16xi32>,
        %swap3A_785 = vector.shape_cast %swap3A_784 : vector<16xi32> to vector<16xi32>
        %swap3A_786 = vector.shape_cast %select_n3A_782 : vector<16xi32> to vector<16xi32>
        tpu.vector_store %arg6[%swap3A_783], %swap3A_786 {strides = array<i32>} : memref<1024xi32, #tpu.memory_space<vmem>>, vector<16xi32>,
        %get3A_787 = arith.index_cast %scan3A_36 : i32 to index
        %get3A_788 = arith.constant 864 : index
        %get3A_789 = tpu.vector_load %arg4[%get3A_787, %get3A_788] {strides = array<i32>} : memref<16x1024xf32, #tpu.memory_space<vmem>>, vector<1x16xf32>,
        %get3A_790 = vector.shape_cast %get3A_789 : vector<1x16xf32> to vector<16xf32>
        %bitcast_convert_type3A_791 = tpu.bitcast %get3A_790 : vector<16xf32> -> vector<16xi32>
        %ge3A_792 = arith.constant 0 : i32
        %ge3A_793 = vector.broadcast %ge3A_792 : i32 to vector<16xi32>
        %ge3A_794 = arith.cmpi sge, %bitcast_convert_type3A_791, %ge3A_793 : vector<16xi32>
        %sub3A_795 = arith.subi %broadcast_in_dim3A_3, %bitcast_convert_type3A_791 : vector<16xi32>
        %select_n3A_796 = arith.select %ge3A_794, %bitcast_convert_type3A_791, %sub3A_795 : vector<16xi1>, vector<16xi32>
        %swap3A_797 = arith.constant 864 : index
        %swap3A_798 = tpu.vector_load %arg6[%swap3A_797] {strides = array<i32>} : memref<1024xi32, #tpu.memory_space<vmem>>, vector<16xi32>,
        %swap3A_799 = vector.shape_cast %swap3A_798 : vector<16xi32> to vector<16xi32>
        %swap3A_800 = vector.shape_cast %select_n3A_796 : vector<16xi32> to vector<16xi32>
        tpu.vector_store %arg6[%swap3A_797], %swap3A_800 {strides = array<i32>} : memref<1024xi32, #tpu.memory_space<vmem>>, vector<16xi32>,
        %get3A_801 = arith.index_cast %scan3A_36 : i32 to index
        %get3A_802 = arith.constant 880 : index
        %get3A_803 = tpu.vector_load %arg4[%get3A_801, %get3A_802] {strides = array<i32>} : memref<16x1024xf32, #tpu.memory_space<vmem>>, vector<1x16xf32>,
        %get3A_804 = vector.shape_cast %get3A_803 : vector<1x16xf32> to vector<16xf32>
        %bitcast_convert_type3A_805 = tpu.bitcast %get3A_804 : vector<16xf32> -> vector<16xi32>
        %ge3A_806 = arith.constant 0 : i32
        %ge3A_807 = vector.broadcast %ge3A_806 : i32 to vector<16xi32>
        %ge3A_808 = arith.cmpi sge, %bitcast_convert_type3A_805, %ge3A_807 : vector<16xi32>
        %sub3A_809 = arith.subi %broadcast_in_dim3A_3, %bitcast_convert_type3A_805 : vector<16xi32>
        %select_n3A_810 = arith.select %ge3A_808, %bitcast_convert_type3A_805, %sub3A_809 : vector<16xi1>, vector<16xi32>
        %swap3A_811 = arith.constant 880 : index
        %swap3A_812 = tpu.vector_load %arg6[%swap3A_811] {strides = array<i32>} : memref<1024xi32, #tpu.memory_space<vmem>>, vector<16xi32>,
        %swap3A_813 = vector.shape_cast %swap3A_812 : vector<16xi32> to vector<16xi32>
        %swap3A_814 = vector.shape_cast %select_n3A_810 : vector<16xi32> to vector<16xi32>
        tpu.vector_store %arg6[%swap3A_811], %swap3A_814 {strides = array<i32>} : memref<1024xi32, #tpu.memory_space<vmem>>, vector<16xi32>,
        %get3A_815 = arith.index_cast %scan3A_36 : i32 to index
        %get3A_816 = arith.constant 896 : index
        %get3A_817 = tpu.vector_load %arg4[%get3A_815, %get3A_816] {strides = array<i32>} : memref<16x1024xf32, #tpu.memory_space<vmem>>, vector<1x16xf32>,
        %get3A_818 = vector.shape_cast %get3A_817 : vector<1x16xf32> to vector<16xf32>
        %bitcast_convert_type3A_819 = tpu.bitcast %get3A_818 : vector<16xf32> -> vector<16xi32>
        %ge3A_820 = arith.constant 0 : i32
        %ge3A_821 = vector.broadcast %ge3A_820 : i32 to vector<16xi32>
        %ge3A_822 = arith.cmpi sge, %bitcast_convert_type3A_819, %ge3A_821 : vector<16xi32>
        %sub3A_823 = arith.subi %broadcast_in_dim3A_3, %bitcast_convert_type3A_819 : vector<16xi32>
        %select_n3A_824 = arith.select %ge3A_822, %bitcast_convert_type3A_819, %sub3A_823 : vector<16xi1>, vector<16xi32>
        %swap3A_825 = arith.constant 896 : index
        %swap3A_826 = tpu.vector_load %arg6[%swap3A_825] {strides = array<i32>} : memref<1024xi32, #tpu.memory_space<vmem>>, vector<16xi32>,
        %swap3A_827 = vector.shape_cast %swap3A_826 : vector<16xi32> to vector<16xi32>
        %swap3A_828 = vector.shape_cast %select_n3A_824 : vector<16xi32> to vector<16xi32>
        tpu.vector_store %arg6[%swap3A_825], %swap3A_828 {strides = array<i32>} : memref<1024xi32, #tpu.memory_space<vmem>>, vector<16xi32>,
        %get3A_829 = arith.index_cast %scan3A_36 : i32 to index
        %get3A_830 = arith.constant 912 : index
        %get3A_831 = tpu.vector_load %arg4[%get3A_829, %get3A_830] {strides = array<i32>} : memref<16x1024xf32, #tpu.memory_space<vmem>>, vector<1x16xf32>,
        %get3A_832 = vector.shape_cast %get3A_831 : vector<1x16xf32> to vector<16xf32>
        %bitcast_convert_type3A_833 = tpu.bitcast %get3A_832 : vector<16xf32> -> vector<16xi32>
        %ge3A_834 = arith.constant 0 : i32
        %ge3A_835 = vector.broadcast %ge3A_834 : i32 to vector<16xi32>
        %ge3A_836 = arith.cmpi sge, %bitcast_convert_type3A_833, %ge3A_835 : vector<16xi32>
        %sub3A_837 = arith.subi %broadcast_in_dim3A_3, %bitcast_convert_type3A_833 : vector<16xi32>
        %select_n3A_838 = arith.select %ge3A_836, %bitcast_convert_type3A_833, %sub3A_837 : vector<16xi1>, vector<16xi32>
        %swap3A_839 = arith.constant 912 : index
        %swap3A_840 = tpu.vector_load %arg6[%swap3A_839] {strides = array<i32>} : memref<1024xi32, #tpu.memory_space<vmem>>, vector<16xi32>,
        %swap3A_841 = vector.shape_cast %swap3A_840 : vector<16xi32> to vector<16xi32>
        %swap3A_842 = vector.shape_cast %select_n3A_838 : vector<16xi32> to vector<16xi32>
        tpu.vector_store %arg6[%swap3A_839], %swap3A_842 {strides = array<i32>} : memref<1024xi32, #tpu.memory_space<vmem>>, vector<16xi32>,
        %get3A_843 = arith.index_cast %scan3A_36 : i32 to index
        %get3A_844 = arith.constant 928 : index
        %get3A_845 = tpu.vector_load %arg4[%get3A_843, %get3A_844] {strides = array<i32>} : memref<16x1024xf32, #tpu.memory_space<vmem>>, vector<1x16xf32>,
        %get3A_846 = vector.shape_cast %get3A_845 : vector<1x16xf32> to vector<16xf32>
        %bitcast_convert_type3A_847 = tpu.bitcast %get3A_846 : vector<16xf32> -> vector<16xi32>
        %ge3A_848 = arith.constant 0 : i32
        %ge3A_849 = vector.broadcast %ge3A_848 : i32 to vector<16xi32>
        %ge3A_850 = arith.cmpi sge, %bitcast_convert_type3A_847, %ge3A_849 : vector<16xi32>
        %sub3A_851 = arith.subi %broadcast_in_dim3A_3, %bitcast_convert_type3A_847 : vector<16xi32>
        %select_n3A_852 = arith.select %ge3A_850, %bitcast_convert_type3A_847, %sub3A_851 : vector<16xi1>, vector<16xi32>
        %swap3A_853 = arith.constant 928 : index
        %swap3A_854 = tpu.vector_load %arg6[%swap3A_853] {strides = array<i32>} : memref<1024xi32, #tpu.memory_space<vmem>>, vector<16xi32>,
        %swap3A_855 = vector.shape_cast %swap3A_854 : vector<16xi32> to vector<16xi32>
        %swap3A_856 = vector.shape_cast %select_n3A_852 : vector<16xi32> to vector<16xi32>
        tpu.vector_store %arg6[%swap3A_853], %swap3A_856 {strides = array<i32>} : memref<1024xi32, #tpu.memory_space<vmem>>, vector<16xi32>,
        %get3A_857 = arith.index_cast %scan3A_36 : i32 to index
        %get3A_858 = arith.constant 944 : index
        %get3A_859 = tpu.vector_load %arg4[%get3A_857, %get3A_858] {strides = array<i32>} : memref<16x1024xf32, #tpu.memory_space<vmem>>, vector<1x16xf32>,
        %get3A_860 = vector.shape_cast %get3A_859 : vector<1x16xf32> to vector<16xf32>
        %bitcast_convert_type3A_861 = tpu.bitcast %get3A_860 : vector<16xf32> -> vector<16xi32>
        %ge3A_862 = arith.constant 0 : i32
        %ge3A_863 = vector.broadcast %ge3A_862 : i32 to vector<16xi32>
        %ge3A_864 = arith.cmpi sge, %bitcast_convert_type3A_861, %ge3A_863 : vector<16xi32>
        %sub3A_865 = arith.subi %broadcast_in_dim3A_3, %bitcast_convert_type3A_861 : vector<16xi32>
        %select_n3A_866 = arith.select %ge3A_864, %bitcast_convert_type3A_861, %sub3A_865 : vector<16xi1>, vector<16xi32>
        %swap3A_867 = arith.constant 944 : index
        %swap3A_868 = tpu.vector_load %arg6[%swap3A_867] {strides = array<i32>} : memref<1024xi32, #tpu.memory_space<vmem>>, vector<16xi32>,
        %swap3A_869 = vector.shape_cast %swap3A_868 : vector<16xi32> to vector<16xi32>
        %swap3A_870 = vector.shape_cast %select_n3A_866 : vector<16xi32> to vector<16xi32>
        tpu.vector_store %arg6[%swap3A_867], %swap3A_870 {strides = array<i32>} : memref<1024xi32, #tpu.memory_space<vmem>>, vector<16xi32>,
        %get3A_871 = arith.index_cast %scan3A_36 : i32 to index
        %get3A_872 = arith.constant 960 : index
        %get3A_873 = tpu.vector_load %arg4[%get3A_871, %get3A_872] {strides = array<i32>} : memref<16x1024xf32, #tpu.memory_space<vmem>>, vector<1x16xf32>,
        %get3A_874 = vector.shape_cast %get3A_873 : vector<1x16xf32> to vector<16xf32>
        %bitcast_convert_type3A_875 = tpu.bitcast %get3A_874 : vector<16xf32> -> vector<16xi32>
        %ge3A_876 = arith.constant 0 : i32
        %ge3A_877 = vector.broadcast %ge3A_876 : i32 to vector<16xi32>
        %ge3A_878 = arith.cmpi sge, %bitcast_convert_type3A_875, %ge3A_877 : vector<16xi32>
        %sub3A_879 = arith.subi %broadcast_in_dim3A_3, %bitcast_convert_type3A_875 : vector<16xi32>
        %select_n3A_880 = arith.select %ge3A_878, %bitcast_convert_type3A_875, %sub3A_879 : vector<16xi1>, vector<16xi32>
        %swap3A_881 = arith.constant 960 : index
        %swap3A_882 = tpu.vector_load %arg6[%swap3A_881] {strides = array<i32>} : memref<1024xi32, #tpu.memory_space<vmem>>, vector<16xi32>,
        %swap3A_883 = vector.shape_cast %swap3A_882 : vector<16xi32> to vector<16xi32>
        %swap3A_884 = vector.shape_cast %select_n3A_880 : vector<16xi32> to vector<16xi32>
        tpu.vector_store %arg6[%swap3A_881], %swap3A_884 {strides = array<i32>} : memref<1024xi32, #tpu.memory_space<vmem>>, vector<16xi32>,
        %get3A_885 = arith.index_cast %scan3A_36 : i32 to index
        %get3A_886 = arith.constant 976 : index
        %get3A_887 = tpu.vector_load %arg4[%get3A_885, %get3A_886] {strides = array<i32>} : memref<16x1024xf32, #tpu.memory_space<vmem>>, vector<1x16xf32>,
        %get3A_888 = vector.shape_cast %get3A_887 : vector<1x16xf32> to vector<16xf32>
        %bitcast_convert_type3A_889 = tpu.bitcast %get3A_888 : vector<16xf32> -> vector<16xi32>
        %ge3A_890 = arith.constant 0 : i32
        %ge3A_891 = vector.broadcast %ge3A_890 : i32 to vector<16xi32>
        %ge3A_892 = arith.cmpi sge, %bitcast_convert_type3A_889, %ge3A_891 : vector<16xi32>
        %sub3A_893 = arith.subi %broadcast_in_dim3A_3, %bitcast_convert_type3A_889 : vector<16xi32>
        %select_n3A_894 = arith.select %ge3A_892, %bitcast_convert_type3A_889, %sub3A_893 : vector<16xi1>, vector<16xi32>
        %swap3A_895 = arith.constant 976 : index
        %swap3A_896 = tpu.vector_load %arg6[%swap3A_895] {strides = array<i32>} : memref<1024xi32, #tpu.memory_space<vmem>>, vector<16xi32>,
        %swap3A_897 = vector.shape_cast %swap3A_896 : vector<16xi32> to vector<16xi32>
        %swap3A_898 = vector.shape_cast %select_n3A_894 : vector<16xi32> to vector<16xi32>
        tpu.vector_store %arg6[%swap3A_895], %swap3A_898 {strides = array<i32>} : memref<1024xi32, #tpu.memory_space<vmem>>, vector<16xi32>,
        %get3A_899 = arith.index_cast %scan3A_36 : i32 to index
        %get3A_900 = arith.constant 992 : index
        %get3A_901 = tpu.vector_load %arg4[%get3A_899, %get3A_900] {strides = array<i32>} : memref<16x1024xf32, #tpu.memory_space<vmem>>, vector<1x16xf32>,
        %get3A_902 = vector.shape_cast %get3A_901 : vector<1x16xf32> to vector<16xf32>
        %bitcast_convert_type3A_903 = tpu.bitcast %get3A_902 : vector<16xf32> -> vector<16xi32>
        %ge3A_904 = arith.constant 0 : i32
        %ge3A_905 = vector.broadcast %ge3A_904 : i32 to vector<16xi32>
        %ge3A_906 = arith.cmpi sge, %bitcast_convert_type3A_903, %ge3A_905 : vector<16xi32>
        %sub3A_907 = arith.subi %broadcast_in_dim3A_3, %bitcast_convert_type3A_903 : vector<16xi32>
        %select_n3A_908 = arith.select %ge3A_906, %bitcast_convert_type3A_903, %sub3A_907 : vector<16xi1>, vector<16xi32>
        %swap3A_909 = arith.constant 992 : index
        %swap3A_910 = tpu.vector_load %arg6[%swap3A_909] {strides = array<i32>} : memref<1024xi32, #tpu.memory_space<vmem>>, vector<16xi32>,
        %swap3A_911 = vector.shape_cast %swap3A_910 : vector<16xi32> to vector<16xi32>
        %swap3A_912 = vector.shape_cast %select_n3A_908 : vector<16xi32> to vector<16xi32>
        tpu.vector_store %arg6[%swap3A_909], %swap3A_912 {strides = array<i32>} : memref<1024xi32, #tpu.memory_space<vmem>>, vector<16xi32>,
        %get3A_913 = arith.index_cast %scan3A_36 : i32 to index
        %get3A_914 = arith.constant 1008 : index
        %get3A_915 = tpu.vector_load %arg4[%get3A_913, %get3A_914] {strides = array<i32>} : memref<16x1024xf32, #tpu.memory_space<vmem>>, vector<1x16xf32>,
        %get3A_916 = vector.shape_cast %get3A_915 : vector<1x16xf32> to vector<16xf32>
        %bitcast_convert_type3A_917 = tpu.bitcast %get3A_916 : vector<16xf32> -> vector<16xi32>
        %ge3A_918 = arith.constant 0 : i32
        %ge3A_919 = vector.broadcast %ge3A_918 : i32 to vector<16xi32>
        %ge3A_920 = arith.cmpi sge, %bitcast_convert_type3A_917, %ge3A_919 : vector<16xi32>
        %sub3A_921 = arith.subi %broadcast_in_dim3A_3, %bitcast_convert_type3A_917 : vector<16xi32>
        %select_n3A_922 = arith.select %ge3A_920, %bitcast_convert_type3A_917, %sub3A_921 : vector<16xi1>, vector<16xi32>
        %swap3A_923 = arith.constant 1008 : index
        %swap3A_924 = tpu.vector_load %arg6[%swap3A_923] {strides = array<i32>} : memref<1024xi32, #tpu.memory_space<vmem>>, vector<16xi32>,
        %swap3A_925 = vector.shape_cast %swap3A_924 : vector<16xi32> to vector<16xi32>
        %swap3A_926 = vector.shape_cast %select_n3A_922 : vector<16xi32> to vector<16xi32>
        tpu.vector_store %arg6[%swap3A_923], %swap3A_926 {strides = array<i32>} : memref<1024xi32, #tpu.memory_space<vmem>>, vector<16xi32>,
        %broadcast_in_dim3A_927 = arith.constant 0 : i32
        %broadcast_in_dim3A_928 = vector.broadcast %broadcast_in_dim3A_927 : i32 to vector<16xi32>
        %scan3A_929 = arith.constant 0 : i32
        %scan3A_930 = arith.constant 32 : i32
        %scan3A_931 = arith.addi %scan3A_929, %scan3A_930 : i32
        %scan3A_932 = arith.constant 1 : i32
        %scan3A_933:2 = scf.for %scan3A_2262 = %scan3A_929 to %scan3A_931 step %scan3A_932 iter_args(%scan3A_2263 = %broadcast_in_dim3A_928, %scan3A_2264 = %broadcast_in_dim3A_3) -> (vector<16xi32>, vector<16xi32>)  : i32 {
          %or3A = arith.ori %scan3A_2263, %scan3A_2264 : vector<16xi32>
          %xor3A_2265 = arith.xori %or3A, %broadcast_in_dim3A_3 : vector<16xi32>
          %broadcast_in_dim3A_2266 = arith.constant 0.000000e+00 : f32
          %broadcast_in_dim3A_2267 = vector.broadcast %broadcast_in_dim3A_2266 : f32 to vector<16xf32>
          %broadcast_in_dim3A_2268 = arith.constant 0.000000e+00 : f32
          %broadcast_in_dim3A_2269 = vector.broadcast %broadcast_in_dim3A_2268 : f32 to vector<16xf32>
          %get3A_2270 = arith.constant 0 : index
          %get3A_2271 = tpu.vector_load %arg6[%get3A_2270] {strides = array<i32>} : memref<1024xi32, #tpu.memory_space<vmem>>, vector<16xi32>,
          %get3A_2272 = vector.shape_cast %get3A_2271 : vector<16xi32> to vector<16xi32>
          %ge3A_2273 = arith.cmpi sge, %get3A_2272, %xor3A_2265 : vector<16xi32>
          %select_n3A_2274 = arith.select %ge3A_2273, %broadcast_in_dim3A_7, %broadcast_in_dim3A_9 : vector<16xi1>, vector<16xf32>
          %add3A_2275 = arith.addf %broadcast_in_dim3A_2267, %select_n3A_2274 : vector<16xf32>
          %get3A_2276 = arith.constant 16 : index
          %get3A_2277 = tpu.vector_load %arg6[%get3A_2276] {strides = array<i32>} : memref<1024xi32, #tpu.memory_space<vmem>>, vector<16xi32>,
          %get3A_2278 = vector.shape_cast %get3A_2277 : vector<16xi32> to vector<16xi32>
          %ge3A_2279 = arith.cmpi sge, %get3A_2278, %xor3A_2265 : vector<16xi32>
          %select_n3A_2280 = arith.select %ge3A_2279, %broadcast_in_dim3A_7, %broadcast_in_dim3A_9 : vector<16xi1>, vector<16xf32>
          %add3A_2281 = arith.addf %broadcast_in_dim3A_2269, %select_n3A_2280 : vector<16xf32>
          %get3A_2282 = arith.constant 32 : index
          %get3A_2283 = tpu.vector_load %arg6[%get3A_2282] {strides = array<i32>} : memref<1024xi32, #tpu.memory_space<vmem>>, vector<16xi32>,
          %get3A_2284 = vector.shape_cast %get3A_2283 : vector<16xi32> to vector<16xi32>
          %ge3A_2285 = arith.cmpi sge, %get3A_2284, %xor3A_2265 : vector<16xi32>
          %select_n3A_2286 = arith.select %ge3A_2285, %broadcast_in_dim3A_7, %broadcast_in_dim3A_9 : vector<16xi1>, vector<16xf32>
          %add3A_2287 = arith.addf %add3A_2275, %select_n3A_2286 : vector<16xf32>
          %get3A_2288 = arith.constant 48 : index
          %get3A_2289 = tpu.vector_load %arg6[%get3A_2288] {strides = array<i32>} : memref<1024xi32, #tpu.memory_space<vmem>>, vector<16xi32>,
          %get3A_2290 = vector.shape_cast %get3A_2289 : vector<16xi32> to vector<16xi32>
          %ge3A_2291 = arith.cmpi sge, %get3A_2290, %xor3A_2265 : vector<16xi32>
          %select_n3A_2292 = arith.select %ge3A_2291, %broadcast_in_dim3A_7, %broadcast_in_dim3A_9 : vector<16xi1>, vector<16xf32>
          %add3A_2293 = arith.addf %add3A_2281, %select_n3A_2292 : vector<16xf32>
          %get3A_2294 = arith.constant 64 : index
          %get3A_2295 = tpu.vector_load %arg6[%get3A_2294] {strides = array<i32>} : memref<1024xi32, #tpu.memory_space<vmem>>, vector<16xi32>,
          %get3A_2296 = vector.shape_cast %get3A_2295 : vector<16xi32> to vector<16xi32>
          %ge3A_2297 = arith.cmpi sge, %get3A_2296, %xor3A_2265 : vector<16xi32>
          %select_n3A_2298 = arith.select %ge3A_2297, %broadcast_in_dim3A_7, %broadcast_in_dim3A_9 : vector<16xi1>, vector<16xf32>
          %add3A_2299 = arith.addf %add3A_2287, %select_n3A_2298 : vector<16xf32>
          %get3A_2300 = arith.constant 80 : index
          %get3A_2301 = tpu.vector_load %arg6[%get3A_2300] {strides = array<i32>} : memref<1024xi32, #tpu.memory_space<vmem>>, vector<16xi32>,
          %get3A_2302 = vector.shape_cast %get3A_2301 : vector<16xi32> to vector<16xi32>
          %ge3A_2303 = arith.cmpi sge, %get3A_2302, %xor3A_2265 : vector<16xi32>
          %select_n3A_2304 = arith.select %ge3A_2303, %broadcast_in_dim3A_7, %broadcast_in_dim3A_9 : vector<16xi1>, vector<16xf32>
          %add3A_2305 = arith.addf %add3A_2293, %select_n3A_2304 : vector<16xf32>
          %get3A_2306 = arith.constant 96 : index
          %get3A_2307 = tpu.vector_load %arg6[%get3A_2306] {strides = array<i32>} : memref<1024xi32, #tpu.memory_space<vmem>>, vector<16xi32>,
          %get3A_2308 = vector.shape_cast %get3A_2307 : vector<16xi32> to vector<16xi32>
          %ge3A_2309 = arith.cmpi sge, %get3A_2308, %xor3A_2265 : vector<16xi32>
          %select_n3A_2310 = arith.select %ge3A_2309, %broadcast_in_dim3A_7, %broadcast_in_dim3A_9 : vector<16xi1>, vector<16xf32>
          %add3A_2311 = arith.addf %add3A_2299, %select_n3A_2310 : vector<16xf32>
          %get3A_2312 = arith.constant 112 : index
          %get3A_2313 = tpu.vector_load %arg6[%get3A_2312] {strides = array<i32>} : memref<1024xi32, #tpu.memory_space<vmem>>, vector<16xi32>,
          %get3A_2314 = vector.shape_cast %get3A_2313 : vector<16xi32> to vector<16xi32>
          %ge3A_2315 = arith.cmpi sge, %get3A_2314, %xor3A_2265 : vector<16xi32>
          %select_n3A_2316 = arith.select %ge3A_2315, %broadcast_in_dim3A_7, %broadcast_in_dim3A_9 : vector<16xi1>, vector<16xf32>
          %add3A_2317 = arith.addf %add3A_2305, %select_n3A_2316 : vector<16xf32>
          %get3A_2318 = arith.constant 128 : index
          %get3A_2319 = tpu.vector_load %arg6[%get3A_2318] {strides = array<i32>} : memref<1024xi32, #tpu.memory_space<vmem>>, vector<16xi32>,
          %get3A_2320 = vector.shape_cast %get3A_2319 : vector<16xi32> to vector<16xi32>
          %ge3A_2321 = arith.cmpi sge, %get3A_2320, %xor3A_2265 : vector<16xi32>
          %select_n3A_2322 = arith.select %ge3A_2321, %broadcast_in_dim3A_7, %broadcast_in_dim3A_9 : vector<16xi1>, vector<16xf32>
          %add3A_2323 = arith.addf %add3A_2311, %select_n3A_2322 : vector<16xf32>
          %get3A_2324 = arith.constant 144 : index
          %get3A_2325 = tpu.vector_load %arg6[%get3A_2324] {strides = array<i32>} : memref<1024xi32, #tpu.memory_space<vmem>>, vector<16xi32>,
          %get3A_2326 = vector.shape_cast %get3A_2325 : vector<16xi32> to vector<16xi32>
          %ge3A_2327 = arith.cmpi sge, %get3A_2326, %xor3A_2265 : vector<16xi32>
          %select_n3A_2328 = arith.select %ge3A_2327, %broadcast_in_dim3A_7, %broadcast_in_dim3A_9 : vector<16xi1>, vector<16xf32>
          %add3A_2329 = arith.addf %add3A_2317, %select_n3A_2328 : vector<16xf32>
          %get3A_2330 = arith.constant 160 : index
          %get3A_2331 = tpu.vector_load %arg6[%get3A_2330] {strides = array<i32>} : memref<1024xi32, #tpu.memory_space<vmem>>, vector<16xi32>,
          %get3A_2332 = vector.shape_cast %get3A_2331 : vector<16xi32> to vector<16xi32>
          %ge3A_2333 = arith.cmpi sge, %get3A_2332, %xor3A_2265 : vector<16xi32>
          %select_n3A_2334 = arith.select %ge3A_2333, %broadcast_in_dim3A_7, %broadcast_in_dim3A_9 : vector<16xi1>, vector<16xf32>
          %add3A_2335 = arith.addf %add3A_2323, %select_n3A_2334 : vector<16xf32>
          %get3A_2336 = arith.constant 176 : index
          %get3A_2337 = tpu.vector_load %arg6[%get3A_2336] {strides = array<i32>} : memref<1024xi32, #tpu.memory_space<vmem>>, vector<16xi32>,
          %get3A_2338 = vector.shape_cast %get3A_2337 : vector<16xi32> to vector<16xi32>
          %ge3A_2339 = arith.cmpi sge, %get3A_2338, %xor3A_2265 : vector<16xi32>
          %select_n3A_2340 = arith.select %ge3A_2339, %broadcast_in_dim3A_7, %broadcast_in_dim3A_9 : vector<16xi1>, vector<16xf32>
          %add3A_2341 = arith.addf %add3A_2329, %select_n3A_2340 : vector<16xf32>
          %get3A_2342 = arith.constant 192 : index
          %get3A_2343 = tpu.vector_load %arg6[%get3A_2342] {strides = array<i32>} : memref<1024xi32, #tpu.memory_space<vmem>>, vector<16xi32>,
          %get3A_2344 = vector.shape_cast %get3A_2343 : vector<16xi32> to vector<16xi32>
          %ge3A_2345 = arith.cmpi sge, %get3A_2344, %xor3A_2265 : vector<16xi32>
          %select_n3A_2346 = arith.select %ge3A_2345, %broadcast_in_dim3A_7, %broadcast_in_dim3A_9 : vector<16xi1>, vector<16xf32>
          %add3A_2347 = arith.addf %add3A_2335, %select_n3A_2346 : vector<16xf32>
          %get3A_2348 = arith.constant 208 : index
          %get3A_2349 = tpu.vector_load %arg6[%get3A_2348] {strides = array<i32>} : memref<1024xi32, #tpu.memory_space<vmem>>, vector<16xi32>,
          %get3A_2350 = vector.shape_cast %get3A_2349 : vector<16xi32> to vector<16xi32>
          %ge3A_2351 = arith.cmpi sge, %get3A_2350, %xor3A_2265 : vector<16xi32>
          %select_n3A_2352 = arith.select %ge3A_2351, %broadcast_in_dim3A_7, %broadcast_in_dim3A_9 : vector<16xi1>, vector<16xf32>
          %add3A_2353 = arith.addf %add3A_2341, %select_n3A_2352 : vector<16xf32>
          %get3A_2354 = arith.constant 224 : index
          %get3A_2355 = tpu.vector_load %arg6[%get3A_2354] {strides = array<i32>} : memref<1024xi32, #tpu.memory_space<vmem>>, vector<16xi32>,
          %get3A_2356 = vector.shape_cast %get3A_2355 : vector<16xi32> to vector<16xi32>
          %ge3A_2357 = arith.cmpi sge, %get3A_2356, %xor3A_2265 : vector<16xi32>
          %select_n3A_2358 = arith.select %ge3A_2357, %broadcast_in_dim3A_7, %broadcast_in_dim3A_9 : vector<16xi1>, vector<16xf32>
          %add3A_2359 = arith.addf %add3A_2347, %select_n3A_2358 : vector<16xf32>
          %get3A_2360 = arith.constant 240 : index
          %get3A_2361 = tpu.vector_load %arg6[%get3A_2360] {strides = array<i32>} : memref<1024xi32, #tpu.memory_space<vmem>>, vector<16xi32>,
          %get3A_2362 = vector.shape_cast %get3A_2361 : vector<16xi32> to vector<16xi32>
          %ge3A_2363 = arith.cmpi sge, %get3A_2362, %xor3A_2265 : vector<16xi32>
          %select_n3A_2364 = arith.select %ge3A_2363, %broadcast_in_dim3A_7, %broadcast_in_dim3A_9 : vector<16xi1>, vector<16xf32>
          %add3A_2365 = arith.addf %add3A_2353, %select_n3A_2364 : vector<16xf32>
          %get3A_2366 = arith.constant 256 : index
          %get3A_2367 = tpu.vector_load %arg6[%get3A_2366] {strides = array<i32>} : memref<1024xi32, #tpu.memory_space<vmem>>, vector<16xi32>,
          %get3A_2368 = vector.shape_cast %get3A_2367 : vector<16xi32> to vector<16xi32>
          %ge3A_2369 = arith.cmpi sge, %get3A_2368, %xor3A_2265 : vector<16xi32>
          %select_n3A_2370 = arith.select %ge3A_2369, %broadcast_in_dim3A_7, %broadcast_in_dim3A_9 : vector<16xi1>, vector<16xf32>
          %add3A_2371 = arith.addf %add3A_2359, %select_n3A_2370 : vector<16xf32>
          %get3A_2372 = arith.constant 272 : index
          %get3A_2373 = tpu.vector_load %arg6[%get3A_2372] {strides = array<i32>} : memref<1024xi32, #tpu.memory_space<vmem>>, vector<16xi32>,
          %get3A_2374 = vector.shape_cast %get3A_2373 : vector<16xi32> to vector<16xi32>
          %ge3A_2375 = arith.cmpi sge, %get3A_2374, %xor3A_2265 : vector<16xi32>
          %select_n3A_2376 = arith.select %ge3A_2375, %broadcast_in_dim3A_7, %broadcast_in_dim3A_9 : vector<16xi1>, vector<16xf32>
          %add3A_2377 = arith.addf %add3A_2365, %select_n3A_2376 : vector<16xf32>
          %get3A_2378 = arith.constant 288 : index
          %get3A_2379 = tpu.vector_load %arg6[%get3A_2378] {strides = array<i32>} : memref<1024xi32, #tpu.memory_space<vmem>>, vector<16xi32>,
          %get3A_2380 = vector.shape_cast %get3A_2379 : vector<16xi32> to vector<16xi32>
          %ge3A_2381 = arith.cmpi sge, %get3A_2380, %xor3A_2265 : vector<16xi32>
          %select_n3A_2382 = arith.select %ge3A_2381, %broadcast_in_dim3A_7, %broadcast_in_dim3A_9 : vector<16xi1>, vector<16xf32>
          %add3A_2383 = arith.addf %add3A_2371, %select_n3A_2382 : vector<16xf32>
          %get3A_2384 = arith.constant 304 : index
          %get3A_2385 = tpu.vector_load %arg6[%get3A_2384] {strides = array<i32>} : memref<1024xi32, #tpu.memory_space<vmem>>, vector<16xi32>,
          %get3A_2386 = vector.shape_cast %get3A_2385 : vector<16xi32> to vector<16xi32>
          %ge3A_2387 = arith.cmpi sge, %get3A_2386, %xor3A_2265 : vector<16xi32>
          %select_n3A_2388 = arith.select %ge3A_2387, %broadcast_in_dim3A_7, %broadcast_in_dim3A_9 : vector<16xi1>, vector<16xf32>
          %add3A_2389 = arith.addf %add3A_2377, %select_n3A_2388 : vector<16xf32>
          %get3A_2390 = arith.constant 320 : index
          %get3A_2391 = tpu.vector_load %arg6[%get3A_2390] {strides = array<i32>} : memref<1024xi32, #tpu.memory_space<vmem>>, vector<16xi32>,
          %get3A_2392 = vector.shape_cast %get3A_2391 : vector<16xi32> to vector<16xi32>
          %ge3A_2393 = arith.cmpi sge, %get3A_2392, %xor3A_2265 : vector<16xi32>
          %select_n3A_2394 = arith.select %ge3A_2393, %broadcast_in_dim3A_7, %broadcast_in_dim3A_9 : vector<16xi1>, vector<16xf32>
          %add3A_2395 = arith.addf %add3A_2383, %select_n3A_2394 : vector<16xf32>
          %get3A_2396 = arith.constant 336 : index
          %get3A_2397 = tpu.vector_load %arg6[%get3A_2396] {strides = array<i32>} : memref<1024xi32, #tpu.memory_space<vmem>>, vector<16xi32>,
          %get3A_2398 = vector.shape_cast %get3A_2397 : vector<16xi32> to vector<16xi32>
          %ge3A_2399 = arith.cmpi sge, %get3A_2398, %xor3A_2265 : vector<16xi32>
          %select_n3A_2400 = arith.select %ge3A_2399, %broadcast_in_dim3A_7, %broadcast_in_dim3A_9 : vector<16xi1>, vector<16xf32>
          %add3A_2401 = arith.addf %add3A_2389, %select_n3A_2400 : vector<16xf32>
          %get3A_2402 = arith.constant 352 : index
          %get3A_2403 = tpu.vector_load %arg6[%get3A_2402] {strides = array<i32>} : memref<1024xi32, #tpu.memory_space<vmem>>, vector<16xi32>,
          %get3A_2404 = vector.shape_cast %get3A_2403 : vector<16xi32> to vector<16xi32>
          %ge3A_2405 = arith.cmpi sge, %get3A_2404, %xor3A_2265 : vector<16xi32>
          %select_n3A_2406 = arith.select %ge3A_2405, %broadcast_in_dim3A_7, %broadcast_in_dim3A_9 : vector<16xi1>, vector<16xf32>
          %add3A_2407 = arith.addf %add3A_2395, %select_n3A_2406 : vector<16xf32>
          %get3A_2408 = arith.constant 368 : index
          %get3A_2409 = tpu.vector_load %arg6[%get3A_2408] {strides = array<i32>} : memref<1024xi32, #tpu.memory_space<vmem>>, vector<16xi32>,
          %get3A_2410 = vector.shape_cast %get3A_2409 : vector<16xi32> to vector<16xi32>
          %ge3A_2411 = arith.cmpi sge, %get3A_2410, %xor3A_2265 : vector<16xi32>
          %select_n3A_2412 = arith.select %ge3A_2411, %broadcast_in_dim3A_7, %broadcast_in_dim3A_9 : vector<16xi1>, vector<16xf32>
          %add3A_2413 = arith.addf %add3A_2401, %select_n3A_2412 : vector<16xf32>
          %get3A_2414 = arith.constant 384 : index
          %get3A_2415 = tpu.vector_load %arg6[%get3A_2414] {strides = array<i32>} : memref<1024xi32, #tpu.memory_space<vmem>>, vector<16xi32>,
          %get3A_2416 = vector.shape_cast %get3A_2415 : vector<16xi32> to vector<16xi32>
          %ge3A_2417 = arith.cmpi sge, %get3A_2416, %xor3A_2265 : vector<16xi32>
          %select_n3A_2418 = arith.select %ge3A_2417, %broadcast_in_dim3A_7, %broadcast_in_dim3A_9 : vector<16xi1>, vector<16xf32>
          %add3A_2419 = arith.addf %add3A_2407, %select_n3A_2418 : vector<16xf32>
          %get3A_2420 = arith.constant 400 : index
          %get3A_2421 = tpu.vector_load %arg6[%get3A_2420] {strides = array<i32>} : memref<1024xi32, #tpu.memory_space<vmem>>, vector<16xi32>,
          %get3A_2422 = vector.shape_cast %get3A_2421 : vector<16xi32> to vector<16xi32>
          %ge3A_2423 = arith.cmpi sge, %get3A_2422, %xor3A_2265 : vector<16xi32>
          %select_n3A_2424 = arith.select %ge3A_2423, %broadcast_in_dim3A_7, %broadcast_in_dim3A_9 : vector<16xi1>, vector<16xf32>
          %add3A_2425 = arith.addf %add3A_2413, %select_n3A_2424 : vector<16xf32>
          %get3A_2426 = arith.constant 416 : index
          %get3A_2427 = tpu.vector_load %arg6[%get3A_2426] {strides = array<i32>} : memref<1024xi32, #tpu.memory_space<vmem>>, vector<16xi32>,
          %get3A_2428 = vector.shape_cast %get3A_2427 : vector<16xi32> to vector<16xi32>
          %ge3A_2429 = arith.cmpi sge, %get3A_2428, %xor3A_2265 : vector<16xi32>
          %select_n3A_2430 = arith.select %ge3A_2429, %broadcast_in_dim3A_7, %broadcast_in_dim3A_9 : vector<16xi1>, vector<16xf32>
          %add3A_2431 = arith.addf %add3A_2419, %select_n3A_2430 : vector<16xf32>
          %get3A_2432 = arith.constant 432 : index
          %get3A_2433 = tpu.vector_load %arg6[%get3A_2432] {strides = array<i32>} : memref<1024xi32, #tpu.memory_space<vmem>>, vector<16xi32>,
          %get3A_2434 = vector.shape_cast %get3A_2433 : vector<16xi32> to vector<16xi32>
          %ge3A_2435 = arith.cmpi sge, %get3A_2434, %xor3A_2265 : vector<16xi32>
          %select_n3A_2436 = arith.select %ge3A_2435, %broadcast_in_dim3A_7, %broadcast_in_dim3A_9 : vector<16xi1>, vector<16xf32>
          %add3A_2437 = arith.addf %add3A_2425, %select_n3A_2436 : vector<16xf32>
          %get3A_2438 = arith.constant 448 : index
          %get3A_2439 = tpu.vector_load %arg6[%get3A_2438] {strides = array<i32>} : memref<1024xi32, #tpu.memory_space<vmem>>, vector<16xi32>,
          %get3A_2440 = vector.shape_cast %get3A_2439 : vector<16xi32> to vector<16xi32>
          %ge3A_2441 = arith.cmpi sge, %get3A_2440, %xor3A_2265 : vector<16xi32>
          %select_n3A_2442 = arith.select %ge3A_2441, %broadcast_in_dim3A_7, %broadcast_in_dim3A_9 : vector<16xi1>, vector<16xf32>
          %add3A_2443 = arith.addf %add3A_2431, %select_n3A_2442 : vector<16xf32>
          %get3A_2444 = arith.constant 464 : index
          %get3A_2445 = tpu.vector_load %arg6[%get3A_2444] {strides = array<i32>} : memref<1024xi32, #tpu.memory_space<vmem>>, vector<16xi32>,
          %get3A_2446 = vector.shape_cast %get3A_2445 : vector<16xi32> to vector<16xi32>
          %ge3A_2447 = arith.cmpi sge, %get3A_2446, %xor3A_2265 : vector<16xi32>
          %select_n3A_2448 = arith.select %ge3A_2447, %broadcast_in_dim3A_7, %broadcast_in_dim3A_9 : vector<16xi1>, vector<16xf32>
          %add3A_2449 = arith.addf %add3A_2437, %select_n3A_2448 : vector<16xf32>
          %get3A_2450 = arith.constant 480 : index
          %get3A_2451 = tpu.vector_load %arg6[%get3A_2450] {strides = array<i32>} : memref<1024xi32, #tpu.memory_space<vmem>>, vector<16xi32>,
          %get3A_2452 = vector.shape_cast %get3A_2451 : vector<16xi32> to vector<16xi32>
          %ge3A_2453 = arith.cmpi sge, %get3A_2452, %xor3A_2265 : vector<16xi32>
          %select_n3A_2454 = arith.select %ge3A_2453, %broadcast_in_dim3A_7, %broadcast_in_dim3A_9 : vector<16xi1>, vector<16xf32>
          %add3A_2455 = arith.addf %add3A_2443, %select_n3A_2454 : vector<16xf32>
          %get3A_2456 = arith.constant 496 : index
          %get3A_2457 = tpu.vector_load %arg6[%get3A_2456] {strides = array<i32>} : memref<1024xi32, #tpu.memory_space<vmem>>, vector<16xi32>,
          %get3A_2458 = vector.shape_cast %get3A_2457 : vector<16xi32> to vector<16xi32>
          %ge3A_2459 = arith.cmpi sge, %get3A_2458, %xor3A_2265 : vector<16xi32>
          %select_n3A_2460 = arith.select %ge3A_2459, %broadcast_in_dim3A_7, %broadcast_in_dim3A_9 : vector<16xi1>, vector<16xf32>
          %add3A_2461 = arith.addf %add3A_2449, %select_n3A_2460 : vector<16xf32>
          %get3A_2462 = arith.constant 512 : index
          %get3A_2463 = tpu.vector_load %arg6[%get3A_2462] {strides = array<i32>} : memref<1024xi32, #tpu.memory_space<vmem>>, vector<16xi32>,
          %get3A_2464 = vector.shape_cast %get3A_2463 : vector<16xi32> to vector<16xi32>
          %ge3A_2465 = arith.cmpi sge, %get3A_2464, %xor3A_2265 : vector<16xi32>
          %select_n3A_2466 = arith.select %ge3A_2465, %broadcast_in_dim3A_7, %broadcast_in_dim3A_9 : vector<16xi1>, vector<16xf32>
          %add3A_2467 = arith.addf %add3A_2455, %select_n3A_2466 : vector<16xf32>
          %get3A_2468 = arith.constant 528 : index
          %get3A_2469 = tpu.vector_load %arg6[%get3A_2468] {strides = array<i32>} : memref<1024xi32, #tpu.memory_space<vmem>>, vector<16xi32>,
          %get3A_2470 = vector.shape_cast %get3A_2469 : vector<16xi32> to vector<16xi32>
          %ge3A_2471 = arith.cmpi sge, %get3A_2470, %xor3A_2265 : vector<16xi32>
          %select_n3A_2472 = arith.select %ge3A_2471, %broadcast_in_dim3A_7, %broadcast_in_dim3A_9 : vector<16xi1>, vector<16xf32>
          %add3A_2473 = arith.addf %add3A_2461, %select_n3A_2472 : vector<16xf32>
          %get3A_2474 = arith.constant 544 : index
          %get3A_2475 = tpu.vector_load %arg6[%get3A_2474] {strides = array<i32>} : memref<1024xi32, #tpu.memory_space<vmem>>, vector<16xi32>,
          %get3A_2476 = vector.shape_cast %get3A_2475 : vector<16xi32> to vector<16xi32>
          %ge3A_2477 = arith.cmpi sge, %get3A_2476, %xor3A_2265 : vector<16xi32>
          %select_n3A_2478 = arith.select %ge3A_2477, %broadcast_in_dim3A_7, %broadcast_in_dim3A_9 : vector<16xi1>, vector<16xf32>
          %add3A_2479 = arith.addf %add3A_2467, %select_n3A_2478 : vector<16xf32>
          %get3A_2480 = arith.constant 560 : index
          %get3A_2481 = tpu.vector_load %arg6[%get3A_2480] {strides = array<i32>} : memref<1024xi32, #tpu.memory_space<vmem>>, vector<16xi32>,
          %get3A_2482 = vector.shape_cast %get3A_2481 : vector<16xi32> to vector<16xi32>
          %ge3A_2483 = arith.cmpi sge, %get3A_2482, %xor3A_2265 : vector<16xi32>
          %select_n3A_2484 = arith.select %ge3A_2483, %broadcast_in_dim3A_7, %broadcast_in_dim3A_9 : vector<16xi1>, vector<16xf32>
          %add3A_2485 = arith.addf %add3A_2473, %select_n3A_2484 : vector<16xf32>
          %get3A_2486 = arith.constant 576 : index
          %get3A_2487 = tpu.vector_load %arg6[%get3A_2486] {strides = array<i32>} : memref<1024xi32, #tpu.memory_space<vmem>>, vector<16xi32>,
          %get3A_2488 = vector.shape_cast %get3A_2487 : vector<16xi32> to vector<16xi32>
          %ge3A_2489 = arith.cmpi sge, %get3A_2488, %xor3A_2265 : vector<16xi32>
          %select_n3A_2490 = arith.select %ge3A_2489, %broadcast_in_dim3A_7, %broadcast_in_dim3A_9 : vector<16xi1>, vector<16xf32>
          %add3A_2491 = arith.addf %add3A_2479, %select_n3A_2490 : vector<16xf32>
          %get3A_2492 = arith.constant 592 : index
          %get3A_2493 = tpu.vector_load %arg6[%get3A_2492] {strides = array<i32>} : memref<1024xi32, #tpu.memory_space<vmem>>, vector<16xi32>,
          %get3A_2494 = vector.shape_cast %get3A_2493 : vector<16xi32> to vector<16xi32>
          %ge3A_2495 = arith.cmpi sge, %get3A_2494, %xor3A_2265 : vector<16xi32>
          %select_n3A_2496 = arith.select %ge3A_2495, %broadcast_in_dim3A_7, %broadcast_in_dim3A_9 : vector<16xi1>, vector<16xf32>
          %add3A_2497 = arith.addf %add3A_2485, %select_n3A_2496 : vector<16xf32>
          %get3A_2498 = arith.constant 608 : index
          %get3A_2499 = tpu.vector_load %arg6[%get3A_2498] {strides = array<i32>} : memref<1024xi32, #tpu.memory_space<vmem>>, vector<16xi32>,
          %get3A_2500 = vector.shape_cast %get3A_2499 : vector<16xi32> to vector<16xi32>
          %ge3A_2501 = arith.cmpi sge, %get3A_2500, %xor3A_2265 : vector<16xi32>
          %select_n3A_2502 = arith.select %ge3A_2501, %broadcast_in_dim3A_7, %broadcast_in_dim3A_9 : vector<16xi1>, vector<16xf32>
          %add3A_2503 = arith.addf %add3A_2491, %select_n3A_2502 : vector<16xf32>
          %get3A_2504 = arith.constant 624 : index
          %get3A_2505 = tpu.vector_load %arg6[%get3A_2504] {strides = array<i32>} : memref<1024xi32, #tpu.memory_space<vmem>>, vector<16xi32>,
          %get3A_2506 = vector.shape_cast %get3A_2505 : vector<16xi32> to vector<16xi32>
          %ge3A_2507 = arith.cmpi sge, %get3A_2506, %xor3A_2265 : vector<16xi32>
          %select_n3A_2508 = arith.select %ge3A_2507, %broadcast_in_dim3A_7, %broadcast_in_dim3A_9 : vector<16xi1>, vector<16xf32>
          %add3A_2509 = arith.addf %add3A_2497, %select_n3A_2508 : vector<16xf32>
          %get3A_2510 = arith.constant 640 : index
          %get3A_2511 = tpu.vector_load %arg6[%get3A_2510] {strides = array<i32>} : memref<1024xi32, #tpu.memory_space<vmem>>, vector<16xi32>,
          %get3A_2512 = vector.shape_cast %get3A_2511 : vector<16xi32> to vector<16xi32>
          %ge3A_2513 = arith.cmpi sge, %get3A_2512, %xor3A_2265 : vector<16xi32>
          %select_n3A_2514 = arith.select %ge3A_2513, %broadcast_in_dim3A_7, %broadcast_in_dim3A_9 : vector<16xi1>, vector<16xf32>
          %add3A_2515 = arith.addf %add3A_2503, %select_n3A_2514 : vector<16xf32>
          %get3A_2516 = arith.constant 656 : index
          %get3A_2517 = tpu.vector_load %arg6[%get3A_2516] {strides = array<i32>} : memref<1024xi32, #tpu.memory_space<vmem>>, vector<16xi32>,
          %get3A_2518 = vector.shape_cast %get3A_2517 : vector<16xi32> to vector<16xi32>
          %ge3A_2519 = arith.cmpi sge, %get3A_2518, %xor3A_2265 : vector<16xi32>
          %select_n3A_2520 = arith.select %ge3A_2519, %broadcast_in_dim3A_7, %broadcast_in_dim3A_9 : vector<16xi1>, vector<16xf32>
          %add3A_2521 = arith.addf %add3A_2509, %select_n3A_2520 : vector<16xf32>
          %get3A_2522 = arith.constant 672 : index
          %get3A_2523 = tpu.vector_load %arg6[%get3A_2522] {strides = array<i32>} : memref<1024xi32, #tpu.memory_space<vmem>>, vector<16xi32>,
          %get3A_2524 = vector.shape_cast %get3A_2523 : vector<16xi32> to vector<16xi32>
          %ge3A_2525 = arith.cmpi sge, %get3A_2524, %xor3A_2265 : vector<16xi32>
          %select_n3A_2526 = arith.select %ge3A_2525, %broadcast_in_dim3A_7, %broadcast_in_dim3A_9 : vector<16xi1>, vector<16xf32>
          %add3A_2527 = arith.addf %add3A_2515, %select_n3A_2526 : vector<16xf32>
          %get3A_2528 = arith.constant 688 : index
          %get3A_2529 = tpu.vector_load %arg6[%get3A_2528] {strides = array<i32>} : memref<1024xi32, #tpu.memory_space<vmem>>, vector<16xi32>,
          %get3A_2530 = vector.shape_cast %get3A_2529 : vector<16xi32> to vector<16xi32>
          %ge3A_2531 = arith.cmpi sge, %get3A_2530, %xor3A_2265 : vector<16xi32>
          %select_n3A_2532 = arith.select %ge3A_2531, %broadcast_in_dim3A_7, %broadcast_in_dim3A_9 : vector<16xi1>, vector<16xf32>
          %add3A_2533 = arith.addf %add3A_2521, %select_n3A_2532 : vector<16xf32>
          %get3A_2534 = arith.constant 704 : index
          %get3A_2535 = tpu.vector_load %arg6[%get3A_2534] {strides = array<i32>} : memref<1024xi32, #tpu.memory_space<vmem>>, vector<16xi32>,
          %get3A_2536 = vector.shape_cast %get3A_2535 : vector<16xi32> to vector<16xi32>
          %ge3A_2537 = arith.cmpi sge, %get3A_2536, %xor3A_2265 : vector<16xi32>
          %select_n3A_2538 = arith.select %ge3A_2537, %broadcast_in_dim3A_7, %broadcast_in_dim3A_9 : vector<16xi1>, vector<16xf32>
          %add3A_2539 = arith.addf %add3A_2527, %select_n3A_2538 : vector<16xf32>
          %get3A_2540 = arith.constant 720 : index
          %get3A_2541 = tpu.vector_load %arg6[%get3A_2540] {strides = array<i32>} : memref<1024xi32, #tpu.memory_space<vmem>>, vector<16xi32>,
          %get3A_2542 = vector.shape_cast %get3A_2541 : vector<16xi32> to vector<16xi32>
          %ge3A_2543 = arith.cmpi sge, %get3A_2542, %xor3A_2265 : vector<16xi32>
          %select_n3A_2544 = arith.select %ge3A_2543, %broadcast_in_dim3A_7, %broadcast_in_dim3A_9 : vector<16xi1>, vector<16xf32>
          %add3A_2545 = arith.addf %add3A_2533, %select_n3A_2544 : vector<16xf32>
          %get3A_2546 = arith.constant 736 : index
          %get3A_2547 = tpu.vector_load %arg6[%get3A_2546] {strides = array<i32>} : memref<1024xi32, #tpu.memory_space<vmem>>, vector<16xi32>,
          %get3A_2548 = vector.shape_cast %get3A_2547 : vector<16xi32> to vector<16xi32>
          %ge3A_2549 = arith.cmpi sge, %get3A_2548, %xor3A_2265 : vector<16xi32>
          %select_n3A_2550 = arith.select %ge3A_2549, %broadcast_in_dim3A_7, %broadcast_in_dim3A_9 : vector<16xi1>, vector<16xf32>
          %add3A_2551 = arith.addf %add3A_2539, %select_n3A_2550 : vector<16xf32>
          %get3A_2552 = arith.constant 752 : index
          %get3A_2553 = tpu.vector_load %arg6[%get3A_2552] {strides = array<i32>} : memref<1024xi32, #tpu.memory_space<vmem>>, vector<16xi32>,
          %get3A_2554 = vector.shape_cast %get3A_2553 : vector<16xi32> to vector<16xi32>
          %ge3A_2555 = arith.cmpi sge, %get3A_2554, %xor3A_2265 : vector<16xi32>
          %select_n3A_2556 = arith.select %ge3A_2555, %broadcast_in_dim3A_7, %broadcast_in_dim3A_9 : vector<16xi1>, vector<16xf32>
          %add3A_2557 = arith.addf %add3A_2545, %select_n3A_2556 : vector<16xf32>
          %get3A_2558 = arith.constant 768 : index
          %get3A_2559 = tpu.vector_load %arg6[%get3A_2558] {strides = array<i32>} : memref<1024xi32, #tpu.memory_space<vmem>>, vector<16xi32>,
          %get3A_2560 = vector.shape_cast %get3A_2559 : vector<16xi32> to vector<16xi32>
          %ge3A_2561 = arith.cmpi sge, %get3A_2560, %xor3A_2265 : vector<16xi32>
          %select_n3A_2562 = arith.select %ge3A_2561, %broadcast_in_dim3A_7, %broadcast_in_dim3A_9 : vector<16xi1>, vector<16xf32>
          %add3A_2563 = arith.addf %add3A_2551, %select_n3A_2562 : vector<16xf32>
          %get3A_2564 = arith.constant 784 : index
          %get3A_2565 = tpu.vector_load %arg6[%get3A_2564] {strides = array<i32>} : memref<1024xi32, #tpu.memory_space<vmem>>, vector<16xi32>,
          %get3A_2566 = vector.shape_cast %get3A_2565 : vector<16xi32> to vector<16xi32>
          %ge3A_2567 = arith.cmpi sge, %get3A_2566, %xor3A_2265 : vector<16xi32>
          %select_n3A_2568 = arith.select %ge3A_2567, %broadcast_in_dim3A_7, %broadcast_in_dim3A_9 : vector<16xi1>, vector<16xf32>
          %add3A_2569 = arith.addf %add3A_2557, %select_n3A_2568 : vector<16xf32>
          %get3A_2570 = arith.constant 800 : index
          %get3A_2571 = tpu.vector_load %arg6[%get3A_2570] {strides = array<i32>} : memref<1024xi32, #tpu.memory_space<vmem>>, vector<16xi32>,
          %get3A_2572 = vector.shape_cast %get3A_2571 : vector<16xi32> to vector<16xi32>
          %ge3A_2573 = arith.cmpi sge, %get3A_2572, %xor3A_2265 : vector<16xi32>
          %select_n3A_2574 = arith.select %ge3A_2573, %broadcast_in_dim3A_7, %broadcast_in_dim3A_9 : vector<16xi1>, vector<16xf32>
          %add3A_2575 = arith.addf %add3A_2563, %select_n3A_2574 : vector<16xf32>
          %get3A_2576 = arith.constant 816 : index
          %get3A_2577 = tpu.vector_load %arg6[%get3A_2576] {strides = array<i32>} : memref<1024xi32, #tpu.memory_space<vmem>>, vector<16xi32>,
          %get3A_2578 = vector.shape_cast %get3A_2577 : vector<16xi32> to vector<16xi32>
          %ge3A_2579 = arith.cmpi sge, %get3A_2578, %xor3A_2265 : vector<16xi32>
          %select_n3A_2580 = arith.select %ge3A_2579, %broadcast_in_dim3A_7, %broadcast_in_dim3A_9 : vector<16xi1>, vector<16xf32>
          %add3A_2581 = arith.addf %add3A_2569, %select_n3A_2580 : vector<16xf32>
          %get3A_2582 = arith.constant 832 : index
          %get3A_2583 = tpu.vector_load %arg6[%get3A_2582] {strides = array<i32>} : memref<1024xi32, #tpu.memory_space<vmem>>, vector<16xi32>,
          %get3A_2584 = vector.shape_cast %get3A_2583 : vector<16xi32> to vector<16xi32>
          %ge3A_2585 = arith.cmpi sge, %get3A_2584, %xor3A_2265 : vector<16xi32>
          %select_n3A_2586 = arith.select %ge3A_2585, %broadcast_in_dim3A_7, %broadcast_in_dim3A_9 : vector<16xi1>, vector<16xf32>
          %add3A_2587 = arith.addf %add3A_2575, %select_n3A_2586 : vector<16xf32>
          %get3A_2588 = arith.constant 848 : index
          %get3A_2589 = tpu.vector_load %arg6[%get3A_2588] {strides = array<i32>} : memref<1024xi32, #tpu.memory_space<vmem>>, vector<16xi32>,
          %get3A_2590 = vector.shape_cast %get3A_2589 : vector<16xi32> to vector<16xi32>
          %ge3A_2591 = arith.cmpi sge, %get3A_2590, %xor3A_2265 : vector<16xi32>
          %select_n3A_2592 = arith.select %ge3A_2591, %broadcast_in_dim3A_7, %broadcast_in_dim3A_9 : vector<16xi1>, vector<16xf32>
          %add3A_2593 = arith.addf %add3A_2581, %select_n3A_2592 : vector<16xf32>
          %get3A_2594 = arith.constant 864 : index
          %get3A_2595 = tpu.vector_load %arg6[%get3A_2594] {strides = array<i32>} : memref<1024xi32, #tpu.memory_space<vmem>>, vector<16xi32>,
          %get3A_2596 = vector.shape_cast %get3A_2595 : vector<16xi32> to vector<16xi32>
          %ge3A_2597 = arith.cmpi sge, %get3A_2596, %xor3A_2265 : vector<16xi32>
          %select_n3A_2598 = arith.select %ge3A_2597, %broadcast_in_dim3A_7, %broadcast_in_dim3A_9 : vector<16xi1>, vector<16xf32>
          %add3A_2599 = arith.addf %add3A_2587, %select_n3A_2598 : vector<16xf32>
          %get3A_2600 = arith.constant 880 : index
          %get3A_2601 = tpu.vector_load %arg6[%get3A_2600] {strides = array<i32>} : memref<1024xi32, #tpu.memory_space<vmem>>, vector<16xi32>,
          %get3A_2602 = vector.shape_cast %get3A_2601 : vector<16xi32> to vector<16xi32>
          %ge3A_2603 = arith.cmpi sge, %get3A_2602, %xor3A_2265 : vector<16xi32>
          %select_n3A_2604 = arith.select %ge3A_2603, %broadcast_in_dim3A_7, %broadcast_in_dim3A_9 : vector<16xi1>, vector<16xf32>
          %add3A_2605 = arith.addf %add3A_2593, %select_n3A_2604 : vector<16xf32>
          %get3A_2606 = arith.constant 896 : index
          %get3A_2607 = tpu.vector_load %arg6[%get3A_2606] {strides = array<i32>} : memref<1024xi32, #tpu.memory_space<vmem>>, vector<16xi32>,
          %get3A_2608 = vector.shape_cast %get3A_2607 : vector<16xi32> to vector<16xi32>
          %ge3A_2609 = arith.cmpi sge, %get3A_2608, %xor3A_2265 : vector<16xi32>
          %select_n3A_2610 = arith.select %ge3A_2609, %broadcast_in_dim3A_7, %broadcast_in_dim3A_9 : vector<16xi1>, vector<16xf32>
          %add3A_2611 = arith.addf %add3A_2599, %select_n3A_2610 : vector<16xf32>
          %get3A_2612 = arith.constant 912 : index
          %get3A_2613 = tpu.vector_load %arg6[%get3A_2612] {strides = array<i32>} : memref<1024xi32, #tpu.memory_space<vmem>>, vector<16xi32>,
          %get3A_2614 = vector.shape_cast %get3A_2613 : vector<16xi32> to vector<16xi32>
          %ge3A_2615 = arith.cmpi sge, %get3A_2614, %xor3A_2265 : vector<16xi32>
          %select_n3A_2616 = arith.select %ge3A_2615, %broadcast_in_dim3A_7, %broadcast_in_dim3A_9 : vector<16xi1>, vector<16xf32>
          %add3A_2617 = arith.addf %add3A_2605, %select_n3A_2616 : vector<16xf32>
          %get3A_2618 = arith.constant 928 : index
          %get3A_2619 = tpu.vector_load %arg6[%get3A_2618] {strides = array<i32>} : memref<1024xi32, #tpu.memory_space<vmem>>, vector<16xi32>,
          %get3A_2620 = vector.shape_cast %get3A_2619 : vector<16xi32> to vector<16xi32>
          %ge3A_2621 = arith.cmpi sge, %get3A_2620, %xor3A_2265 : vector<16xi32>
          %select_n3A_2622 = arith.select %ge3A_2621, %broadcast_in_dim3A_7, %broadcast_in_dim3A_9 : vector<16xi1>, vector<16xf32>
          %add3A_2623 = arith.addf %add3A_2611, %select_n3A_2622 : vector<16xf32>
          %get3A_2624 = arith.constant 944 : index
          %get3A_2625 = tpu.vector_load %arg6[%get3A_2624] {strides = array<i32>} : memref<1024xi32, #tpu.memory_space<vmem>>, vector<16xi32>,
          %get3A_2626 = vector.shape_cast %get3A_2625 : vector<16xi32> to vector<16xi32>
          %ge3A_2627 = arith.cmpi sge, %get3A_2626, %xor3A_2265 : vector<16xi32>
          %select_n3A_2628 = arith.select %ge3A_2627, %broadcast_in_dim3A_7, %broadcast_in_dim3A_9 : vector<16xi1>, vector<16xf32>
          %add3A_2629 = arith.addf %add3A_2617, %select_n3A_2628 : vector<16xf32>
          %get3A_2630 = arith.constant 960 : index
          %get3A_2631 = tpu.vector_load %arg6[%get3A_2630] {strides = array<i32>} : memref<1024xi32, #tpu.memory_space<vmem>>, vector<16xi32>,
          %get3A_2632 = vector.shape_cast %get3A_2631 : vector<16xi32> to vector<16xi32>
          %ge3A_2633 = arith.cmpi sge, %get3A_2632, %xor3A_2265 : vector<16xi32>
          %select_n3A_2634 = arith.select %ge3A_2633, %broadcast_in_dim3A_7, %broadcast_in_dim3A_9 : vector<16xi1>, vector<16xf32>
          %add3A_2635 = arith.addf %add3A_2623, %select_n3A_2634 : vector<16xf32>
          %get3A_2636 = arith.constant 976 : index
          %get3A_2637 = tpu.vector_load %arg6[%get3A_2636] {strides = array<i32>} : memref<1024xi32, #tpu.memory_space<vmem>>, vector<16xi32>,
          %get3A_2638 = vector.shape_cast %get3A_2637 : vector<16xi32> to vector<16xi32>
          %ge3A_2639 = arith.cmpi sge, %get3A_2638, %xor3A_2265 : vector<16xi32>
          %select_n3A_2640 = arith.select %ge3A_2639, %broadcast_in_dim3A_7, %broadcast_in_dim3A_9 : vector<16xi1>, vector<16xf32>
          %add3A_2641 = arith.addf %add3A_2629, %select_n3A_2640 : vector<16xf32>
          %get3A_2642 = arith.constant 992 : index
          %get3A_2643 = tpu.vector_load %arg6[%get3A_2642] {strides = array<i32>} : memref<1024xi32, #tpu.memory_space<vmem>>, vector<16xi32>,
          %get3A_2644 = vector.shape_cast %get3A_2643 : vector<16xi32> to vector<16xi32>
          %ge3A_2645 = arith.cmpi sge, %get3A_2644, %xor3A_2265 : vector<16xi32>
          %select_n3A_2646 = arith.select %ge3A_2645, %broadcast_in_dim3A_7, %broadcast_in_dim3A_9 : vector<16xi1>, vector<16xf32>
          %add3A_2647 = arith.addf %add3A_2635, %select_n3A_2646 : vector<16xf32>
          %get3A_2648 = arith.constant 1008 : index
          %get3A_2649 = tpu.vector_load %arg6[%get3A_2648] {strides = array<i32>} : memref<1024xi32, #tpu.memory_space<vmem>>, vector<16xi32>,
          %get3A_2650 = vector.shape_cast %get3A_2649 : vector<16xi32> to vector<16xi32>
          %ge3A_2651 = arith.cmpi sge, %get3A_2650, %xor3A_2265 : vector<16xi32>
          %select_n3A_2652 = arith.select %ge3A_2651, %broadcast_in_dim3A_7, %broadcast_in_dim3A_9 : vector<16xi1>, vector<16xf32>
          %add3A_2653 = arith.addf %add3A_2641, %select_n3A_2652 : vector<16xf32>
          %add3A_2654 = arith.addf %add3A_2647, %add3A_2653 : vector<16xf32>
          %broadcast_in_dim3A_2655 = vector.shape_cast %xor3A_11 : vector<16xi32> to vector<16x1xi32>
          %gather3A_2656 = vector.shape_cast %broadcast_in_dim3A_2655 : vector<16x1xi32> to vector<16xi32>
          %gather3A_2657 = tpu.dynamic_gather %add3A_2654[%gather3A_2656] in [0] : vector<16xf32>, vector<16xi32> -> vector<16xf32>
          %add3A_2658 = arith.addf %add3A_2654, %gather3A_2657 : vector<16xf32>
          %broadcast_in_dim3A_2659 = vector.shape_cast %xor3A_14 : vector<16xi32> to vector<16x1xi32>
          %gather3A_2660 = vector.shape_cast %broadcast_in_dim3A_2659 : vector<16x1xi32> to vector<16xi32>
          %gather3A_2661 = tpu.dynamic_gather %add3A_2658[%gather3A_2660] in [0] : vector<16xf32>, vector<16xi32> -> vector<16xf32>
          %add3A_2662 = arith.addf %add3A_2658, %gather3A_2661 : vector<16xf32>
          %broadcast_in_dim3A_2663 = vector.shape_cast %xor3A_17 : vector<16xi32> to vector<16x1xi32>
          %gather3A_2664 = vector.shape_cast %broadcast_in_dim3A_2663 : vector<16x1xi32> to vector<16xi32>
          %gather3A_2665 = tpu.dynamic_gather %add3A_2662[%gather3A_2664] in [0] : vector<16xf32>, vector<16xi32> -> vector<16xf32>
          %add3A_2666 = arith.addf %add3A_2662, %gather3A_2665 : vector<16xf32>
          %broadcast_in_dim3A_2667 = vector.shape_cast %xor3A_20 : vector<16xi32> to vector<16x1xi32>
          %gather3A_2668 = vector.shape_cast %broadcast_in_dim3A_2667 : vector<16x1xi32> to vector<16xi32>
          %gather3A_2669 = tpu.dynamic_gather %add3A_2666[%gather3A_2668] in [0] : vector<16xf32>, vector<16xi32> -> vector<16xf32>
          %add3A_2670 = arith.addf %add3A_2666, %gather3A_2669 : vector<16xf32>
          %ge3A_2671 = arith.cmpf oge, %add3A_2670, %broadcast_in_dim3A_5 : vector<16xf32>
          %select_n3A_2672 = arith.select %ge3A_2671, %or3A, %scan3A_2263 : vector<16xi1>, vector<16xi32>
          %shift_right_logical3A = arith.constant 1 : i32
          %shift_right_logical3A_2673 = vector.broadcast %shift_right_logical3A : i32 to vector<16xi32>
          %shift_right_logical3A_2674 = arith.shrui %scan3A_2264, %shift_right_logical3A_2673 : vector<16xi32>
          scf.yield %select_n3A_2672, %shift_right_logical3A_2674 : vector<16xi32>, vector<16xi32>
        }
        %scan3A_934 = arith.constant 32 : i32
        %xor3A_935 = arith.xori %scan3A_933#0, %broadcast_in_dim3A_3 : vector<16xi32>
        %ge3A_936 = arith.constant 0 : i32
        %ge3A_937 = vector.broadcast %ge3A_936 : i32 to vector<16xi32>
        %ge3A_938 = arith.cmpi sge, %xor3A_935, %ge3A_937 : vector<16xi32>
        %sub3A_939 = arith.subi %broadcast_in_dim3A_3, %xor3A_935 : vector<16xi32>
        %select_n3A_940 = arith.select %ge3A_938, %xor3A_935, %sub3A_939 : vector<16xi1>, vector<16xi32>
        %bitcast_convert_type3A_941 = tpu.bitcast %select_n3A_940 : vector<16xi32> -> vector<16xf32>
        %broadcast_in_dim3A_942 = arith.constant 0.000000e+00 : f32
        %broadcast_in_dim3A_943 = vector.broadcast %broadcast_in_dim3A_942 : f32 to vector<16xf32>
        %broadcast_in_dim3A_944 = arith.constant 0.000000e+00 : f32
        %broadcast_in_dim3A_945 = vector.broadcast %broadcast_in_dim3A_944 : f32 to vector<16xf32>
        %get3A_946 = arith.index_cast %scan3A_36 : i32 to index
        %get3A_947 = arith.constant 0 : index
        %get3A_948 = tpu.vector_load %arg4[%get3A_946, %get3A_947] {strides = array<i32>} : memref<16x1024xf32, #tpu.memory_space<vmem>>, vector<1x16xf32>,
        %get3A_949 = vector.shape_cast %get3A_948 : vector<1x16xf32> to vector<16xf32>
        %gt3A = arith.cmpf ogt, %get3A_949, %bitcast_convert_type3A_941 : vector<16xf32>
        %select_n3A_950 = arith.select %gt3A, %get3A_949, %broadcast_in_dim3A_9 : vector<16xi1>, vector<16xf32>
        %add3A_951 = arith.addf %broadcast_in_dim3A_943, %select_n3A_950 : vector<16xf32>
        %select_n3A_952 = arith.select %gt3A, %broadcast_in_dim3A_7, %broadcast_in_dim3A_9 : vector<16xi1>, vector<16xf32>
        %add3A_953 = arith.addf %broadcast_in_dim3A_945, %select_n3A_952 : vector<16xf32>
        %get3A_954 = arith.index_cast %scan3A_36 : i32 to index
        %get3A_955 = arith.constant 16 : index
        %get3A_956 = tpu.vector_load %arg4[%get3A_954, %get3A_955] {strides = array<i32>} : memref<16x1024xf32, #tpu.memory_space<vmem>>, vector<1x16xf32>,
        %get3A_957 = vector.shape_cast %get3A_956 : vector<1x16xf32> to vector<16xf32>
        %gt3A_958 = arith.cmpf ogt, %get3A_957, %bitcast_convert_type3A_941 : vector<16xf32>
        %select_n3A_959 = arith.select %gt3A_958, %get3A_957, %broadcast_in_dim3A_9 : vector<16xi1>, vector<16xf32>
        %add3A_960 = arith.addf %add3A_951, %select_n3A_959 : vector<16xf32>
        %select_n3A_961 = arith.select %gt3A_958, %broadcast_in_dim3A_7, %broadcast_in_dim3A_9 : vector<16xi1>, vector<16xf32>
        %add3A_962 = arith.addf %add3A_953, %select_n3A_961 : vector<16xf32>
        %get3A_963 = arith.index_cast %scan3A_36 : i32 to index
        %get3A_964 = arith.constant 32 : index
        %get3A_965 = tpu.vector_load %arg4[%get3A_963, %get3A_964] {strides = array<i32>} : memref<16x1024xf32, #tpu.memory_space<vmem>>, vector<1x16xf32>,
        %get3A_966 = vector.shape_cast %get3A_965 : vector<1x16xf32> to vector<16xf32>
        %gt3A_967 = arith.cmpf ogt, %get3A_966, %bitcast_convert_type3A_941 : vector<16xf32>
        %select_n3A_968 = arith.select %gt3A_967, %get3A_966, %broadcast_in_dim3A_9 : vector<16xi1>, vector<16xf32>
        %add3A_969 = arith.addf %add3A_960, %select_n3A_968 : vector<16xf32>
        %select_n3A_970 = arith.select %gt3A_967, %broadcast_in_dim3A_7, %broadcast_in_dim3A_9 : vector<16xi1>, vector<16xf32>
        %add3A_971 = arith.addf %add3A_962, %select_n3A_970 : vector<16xf32>
        %get3A_972 = arith.index_cast %scan3A_36 : i32 to index
        %get3A_973 = arith.constant 48 : index
        %get3A_974 = tpu.vector_load %arg4[%get3A_972, %get3A_973] {strides = array<i32>} : memref<16x1024xf32, #tpu.memory_space<vmem>>, vector<1x16xf32>,
        %get3A_975 = vector.shape_cast %get3A_974 : vector<1x16xf32> to vector<16xf32>
        %gt3A_976 = arith.cmpf ogt, %get3A_975, %bitcast_convert_type3A_941 : vector<16xf32>
        %select_n3A_977 = arith.select %gt3A_976, %get3A_975, %broadcast_in_dim3A_9 : vector<16xi1>, vector<16xf32>
        %add3A_978 = arith.addf %add3A_969, %select_n3A_977 : vector<16xf32>
        %select_n3A_979 = arith.select %gt3A_976, %broadcast_in_dim3A_7, %broadcast_in_dim3A_9 : vector<16xi1>, vector<16xf32>
        %add3A_980 = arith.addf %add3A_971, %select_n3A_979 : vector<16xf32>
        %get3A_981 = arith.index_cast %scan3A_36 : i32 to index
        %get3A_982 = arith.constant 64 : index
        %get3A_983 = tpu.vector_load %arg4[%get3A_981, %get3A_982] {strides = array<i32>} : memref<16x1024xf32, #tpu.memory_space<vmem>>, vector<1x16xf32>,
        %get3A_984 = vector.shape_cast %get3A_983 : vector<1x16xf32> to vector<16xf32>
        %gt3A_985 = arith.cmpf ogt, %get3A_984, %bitcast_convert_type3A_941 : vector<16xf32>
        %select_n3A_986 = arith.select %gt3A_985, %get3A_984, %broadcast_in_dim3A_9 : vector<16xi1>, vector<16xf32>
        %add3A_987 = arith.addf %add3A_978, %select_n3A_986 : vector<16xf32>
        %select_n3A_988 = arith.select %gt3A_985, %broadcast_in_dim3A_7, %broadcast_in_dim3A_9 : vector<16xi1>, vector<16xf32>
        %add3A_989 = arith.addf %add3A_980, %select_n3A_988 : vector<16xf32>
        %get3A_990 = arith.index_cast %scan3A_36 : i32 to index
        %get3A_991 = arith.constant 80 : index
        %get3A_992 = tpu.vector_load %arg4[%get3A_990, %get3A_991] {strides = array<i32>} : memref<16x1024xf32, #tpu.memory_space<vmem>>, vector<1x16xf32>,
        %get3A_993 = vector.shape_cast %get3A_992 : vector<1x16xf32> to vector<16xf32>
        %gt3A_994 = arith.cmpf ogt, %get3A_993, %bitcast_convert_type3A_941 : vector<16xf32>
        %select_n3A_995 = arith.select %gt3A_994, %get3A_993, %broadcast_in_dim3A_9 : vector<16xi1>, vector<16xf32>
        %add3A_996 = arith.addf %add3A_987, %select_n3A_995 : vector<16xf32>
        %select_n3A_997 = arith.select %gt3A_994, %broadcast_in_dim3A_7, %broadcast_in_dim3A_9 : vector<16xi1>, vector<16xf32>
        %add3A_998 = arith.addf %add3A_989, %select_n3A_997 : vector<16xf32>
        %get3A_999 = arith.index_cast %scan3A_36 : i32 to index
        %get3A_1000 = arith.constant 96 : index
        %get3A_1001 = tpu.vector_load %arg4[%get3A_999, %get3A_1000] {strides = array<i32>} : memref<16x1024xf32, #tpu.memory_space<vmem>>, vector<1x16xf32>,
        %get3A_1002 = vector.shape_cast %get3A_1001 : vector<1x16xf32> to vector<16xf32>
        %gt3A_1003 = arith.cmpf ogt, %get3A_1002, %bitcast_convert_type3A_941 : vector<16xf32>
        %select_n3A_1004 = arith.select %gt3A_1003, %get3A_1002, %broadcast_in_dim3A_9 : vector<16xi1>, vector<16xf32>
        %add3A_1005 = arith.addf %add3A_996, %select_n3A_1004 : vector<16xf32>
        %select_n3A_1006 = arith.select %gt3A_1003, %broadcast_in_dim3A_7, %broadcast_in_dim3A_9 : vector<16xi1>, vector<16xf32>
        %add3A_1007 = arith.addf %add3A_998, %select_n3A_1006 : vector<16xf32>
        %get3A_1008 = arith.index_cast %scan3A_36 : i32 to index
        %get3A_1009 = arith.constant 112 : index
        %get3A_1010 = tpu.vector_load %arg4[%get3A_1008, %get3A_1009] {strides = array<i32>} : memref<16x1024xf32, #tpu.memory_space<vmem>>, vector<1x16xf32>,
        %get3A_1011 = vector.shape_cast %get3A_1010 : vector<1x16xf32> to vector<16xf32>
        %gt3A_1012 = arith.cmpf ogt, %get3A_1011, %bitcast_convert_type3A_941 : vector<16xf32>
        %select_n3A_1013 = arith.select %gt3A_1012, %get3A_1011, %broadcast_in_dim3A_9 : vector<16xi1>, vector<16xf32>
        %add3A_1014 = arith.addf %add3A_1005, %select_n3A_1013 : vector<16xf32>
        %select_n3A_1015 = arith.select %gt3A_1012, %broadcast_in_dim3A_7, %broadcast_in_dim3A_9 : vector<16xi1>, vector<16xf32>
        %add3A_1016 = arith.addf %add3A_1007, %select_n3A_1015 : vector<16xf32>
        %get3A_1017 = arith.index_cast %scan3A_36 : i32 to index
        %get3A_1018 = arith.constant 128 : index
        %get3A_1019 = tpu.vector_load %arg4[%get3A_1017, %get3A_1018] {strides = array<i32>} : memref<16x1024xf32, #tpu.memory_space<vmem>>, vector<1x16xf32>,
        %get3A_1020 = vector.shape_cast %get3A_1019 : vector<1x16xf32> to vector<16xf32>
        %gt3A_1021 = arith.cmpf ogt, %get3A_1020, %bitcast_convert_type3A_941 : vector<16xf32>
        %select_n3A_1022 = arith.select %gt3A_1021, %get3A_1020, %broadcast_in_dim3A_9 : vector<16xi1>, vector<16xf32>
        %add3A_1023 = arith.addf %add3A_1014, %select_n3A_1022 : vector<16xf32>
        %select_n3A_1024 = arith.select %gt3A_1021, %broadcast_in_dim3A_7, %broadcast_in_dim3A_9 : vector<16xi1>, vector<16xf32>
        %add3A_1025 = arith.addf %add3A_1016, %select_n3A_1024 : vector<16xf32>
        %get3A_1026 = arith.index_cast %scan3A_36 : i32 to index
        %get3A_1027 = arith.constant 144 : index
        %get3A_1028 = tpu.vector_load %arg4[%get3A_1026, %get3A_1027] {strides = array<i32>} : memref<16x1024xf32, #tpu.memory_space<vmem>>, vector<1x16xf32>,
        %get3A_1029 = vector.shape_cast %get3A_1028 : vector<1x16xf32> to vector<16xf32>
        %gt3A_1030 = arith.cmpf ogt, %get3A_1029, %bitcast_convert_type3A_941 : vector<16xf32>
        %select_n3A_1031 = arith.select %gt3A_1030, %get3A_1029, %broadcast_in_dim3A_9 : vector<16xi1>, vector<16xf32>
        %add3A_1032 = arith.addf %add3A_1023, %select_n3A_1031 : vector<16xf32>
        %select_n3A_1033 = arith.select %gt3A_1030, %broadcast_in_dim3A_7, %broadcast_in_dim3A_9 : vector<16xi1>, vector<16xf32>
        %add3A_1034 = arith.addf %add3A_1025, %select_n3A_1033 : vector<16xf32>
        %get3A_1035 = arith.index_cast %scan3A_36 : i32 to index
        %get3A_1036 = arith.constant 160 : index
        %get3A_1037 = tpu.vector_load %arg4[%get3A_1035, %get3A_1036] {strides = array<i32>} : memref<16x1024xf32, #tpu.memory_space<vmem>>, vector<1x16xf32>,
        %get3A_1038 = vector.shape_cast %get3A_1037 : vector<1x16xf32> to vector<16xf32>
        %gt3A_1039 = arith.cmpf ogt, %get3A_1038, %bitcast_convert_type3A_941 : vector<16xf32>
        %select_n3A_1040 = arith.select %gt3A_1039, %get3A_1038, %broadcast_in_dim3A_9 : vector<16xi1>, vector<16xf32>
        %add3A_1041 = arith.addf %add3A_1032, %select_n3A_1040 : vector<16xf32>
        %select_n3A_1042 = arith.select %gt3A_1039, %broadcast_in_dim3A_7, %broadcast_in_dim3A_9 : vector<16xi1>, vector<16xf32>
        %add3A_1043 = arith.addf %add3A_1034, %select_n3A_1042 : vector<16xf32>
        %get3A_1044 = arith.index_cast %scan3A_36 : i32 to index
        %get3A_1045 = arith.constant 176 : index
        %get3A_1046 = tpu.vector_load %arg4[%get3A_1044, %get3A_1045] {strides = array<i32>} : memref<16x1024xf32, #tpu.memory_space<vmem>>, vector<1x16xf32>,
        %get3A_1047 = vector.shape_cast %get3A_1046 : vector<1x16xf32> to vector<16xf32>
        %gt3A_1048 = arith.cmpf ogt, %get3A_1047, %bitcast_convert_type3A_941 : vector<16xf32>
        %select_n3A_1049 = arith.select %gt3A_1048, %get3A_1047, %broadcast_in_dim3A_9 : vector<16xi1>, vector<16xf32>
        %add3A_1050 = arith.addf %add3A_1041, %select_n3A_1049 : vector<16xf32>
        %select_n3A_1051 = arith.select %gt3A_1048, %broadcast_in_dim3A_7, %broadcast_in_dim3A_9 : vector<16xi1>, vector<16xf32>
        %add3A_1052 = arith.addf %add3A_1043, %select_n3A_1051 : vector<16xf32>
        %get3A_1053 = arith.index_cast %scan3A_36 : i32 to index
        %get3A_1054 = arith.constant 192 : index
        %get3A_1055 = tpu.vector_load %arg4[%get3A_1053, %get3A_1054] {strides = array<i32>} : memref<16x1024xf32, #tpu.memory_space<vmem>>, vector<1x16xf32>,
        %get3A_1056 = vector.shape_cast %get3A_1055 : vector<1x16xf32> to vector<16xf32>
        %gt3A_1057 = arith.cmpf ogt, %get3A_1056, %bitcast_convert_type3A_941 : vector<16xf32>
        %select_n3A_1058 = arith.select %gt3A_1057, %get3A_1056, %broadcast_in_dim3A_9 : vector<16xi1>, vector<16xf32>
        %add3A_1059 = arith.addf %add3A_1050, %select_n3A_1058 : vector<16xf32>
        %select_n3A_1060 = arith.select %gt3A_1057, %broadcast_in_dim3A_7, %broadcast_in_dim3A_9 : vector<16xi1>, vector<16xf32>
        %add3A_1061 = arith.addf %add3A_1052, %select_n3A_1060 : vector<16xf32>
        %get3A_1062 = arith.index_cast %scan3A_36 : i32 to index
        %get3A_1063 = arith.constant 208 : index
        %get3A_1064 = tpu.vector_load %arg4[%get3A_1062, %get3A_1063] {strides = array<i32>} : memref<16x1024xf32, #tpu.memory_space<vmem>>, vector<1x16xf32>,
        %get3A_1065 = vector.shape_cast %get3A_1064 : vector<1x16xf32> to vector<16xf32>
        %gt3A_1066 = arith.cmpf ogt, %get3A_1065, %bitcast_convert_type3A_941 : vector<16xf32>
        %select_n3A_1067 = arith.select %gt3A_1066, %get3A_1065, %broadcast_in_dim3A_9 : vector<16xi1>, vector<16xf32>
        %add3A_1068 = arith.addf %add3A_1059, %select_n3A_1067 : vector<16xf32>
        %select_n3A_1069 = arith.select %gt3A_1066, %broadcast_in_dim3A_7, %broadcast_in_dim3A_9 : vector<16xi1>, vector<16xf32>
        %add3A_1070 = arith.addf %add3A_1061, %select_n3A_1069 : vector<16xf32>
        %get3A_1071 = arith.index_cast %scan3A_36 : i32 to index
        %get3A_1072 = arith.constant 224 : index
        %get3A_1073 = tpu.vector_load %arg4[%get3A_1071, %get3A_1072] {strides = array<i32>} : memref<16x1024xf32, #tpu.memory_space<vmem>>, vector<1x16xf32>,
        %get3A_1074 = vector.shape_cast %get3A_1073 : vector<1x16xf32> to vector<16xf32>
        %gt3A_1075 = arith.cmpf ogt, %get3A_1074, %bitcast_convert_type3A_941 : vector<16xf32>
        %select_n3A_1076 = arith.select %gt3A_1075, %get3A_1074, %broadcast_in_dim3A_9 : vector<16xi1>, vector<16xf32>
        %add3A_1077 = arith.addf %add3A_1068, %select_n3A_1076 : vector<16xf32>
        %select_n3A_1078 = arith.select %gt3A_1075, %broadcast_in_dim3A_7, %broadcast_in_dim3A_9 : vector<16xi1>, vector<16xf32>
        %add3A_1079 = arith.addf %add3A_1070, %select_n3A_1078 : vector<16xf32>
        %get3A_1080 = arith.index_cast %scan3A_36 : i32 to index
        %get3A_1081 = arith.constant 240 : index
        %get3A_1082 = tpu.vector_load %arg4[%get3A_1080, %get3A_1081] {strides = array<i32>} : memref<16x1024xf32, #tpu.memory_space<vmem>>, vector<1x16xf32>,
        %get3A_1083 = vector.shape_cast %get3A_1082 : vector<1x16xf32> to vector<16xf32>
        %gt3A_1084 = arith.cmpf ogt, %get3A_1083, %bitcast_convert_type3A_941 : vector<16xf32>
        %select_n3A_1085 = arith.select %gt3A_1084, %get3A_1083, %broadcast_in_dim3A_9 : vector<16xi1>, vector<16xf32>
        %add3A_1086 = arith.addf %add3A_1077, %select_n3A_1085 : vector<16xf32>
        %select_n3A_1087 = arith.select %gt3A_1084, %broadcast_in_dim3A_7, %broadcast_in_dim3A_9 : vector<16xi1>, vector<16xf32>
        %add3A_1088 = arith.addf %add3A_1079, %select_n3A_1087 : vector<16xf32>
        %get3A_1089 = arith.index_cast %scan3A_36 : i32 to index
        %get3A_1090 = arith.constant 256 : index
        %get3A_1091 = tpu.vector_load %arg4[%get3A_1089, %get3A_1090] {strides = array<i32>} : memref<16x1024xf32, #tpu.memory_space<vmem>>, vector<1x16xf32>,
        %get3A_1092 = vector.shape_cast %get3A_1091 : vector<1x16xf32> to vector<16xf32>
        %gt3A_1093 = arith.cmpf ogt, %get3A_1092, %bitcast_convert_type3A_941 : vector<16xf32>
        %select_n3A_1094 = arith.select %gt3A_1093, %get3A_1092, %broadcast_in_dim3A_9 : vector<16xi1>, vector<16xf32>
        %add3A_1095 = arith.addf %add3A_1086, %select_n3A_1094 : vector<16xf32>
        %select_n3A_1096 = arith.select %gt3A_1093, %broadcast_in_dim3A_7, %broadcast_in_dim3A_9 : vector<16xi1>, vector<16xf32>
        %add3A_1097 = arith.addf %add3A_1088, %select_n3A_1096 : vector<16xf32>
        %get3A_1098 = arith.index_cast %scan3A_36 : i32 to index
        %get3A_1099 = arith.constant 272 : index
        %get3A_1100 = tpu.vector_load %arg4[%get3A_1098, %get3A_1099] {strides = array<i32>} : memref<16x1024xf32, #tpu.memory_space<vmem>>, vector<1x16xf32>,
        %get3A_1101 = vector.shape_cast %get3A_1100 : vector<1x16xf32> to vector<16xf32>
        %gt3A_1102 = arith.cmpf ogt, %get3A_1101, %bitcast_convert_type3A_941 : vector<16xf32>
        %select_n3A_1103 = arith.select %gt3A_1102, %get3A_1101, %broadcast_in_dim3A_9 : vector<16xi1>, vector<16xf32>
        %add3A_1104 = arith.addf %add3A_1095, %select_n3A_1103 : vector<16xf32>
        %select_n3A_1105 = arith.select %gt3A_1102, %broadcast_in_dim3A_7, %broadcast_in_dim3A_9 : vector<16xi1>, vector<16xf32>
        %add3A_1106 = arith.addf %add3A_1097, %select_n3A_1105 : vector<16xf32>
        %get3A_1107 = arith.index_cast %scan3A_36 : i32 to index
        %get3A_1108 = arith.constant 288 : index
        %get3A_1109 = tpu.vector_load %arg4[%get3A_1107, %get3A_1108] {strides = array<i32>} : memref<16x1024xf32, #tpu.memory_space<vmem>>, vector<1x16xf32>,
        %get3A_1110 = vector.shape_cast %get3A_1109 : vector<1x16xf32> to vector<16xf32>
        %gt3A_1111 = arith.cmpf ogt, %get3A_1110, %bitcast_convert_type3A_941 : vector<16xf32>
        %select_n3A_1112 = arith.select %gt3A_1111, %get3A_1110, %broadcast_in_dim3A_9 : vector<16xi1>, vector<16xf32>
        %add3A_1113 = arith.addf %add3A_1104, %select_n3A_1112 : vector<16xf32>
        %select_n3A_1114 = arith.select %gt3A_1111, %broadcast_in_dim3A_7, %broadcast_in_dim3A_9 : vector<16xi1>, vector<16xf32>
        %add3A_1115 = arith.addf %add3A_1106, %select_n3A_1114 : vector<16xf32>
        %get3A_1116 = arith.index_cast %scan3A_36 : i32 to index
        %get3A_1117 = arith.constant 304 : index
        %get3A_1118 = tpu.vector_load %arg4[%get3A_1116, %get3A_1117] {strides = array<i32>} : memref<16x1024xf32, #tpu.memory_space<vmem>>, vector<1x16xf32>,
        %get3A_1119 = vector.shape_cast %get3A_1118 : vector<1x16xf32> to vector<16xf32>
        %gt3A_1120 = arith.cmpf ogt, %get3A_1119, %bitcast_convert_type3A_941 : vector<16xf32>
        %select_n3A_1121 = arith.select %gt3A_1120, %get3A_1119, %broadcast_in_dim3A_9 : vector<16xi1>, vector<16xf32>
        %add3A_1122 = arith.addf %add3A_1113, %select_n3A_1121 : vector<16xf32>
        %select_n3A_1123 = arith.select %gt3A_1120, %broadcast_in_dim3A_7, %broadcast_in_dim3A_9 : vector<16xi1>, vector<16xf32>
        %add3A_1124 = arith.addf %add3A_1115, %select_n3A_1123 : vector<16xf32>
        %get3A_1125 = arith.index_cast %scan3A_36 : i32 to index
        %get3A_1126 = arith.constant 320 : index
        %get3A_1127 = tpu.vector_load %arg4[%get3A_1125, %get3A_1126] {strides = array<i32>} : memref<16x1024xf32, #tpu.memory_space<vmem>>, vector<1x16xf32>,
        %get3A_1128 = vector.shape_cast %get3A_1127 : vector<1x16xf32> to vector<16xf32>
        %gt3A_1129 = arith.cmpf ogt, %get3A_1128, %bitcast_convert_type3A_941 : vector<16xf32>
        %select_n3A_1130 = arith.select %gt3A_1129, %get3A_1128, %broadcast_in_dim3A_9 : vector<16xi1>, vector<16xf32>
        %add3A_1131 = arith.addf %add3A_1122, %select_n3A_1130 : vector<16xf32>
        %select_n3A_1132 = arith.select %gt3A_1129, %broadcast_in_dim3A_7, %broadcast_in_dim3A_9 : vector<16xi1>, vector<16xf32>
        %add3A_1133 = arith.addf %add3A_1124, %select_n3A_1132 : vector<16xf32>
        %get3A_1134 = arith.index_cast %scan3A_36 : i32 to index
        %get3A_1135 = arith.constant 336 : index
        %get3A_1136 = tpu.vector_load %arg4[%get3A_1134, %get3A_1135] {strides = array<i32>} : memref<16x1024xf32, #tpu.memory_space<vmem>>, vector<1x16xf32>,
        %get3A_1137 = vector.shape_cast %get3A_1136 : vector<1x16xf32> to vector<16xf32>
        %gt3A_1138 = arith.cmpf ogt, %get3A_1137, %bitcast_convert_type3A_941 : vector<16xf32>
        %select_n3A_1139 = arith.select %gt3A_1138, %get3A_1137, %broadcast_in_dim3A_9 : vector<16xi1>, vector<16xf32>
        %add3A_1140 = arith.addf %add3A_1131, %select_n3A_1139 : vector<16xf32>
        %select_n3A_1141 = arith.select %gt3A_1138, %broadcast_in_dim3A_7, %broadcast_in_dim3A_9 : vector<16xi1>, vector<16xf32>
        %add3A_1142 = arith.addf %add3A_1133, %select_n3A_1141 : vector<16xf32>
        %get3A_1143 = arith.index_cast %scan3A_36 : i32 to index
        %get3A_1144 = arith.constant 352 : index
        %get3A_1145 = tpu.vector_load %arg4[%get3A_1143, %get3A_1144] {strides = array<i32>} : memref<16x1024xf32, #tpu.memory_space<vmem>>, vector<1x16xf32>,
        %get3A_1146 = vector.shape_cast %get3A_1145 : vector<1x16xf32> to vector<16xf32>
        %gt3A_1147 = arith.cmpf ogt, %get3A_1146, %bitcast_convert_type3A_941 : vector<16xf32>
        %select_n3A_1148 = arith.select %gt3A_1147, %get3A_1146, %broadcast_in_dim3A_9 : vector<16xi1>, vector<16xf32>
        %add3A_1149 = arith.addf %add3A_1140, %select_n3A_1148 : vector<16xf32>
        %select_n3A_1150 = arith.select %gt3A_1147, %broadcast_in_dim3A_7, %broadcast_in_dim3A_9 : vector<16xi1>, vector<16xf32>
        %add3A_1151 = arith.addf %add3A_1142, %select_n3A_1150 : vector<16xf32>
        %get3A_1152 = arith.index_cast %scan3A_36 : i32 to index
        %get3A_1153 = arith.constant 368 : index
        %get3A_1154 = tpu.vector_load %arg4[%get3A_1152, %get3A_1153] {strides = array<i32>} : memref<16x1024xf32, #tpu.memory_space<vmem>>, vector<1x16xf32>,
        %get3A_1155 = vector.shape_cast %get3A_1154 : vector<1x16xf32> to vector<16xf32>
        %gt3A_1156 = arith.cmpf ogt, %get3A_1155, %bitcast_convert_type3A_941 : vector<16xf32>
        %select_n3A_1157 = arith.select %gt3A_1156, %get3A_1155, %broadcast_in_dim3A_9 : vector<16xi1>, vector<16xf32>
        %add3A_1158 = arith.addf %add3A_1149, %select_n3A_1157 : vector<16xf32>
        %select_n3A_1159 = arith.select %gt3A_1156, %broadcast_in_dim3A_7, %broadcast_in_dim3A_9 : vector<16xi1>, vector<16xf32>
        %add3A_1160 = arith.addf %add3A_1151, %select_n3A_1159 : vector<16xf32>
        %get3A_1161 = arith.index_cast %scan3A_36 : i32 to index
        %get3A_1162 = arith.constant 384 : index
        %get3A_1163 = tpu.vector_load %arg4[%get3A_1161, %get3A_1162] {strides = array<i32>} : memref<16x1024xf32, #tpu.memory_space<vmem>>, vector<1x16xf32>,
        %get3A_1164 = vector.shape_cast %get3A_1163 : vector<1x16xf32> to vector<16xf32>
        %gt3A_1165 = arith.cmpf ogt, %get3A_1164, %bitcast_convert_type3A_941 : vector<16xf32>
        %select_n3A_1166 = arith.select %gt3A_1165, %get3A_1164, %broadcast_in_dim3A_9 : vector<16xi1>, vector<16xf32>
        %add3A_1167 = arith.addf %add3A_1158, %select_n3A_1166 : vector<16xf32>
        %select_n3A_1168 = arith.select %gt3A_1165, %broadcast_in_dim3A_7, %broadcast_in_dim3A_9 : vector<16xi1>, vector<16xf32>
        %add3A_1169 = arith.addf %add3A_1160, %select_n3A_1168 : vector<16xf32>
        %get3A_1170 = arith.index_cast %scan3A_36 : i32 to index
        %get3A_1171 = arith.constant 400 : index
        %get3A_1172 = tpu.vector_load %arg4[%get3A_1170, %get3A_1171] {strides = array<i32>} : memref<16x1024xf32, #tpu.memory_space<vmem>>, vector<1x16xf32>,
        %get3A_1173 = vector.shape_cast %get3A_1172 : vector<1x16xf32> to vector<16xf32>
        %gt3A_1174 = arith.cmpf ogt, %get3A_1173, %bitcast_convert_type3A_941 : vector<16xf32>
        %select_n3A_1175 = arith.select %gt3A_1174, %get3A_1173, %broadcast_in_dim3A_9 : vector<16xi1>, vector<16xf32>
        %add3A_1176 = arith.addf %add3A_1167, %select_n3A_1175 : vector<16xf32>
        %select_n3A_1177 = arith.select %gt3A_1174, %broadcast_in_dim3A_7, %broadcast_in_dim3A_9 : vector<16xi1>, vector<16xf32>
        %add3A_1178 = arith.addf %add3A_1169, %select_n3A_1177 : vector<16xf32>
        %get3A_1179 = arith.index_cast %scan3A_36 : i32 to index
        %get3A_1180 = arith.constant 416 : index
        %get3A_1181 = tpu.vector_load %arg4[%get3A_1179, %get3A_1180] {strides = array<i32>} : memref<16x1024xf32, #tpu.memory_space<vmem>>, vector<1x16xf32>,
        %get3A_1182 = vector.shape_cast %get3A_1181 : vector<1x16xf32> to vector<16xf32>
        %gt3A_1183 = arith.cmpf ogt, %get3A_1182, %bitcast_convert_type3A_941 : vector<16xf32>
        %select_n3A_1184 = arith.select %gt3A_1183, %get3A_1182, %broadcast_in_dim3A_9 : vector<16xi1>, vector<16xf32>
        %add3A_1185 = arith.addf %add3A_1176, %select_n3A_1184 : vector<16xf32>
        %select_n3A_1186 = arith.select %gt3A_1183, %broadcast_in_dim3A_7, %broadcast_in_dim3A_9 : vector<16xi1>, vector<16xf32>
        %add3A_1187 = arith.addf %add3A_1178, %select_n3A_1186 : vector<16xf32>
        %get3A_1188 = arith.index_cast %scan3A_36 : i32 to index
        %get3A_1189 = arith.constant 432 : index
        %get3A_1190 = tpu.vector_load %arg4[%get3A_1188, %get3A_1189] {strides = array<i32>} : memref<16x1024xf32, #tpu.memory_space<vmem>>, vector<1x16xf32>,
        %get3A_1191 = vector.shape_cast %get3A_1190 : vector<1x16xf32> to vector<16xf32>
        %gt3A_1192 = arith.cmpf ogt, %get3A_1191, %bitcast_convert_type3A_941 : vector<16xf32>
        %select_n3A_1193 = arith.select %gt3A_1192, %get3A_1191, %broadcast_in_dim3A_9 : vector<16xi1>, vector<16xf32>
        %add3A_1194 = arith.addf %add3A_1185, %select_n3A_1193 : vector<16xf32>
        %select_n3A_1195 = arith.select %gt3A_1192, %broadcast_in_dim3A_7, %broadcast_in_dim3A_9 : vector<16xi1>, vector<16xf32>
        %add3A_1196 = arith.addf %add3A_1187, %select_n3A_1195 : vector<16xf32>
        %get3A_1197 = arith.index_cast %scan3A_36 : i32 to index
        %get3A_1198 = arith.constant 448 : index
        %get3A_1199 = tpu.vector_load %arg4[%get3A_1197, %get3A_1198] {strides = array<i32>} : memref<16x1024xf32, #tpu.memory_space<vmem>>, vector<1x16xf32>,
        %get3A_1200 = vector.shape_cast %get3A_1199 : vector<1x16xf32> to vector<16xf32>
        %gt3A_1201 = arith.cmpf ogt, %get3A_1200, %bitcast_convert_type3A_941 : vector<16xf32>
        %select_n3A_1202 = arith.select %gt3A_1201, %get3A_1200, %broadcast_in_dim3A_9 : vector<16xi1>, vector<16xf32>
        %add3A_1203 = arith.addf %add3A_1194, %select_n3A_1202 : vector<16xf32>
        %select_n3A_1204 = arith.select %gt3A_1201, %broadcast_in_dim3A_7, %broadcast_in_dim3A_9 : vector<16xi1>, vector<16xf32>
        %add3A_1205 = arith.addf %add3A_1196, %select_n3A_1204 : vector<16xf32>
        %get3A_1206 = arith.index_cast %scan3A_36 : i32 to index
        %get3A_1207 = arith.constant 464 : index
        %get3A_1208 = tpu.vector_load %arg4[%get3A_1206, %get3A_1207] {strides = array<i32>} : memref<16x1024xf32, #tpu.memory_space<vmem>>, vector<1x16xf32>,
        %get3A_1209 = vector.shape_cast %get3A_1208 : vector<1x16xf32> to vector<16xf32>
        %gt3A_1210 = arith.cmpf ogt, %get3A_1209, %bitcast_convert_type3A_941 : vector<16xf32>
        %select_n3A_1211 = arith.select %gt3A_1210, %get3A_1209, %broadcast_in_dim3A_9 : vector<16xi1>, vector<16xf32>
        %add3A_1212 = arith.addf %add3A_1203, %select_n3A_1211 : vector<16xf32>
        %select_n3A_1213 = arith.select %gt3A_1210, %broadcast_in_dim3A_7, %broadcast_in_dim3A_9 : vector<16xi1>, vector<16xf32>
        %add3A_1214 = arith.addf %add3A_1205, %select_n3A_1213 : vector<16xf32>
        %get3A_1215 = arith.index_cast %scan3A_36 : i32 to index
        %get3A_1216 = arith.constant 480 : index
        %get3A_1217 = tpu.vector_load %arg4[%get3A_1215, %get3A_1216] {strides = array<i32>} : memref<16x1024xf32, #tpu.memory_space<vmem>>, vector<1x16xf32>,
        %get3A_1218 = vector.shape_cast %get3A_1217 : vector<1x16xf32> to vector<16xf32>
        %gt3A_1219 = arith.cmpf ogt, %get3A_1218, %bitcast_convert_type3A_941 : vector<16xf32>
        %select_n3A_1220 = arith.select %gt3A_1219, %get3A_1218, %broadcast_in_dim3A_9 : vector<16xi1>, vector<16xf32>
        %add3A_1221 = arith.addf %add3A_1212, %select_n3A_1220 : vector<16xf32>
        %select_n3A_1222 = arith.select %gt3A_1219, %broadcast_in_dim3A_7, %broadcast_in_dim3A_9 : vector<16xi1>, vector<16xf32>
        %add3A_1223 = arith.addf %add3A_1214, %select_n3A_1222 : vector<16xf32>
        %get3A_1224 = arith.index_cast %scan3A_36 : i32 to index
        %get3A_1225 = arith.constant 496 : index
        %get3A_1226 = tpu.vector_load %arg4[%get3A_1224, %get3A_1225] {strides = array<i32>} : memref<16x1024xf32, #tpu.memory_space<vmem>>, vector<1x16xf32>,
        %get3A_1227 = vector.shape_cast %get3A_1226 : vector<1x16xf32> to vector<16xf32>
        %gt3A_1228 = arith.cmpf ogt, %get3A_1227, %bitcast_convert_type3A_941 : vector<16xf32>
        %select_n3A_1229 = arith.select %gt3A_1228, %get3A_1227, %broadcast_in_dim3A_9 : vector<16xi1>, vector<16xf32>
        %add3A_1230 = arith.addf %add3A_1221, %select_n3A_1229 : vector<16xf32>
        %select_n3A_1231 = arith.select %gt3A_1228, %broadcast_in_dim3A_7, %broadcast_in_dim3A_9 : vector<16xi1>, vector<16xf32>
        %add3A_1232 = arith.addf %add3A_1223, %select_n3A_1231 : vector<16xf32>
        %get3A_1233 = arith.index_cast %scan3A_36 : i32 to index
        %get3A_1234 = arith.constant 512 : index
        %get3A_1235 = tpu.vector_load %arg4[%get3A_1233, %get3A_1234] {strides = array<i32>} : memref<16x1024xf32, #tpu.memory_space<vmem>>, vector<1x16xf32>,
        %get3A_1236 = vector.shape_cast %get3A_1235 : vector<1x16xf32> to vector<16xf32>
        %gt3A_1237 = arith.cmpf ogt, %get3A_1236, %bitcast_convert_type3A_941 : vector<16xf32>
        %select_n3A_1238 = arith.select %gt3A_1237, %get3A_1236, %broadcast_in_dim3A_9 : vector<16xi1>, vector<16xf32>
        %add3A_1239 = arith.addf %add3A_1230, %select_n3A_1238 : vector<16xf32>
        %select_n3A_1240 = arith.select %gt3A_1237, %broadcast_in_dim3A_7, %broadcast_in_dim3A_9 : vector<16xi1>, vector<16xf32>
        %add3A_1241 = arith.addf %add3A_1232, %select_n3A_1240 : vector<16xf32>
        %get3A_1242 = arith.index_cast %scan3A_36 : i32 to index
        %get3A_1243 = arith.constant 528 : index
        %get3A_1244 = tpu.vector_load %arg4[%get3A_1242, %get3A_1243] {strides = array<i32>} : memref<16x1024xf32, #tpu.memory_space<vmem>>, vector<1x16xf32>,
        %get3A_1245 = vector.shape_cast %get3A_1244 : vector<1x16xf32> to vector<16xf32>
        %gt3A_1246 = arith.cmpf ogt, %get3A_1245, %bitcast_convert_type3A_941 : vector<16xf32>
        %select_n3A_1247 = arith.select %gt3A_1246, %get3A_1245, %broadcast_in_dim3A_9 : vector<16xi1>, vector<16xf32>
        %add3A_1248 = arith.addf %add3A_1239, %select_n3A_1247 : vector<16xf32>
        %select_n3A_1249 = arith.select %gt3A_1246, %broadcast_in_dim3A_7, %broadcast_in_dim3A_9 : vector<16xi1>, vector<16xf32>
        %add3A_1250 = arith.addf %add3A_1241, %select_n3A_1249 : vector<16xf32>
        %get3A_1251 = arith.index_cast %scan3A_36 : i32 to index
        %get3A_1252 = arith.constant 544 : index
        %get3A_1253 = tpu.vector_load %arg4[%get3A_1251, %get3A_1252] {strides = array<i32>} : memref<16x1024xf32, #tpu.memory_space<vmem>>, vector<1x16xf32>,
        %get3A_1254 = vector.shape_cast %get3A_1253 : vector<1x16xf32> to vector<16xf32>
        %gt3A_1255 = arith.cmpf ogt, %get3A_1254, %bitcast_convert_type3A_941 : vector<16xf32>
        %select_n3A_1256 = arith.select %gt3A_1255, %get3A_1254, %broadcast_in_dim3A_9 : vector<16xi1>, vector<16xf32>
        %add3A_1257 = arith.addf %add3A_1248, %select_n3A_1256 : vector<16xf32>
        %select_n3A_1258 = arith.select %gt3A_1255, %broadcast_in_dim3A_7, %broadcast_in_dim3A_9 : vector<16xi1>, vector<16xf32>
        %add3A_1259 = arith.addf %add3A_1250, %select_n3A_1258 : vector<16xf32>
        %get3A_1260 = arith.index_cast %scan3A_36 : i32 to index
        %get3A_1261 = arith.constant 560 : index
        %get3A_1262 = tpu.vector_load %arg4[%get3A_1260, %get3A_1261] {strides = array<i32>} : memref<16x1024xf32, #tpu.memory_space<vmem>>, vector<1x16xf32>,
        %get3A_1263 = vector.shape_cast %get3A_1262 : vector<1x16xf32> to vector<16xf32>
        %gt3A_1264 = arith.cmpf ogt, %get3A_1263, %bitcast_convert_type3A_941 : vector<16xf32>
        %select_n3A_1265 = arith.select %gt3A_1264, %get3A_1263, %broadcast_in_dim3A_9 : vector<16xi1>, vector<16xf32>
        %add3A_1266 = arith.addf %add3A_1257, %select_n3A_1265 : vector<16xf32>
        %select_n3A_1267 = arith.select %gt3A_1264, %broadcast_in_dim3A_7, %broadcast_in_dim3A_9 : vector<16xi1>, vector<16xf32>
        %add3A_1268 = arith.addf %add3A_1259, %select_n3A_1267 : vector<16xf32>
        %get3A_1269 = arith.index_cast %scan3A_36 : i32 to index
        %get3A_1270 = arith.constant 576 : index
        %get3A_1271 = tpu.vector_load %arg4[%get3A_1269, %get3A_1270] {strides = array<i32>} : memref<16x1024xf32, #tpu.memory_space<vmem>>, vector<1x16xf32>,
        %get3A_1272 = vector.shape_cast %get3A_1271 : vector<1x16xf32> to vector<16xf32>
        %gt3A_1273 = arith.cmpf ogt, %get3A_1272, %bitcast_convert_type3A_941 : vector<16xf32>
        %select_n3A_1274 = arith.select %gt3A_1273, %get3A_1272, %broadcast_in_dim3A_9 : vector<16xi1>, vector<16xf32>
        %add3A_1275 = arith.addf %add3A_1266, %select_n3A_1274 : vector<16xf32>
        %select_n3A_1276 = arith.select %gt3A_1273, %broadcast_in_dim3A_7, %broadcast_in_dim3A_9 : vector<16xi1>, vector<16xf32>
        %add3A_1277 = arith.addf %add3A_1268, %select_n3A_1276 : vector<16xf32>
        %get3A_1278 = arith.index_cast %scan3A_36 : i32 to index
        %get3A_1279 = arith.constant 592 : index
        %get3A_1280 = tpu.vector_load %arg4[%get3A_1278, %get3A_1279] {strides = array<i32>} : memref<16x1024xf32, #tpu.memory_space<vmem>>, vector<1x16xf32>,
        %get3A_1281 = vector.shape_cast %get3A_1280 : vector<1x16xf32> to vector<16xf32>
        %gt3A_1282 = arith.cmpf ogt, %get3A_1281, %bitcast_convert_type3A_941 : vector<16xf32>
        %select_n3A_1283 = arith.select %gt3A_1282, %get3A_1281, %broadcast_in_dim3A_9 : vector<16xi1>, vector<16xf32>
        %add3A_1284 = arith.addf %add3A_1275, %select_n3A_1283 : vector<16xf32>
        %select_n3A_1285 = arith.select %gt3A_1282, %broadcast_in_dim3A_7, %broadcast_in_dim3A_9 : vector<16xi1>, vector<16xf32>
        %add3A_1286 = arith.addf %add3A_1277, %select_n3A_1285 : vector<16xf32>
        %get3A_1287 = arith.index_cast %scan3A_36 : i32 to index
        %get3A_1288 = arith.constant 608 : index
        %get3A_1289 = tpu.vector_load %arg4[%get3A_1287, %get3A_1288] {strides = array<i32>} : memref<16x1024xf32, #tpu.memory_space<vmem>>, vector<1x16xf32>,
        %get3A_1290 = vector.shape_cast %get3A_1289 : vector<1x16xf32> to vector<16xf32>
        %gt3A_1291 = arith.cmpf ogt, %get3A_1290, %bitcast_convert_type3A_941 : vector<16xf32>
        %select_n3A_1292 = arith.select %gt3A_1291, %get3A_1290, %broadcast_in_dim3A_9 : vector<16xi1>, vector<16xf32>
        %add3A_1293 = arith.addf %add3A_1284, %select_n3A_1292 : vector<16xf32>
        %select_n3A_1294 = arith.select %gt3A_1291, %broadcast_in_dim3A_7, %broadcast_in_dim3A_9 : vector<16xi1>, vector<16xf32>
        %add3A_1295 = arith.addf %add3A_1286, %select_n3A_1294 : vector<16xf32>
        %get3A_1296 = arith.index_cast %scan3A_36 : i32 to index
        %get3A_1297 = arith.constant 624 : index
        %get3A_1298 = tpu.vector_load %arg4[%get3A_1296, %get3A_1297] {strides = array<i32>} : memref<16x1024xf32, #tpu.memory_space<vmem>>, vector<1x16xf32>,
        %get3A_1299 = vector.shape_cast %get3A_1298 : vector<1x16xf32> to vector<16xf32>
        %gt3A_1300 = arith.cmpf ogt, %get3A_1299, %bitcast_convert_type3A_941 : vector<16xf32>
        %select_n3A_1301 = arith.select %gt3A_1300, %get3A_1299, %broadcast_in_dim3A_9 : vector<16xi1>, vector<16xf32>
        %add3A_1302 = arith.addf %add3A_1293, %select_n3A_1301 : vector<16xf32>
        %select_n3A_1303 = arith.select %gt3A_1300, %broadcast_in_dim3A_7, %broadcast_in_dim3A_9 : vector<16xi1>, vector<16xf32>
        %add3A_1304 = arith.addf %add3A_1295, %select_n3A_1303 : vector<16xf32>
        %get3A_1305 = arith.index_cast %scan3A_36 : i32 to index
        %get3A_1306 = arith.constant 640 : index
        %get3A_1307 = tpu.vector_load %arg4[%get3A_1305, %get3A_1306] {strides = array<i32>} : memref<16x1024xf32, #tpu.memory_space<vmem>>, vector<1x16xf32>,
        %get3A_1308 = vector.shape_cast %get3A_1307 : vector<1x16xf32> to vector<16xf32>
        %gt3A_1309 = arith.cmpf ogt, %get3A_1308, %bitcast_convert_type3A_941 : vector<16xf32>
        %select_n3A_1310 = arith.select %gt3A_1309, %get3A_1308, %broadcast_in_dim3A_9 : vector<16xi1>, vector<16xf32>
        %add3A_1311 = arith.addf %add3A_1302, %select_n3A_1310 : vector<16xf32>
        %select_n3A_1312 = arith.select %gt3A_1309, %broadcast_in_dim3A_7, %broadcast_in_dim3A_9 : vector<16xi1>, vector<16xf32>
        %add3A_1313 = arith.addf %add3A_1304, %select_n3A_1312 : vector<16xf32>
        %get3A_1314 = arith.index_cast %scan3A_36 : i32 to index
        %get3A_1315 = arith.constant 656 : index
        %get3A_1316 = tpu.vector_load %arg4[%get3A_1314, %get3A_1315] {strides = array<i32>} : memref<16x1024xf32, #tpu.memory_space<vmem>>, vector<1x16xf32>,
        %get3A_1317 = vector.shape_cast %get3A_1316 : vector<1x16xf32> to vector<16xf32>
        %gt3A_1318 = arith.cmpf ogt, %get3A_1317, %bitcast_convert_type3A_941 : vector<16xf32>
        %select_n3A_1319 = arith.select %gt3A_1318, %get3A_1317, %broadcast_in_dim3A_9 : vector<16xi1>, vector<16xf32>
        %add3A_1320 = arith.addf %add3A_1311, %select_n3A_1319 : vector<16xf32>
        %select_n3A_1321 = arith.select %gt3A_1318, %broadcast_in_dim3A_7, %broadcast_in_dim3A_9 : vector<16xi1>, vector<16xf32>
        %add3A_1322 = arith.addf %add3A_1313, %select_n3A_1321 : vector<16xf32>
        %get3A_1323 = arith.index_cast %scan3A_36 : i32 to index
        %get3A_1324 = arith.constant 672 : index
        %get3A_1325 = tpu.vector_load %arg4[%get3A_1323, %get3A_1324] {strides = array<i32>} : memref<16x1024xf32, #tpu.memory_space<vmem>>, vector<1x16xf32>,
        %get3A_1326 = vector.shape_cast %get3A_1325 : vector<1x16xf32> to vector<16xf32>
        %gt3A_1327 = arith.cmpf ogt, %get3A_1326, %bitcast_convert_type3A_941 : vector<16xf32>
        %select_n3A_1328 = arith.select %gt3A_1327, %get3A_1326, %broadcast_in_dim3A_9 : vector<16xi1>, vector<16xf32>
        %add3A_1329 = arith.addf %add3A_1320, %select_n3A_1328 : vector<16xf32>
        %select_n3A_1330 = arith.select %gt3A_1327, %broadcast_in_dim3A_7, %broadcast_in_dim3A_9 : vector<16xi1>, vector<16xf32>
        %add3A_1331 = arith.addf %add3A_1322, %select_n3A_1330 : vector<16xf32>
        %get3A_1332 = arith.index_cast %scan3A_36 : i32 to index
        %get3A_1333 = arith.constant 688 : index
        %get3A_1334 = tpu.vector_load %arg4[%get3A_1332, %get3A_1333] {strides = array<i32>} : memref<16x1024xf32, #tpu.memory_space<vmem>>, vector<1x16xf32>,
        %get3A_1335 = vector.shape_cast %get3A_1334 : vector<1x16xf32> to vector<16xf32>
        %gt3A_1336 = arith.cmpf ogt, %get3A_1335, %bitcast_convert_type3A_941 : vector<16xf32>
        %select_n3A_1337 = arith.select %gt3A_1336, %get3A_1335, %broadcast_in_dim3A_9 : vector<16xi1>, vector<16xf32>
        %add3A_1338 = arith.addf %add3A_1329, %select_n3A_1337 : vector<16xf32>
        %select_n3A_1339 = arith.select %gt3A_1336, %broadcast_in_dim3A_7, %broadcast_in_dim3A_9 : vector<16xi1>, vector<16xf32>
        %add3A_1340 = arith.addf %add3A_1331, %select_n3A_1339 : vector<16xf32>
        %get3A_1341 = arith.index_cast %scan3A_36 : i32 to index
        %get3A_1342 = arith.constant 704 : index
        %get3A_1343 = tpu.vector_load %arg4[%get3A_1341, %get3A_1342] {strides = array<i32>} : memref<16x1024xf32, #tpu.memory_space<vmem>>, vector<1x16xf32>,
        %get3A_1344 = vector.shape_cast %get3A_1343 : vector<1x16xf32> to vector<16xf32>
        %gt3A_1345 = arith.cmpf ogt, %get3A_1344, %bitcast_convert_type3A_941 : vector<16xf32>
        %select_n3A_1346 = arith.select %gt3A_1345, %get3A_1344, %broadcast_in_dim3A_9 : vector<16xi1>, vector<16xf32>
        %add3A_1347 = arith.addf %add3A_1338, %select_n3A_1346 : vector<16xf32>
        %select_n3A_1348 = arith.select %gt3A_1345, %broadcast_in_dim3A_7, %broadcast_in_dim3A_9 : vector<16xi1>, vector<16xf32>
        %add3A_1349 = arith.addf %add3A_1340, %select_n3A_1348 : vector<16xf32>
        %get3A_1350 = arith.index_cast %scan3A_36 : i32 to index
        %get3A_1351 = arith.constant 720 : index
        %get3A_1352 = tpu.vector_load %arg4[%get3A_1350, %get3A_1351] {strides = array<i32>} : memref<16x1024xf32, #tpu.memory_space<vmem>>, vector<1x16xf32>,
        %get3A_1353 = vector.shape_cast %get3A_1352 : vector<1x16xf32> to vector<16xf32>
        %gt3A_1354 = arith.cmpf ogt, %get3A_1353, %bitcast_convert_type3A_941 : vector<16xf32>
        %select_n3A_1355 = arith.select %gt3A_1354, %get3A_1353, %broadcast_in_dim3A_9 : vector<16xi1>, vector<16xf32>
        %add3A_1356 = arith.addf %add3A_1347, %select_n3A_1355 : vector<16xf32>
        %select_n3A_1357 = arith.select %gt3A_1354, %broadcast_in_dim3A_7, %broadcast_in_dim3A_9 : vector<16xi1>, vector<16xf32>
        %add3A_1358 = arith.addf %add3A_1349, %select_n3A_1357 : vector<16xf32>
        %get3A_1359 = arith.index_cast %scan3A_36 : i32 to index
        %get3A_1360 = arith.constant 736 : index
        %get3A_1361 = tpu.vector_load %arg4[%get3A_1359, %get3A_1360] {strides = array<i32>} : memref<16x1024xf32, #tpu.memory_space<vmem>>, vector<1x16xf32>,
        %get3A_1362 = vector.shape_cast %get3A_1361 : vector<1x16xf32> to vector<16xf32>
        %gt3A_1363 = arith.cmpf ogt, %get3A_1362, %bitcast_convert_type3A_941 : vector<16xf32>
        %select_n3A_1364 = arith.select %gt3A_1363, %get3A_1362, %broadcast_in_dim3A_9 : vector<16xi1>, vector<16xf32>
        %add3A_1365 = arith.addf %add3A_1356, %select_n3A_1364 : vector<16xf32>
        %select_n3A_1366 = arith.select %gt3A_1363, %broadcast_in_dim3A_7, %broadcast_in_dim3A_9 : vector<16xi1>, vector<16xf32>
        %add3A_1367 = arith.addf %add3A_1358, %select_n3A_1366 : vector<16xf32>
        %get3A_1368 = arith.index_cast %scan3A_36 : i32 to index
        %get3A_1369 = arith.constant 752 : index
        %get3A_1370 = tpu.vector_load %arg4[%get3A_1368, %get3A_1369] {strides = array<i32>} : memref<16x1024xf32, #tpu.memory_space<vmem>>, vector<1x16xf32>,
        %get3A_1371 = vector.shape_cast %get3A_1370 : vector<1x16xf32> to vector<16xf32>
        %gt3A_1372 = arith.cmpf ogt, %get3A_1371, %bitcast_convert_type3A_941 : vector<16xf32>
        %select_n3A_1373 = arith.select %gt3A_1372, %get3A_1371, %broadcast_in_dim3A_9 : vector<16xi1>, vector<16xf32>
        %add3A_1374 = arith.addf %add3A_1365, %select_n3A_1373 : vector<16xf32>
        %select_n3A_1375 = arith.select %gt3A_1372, %broadcast_in_dim3A_7, %broadcast_in_dim3A_9 : vector<16xi1>, vector<16xf32>
        %add3A_1376 = arith.addf %add3A_1367, %select_n3A_1375 : vector<16xf32>
        %get3A_1377 = arith.index_cast %scan3A_36 : i32 to index
        %get3A_1378 = arith.constant 768 : index
        %get3A_1379 = tpu.vector_load %arg4[%get3A_1377, %get3A_1378] {strides = array<i32>} : memref<16x1024xf32, #tpu.memory_space<vmem>>, vector<1x16xf32>,
        %get3A_1380 = vector.shape_cast %get3A_1379 : vector<1x16xf32> to vector<16xf32>
        %gt3A_1381 = arith.cmpf ogt, %get3A_1380, %bitcast_convert_type3A_941 : vector<16xf32>
        %select_n3A_1382 = arith.select %gt3A_1381, %get3A_1380, %broadcast_in_dim3A_9 : vector<16xi1>, vector<16xf32>
        %add3A_1383 = arith.addf %add3A_1374, %select_n3A_1382 : vector<16xf32>
        %select_n3A_1384 = arith.select %gt3A_1381, %broadcast_in_dim3A_7, %broadcast_in_dim3A_9 : vector<16xi1>, vector<16xf32>
        %add3A_1385 = arith.addf %add3A_1376, %select_n3A_1384 : vector<16xf32>
        %get3A_1386 = arith.index_cast %scan3A_36 : i32 to index
        %get3A_1387 = arith.constant 784 : index
        %get3A_1388 = tpu.vector_load %arg4[%get3A_1386, %get3A_1387] {strides = array<i32>} : memref<16x1024xf32, #tpu.memory_space<vmem>>, vector<1x16xf32>,
        %get3A_1389 = vector.shape_cast %get3A_1388 : vector<1x16xf32> to vector<16xf32>
        %gt3A_1390 = arith.cmpf ogt, %get3A_1389, %bitcast_convert_type3A_941 : vector<16xf32>
        %select_n3A_1391 = arith.select %gt3A_1390, %get3A_1389, %broadcast_in_dim3A_9 : vector<16xi1>, vector<16xf32>
        %add3A_1392 = arith.addf %add3A_1383, %select_n3A_1391 : vector<16xf32>
        %select_n3A_1393 = arith.select %gt3A_1390, %broadcast_in_dim3A_7, %broadcast_in_dim3A_9 : vector<16xi1>, vector<16xf32>
        %add3A_1394 = arith.addf %add3A_1385, %select_n3A_1393 : vector<16xf32>
        %get3A_1395 = arith.index_cast %scan3A_36 : i32 to index
        %get3A_1396 = arith.constant 800 : index
        %get3A_1397 = tpu.vector_load %arg4[%get3A_1395, %get3A_1396] {strides = array<i32>} : memref<16x1024xf32, #tpu.memory_space<vmem>>, vector<1x16xf32>,
        %get3A_1398 = vector.shape_cast %get3A_1397 : vector<1x16xf32> to vector<16xf32>
        %gt3A_1399 = arith.cmpf ogt, %get3A_1398, %bitcast_convert_type3A_941 : vector<16xf32>
        %select_n3A_1400 = arith.select %gt3A_1399, %get3A_1398, %broadcast_in_dim3A_9 : vector<16xi1>, vector<16xf32>
        %add3A_1401 = arith.addf %add3A_1392, %select_n3A_1400 : vector<16xf32>
        %select_n3A_1402 = arith.select %gt3A_1399, %broadcast_in_dim3A_7, %broadcast_in_dim3A_9 : vector<16xi1>, vector<16xf32>
        %add3A_1403 = arith.addf %add3A_1394, %select_n3A_1402 : vector<16xf32>
        %get3A_1404 = arith.index_cast %scan3A_36 : i32 to index
        %get3A_1405 = arith.constant 816 : index
        %get3A_1406 = tpu.vector_load %arg4[%get3A_1404, %get3A_1405] {strides = array<i32>} : memref<16x1024xf32, #tpu.memory_space<vmem>>, vector<1x16xf32>,
        %get3A_1407 = vector.shape_cast %get3A_1406 : vector<1x16xf32> to vector<16xf32>
        %gt3A_1408 = arith.cmpf ogt, %get3A_1407, %bitcast_convert_type3A_941 : vector<16xf32>
        %select_n3A_1409 = arith.select %gt3A_1408, %get3A_1407, %broadcast_in_dim3A_9 : vector<16xi1>, vector<16xf32>
        %add3A_1410 = arith.addf %add3A_1401, %select_n3A_1409 : vector<16xf32>
        %select_n3A_1411 = arith.select %gt3A_1408, %broadcast_in_dim3A_7, %broadcast_in_dim3A_9 : vector<16xi1>, vector<16xf32>
        %add3A_1412 = arith.addf %add3A_1403, %select_n3A_1411 : vector<16xf32>
        %get3A_1413 = arith.index_cast %scan3A_36 : i32 to index
        %get3A_1414 = arith.constant 832 : index
        %get3A_1415 = tpu.vector_load %arg4[%get3A_1413, %get3A_1414] {strides = array<i32>} : memref<16x1024xf32, #tpu.memory_space<vmem>>, vector<1x16xf32>,
        %get3A_1416 = vector.shape_cast %get3A_1415 : vector<1x16xf32> to vector<16xf32>
        %gt3A_1417 = arith.cmpf ogt, %get3A_1416, %bitcast_convert_type3A_941 : vector<16xf32>
        %select_n3A_1418 = arith.select %gt3A_1417, %get3A_1416, %broadcast_in_dim3A_9 : vector<16xi1>, vector<16xf32>
        %add3A_1419 = arith.addf %add3A_1410, %select_n3A_1418 : vector<16xf32>
        %select_n3A_1420 = arith.select %gt3A_1417, %broadcast_in_dim3A_7, %broadcast_in_dim3A_9 : vector<16xi1>, vector<16xf32>
        %add3A_1421 = arith.addf %add3A_1412, %select_n3A_1420 : vector<16xf32>
        %get3A_1422 = arith.index_cast %scan3A_36 : i32 to index
        %get3A_1423 = arith.constant 848 : index
        %get3A_1424 = tpu.vector_load %arg4[%get3A_1422, %get3A_1423] {strides = array<i32>} : memref<16x1024xf32, #tpu.memory_space<vmem>>, vector<1x16xf32>,
        %get3A_1425 = vector.shape_cast %get3A_1424 : vector<1x16xf32> to vector<16xf32>
        %gt3A_1426 = arith.cmpf ogt, %get3A_1425, %bitcast_convert_type3A_941 : vector<16xf32>
        %select_n3A_1427 = arith.select %gt3A_1426, %get3A_1425, %broadcast_in_dim3A_9 : vector<16xi1>, vector<16xf32>
        %add3A_1428 = arith.addf %add3A_1419, %select_n3A_1427 : vector<16xf32>
        %select_n3A_1429 = arith.select %gt3A_1426, %broadcast_in_dim3A_7, %broadcast_in_dim3A_9 : vector<16xi1>, vector<16xf32>
        %add3A_1430 = arith.addf %add3A_1421, %select_n3A_1429 : vector<16xf32>
        %get3A_1431 = arith.index_cast %scan3A_36 : i32 to index
        %get3A_1432 = arith.constant 864 : index
        %get3A_1433 = tpu.vector_load %arg4[%get3A_1431, %get3A_1432] {strides = array<i32>} : memref<16x1024xf32, #tpu.memory_space<vmem>>, vector<1x16xf32>,
        %get3A_1434 = vector.shape_cast %get3A_1433 : vector<1x16xf32> to vector<16xf32>
        %gt3A_1435 = arith.cmpf ogt, %get3A_1434, %bitcast_convert_type3A_941 : vector<16xf32>
        %select_n3A_1436 = arith.select %gt3A_1435, %get3A_1434, %broadcast_in_dim3A_9 : vector<16xi1>, vector<16xf32>
        %add3A_1437 = arith.addf %add3A_1428, %select_n3A_1436 : vector<16xf32>
        %select_n3A_1438 = arith.select %gt3A_1435, %broadcast_in_dim3A_7, %broadcast_in_dim3A_9 : vector<16xi1>, vector<16xf32>
        %add3A_1439 = arith.addf %add3A_1430, %select_n3A_1438 : vector<16xf32>
        %get3A_1440 = arith.index_cast %scan3A_36 : i32 to index
        %get3A_1441 = arith.constant 880 : index
        %get3A_1442 = tpu.vector_load %arg4[%get3A_1440, %get3A_1441] {strides = array<i32>} : memref<16x1024xf32, #tpu.memory_space<vmem>>, vector<1x16xf32>,
        %get3A_1443 = vector.shape_cast %get3A_1442 : vector<1x16xf32> to vector<16xf32>
        %gt3A_1444 = arith.cmpf ogt, %get3A_1443, %bitcast_convert_type3A_941 : vector<16xf32>
        %select_n3A_1445 = arith.select %gt3A_1444, %get3A_1443, %broadcast_in_dim3A_9 : vector<16xi1>, vector<16xf32>
        %add3A_1446 = arith.addf %add3A_1437, %select_n3A_1445 : vector<16xf32>
        %select_n3A_1447 = arith.select %gt3A_1444, %broadcast_in_dim3A_7, %broadcast_in_dim3A_9 : vector<16xi1>, vector<16xf32>
        %add3A_1448 = arith.addf %add3A_1439, %select_n3A_1447 : vector<16xf32>
        %get3A_1449 = arith.index_cast %scan3A_36 : i32 to index
        %get3A_1450 = arith.constant 896 : index
        %get3A_1451 = tpu.vector_load %arg4[%get3A_1449, %get3A_1450] {strides = array<i32>} : memref<16x1024xf32, #tpu.memory_space<vmem>>, vector<1x16xf32>,
        %get3A_1452 = vector.shape_cast %get3A_1451 : vector<1x16xf32> to vector<16xf32>
        %gt3A_1453 = arith.cmpf ogt, %get3A_1452, %bitcast_convert_type3A_941 : vector<16xf32>
        %select_n3A_1454 = arith.select %gt3A_1453, %get3A_1452, %broadcast_in_dim3A_9 : vector<16xi1>, vector<16xf32>
        %add3A_1455 = arith.addf %add3A_1446, %select_n3A_1454 : vector<16xf32>
        %select_n3A_1456 = arith.select %gt3A_1453, %broadcast_in_dim3A_7, %broadcast_in_dim3A_9 : vector<16xi1>, vector<16xf32>
        %add3A_1457 = arith.addf %add3A_1448, %select_n3A_1456 : vector<16xf32>
        %get3A_1458 = arith.index_cast %scan3A_36 : i32 to index
        %get3A_1459 = arith.constant 912 : index
        %get3A_1460 = tpu.vector_load %arg4[%get3A_1458, %get3A_1459] {strides = array<i32>} : memref<16x1024xf32, #tpu.memory_space<vmem>>, vector<1x16xf32>,
        %get3A_1461 = vector.shape_cast %get3A_1460 : vector<1x16xf32> to vector<16xf32>
        %gt3A_1462 = arith.cmpf ogt, %get3A_1461, %bitcast_convert_type3A_941 : vector<16xf32>
        %select_n3A_1463 = arith.select %gt3A_1462, %get3A_1461, %broadcast_in_dim3A_9 : vector<16xi1>, vector<16xf32>
        %add3A_1464 = arith.addf %add3A_1455, %select_n3A_1463 : vector<16xf32>
        %select_n3A_1465 = arith.select %gt3A_1462, %broadcast_in_dim3A_7, %broadcast_in_dim3A_9 : vector<16xi1>, vector<16xf32>
        %add3A_1466 = arith.addf %add3A_1457, %select_n3A_1465 : vector<16xf32>
        %get3A_1467 = arith.index_cast %scan3A_36 : i32 to index
        %get3A_1468 = arith.constant 928 : index
        %get3A_1469 = tpu.vector_load %arg4[%get3A_1467, %get3A_1468] {strides = array<i32>} : memref<16x1024xf32, #tpu.memory_space<vmem>>, vector<1x16xf32>,
        %get3A_1470 = vector.shape_cast %get3A_1469 : vector<1x16xf32> to vector<16xf32>
        %gt3A_1471 = arith.cmpf ogt, %get3A_1470, %bitcast_convert_type3A_941 : vector<16xf32>
        %select_n3A_1472 = arith.select %gt3A_1471, %get3A_1470, %broadcast_in_dim3A_9 : vector<16xi1>, vector<16xf32>
        %add3A_1473 = arith.addf %add3A_1464, %select_n3A_1472 : vector<16xf32>
        %select_n3A_1474 = arith.select %gt3A_1471, %broadcast_in_dim3A_7, %broadcast_in_dim3A_9 : vector<16xi1>, vector<16xf32>
        %add3A_1475 = arith.addf %add3A_1466, %select_n3A_1474 : vector<16xf32>
        %get3A_1476 = arith.index_cast %scan3A_36 : i32 to index
        %get3A_1477 = arith.constant 944 : index
        %get3A_1478 = tpu.vector_load %arg4[%get3A_1476, %get3A_1477] {strides = array<i32>} : memref<16x1024xf32, #tpu.memory_space<vmem>>, vector<1x16xf32>,
        %get3A_1479 = vector.shape_cast %get3A_1478 : vector<1x16xf32> to vector<16xf32>
        %gt3A_1480 = arith.cmpf ogt, %get3A_1479, %bitcast_convert_type3A_941 : vector<16xf32>
        %select_n3A_1481 = arith.select %gt3A_1480, %get3A_1479, %broadcast_in_dim3A_9 : vector<16xi1>, vector<16xf32>
        %add3A_1482 = arith.addf %add3A_1473, %select_n3A_1481 : vector<16xf32>
        %select_n3A_1483 = arith.select %gt3A_1480, %broadcast_in_dim3A_7, %broadcast_in_dim3A_9 : vector<16xi1>, vector<16xf32>
        %add3A_1484 = arith.addf %add3A_1475, %select_n3A_1483 : vector<16xf32>
        %get3A_1485 = arith.index_cast %scan3A_36 : i32 to index
        %get3A_1486 = arith.constant 960 : index
        %get3A_1487 = tpu.vector_load %arg4[%get3A_1485, %get3A_1486] {strides = array<i32>} : memref<16x1024xf32, #tpu.memory_space<vmem>>, vector<1x16xf32>,
        %get3A_1488 = vector.shape_cast %get3A_1487 : vector<1x16xf32> to vector<16xf32>
        %gt3A_1489 = arith.cmpf ogt, %get3A_1488, %bitcast_convert_type3A_941 : vector<16xf32>
        %select_n3A_1490 = arith.select %gt3A_1489, %get3A_1488, %broadcast_in_dim3A_9 : vector<16xi1>, vector<16xf32>
        %add3A_1491 = arith.addf %add3A_1482, %select_n3A_1490 : vector<16xf32>
        %select_n3A_1492 = arith.select %gt3A_1489, %broadcast_in_dim3A_7, %broadcast_in_dim3A_9 : vector<16xi1>, vector<16xf32>
        %add3A_1493 = arith.addf %add3A_1484, %select_n3A_1492 : vector<16xf32>
        %get3A_1494 = arith.index_cast %scan3A_36 : i32 to index
        %get3A_1495 = arith.constant 976 : index
        %get3A_1496 = tpu.vector_load %arg4[%get3A_1494, %get3A_1495] {strides = array<i32>} : memref<16x1024xf32, #tpu.memory_space<vmem>>, vector<1x16xf32>,
        %get3A_1497 = vector.shape_cast %get3A_1496 : vector<1x16xf32> to vector<16xf32>
        %gt3A_1498 = arith.cmpf ogt, %get3A_1497, %bitcast_convert_type3A_941 : vector<16xf32>
        %select_n3A_1499 = arith.select %gt3A_1498, %get3A_1497, %broadcast_in_dim3A_9 : vector<16xi1>, vector<16xf32>
        %add3A_1500 = arith.addf %add3A_1491, %select_n3A_1499 : vector<16xf32>
        %select_n3A_1501 = arith.select %gt3A_1498, %broadcast_in_dim3A_7, %broadcast_in_dim3A_9 : vector<16xi1>, vector<16xf32>
        %add3A_1502 = arith.addf %add3A_1493, %select_n3A_1501 : vector<16xf32>
        %get3A_1503 = arith.index_cast %scan3A_36 : i32 to index
        %get3A_1504 = arith.constant 992 : index
        %get3A_1505 = tpu.vector_load %arg4[%get3A_1503, %get3A_1504] {strides = array<i32>} : memref<16x1024xf32, #tpu.memory_space<vmem>>, vector<1x16xf32>,
        %get3A_1506 = vector.shape_cast %get3A_1505 : vector<1x16xf32> to vector<16xf32>
        %gt3A_1507 = arith.cmpf ogt, %get3A_1506, %bitcast_convert_type3A_941 : vector<16xf32>
        %select_n3A_1508 = arith.select %gt3A_1507, %get3A_1506, %broadcast_in_dim3A_9 : vector<16xi1>, vector<16xf32>
        %add3A_1509 = arith.addf %add3A_1500, %select_n3A_1508 : vector<16xf32>
        %select_n3A_1510 = arith.select %gt3A_1507, %broadcast_in_dim3A_7, %broadcast_in_dim3A_9 : vector<16xi1>, vector<16xf32>
        %add3A_1511 = arith.addf %add3A_1502, %select_n3A_1510 : vector<16xf32>
        %get3A_1512 = arith.index_cast %scan3A_36 : i32 to index
        %get3A_1513 = arith.constant 1008 : index
        %get3A_1514 = tpu.vector_load %arg4[%get3A_1512, %get3A_1513] {strides = array<i32>} : memref<16x1024xf32, #tpu.memory_space<vmem>>, vector<1x16xf32>,
        %get3A_1515 = vector.shape_cast %get3A_1514 : vector<1x16xf32> to vector<16xf32>
        %gt3A_1516 = arith.cmpf ogt, %get3A_1515, %bitcast_convert_type3A_941 : vector<16xf32>
        %select_n3A_1517 = arith.select %gt3A_1516, %get3A_1515, %broadcast_in_dim3A_9 : vector<16xi1>, vector<16xf32>
        %add3A_1518 = arith.addf %add3A_1509, %select_n3A_1517 : vector<16xf32>
        %select_n3A_1519 = arith.select %gt3A_1516, %broadcast_in_dim3A_7, %broadcast_in_dim3A_9 : vector<16xi1>, vector<16xf32>
        %add3A_1520 = arith.addf %add3A_1511, %select_n3A_1519 : vector<16xf32>
        %broadcast_in_dim3A_1521 = vector.shape_cast %xor3A_11 : vector<16xi32> to vector<16x1xi32>
        %gather3A = vector.shape_cast %broadcast_in_dim3A_1521 : vector<16x1xi32> to vector<16xi32>
        %gather3A_1522 = tpu.dynamic_gather %add3A_1518[%gather3A] in [0] : vector<16xf32>, vector<16xi32> -> vector<16xf32>
        %add3A_1523 = arith.addf %add3A_1518, %gather3A_1522 : vector<16xf32>
        %broadcast_in_dim3A_1524 = vector.shape_cast %xor3A_14 : vector<16xi32> to vector<16x1xi32>
        %gather3A_1525 = vector.shape_cast %broadcast_in_dim3A_1524 : vector<16x1xi32> to vector<16xi32>
        %gather3A_1526 = tpu.dynamic_gather %add3A_1523[%gather3A_1525] in [0] : vector<16xf32>, vector<16xi32> -> vector<16xf32>
        %add3A_1527 = arith.addf %add3A_1523, %gather3A_1526 : vector<16xf32>
        %broadcast_in_dim3A_1528 = vector.shape_cast %xor3A_17 : vector<16xi32> to vector<16x1xi32>
        %gather3A_1529 = vector.shape_cast %broadcast_in_dim3A_1528 : vector<16x1xi32> to vector<16xi32>
        %gather3A_1530 = tpu.dynamic_gather %add3A_1527[%gather3A_1529] in [0] : vector<16xf32>, vector<16xi32> -> vector<16xf32>
        %add3A_1531 = arith.addf %add3A_1527, %gather3A_1530 : vector<16xf32>
        %broadcast_in_dim3A_1532 = vector.shape_cast %xor3A_20 : vector<16xi32> to vector<16x1xi32>
        %gather3A_1533 = vector.shape_cast %broadcast_in_dim3A_1532 : vector<16x1xi32> to vector<16xi32>
        %gather3A_1534 = tpu.dynamic_gather %add3A_1531[%gather3A_1533] in [0] : vector<16xf32>, vector<16xi32> -> vector<16xf32>
        %add3A_1535 = arith.addf %add3A_1531, %gather3A_1534 : vector<16xf32>
        %broadcast_in_dim3A_1536 = vector.shape_cast %xor3A_11 : vector<16xi32> to vector<16x1xi32>
        %gather3A_1537 = vector.shape_cast %broadcast_in_dim3A_1536 : vector<16x1xi32> to vector<16xi32>
        %gather3A_1538 = tpu.dynamic_gather %add3A_1520[%gather3A_1537] in [0] : vector<16xf32>, vector<16xi32> -> vector<16xf32>
        %add3A_1539 = arith.addf %add3A_1520, %gather3A_1538 : vector<16xf32>
        %broadcast_in_dim3A_1540 = vector.shape_cast %xor3A_14 : vector<16xi32> to vector<16x1xi32>
        %gather3A_1541 = vector.shape_cast %broadcast_in_dim3A_1540 : vector<16x1xi32> to vector<16xi32>
        %gather3A_1542 = tpu.dynamic_gather %add3A_1539[%gather3A_1541] in [0] : vector<16xf32>, vector<16xi32> -> vector<16xf32>
        %add3A_1543 = arith.addf %add3A_1539, %gather3A_1542 : vector<16xf32>
        %broadcast_in_dim3A_1544 = vector.shape_cast %xor3A_17 : vector<16xi32> to vector<16x1xi32>
        %gather3A_1545 = vector.shape_cast %broadcast_in_dim3A_1544 : vector<16x1xi32> to vector<16xi32>
        %gather3A_1546 = tpu.dynamic_gather %add3A_1543[%gather3A_1545] in [0] : vector<16xf32>, vector<16xi32> -> vector<16xf32>
        %add3A_1547 = arith.addf %add3A_1543, %gather3A_1546 : vector<16xf32>
        %broadcast_in_dim3A_1548 = vector.shape_cast %xor3A_20 : vector<16xi32> to vector<16x1xi32>
        %gather3A_1549 = vector.shape_cast %broadcast_in_dim3A_1548 : vector<16x1xi32> to vector<16xi32>
        %gather3A_1550 = tpu.dynamic_gather %add3A_1547[%gather3A_1549] in [0] : vector<16xf32>, vector<16xi32> -> vector<16xf32>
        %add3A_1551 = arith.addf %add3A_1547, %gather3A_1550 : vector<16xf32>
        %sub3A_1552 = arith.subf %broadcast_in_dim3A_5, %add3A_1551 : vector<16xf32>
        %mul3A_1553 = arith.mulf %sub3A_1552, %bitcast_convert_type3A_941 : vector<16xf32>
        %add3A_1554 = arith.addf %add3A_1535, %mul3A_1553 : vector<16xf32>
        %mul3A_1555 = arith.constant 7.812500e-03 : f32
        %mul3A_1556 = vector.broadcast %mul3A_1555 : f32 to vector<16xf32>
        %mul3A_1557 = arith.mulf %add3A_1554, %mul3A_1556 : vector<16xf32>
        %get3A_1558 = arith.index_cast %scan3A_36 : i32 to index
        %get3A_1559 = arith.constant 0 : index
        %get3A_1560 = tpu.vector_load %arg4[%get3A_1558, %get3A_1559] {strides = array<i32>} : memref<16x1024xf32, #tpu.memory_space<vmem>>, vector<1x16xf32>,
        %get3A_1561 = vector.shape_cast %get3A_1560 : vector<1x16xf32> to vector<16xf32>
        %ge3A_1562 = arith.cmpf oge, %get3A_1561, %bitcast_convert_type3A_941 : vector<16xf32>
        %select_n3A_1563 = arith.select %ge3A_1562, %mul3A_1557, %broadcast_in_dim3A_9 : vector<16xi1>, vector<16xf32>
        %swap3A_1564 = arith.index_cast %scan3A_36 : i32 to index
        %swap3A_1565 = arith.constant 0 : index
        %swap3A_1566 = tpu.vector_load %arg5[%swap3A_1564, %swap3A_1565] {strides = array<i32>} : memref<16x1024xf32, #tpu.memory_space<vmem>>, vector<1x16xf32>,
        %swap3A_1567 = vector.shape_cast %swap3A_1566 : vector<1x16xf32> to vector<16xf32>
        %swap3A_1568 = vector.shape_cast %select_n3A_1563 : vector<16xf32> to vector<1x16xf32>
        tpu.vector_store %arg5[%swap3A_1564, %swap3A_1565], %swap3A_1568 {strides = array<i32>} : memref<16x1024xf32, #tpu.memory_space<vmem>>, vector<1x16xf32>,
        %get3A_1569 = arith.index_cast %scan3A_36 : i32 to index
        %get3A_1570 = arith.constant 16 : index
        %get3A_1571 = tpu.vector_load %arg4[%get3A_1569, %get3A_1570] {strides = array<i32>} : memref<16x1024xf32, #tpu.memory_space<vmem>>, vector<1x16xf32>,
        %get3A_1572 = vector.shape_cast %get3A_1571 : vector<1x16xf32> to vector<16xf32>
        %ge3A_1573 = arith.cmpf oge, %get3A_1572, %bitcast_convert_type3A_941 : vector<16xf32>
        %select_n3A_1574 = arith.select %ge3A_1573, %mul3A_1557, %broadcast_in_dim3A_9 : vector<16xi1>, vector<16xf32>
        %swap3A_1575 = arith.index_cast %scan3A_36 : i32 to index
        %swap3A_1576 = arith.constant 16 : index
        %swap3A_1577 = tpu.vector_load %arg5[%swap3A_1575, %swap3A_1576] {strides = array<i32>} : memref<16x1024xf32, #tpu.memory_space<vmem>>, vector<1x16xf32>,
        %swap3A_1578 = vector.shape_cast %swap3A_1577 : vector<1x16xf32> to vector<16xf32>
        %swap3A_1579 = vector.shape_cast %select_n3A_1574 : vector<16xf32> to vector<1x16xf32>
        tpu.vector_store %arg5[%swap3A_1575, %swap3A_1576], %swap3A_1579 {strides = array<i32>} : memref<16x1024xf32, #tpu.memory_space<vmem>>, vector<1x16xf32>,
        %get3A_1580 = arith.index_cast %scan3A_36 : i32 to index
        %get3A_1581 = arith.constant 32 : index
        %get3A_1582 = tpu.vector_load %arg4[%get3A_1580, %get3A_1581] {strides = array<i32>} : memref<16x1024xf32, #tpu.memory_space<vmem>>, vector<1x16xf32>,
        %get3A_1583 = vector.shape_cast %get3A_1582 : vector<1x16xf32> to vector<16xf32>
        %ge3A_1584 = arith.cmpf oge, %get3A_1583, %bitcast_convert_type3A_941 : vector<16xf32>
        %select_n3A_1585 = arith.select %ge3A_1584, %mul3A_1557, %broadcast_in_dim3A_9 : vector<16xi1>, vector<16xf32>
        %swap3A_1586 = arith.index_cast %scan3A_36 : i32 to index
        %swap3A_1587 = arith.constant 32 : index
        %swap3A_1588 = tpu.vector_load %arg5[%swap3A_1586, %swap3A_1587] {strides = array<i32>} : memref<16x1024xf32, #tpu.memory_space<vmem>>, vector<1x16xf32>,
        %swap3A_1589 = vector.shape_cast %swap3A_1588 : vector<1x16xf32> to vector<16xf32>
        %swap3A_1590 = vector.shape_cast %select_n3A_1585 : vector<16xf32> to vector<1x16xf32>
        tpu.vector_store %arg5[%swap3A_1586, %swap3A_1587], %swap3A_1590 {strides = array<i32>} : memref<16x1024xf32, #tpu.memory_space<vmem>>, vector<1x16xf32>,
        %get3A_1591 = arith.index_cast %scan3A_36 : i32 to index
        %get3A_1592 = arith.constant 48 : index
        %get3A_1593 = tpu.vector_load %arg4[%get3A_1591, %get3A_1592] {strides = array<i32>} : memref<16x1024xf32, #tpu.memory_space<vmem>>, vector<1x16xf32>,
        %get3A_1594 = vector.shape_cast %get3A_1593 : vector<1x16xf32> to vector<16xf32>
        %ge3A_1595 = arith.cmpf oge, %get3A_1594, %bitcast_convert_type3A_941 : vector<16xf32>
        %select_n3A_1596 = arith.select %ge3A_1595, %mul3A_1557, %broadcast_in_dim3A_9 : vector<16xi1>, vector<16xf32>
        %swap3A_1597 = arith.index_cast %scan3A_36 : i32 to index
        %swap3A_1598 = arith.constant 48 : index
        %swap3A_1599 = tpu.vector_load %arg5[%swap3A_1597, %swap3A_1598] {strides = array<i32>} : memref<16x1024xf32, #tpu.memory_space<vmem>>, vector<1x16xf32>,
        %swap3A_1600 = vector.shape_cast %swap3A_1599 : vector<1x16xf32> to vector<16xf32>
        %swap3A_1601 = vector.shape_cast %select_n3A_1596 : vector<16xf32> to vector<1x16xf32>
        tpu.vector_store %arg5[%swap3A_1597, %swap3A_1598], %swap3A_1601 {strides = array<i32>} : memref<16x1024xf32, #tpu.memory_space<vmem>>, vector<1x16xf32>,
        %get3A_1602 = arith.index_cast %scan3A_36 : i32 to index
        %get3A_1603 = arith.constant 64 : index
        %get3A_1604 = tpu.vector_load %arg4[%get3A_1602, %get3A_1603] {strides = array<i32>} : memref<16x1024xf32, #tpu.memory_space<vmem>>, vector<1x16xf32>,
        %get3A_1605 = vector.shape_cast %get3A_1604 : vector<1x16xf32> to vector<16xf32>
        %ge3A_1606 = arith.cmpf oge, %get3A_1605, %bitcast_convert_type3A_941 : vector<16xf32>
        %select_n3A_1607 = arith.select %ge3A_1606, %mul3A_1557, %broadcast_in_dim3A_9 : vector<16xi1>, vector<16xf32>
        %swap3A_1608 = arith.index_cast %scan3A_36 : i32 to index
        %swap3A_1609 = arith.constant 64 : index
        %swap3A_1610 = tpu.vector_load %arg5[%swap3A_1608, %swap3A_1609] {strides = array<i32>} : memref<16x1024xf32, #tpu.memory_space<vmem>>, vector<1x16xf32>,
        %swap3A_1611 = vector.shape_cast %swap3A_1610 : vector<1x16xf32> to vector<16xf32>
        %swap3A_1612 = vector.shape_cast %select_n3A_1607 : vector<16xf32> to vector<1x16xf32>
        tpu.vector_store %arg5[%swap3A_1608, %swap3A_1609], %swap3A_1612 {strides = array<i32>} : memref<16x1024xf32, #tpu.memory_space<vmem>>, vector<1x16xf32>,
        %get3A_1613 = arith.index_cast %scan3A_36 : i32 to index
        %get3A_1614 = arith.constant 80 : index
        %get3A_1615 = tpu.vector_load %arg4[%get3A_1613, %get3A_1614] {strides = array<i32>} : memref<16x1024xf32, #tpu.memory_space<vmem>>, vector<1x16xf32>,
        %get3A_1616 = vector.shape_cast %get3A_1615 : vector<1x16xf32> to vector<16xf32>
        %ge3A_1617 = arith.cmpf oge, %get3A_1616, %bitcast_convert_type3A_941 : vector<16xf32>
        %select_n3A_1618 = arith.select %ge3A_1617, %mul3A_1557, %broadcast_in_dim3A_9 : vector<16xi1>, vector<16xf32>
        %swap3A_1619 = arith.index_cast %scan3A_36 : i32 to index
        %swap3A_1620 = arith.constant 80 : index
        %swap3A_1621 = tpu.vector_load %arg5[%swap3A_1619, %swap3A_1620] {strides = array<i32>} : memref<16x1024xf32, #tpu.memory_space<vmem>>, vector<1x16xf32>,
        %swap3A_1622 = vector.shape_cast %swap3A_1621 : vector<1x16xf32> to vector<16xf32>
        %swap3A_1623 = vector.shape_cast %select_n3A_1618 : vector<16xf32> to vector<1x16xf32>
        tpu.vector_store %arg5[%swap3A_1619, %swap3A_1620], %swap3A_1623 {strides = array<i32>} : memref<16x1024xf32, #tpu.memory_space<vmem>>, vector<1x16xf32>,
        %get3A_1624 = arith.index_cast %scan3A_36 : i32 to index
        %get3A_1625 = arith.constant 96 : index
        %get3A_1626 = tpu.vector_load %arg4[%get3A_1624, %get3A_1625] {strides = array<i32>} : memref<16x1024xf32, #tpu.memory_space<vmem>>, vector<1x16xf32>,
        %get3A_1627 = vector.shape_cast %get3A_1626 : vector<1x16xf32> to vector<16xf32>
        %ge3A_1628 = arith.cmpf oge, %get3A_1627, %bitcast_convert_type3A_941 : vector<16xf32>
        %select_n3A_1629 = arith.select %ge3A_1628, %mul3A_1557, %broadcast_in_dim3A_9 : vector<16xi1>, vector<16xf32>
        %swap3A_1630 = arith.index_cast %scan3A_36 : i32 to index
        %swap3A_1631 = arith.constant 96 : index
        %swap3A_1632 = tpu.vector_load %arg5[%swap3A_1630, %swap3A_1631] {strides = array<i32>} : memref<16x1024xf32, #tpu.memory_space<vmem>>, vector<1x16xf32>,
        %swap3A_1633 = vector.shape_cast %swap3A_1632 : vector<1x16xf32> to vector<16xf32>
        %swap3A_1634 = vector.shape_cast %select_n3A_1629 : vector<16xf32> to vector<1x16xf32>
        tpu.vector_store %arg5[%swap3A_1630, %swap3A_1631], %swap3A_1634 {strides = array<i32>} : memref<16x1024xf32, #tpu.memory_space<vmem>>, vector<1x16xf32>,
        %get3A_1635 = arith.index_cast %scan3A_36 : i32 to index
        %get3A_1636 = arith.constant 112 : index
        %get3A_1637 = tpu.vector_load %arg4[%get3A_1635, %get3A_1636] {strides = array<i32>} : memref<16x1024xf32, #tpu.memory_space<vmem>>, vector<1x16xf32>,
        %get3A_1638 = vector.shape_cast %get3A_1637 : vector<1x16xf32> to vector<16xf32>
        %ge3A_1639 = arith.cmpf oge, %get3A_1638, %bitcast_convert_type3A_941 : vector<16xf32>
        %select_n3A_1640 = arith.select %ge3A_1639, %mul3A_1557, %broadcast_in_dim3A_9 : vector<16xi1>, vector<16xf32>
        %swap3A_1641 = arith.index_cast %scan3A_36 : i32 to index
        %swap3A_1642 = arith.constant 112 : index
        %swap3A_1643 = tpu.vector_load %arg5[%swap3A_1641, %swap3A_1642] {strides = array<i32>} : memref<16x1024xf32, #tpu.memory_space<vmem>>, vector<1x16xf32>,
        %swap3A_1644 = vector.shape_cast %swap3A_1643 : vector<1x16xf32> to vector<16xf32>
        %swap3A_1645 = vector.shape_cast %select_n3A_1640 : vector<16xf32> to vector<1x16xf32>
        tpu.vector_store %arg5[%swap3A_1641, %swap3A_1642], %swap3A_1645 {strides = array<i32>} : memref<16x1024xf32, #tpu.memory_space<vmem>>, vector<1x16xf32>,
        %get3A_1646 = arith.index_cast %scan3A_36 : i32 to index
        %get3A_1647 = arith.constant 128 : index
        %get3A_1648 = tpu.vector_load %arg4[%get3A_1646, %get3A_1647] {strides = array<i32>} : memref<16x1024xf32, #tpu.memory_space<vmem>>, vector<1x16xf32>,
        %get3A_1649 = vector.shape_cast %get3A_1648 : vector<1x16xf32> to vector<16xf32>
        %ge3A_1650 = arith.cmpf oge, %get3A_1649, %bitcast_convert_type3A_941 : vector<16xf32>
        %select_n3A_1651 = arith.select %ge3A_1650, %mul3A_1557, %broadcast_in_dim3A_9 : vector<16xi1>, vector<16xf32>
        %swap3A_1652 = arith.index_cast %scan3A_36 : i32 to index
        %swap3A_1653 = arith.constant 128 : index
        %swap3A_1654 = tpu.vector_load %arg5[%swap3A_1652, %swap3A_1653] {strides = array<i32>} : memref<16x1024xf32, #tpu.memory_space<vmem>>, vector<1x16xf32>,
        %swap3A_1655 = vector.shape_cast %swap3A_1654 : vector<1x16xf32> to vector<16xf32>
        %swap3A_1656 = vector.shape_cast %select_n3A_1651 : vector<16xf32> to vector<1x16xf32>
        tpu.vector_store %arg5[%swap3A_1652, %swap3A_1653], %swap3A_1656 {strides = array<i32>} : memref<16x1024xf32, #tpu.memory_space<vmem>>, vector<1x16xf32>,
        %get3A_1657 = arith.index_cast %scan3A_36 : i32 to index
        %get3A_1658 = arith.constant 144 : index
        %get3A_1659 = tpu.vector_load %arg4[%get3A_1657, %get3A_1658] {strides = array<i32>} : memref<16x1024xf32, #tpu.memory_space<vmem>>, vector<1x16xf32>,
        %get3A_1660 = vector.shape_cast %get3A_1659 : vector<1x16xf32> to vector<16xf32>
        %ge3A_1661 = arith.cmpf oge, %get3A_1660, %bitcast_convert_type3A_941 : vector<16xf32>
        %select_n3A_1662 = arith.select %ge3A_1661, %mul3A_1557, %broadcast_in_dim3A_9 : vector<16xi1>, vector<16xf32>
        %swap3A_1663 = arith.index_cast %scan3A_36 : i32 to index
        %swap3A_1664 = arith.constant 144 : index
        %swap3A_1665 = tpu.vector_load %arg5[%swap3A_1663, %swap3A_1664] {strides = array<i32>} : memref<16x1024xf32, #tpu.memory_space<vmem>>, vector<1x16xf32>,
        %swap3A_1666 = vector.shape_cast %swap3A_1665 : vector<1x16xf32> to vector<16xf32>
        %swap3A_1667 = vector.shape_cast %select_n3A_1662 : vector<16xf32> to vector<1x16xf32>
        tpu.vector_store %arg5[%swap3A_1663, %swap3A_1664], %swap3A_1667 {strides = array<i32>} : memref<16x1024xf32, #tpu.memory_space<vmem>>, vector<1x16xf32>,
        %get3A_1668 = arith.index_cast %scan3A_36 : i32 to index
        %get3A_1669 = arith.constant 160 : index
        %get3A_1670 = tpu.vector_load %arg4[%get3A_1668, %get3A_1669] {strides = array<i32>} : memref<16x1024xf32, #tpu.memory_space<vmem>>, vector<1x16xf32>,
        %get3A_1671 = vector.shape_cast %get3A_1670 : vector<1x16xf32> to vector<16xf32>
        %ge3A_1672 = arith.cmpf oge, %get3A_1671, %bitcast_convert_type3A_941 : vector<16xf32>
        %select_n3A_1673 = arith.select %ge3A_1672, %mul3A_1557, %broadcast_in_dim3A_9 : vector<16xi1>, vector<16xf32>
        %swap3A_1674 = arith.index_cast %scan3A_36 : i32 to index
        %swap3A_1675 = arith.constant 160 : index
        %swap3A_1676 = tpu.vector_load %arg5[%swap3A_1674, %swap3A_1675] {strides = array<i32>} : memref<16x1024xf32, #tpu.memory_space<vmem>>, vector<1x16xf32>,
        %swap3A_1677 = vector.shape_cast %swap3A_1676 : vector<1x16xf32> to vector<16xf32>
        %swap3A_1678 = vector.shape_cast %select_n3A_1673 : vector<16xf32> to vector<1x16xf32>
        tpu.vector_store %arg5[%swap3A_1674, %swap3A_1675], %swap3A_1678 {strides = array<i32>} : memref<16x1024xf32, #tpu.memory_space<vmem>>, vector<1x16xf32>,
        %get3A_1679 = arith.index_cast %scan3A_36 : i32 to index
        %get3A_1680 = arith.constant 176 : index
        %get3A_1681 = tpu.vector_load %arg4[%get3A_1679, %get3A_1680] {strides = array<i32>} : memref<16x1024xf32, #tpu.memory_space<vmem>>, vector<1x16xf32>,
        %get3A_1682 = vector.shape_cast %get3A_1681 : vector<1x16xf32> to vector<16xf32>
        %ge3A_1683 = arith.cmpf oge, %get3A_1682, %bitcast_convert_type3A_941 : vector<16xf32>
        %select_n3A_1684 = arith.select %ge3A_1683, %mul3A_1557, %broadcast_in_dim3A_9 : vector<16xi1>, vector<16xf32>
        %swap3A_1685 = arith.index_cast %scan3A_36 : i32 to index
        %swap3A_1686 = arith.constant 176 : index
        %swap3A_1687 = tpu.vector_load %arg5[%swap3A_1685, %swap3A_1686] {strides = array<i32>} : memref<16x1024xf32, #tpu.memory_space<vmem>>, vector<1x16xf32>,
        %swap3A_1688 = vector.shape_cast %swap3A_1687 : vector<1x16xf32> to vector<16xf32>
        %swap3A_1689 = vector.shape_cast %select_n3A_1684 : vector<16xf32> to vector<1x16xf32>
        tpu.vector_store %arg5[%swap3A_1685, %swap3A_1686], %swap3A_1689 {strides = array<i32>} : memref<16x1024xf32, #tpu.memory_space<vmem>>, vector<1x16xf32>,
        %get3A_1690 = arith.index_cast %scan3A_36 : i32 to index
        %get3A_1691 = arith.constant 192 : index
        %get3A_1692 = tpu.vector_load %arg4[%get3A_1690, %get3A_1691] {strides = array<i32>} : memref<16x1024xf32, #tpu.memory_space<vmem>>, vector<1x16xf32>,
        %get3A_1693 = vector.shape_cast %get3A_1692 : vector<1x16xf32> to vector<16xf32>
        %ge3A_1694 = arith.cmpf oge, %get3A_1693, %bitcast_convert_type3A_941 : vector<16xf32>
        %select_n3A_1695 = arith.select %ge3A_1694, %mul3A_1557, %broadcast_in_dim3A_9 : vector<16xi1>, vector<16xf32>
        %swap3A_1696 = arith.index_cast %scan3A_36 : i32 to index
        %swap3A_1697 = arith.constant 192 : index
        %swap3A_1698 = tpu.vector_load %arg5[%swap3A_1696, %swap3A_1697] {strides = array<i32>} : memref<16x1024xf32, #tpu.memory_space<vmem>>, vector<1x16xf32>,
        %swap3A_1699 = vector.shape_cast %swap3A_1698 : vector<1x16xf32> to vector<16xf32>
        %swap3A_1700 = vector.shape_cast %select_n3A_1695 : vector<16xf32> to vector<1x16xf32>
        tpu.vector_store %arg5[%swap3A_1696, %swap3A_1697], %swap3A_1700 {strides = array<i32>} : memref<16x1024xf32, #tpu.memory_space<vmem>>, vector<1x16xf32>,
        %get3A_1701 = arith.index_cast %scan3A_36 : i32 to index
        %get3A_1702 = arith.constant 208 : index
        %get3A_1703 = tpu.vector_load %arg4[%get3A_1701, %get3A_1702] {strides = array<i32>} : memref<16x1024xf32, #tpu.memory_space<vmem>>, vector<1x16xf32>,
        %get3A_1704 = vector.shape_cast %get3A_1703 : vector<1x16xf32> to vector<16xf32>
        %ge3A_1705 = arith.cmpf oge, %get3A_1704, %bitcast_convert_type3A_941 : vector<16xf32>
        %select_n3A_1706 = arith.select %ge3A_1705, %mul3A_1557, %broadcast_in_dim3A_9 : vector<16xi1>, vector<16xf32>
        %swap3A_1707 = arith.index_cast %scan3A_36 : i32 to index
        %swap3A_1708 = arith.constant 208 : index
        %swap3A_1709 = tpu.vector_load %arg5[%swap3A_1707, %swap3A_1708] {strides = array<i32>} : memref<16x1024xf32, #tpu.memory_space<vmem>>, vector<1x16xf32>,
        %swap3A_1710 = vector.shape_cast %swap3A_1709 : vector<1x16xf32> to vector<16xf32>
        %swap3A_1711 = vector.shape_cast %select_n3A_1706 : vector<16xf32> to vector<1x16xf32>
        tpu.vector_store %arg5[%swap3A_1707, %swap3A_1708], %swap3A_1711 {strides = array<i32>} : memref<16x1024xf32, #tpu.memory_space<vmem>>, vector<1x16xf32>,
        %get3A_1712 = arith.index_cast %scan3A_36 : i32 to index
        %get3A_1713 = arith.constant 224 : index
        %get3A_1714 = tpu.vector_load %arg4[%get3A_1712, %get3A_1713] {strides = array<i32>} : memref<16x1024xf32, #tpu.memory_space<vmem>>, vector<1x16xf32>,
        %get3A_1715 = vector.shape_cast %get3A_1714 : vector<1x16xf32> to vector<16xf32>
        %ge3A_1716 = arith.cmpf oge, %get3A_1715, %bitcast_convert_type3A_941 : vector<16xf32>
        %select_n3A_1717 = arith.select %ge3A_1716, %mul3A_1557, %broadcast_in_dim3A_9 : vector<16xi1>, vector<16xf32>
        %swap3A_1718 = arith.index_cast %scan3A_36 : i32 to index
        %swap3A_1719 = arith.constant 224 : index
        %swap3A_1720 = tpu.vector_load %arg5[%swap3A_1718, %swap3A_1719] {strides = array<i32>} : memref<16x1024xf32, #tpu.memory_space<vmem>>, vector<1x16xf32>,
        %swap3A_1721 = vector.shape_cast %swap3A_1720 : vector<1x16xf32> to vector<16xf32>
        %swap3A_1722 = vector.shape_cast %select_n3A_1717 : vector<16xf32> to vector<1x16xf32>
        tpu.vector_store %arg5[%swap3A_1718, %swap3A_1719], %swap3A_1722 {strides = array<i32>} : memref<16x1024xf32, #tpu.memory_space<vmem>>, vector<1x16xf32>,
        %get3A_1723 = arith.index_cast %scan3A_36 : i32 to index
        %get3A_1724 = arith.constant 240 : index
        %get3A_1725 = tpu.vector_load %arg4[%get3A_1723, %get3A_1724] {strides = array<i32>} : memref<16x1024xf32, #tpu.memory_space<vmem>>, vector<1x16xf32>,
        %get3A_1726 = vector.shape_cast %get3A_1725 : vector<1x16xf32> to vector<16xf32>
        %ge3A_1727 = arith.cmpf oge, %get3A_1726, %bitcast_convert_type3A_941 : vector<16xf32>
        %select_n3A_1728 = arith.select %ge3A_1727, %mul3A_1557, %broadcast_in_dim3A_9 : vector<16xi1>, vector<16xf32>
        %swap3A_1729 = arith.index_cast %scan3A_36 : i32 to index
        %swap3A_1730 = arith.constant 240 : index
        %swap3A_1731 = tpu.vector_load %arg5[%swap3A_1729, %swap3A_1730] {strides = array<i32>} : memref<16x1024xf32, #tpu.memory_space<vmem>>, vector<1x16xf32>,
        %swap3A_1732 = vector.shape_cast %swap3A_1731 : vector<1x16xf32> to vector<16xf32>
        %swap3A_1733 = vector.shape_cast %select_n3A_1728 : vector<16xf32> to vector<1x16xf32>
        tpu.vector_store %arg5[%swap3A_1729, %swap3A_1730], %swap3A_1733 {strides = array<i32>} : memref<16x1024xf32, #tpu.memory_space<vmem>>, vector<1x16xf32>,
        %get3A_1734 = arith.index_cast %scan3A_36 : i32 to index
        %get3A_1735 = arith.constant 256 : index
        %get3A_1736 = tpu.vector_load %arg4[%get3A_1734, %get3A_1735] {strides = array<i32>} : memref<16x1024xf32, #tpu.memory_space<vmem>>, vector<1x16xf32>,
        %get3A_1737 = vector.shape_cast %get3A_1736 : vector<1x16xf32> to vector<16xf32>
        %ge3A_1738 = arith.cmpf oge, %get3A_1737, %bitcast_convert_type3A_941 : vector<16xf32>
        %select_n3A_1739 = arith.select %ge3A_1738, %mul3A_1557, %broadcast_in_dim3A_9 : vector<16xi1>, vector<16xf32>
        %swap3A_1740 = arith.index_cast %scan3A_36 : i32 to index
        %swap3A_1741 = arith.constant 256 : index
        %swap3A_1742 = tpu.vector_load %arg5[%swap3A_1740, %swap3A_1741] {strides = array<i32>} : memref<16x1024xf32, #tpu.memory_space<vmem>>, vector<1x16xf32>,
        %swap3A_1743 = vector.shape_cast %swap3A_1742 : vector<1x16xf32> to vector<16xf32>
        %swap3A_1744 = vector.shape_cast %select_n3A_1739 : vector<16xf32> to vector<1x16xf32>
        tpu.vector_store %arg5[%swap3A_1740, %swap3A_1741], %swap3A_1744 {strides = array<i32>} : memref<16x1024xf32, #tpu.memory_space<vmem>>, vector<1x16xf32>,
        %get3A_1745 = arith.index_cast %scan3A_36 : i32 to index
        %get3A_1746 = arith.constant 272 : index
        %get3A_1747 = tpu.vector_load %arg4[%get3A_1745, %get3A_1746] {strides = array<i32>} : memref<16x1024xf32, #tpu.memory_space<vmem>>, vector<1x16xf32>,
        %get3A_1748 = vector.shape_cast %get3A_1747 : vector<1x16xf32> to vector<16xf32>
        %ge3A_1749 = arith.cmpf oge, %get3A_1748, %bitcast_convert_type3A_941 : vector<16xf32>
        %select_n3A_1750 = arith.select %ge3A_1749, %mul3A_1557, %broadcast_in_dim3A_9 : vector<16xi1>, vector<16xf32>
        %swap3A_1751 = arith.index_cast %scan3A_36 : i32 to index
        %swap3A_1752 = arith.constant 272 : index
        %swap3A_1753 = tpu.vector_load %arg5[%swap3A_1751, %swap3A_1752] {strides = array<i32>} : memref<16x1024xf32, #tpu.memory_space<vmem>>, vector<1x16xf32>,
        %swap3A_1754 = vector.shape_cast %swap3A_1753 : vector<1x16xf32> to vector<16xf32>
        %swap3A_1755 = vector.shape_cast %select_n3A_1750 : vector<16xf32> to vector<1x16xf32>
        tpu.vector_store %arg5[%swap3A_1751, %swap3A_1752], %swap3A_1755 {strides = array<i32>} : memref<16x1024xf32, #tpu.memory_space<vmem>>, vector<1x16xf32>,
        %get3A_1756 = arith.index_cast %scan3A_36 : i32 to index
        %get3A_1757 = arith.constant 288 : index
        %get3A_1758 = tpu.vector_load %arg4[%get3A_1756, %get3A_1757] {strides = array<i32>} : memref<16x1024xf32, #tpu.memory_space<vmem>>, vector<1x16xf32>,
        %get3A_1759 = vector.shape_cast %get3A_1758 : vector<1x16xf32> to vector<16xf32>
        %ge3A_1760 = arith.cmpf oge, %get3A_1759, %bitcast_convert_type3A_941 : vector<16xf32>
        %select_n3A_1761 = arith.select %ge3A_1760, %mul3A_1557, %broadcast_in_dim3A_9 : vector<16xi1>, vector<16xf32>
        %swap3A_1762 = arith.index_cast %scan3A_36 : i32 to index
        %swap3A_1763 = arith.constant 288 : index
        %swap3A_1764 = tpu.vector_load %arg5[%swap3A_1762, %swap3A_1763] {strides = array<i32>} : memref<16x1024xf32, #tpu.memory_space<vmem>>, vector<1x16xf32>,
        %swap3A_1765 = vector.shape_cast %swap3A_1764 : vector<1x16xf32> to vector<16xf32>
        %swap3A_1766 = vector.shape_cast %select_n3A_1761 : vector<16xf32> to vector<1x16xf32>
        tpu.vector_store %arg5[%swap3A_1762, %swap3A_1763], %swap3A_1766 {strides = array<i32>} : memref<16x1024xf32, #tpu.memory_space<vmem>>, vector<1x16xf32>,
        %get3A_1767 = arith.index_cast %scan3A_36 : i32 to index
        %get3A_1768 = arith.constant 304 : index
        %get3A_1769 = tpu.vector_load %arg4[%get3A_1767, %get3A_1768] {strides = array<i32>} : memref<16x1024xf32, #tpu.memory_space<vmem>>, vector<1x16xf32>,
        %get3A_1770 = vector.shape_cast %get3A_1769 : vector<1x16xf32> to vector<16xf32>
        %ge3A_1771 = arith.cmpf oge, %get3A_1770, %bitcast_convert_type3A_941 : vector<16xf32>
        %select_n3A_1772 = arith.select %ge3A_1771, %mul3A_1557, %broadcast_in_dim3A_9 : vector<16xi1>, vector<16xf32>
        %swap3A_1773 = arith.index_cast %scan3A_36 : i32 to index
        %swap3A_1774 = arith.constant 304 : index
        %swap3A_1775 = tpu.vector_load %arg5[%swap3A_1773, %swap3A_1774] {strides = array<i32>} : memref<16x1024xf32, #tpu.memory_space<vmem>>, vector<1x16xf32>,
        %swap3A_1776 = vector.shape_cast %swap3A_1775 : vector<1x16xf32> to vector<16xf32>
        %swap3A_1777 = vector.shape_cast %select_n3A_1772 : vector<16xf32> to vector<1x16xf32>
        tpu.vector_store %arg5[%swap3A_1773, %swap3A_1774], %swap3A_1777 {strides = array<i32>} : memref<16x1024xf32, #tpu.memory_space<vmem>>, vector<1x16xf32>,
        %get3A_1778 = arith.index_cast %scan3A_36 : i32 to index
        %get3A_1779 = arith.constant 320 : index
        %get3A_1780 = tpu.vector_load %arg4[%get3A_1778, %get3A_1779] {strides = array<i32>} : memref<16x1024xf32, #tpu.memory_space<vmem>>, vector<1x16xf32>,
        %get3A_1781 = vector.shape_cast %get3A_1780 : vector<1x16xf32> to vector<16xf32>
        %ge3A_1782 = arith.cmpf oge, %get3A_1781, %bitcast_convert_type3A_941 : vector<16xf32>
        %select_n3A_1783 = arith.select %ge3A_1782, %mul3A_1557, %broadcast_in_dim3A_9 : vector<16xi1>, vector<16xf32>
        %swap3A_1784 = arith.index_cast %scan3A_36 : i32 to index
        %swap3A_1785 = arith.constant 320 : index
        %swap3A_1786 = tpu.vector_load %arg5[%swap3A_1784, %swap3A_1785] {strides = array<i32>} : memref<16x1024xf32, #tpu.memory_space<vmem>>, vector<1x16xf32>,
        %swap3A_1787 = vector.shape_cast %swap3A_1786 : vector<1x16xf32> to vector<16xf32>
        %swap3A_1788 = vector.shape_cast %select_n3A_1783 : vector<16xf32> to vector<1x16xf32>
        tpu.vector_store %arg5[%swap3A_1784, %swap3A_1785], %swap3A_1788 {strides = array<i32>} : memref<16x1024xf32, #tpu.memory_space<vmem>>, vector<1x16xf32>,
        %get3A_1789 = arith.index_cast %scan3A_36 : i32 to index
        %get3A_1790 = arith.constant 336 : index
        %get3A_1791 = tpu.vector_load %arg4[%get3A_1789, %get3A_1790] {strides = array<i32>} : memref<16x1024xf32, #tpu.memory_space<vmem>>, vector<1x16xf32>,
        %get3A_1792 = vector.shape_cast %get3A_1791 : vector<1x16xf32> to vector<16xf32>
        %ge3A_1793 = arith.cmpf oge, %get3A_1792, %bitcast_convert_type3A_941 : vector<16xf32>
        %select_n3A_1794 = arith.select %ge3A_1793, %mul3A_1557, %broadcast_in_dim3A_9 : vector<16xi1>, vector<16xf32>
        %swap3A_1795 = arith.index_cast %scan3A_36 : i32 to index
        %swap3A_1796 = arith.constant 336 : index
        %swap3A_1797 = tpu.vector_load %arg5[%swap3A_1795, %swap3A_1796] {strides = array<i32>} : memref<16x1024xf32, #tpu.memory_space<vmem>>, vector<1x16xf32>,
        %swap3A_1798 = vector.shape_cast %swap3A_1797 : vector<1x16xf32> to vector<16xf32>
        %swap3A_1799 = vector.shape_cast %select_n3A_1794 : vector<16xf32> to vector<1x16xf32>
        tpu.vector_store %arg5[%swap3A_1795, %swap3A_1796], %swap3A_1799 {strides = array<i32>} : memref<16x1024xf32, #tpu.memory_space<vmem>>, vector<1x16xf32>,
        %get3A_1800 = arith.index_cast %scan3A_36 : i32 to index
        %get3A_1801 = arith.constant 352 : index
        %get3A_1802 = tpu.vector_load %arg4[%get3A_1800, %get3A_1801] {strides = array<i32>} : memref<16x1024xf32, #tpu.memory_space<vmem>>, vector<1x16xf32>,
        %get3A_1803 = vector.shape_cast %get3A_1802 : vector<1x16xf32> to vector<16xf32>
        %ge3A_1804 = arith.cmpf oge, %get3A_1803, %bitcast_convert_type3A_941 : vector<16xf32>
        %select_n3A_1805 = arith.select %ge3A_1804, %mul3A_1557, %broadcast_in_dim3A_9 : vector<16xi1>, vector<16xf32>
        %swap3A_1806 = arith.index_cast %scan3A_36 : i32 to index
        %swap3A_1807 = arith.constant 352 : index
        %swap3A_1808 = tpu.vector_load %arg5[%swap3A_1806, %swap3A_1807] {strides = array<i32>} : memref<16x1024xf32, #tpu.memory_space<vmem>>, vector<1x16xf32>,
        %swap3A_1809 = vector.shape_cast %swap3A_1808 : vector<1x16xf32> to vector<16xf32>
        %swap3A_1810 = vector.shape_cast %select_n3A_1805 : vector<16xf32> to vector<1x16xf32>
        tpu.vector_store %arg5[%swap3A_1806, %swap3A_1807], %swap3A_1810 {strides = array<i32>} : memref<16x1024xf32, #tpu.memory_space<vmem>>, vector<1x16xf32>,
        %get3A_1811 = arith.index_cast %scan3A_36 : i32 to index
        %get3A_1812 = arith.constant 368 : index
        %get3A_1813 = tpu.vector_load %arg4[%get3A_1811, %get3A_1812] {strides = array<i32>} : memref<16x1024xf32, #tpu.memory_space<vmem>>, vector<1x16xf32>,
        %get3A_1814 = vector.shape_cast %get3A_1813 : vector<1x16xf32> to vector<16xf32>
        %ge3A_1815 = arith.cmpf oge, %get3A_1814, %bitcast_convert_type3A_941 : vector<16xf32>
        %select_n3A_1816 = arith.select %ge3A_1815, %mul3A_1557, %broadcast_in_dim3A_9 : vector<16xi1>, vector<16xf32>
        %swap3A_1817 = arith.index_cast %scan3A_36 : i32 to index
        %swap3A_1818 = arith.constant 368 : index
        %swap3A_1819 = tpu.vector_load %arg5[%swap3A_1817, %swap3A_1818] {strides = array<i32>} : memref<16x1024xf32, #tpu.memory_space<vmem>>, vector<1x16xf32>,
        %swap3A_1820 = vector.shape_cast %swap3A_1819 : vector<1x16xf32> to vector<16xf32>
        %swap3A_1821 = vector.shape_cast %select_n3A_1816 : vector<16xf32> to vector<1x16xf32>
        tpu.vector_store %arg5[%swap3A_1817, %swap3A_1818], %swap3A_1821 {strides = array<i32>} : memref<16x1024xf32, #tpu.memory_space<vmem>>, vector<1x16xf32>,
        %get3A_1822 = arith.index_cast %scan3A_36 : i32 to index
        %get3A_1823 = arith.constant 384 : index
        %get3A_1824 = tpu.vector_load %arg4[%get3A_1822, %get3A_1823] {strides = array<i32>} : memref<16x1024xf32, #tpu.memory_space<vmem>>, vector<1x16xf32>,
        %get3A_1825 = vector.shape_cast %get3A_1824 : vector<1x16xf32> to vector<16xf32>
        %ge3A_1826 = arith.cmpf oge, %get3A_1825, %bitcast_convert_type3A_941 : vector<16xf32>
        %select_n3A_1827 = arith.select %ge3A_1826, %mul3A_1557, %broadcast_in_dim3A_9 : vector<16xi1>, vector<16xf32>
        %swap3A_1828 = arith.index_cast %scan3A_36 : i32 to index
        %swap3A_1829 = arith.constant 384 : index
        %swap3A_1830 = tpu.vector_load %arg5[%swap3A_1828, %swap3A_1829] {strides = array<i32>} : memref<16x1024xf32, #tpu.memory_space<vmem>>, vector<1x16xf32>,
        %swap3A_1831 = vector.shape_cast %swap3A_1830 : vector<1x16xf32> to vector<16xf32>
        %swap3A_1832 = vector.shape_cast %select_n3A_1827 : vector<16xf32> to vector<1x16xf32>
        tpu.vector_store %arg5[%swap3A_1828, %swap3A_1829], %swap3A_1832 {strides = array<i32>} : memref<16x1024xf32, #tpu.memory_space<vmem>>, vector<1x16xf32>,
        %get3A_1833 = arith.index_cast %scan3A_36 : i32 to index
        %get3A_1834 = arith.constant 400 : index
        %get3A_1835 = tpu.vector_load %arg4[%get3A_1833, %get3A_1834] {strides = array<i32>} : memref<16x1024xf32, #tpu.memory_space<vmem>>, vector<1x16xf32>,
        %get3A_1836 = vector.shape_cast %get3A_1835 : vector<1x16xf32> to vector<16xf32>
        %ge3A_1837 = arith.cmpf oge, %get3A_1836, %bitcast_convert_type3A_941 : vector<16xf32>
        %select_n3A_1838 = arith.select %ge3A_1837, %mul3A_1557, %broadcast_in_dim3A_9 : vector<16xi1>, vector<16xf32>
        %swap3A_1839 = arith.index_cast %scan3A_36 : i32 to index
        %swap3A_1840 = arith.constant 400 : index
        %swap3A_1841 = tpu.vector_load %arg5[%swap3A_1839, %swap3A_1840] {strides = array<i32>} : memref<16x1024xf32, #tpu.memory_space<vmem>>, vector<1x16xf32>,
        %swap3A_1842 = vector.shape_cast %swap3A_1841 : vector<1x16xf32> to vector<16xf32>
        %swap3A_1843 = vector.shape_cast %select_n3A_1838 : vector<16xf32> to vector<1x16xf32>
        tpu.vector_store %arg5[%swap3A_1839, %swap3A_1840], %swap3A_1843 {strides = array<i32>} : memref<16x1024xf32, #tpu.memory_space<vmem>>, vector<1x16xf32>,
        %get3A_1844 = arith.index_cast %scan3A_36 : i32 to index
        %get3A_1845 = arith.constant 416 : index
        %get3A_1846 = tpu.vector_load %arg4[%get3A_1844, %get3A_1845] {strides = array<i32>} : memref<16x1024xf32, #tpu.memory_space<vmem>>, vector<1x16xf32>,
        %get3A_1847 = vector.shape_cast %get3A_1846 : vector<1x16xf32> to vector<16xf32>
        %ge3A_1848 = arith.cmpf oge, %get3A_1847, %bitcast_convert_type3A_941 : vector<16xf32>
        %select_n3A_1849 = arith.select %ge3A_1848, %mul3A_1557, %broadcast_in_dim3A_9 : vector<16xi1>, vector<16xf32>
        %swap3A_1850 = arith.index_cast %scan3A_36 : i32 to index
        %swap3A_1851 = arith.constant 416 : index
        %swap3A_1852 = tpu.vector_load %arg5[%swap3A_1850, %swap3A_1851] {strides = array<i32>} : memref<16x1024xf32, #tpu.memory_space<vmem>>, vector<1x16xf32>,
        %swap3A_1853 = vector.shape_cast %swap3A_1852 : vector<1x16xf32> to vector<16xf32>
        %swap3A_1854 = vector.shape_cast %select_n3A_1849 : vector<16xf32> to vector<1x16xf32>
        tpu.vector_store %arg5[%swap3A_1850, %swap3A_1851], %swap3A_1854 {strides = array<i32>} : memref<16x1024xf32, #tpu.memory_space<vmem>>, vector<1x16xf32>,
        %get3A_1855 = arith.index_cast %scan3A_36 : i32 to index
        %get3A_1856 = arith.constant 432 : index
        %get3A_1857 = tpu.vector_load %arg4[%get3A_1855, %get3A_1856] {strides = array<i32>} : memref<16x1024xf32, #tpu.memory_space<vmem>>, vector<1x16xf32>,
        %get3A_1858 = vector.shape_cast %get3A_1857 : vector<1x16xf32> to vector<16xf32>
        %ge3A_1859 = arith.cmpf oge, %get3A_1858, %bitcast_convert_type3A_941 : vector<16xf32>
        %select_n3A_1860 = arith.select %ge3A_1859, %mul3A_1557, %broadcast_in_dim3A_9 : vector<16xi1>, vector<16xf32>
        %swap3A_1861 = arith.index_cast %scan3A_36 : i32 to index
        %swap3A_1862 = arith.constant 432 : index
        %swap3A_1863 = tpu.vector_load %arg5[%swap3A_1861, %swap3A_1862] {strides = array<i32>} : memref<16x1024xf32, #tpu.memory_space<vmem>>, vector<1x16xf32>,
        %swap3A_1864 = vector.shape_cast %swap3A_1863 : vector<1x16xf32> to vector<16xf32>
        %swap3A_1865 = vector.shape_cast %select_n3A_1860 : vector<16xf32> to vector<1x16xf32>
        tpu.vector_store %arg5[%swap3A_1861, %swap3A_1862], %swap3A_1865 {strides = array<i32>} : memref<16x1024xf32, #tpu.memory_space<vmem>>, vector<1x16xf32>,
        %get3A_1866 = arith.index_cast %scan3A_36 : i32 to index
        %get3A_1867 = arith.constant 448 : index
        %get3A_1868 = tpu.vector_load %arg4[%get3A_1866, %get3A_1867] {strides = array<i32>} : memref<16x1024xf32, #tpu.memory_space<vmem>>, vector<1x16xf32>,
        %get3A_1869 = vector.shape_cast %get3A_1868 : vector<1x16xf32> to vector<16xf32>
        %ge3A_1870 = arith.cmpf oge, %get3A_1869, %bitcast_convert_type3A_941 : vector<16xf32>
        %select_n3A_1871 = arith.select %ge3A_1870, %mul3A_1557, %broadcast_in_dim3A_9 : vector<16xi1>, vector<16xf32>
        %swap3A_1872 = arith.index_cast %scan3A_36 : i32 to index
        %swap3A_1873 = arith.constant 448 : index
        %swap3A_1874 = tpu.vector_load %arg5[%swap3A_1872, %swap3A_1873] {strides = array<i32>} : memref<16x1024xf32, #tpu.memory_space<vmem>>, vector<1x16xf32>,
        %swap3A_1875 = vector.shape_cast %swap3A_1874 : vector<1x16xf32> to vector<16xf32>
        %swap3A_1876 = vector.shape_cast %select_n3A_1871 : vector<16xf32> to vector<1x16xf32>
        tpu.vector_store %arg5[%swap3A_1872, %swap3A_1873], %swap3A_1876 {strides = array<i32>} : memref<16x1024xf32, #tpu.memory_space<vmem>>, vector<1x16xf32>,
        %get3A_1877 = arith.index_cast %scan3A_36 : i32 to index
        %get3A_1878 = arith.constant 464 : index
        %get3A_1879 = tpu.vector_load %arg4[%get3A_1877, %get3A_1878] {strides = array<i32>} : memref<16x1024xf32, #tpu.memory_space<vmem>>, vector<1x16xf32>,
        %get3A_1880 = vector.shape_cast %get3A_1879 : vector<1x16xf32> to vector<16xf32>
        %ge3A_1881 = arith.cmpf oge, %get3A_1880, %bitcast_convert_type3A_941 : vector<16xf32>
        %select_n3A_1882 = arith.select %ge3A_1881, %mul3A_1557, %broadcast_in_dim3A_9 : vector<16xi1>, vector<16xf32>
        %swap3A_1883 = arith.index_cast %scan3A_36 : i32 to index
        %swap3A_1884 = arith.constant 464 : index
        %swap3A_1885 = tpu.vector_load %arg5[%swap3A_1883, %swap3A_1884] {strides = array<i32>} : memref<16x1024xf32, #tpu.memory_space<vmem>>, vector<1x16xf32>,
        %swap3A_1886 = vector.shape_cast %swap3A_1885 : vector<1x16xf32> to vector<16xf32>
        %swap3A_1887 = vector.shape_cast %select_n3A_1882 : vector<16xf32> to vector<1x16xf32>
        tpu.vector_store %arg5[%swap3A_1883, %swap3A_1884], %swap3A_1887 {strides = array<i32>} : memref<16x1024xf32, #tpu.memory_space<vmem>>, vector<1x16xf32>,
        %get3A_1888 = arith.index_cast %scan3A_36 : i32 to index
        %get3A_1889 = arith.constant 480 : index
        %get3A_1890 = tpu.vector_load %arg4[%get3A_1888, %get3A_1889] {strides = array<i32>} : memref<16x1024xf32, #tpu.memory_space<vmem>>, vector<1x16xf32>,
        %get3A_1891 = vector.shape_cast %get3A_1890 : vector<1x16xf32> to vector<16xf32>
        %ge3A_1892 = arith.cmpf oge, %get3A_1891, %bitcast_convert_type3A_941 : vector<16xf32>
        %select_n3A_1893 = arith.select %ge3A_1892, %mul3A_1557, %broadcast_in_dim3A_9 : vector<16xi1>, vector<16xf32>
        %swap3A_1894 = arith.index_cast %scan3A_36 : i32 to index
        %swap3A_1895 = arith.constant 480 : index
        %swap3A_1896 = tpu.vector_load %arg5[%swap3A_1894, %swap3A_1895] {strides = array<i32>} : memref<16x1024xf32, #tpu.memory_space<vmem>>, vector<1x16xf32>,
        %swap3A_1897 = vector.shape_cast %swap3A_1896 : vector<1x16xf32> to vector<16xf32>
        %swap3A_1898 = vector.shape_cast %select_n3A_1893 : vector<16xf32> to vector<1x16xf32>
        tpu.vector_store %arg5[%swap3A_1894, %swap3A_1895], %swap3A_1898 {strides = array<i32>} : memref<16x1024xf32, #tpu.memory_space<vmem>>, vector<1x16xf32>,
        %get3A_1899 = arith.index_cast %scan3A_36 : i32 to index
        %get3A_1900 = arith.constant 496 : index
        %get3A_1901 = tpu.vector_load %arg4[%get3A_1899, %get3A_1900] {strides = array<i32>} : memref<16x1024xf32, #tpu.memory_space<vmem>>, vector<1x16xf32>,
        %get3A_1902 = vector.shape_cast %get3A_1901 : vector<1x16xf32> to vector<16xf32>
        %ge3A_1903 = arith.cmpf oge, %get3A_1902, %bitcast_convert_type3A_941 : vector<16xf32>
        %select_n3A_1904 = arith.select %ge3A_1903, %mul3A_1557, %broadcast_in_dim3A_9 : vector<16xi1>, vector<16xf32>
        %swap3A_1905 = arith.index_cast %scan3A_36 : i32 to index
        %swap3A_1906 = arith.constant 496 : index
        %swap3A_1907 = tpu.vector_load %arg5[%swap3A_1905, %swap3A_1906] {strides = array<i32>} : memref<16x1024xf32, #tpu.memory_space<vmem>>, vector<1x16xf32>,
        %swap3A_1908 = vector.shape_cast %swap3A_1907 : vector<1x16xf32> to vector<16xf32>
        %swap3A_1909 = vector.shape_cast %select_n3A_1904 : vector<16xf32> to vector<1x16xf32>
        tpu.vector_store %arg5[%swap3A_1905, %swap3A_1906], %swap3A_1909 {strides = array<i32>} : memref<16x1024xf32, #tpu.memory_space<vmem>>, vector<1x16xf32>,
        %get3A_1910 = arith.index_cast %scan3A_36 : i32 to index
        %get3A_1911 = arith.constant 512 : index
        %get3A_1912 = tpu.vector_load %arg4[%get3A_1910, %get3A_1911] {strides = array<i32>} : memref<16x1024xf32, #tpu.memory_space<vmem>>, vector<1x16xf32>,
        %get3A_1913 = vector.shape_cast %get3A_1912 : vector<1x16xf32> to vector<16xf32>
        %ge3A_1914 = arith.cmpf oge, %get3A_1913, %bitcast_convert_type3A_941 : vector<16xf32>
        %select_n3A_1915 = arith.select %ge3A_1914, %mul3A_1557, %broadcast_in_dim3A_9 : vector<16xi1>, vector<16xf32>
        %swap3A_1916 = arith.index_cast %scan3A_36 : i32 to index
        %swap3A_1917 = arith.constant 512 : index
        %swap3A_1918 = tpu.vector_load %arg5[%swap3A_1916, %swap3A_1917] {strides = array<i32>} : memref<16x1024xf32, #tpu.memory_space<vmem>>, vector<1x16xf32>,
        %swap3A_1919 = vector.shape_cast %swap3A_1918 : vector<1x16xf32> to vector<16xf32>
        %swap3A_1920 = vector.shape_cast %select_n3A_1915 : vector<16xf32> to vector<1x16xf32>
        tpu.vector_store %arg5[%swap3A_1916, %swap3A_1917], %swap3A_1920 {strides = array<i32>} : memref<16x1024xf32, #tpu.memory_space<vmem>>, vector<1x16xf32>,
        %get3A_1921 = arith.index_cast %scan3A_36 : i32 to index
        %get3A_1922 = arith.constant 528 : index
        %get3A_1923 = tpu.vector_load %arg4[%get3A_1921, %get3A_1922] {strides = array<i32>} : memref<16x1024xf32, #tpu.memory_space<vmem>>, vector<1x16xf32>,
        %get3A_1924 = vector.shape_cast %get3A_1923 : vector<1x16xf32> to vector<16xf32>
        %ge3A_1925 = arith.cmpf oge, %get3A_1924, %bitcast_convert_type3A_941 : vector<16xf32>
        %select_n3A_1926 = arith.select %ge3A_1925, %mul3A_1557, %broadcast_in_dim3A_9 : vector<16xi1>, vector<16xf32>
        %swap3A_1927 = arith.index_cast %scan3A_36 : i32 to index
        %swap3A_1928 = arith.constant 528 : index
        %swap3A_1929 = tpu.vector_load %arg5[%swap3A_1927, %swap3A_1928] {strides = array<i32>} : memref<16x1024xf32, #tpu.memory_space<vmem>>, vector<1x16xf32>,
        %swap3A_1930 = vector.shape_cast %swap3A_1929 : vector<1x16xf32> to vector<16xf32>
        %swap3A_1931 = vector.shape_cast %select_n3A_1926 : vector<16xf32> to vector<1x16xf32>
        tpu.vector_store %arg5[%swap3A_1927, %swap3A_1928], %swap3A_1931 {strides = array<i32>} : memref<16x1024xf32, #tpu.memory_space<vmem>>, vector<1x16xf32>,
        %get3A_1932 = arith.index_cast %scan3A_36 : i32 to index
        %get3A_1933 = arith.constant 544 : index
        %get3A_1934 = tpu.vector_load %arg4[%get3A_1932, %get3A_1933] {strides = array<i32>} : memref<16x1024xf32, #tpu.memory_space<vmem>>, vector<1x16xf32>,
        %get3A_1935 = vector.shape_cast %get3A_1934 : vector<1x16xf32> to vector<16xf32>
        %ge3A_1936 = arith.cmpf oge, %get3A_1935, %bitcast_convert_type3A_941 : vector<16xf32>
        %select_n3A_1937 = arith.select %ge3A_1936, %mul3A_1557, %broadcast_in_dim3A_9 : vector<16xi1>, vector<16xf32>
        %swap3A_1938 = arith.index_cast %scan3A_36 : i32 to index
        %swap3A_1939 = arith.constant 544 : index
        %swap3A_1940 = tpu.vector_load %arg5[%swap3A_1938, %swap3A_1939] {strides = array<i32>} : memref<16x1024xf32, #tpu.memory_space<vmem>>, vector<1x16xf32>,
        %swap3A_1941 = vector.shape_cast %swap3A_1940 : vector<1x16xf32> to vector<16xf32>
        %swap3A_1942 = vector.shape_cast %select_n3A_1937 : vector<16xf32> to vector<1x16xf32>
        tpu.vector_store %arg5[%swap3A_1938, %swap3A_1939], %swap3A_1942 {strides = array<i32>} : memref<16x1024xf32, #tpu.memory_space<vmem>>, vector<1x16xf32>,
        %get3A_1943 = arith.index_cast %scan3A_36 : i32 to index
        %get3A_1944 = arith.constant 560 : index
        %get3A_1945 = tpu.vector_load %arg4[%get3A_1943, %get3A_1944] {strides = array<i32>} : memref<16x1024xf32, #tpu.memory_space<vmem>>, vector<1x16xf32>,
        %get3A_1946 = vector.shape_cast %get3A_1945 : vector<1x16xf32> to vector<16xf32>
        %ge3A_1947 = arith.cmpf oge, %get3A_1946, %bitcast_convert_type3A_941 : vector<16xf32>
        %select_n3A_1948 = arith.select %ge3A_1947, %mul3A_1557, %broadcast_in_dim3A_9 : vector<16xi1>, vector<16xf32>
        %swap3A_1949 = arith.index_cast %scan3A_36 : i32 to index
        %swap3A_1950 = arith.constant 560 : index
        %swap3A_1951 = tpu.vector_load %arg5[%swap3A_1949, %swap3A_1950] {strides = array<i32>} : memref<16x1024xf32, #tpu.memory_space<vmem>>, vector<1x16xf32>,
        %swap3A_1952 = vector.shape_cast %swap3A_1951 : vector<1x16xf32> to vector<16xf32>
        %swap3A_1953 = vector.shape_cast %select_n3A_1948 : vector<16xf32> to vector<1x16xf32>
        tpu.vector_store %arg5[%swap3A_1949, %swap3A_1950], %swap3A_1953 {strides = array<i32>} : memref<16x1024xf32, #tpu.memory_space<vmem>>, vector<1x16xf32>,
        %get3A_1954 = arith.index_cast %scan3A_36 : i32 to index
        %get3A_1955 = arith.constant 576 : index
        %get3A_1956 = tpu.vector_load %arg4[%get3A_1954, %get3A_1955] {strides = array<i32>} : memref<16x1024xf32, #tpu.memory_space<vmem>>, vector<1x16xf32>,
        %get3A_1957 = vector.shape_cast %get3A_1956 : vector<1x16xf32> to vector<16xf32>
        %ge3A_1958 = arith.cmpf oge, %get3A_1957, %bitcast_convert_type3A_941 : vector<16xf32>
        %select_n3A_1959 = arith.select %ge3A_1958, %mul3A_1557, %broadcast_in_dim3A_9 : vector<16xi1>, vector<16xf32>
        %swap3A_1960 = arith.index_cast %scan3A_36 : i32 to index
        %swap3A_1961 = arith.constant 576 : index
        %swap3A_1962 = tpu.vector_load %arg5[%swap3A_1960, %swap3A_1961] {strides = array<i32>} : memref<16x1024xf32, #tpu.memory_space<vmem>>, vector<1x16xf32>,
        %swap3A_1963 = vector.shape_cast %swap3A_1962 : vector<1x16xf32> to vector<16xf32>
        %swap3A_1964 = vector.shape_cast %select_n3A_1959 : vector<16xf32> to vector<1x16xf32>
        tpu.vector_store %arg5[%swap3A_1960, %swap3A_1961], %swap3A_1964 {strides = array<i32>} : memref<16x1024xf32, #tpu.memory_space<vmem>>, vector<1x16xf32>,
        %get3A_1965 = arith.index_cast %scan3A_36 : i32 to index
        %get3A_1966 = arith.constant 592 : index
        %get3A_1967 = tpu.vector_load %arg4[%get3A_1965, %get3A_1966] {strides = array<i32>} : memref<16x1024xf32, #tpu.memory_space<vmem>>, vector<1x16xf32>,
        %get3A_1968 = vector.shape_cast %get3A_1967 : vector<1x16xf32> to vector<16xf32>
        %ge3A_1969 = arith.cmpf oge, %get3A_1968, %bitcast_convert_type3A_941 : vector<16xf32>
        %select_n3A_1970 = arith.select %ge3A_1969, %mul3A_1557, %broadcast_in_dim3A_9 : vector<16xi1>, vector<16xf32>
        %swap3A_1971 = arith.index_cast %scan3A_36 : i32 to index
        %swap3A_1972 = arith.constant 592 : index
        %swap3A_1973 = tpu.vector_load %arg5[%swap3A_1971, %swap3A_1972] {strides = array<i32>} : memref<16x1024xf32, #tpu.memory_space<vmem>>, vector<1x16xf32>,
        %swap3A_1974 = vector.shape_cast %swap3A_1973 : vector<1x16xf32> to vector<16xf32>
        %swap3A_1975 = vector.shape_cast %select_n3A_1970 : vector<16xf32> to vector<1x16xf32>
        tpu.vector_store %arg5[%swap3A_1971, %swap3A_1972], %swap3A_1975 {strides = array<i32>} : memref<16x1024xf32, #tpu.memory_space<vmem>>, vector<1x16xf32>,
        %get3A_1976 = arith.index_cast %scan3A_36 : i32 to index
        %get3A_1977 = arith.constant 608 : index
        %get3A_1978 = tpu.vector_load %arg4[%get3A_1976, %get3A_1977] {strides = array<i32>} : memref<16x1024xf32, #tpu.memory_space<vmem>>, vector<1x16xf32>,
        %get3A_1979 = vector.shape_cast %get3A_1978 : vector<1x16xf32> to vector<16xf32>
        %ge3A_1980 = arith.cmpf oge, %get3A_1979, %bitcast_convert_type3A_941 : vector<16xf32>
        %select_n3A_1981 = arith.select %ge3A_1980, %mul3A_1557, %broadcast_in_dim3A_9 : vector<16xi1>, vector<16xf32>
        %swap3A_1982 = arith.index_cast %scan3A_36 : i32 to index
        %swap3A_1983 = arith.constant 608 : index
        %swap3A_1984 = tpu.vector_load %arg5[%swap3A_1982, %swap3A_1983] {strides = array<i32>} : memref<16x1024xf32, #tpu.memory_space<vmem>>, vector<1x16xf32>,
        %swap3A_1985 = vector.shape_cast %swap3A_1984 : vector<1x16xf32> to vector<16xf32>
        %swap3A_1986 = vector.shape_cast %select_n3A_1981 : vector<16xf32> to vector<1x16xf32>
        tpu.vector_store %arg5[%swap3A_1982, %swap3A_1983], %swap3A_1986 {strides = array<i32>} : memref<16x1024xf32, #tpu.memory_space<vmem>>, vector<1x16xf32>,
        %get3A_1987 = arith.index_cast %scan3A_36 : i32 to index
        %get3A_1988 = arith.constant 624 : index
        %get3A_1989 = tpu.vector_load %arg4[%get3A_1987, %get3A_1988] {strides = array<i32>} : memref<16x1024xf32, #tpu.memory_space<vmem>>, vector<1x16xf32>,
        %get3A_1990 = vector.shape_cast %get3A_1989 : vector<1x16xf32> to vector<16xf32>
        %ge3A_1991 = arith.cmpf oge, %get3A_1990, %bitcast_convert_type3A_941 : vector<16xf32>
        %select_n3A_1992 = arith.select %ge3A_1991, %mul3A_1557, %broadcast_in_dim3A_9 : vector<16xi1>, vector<16xf32>
        %swap3A_1993 = arith.index_cast %scan3A_36 : i32 to index
        %swap3A_1994 = arith.constant 624 : index
        %swap3A_1995 = tpu.vector_load %arg5[%swap3A_1993, %swap3A_1994] {strides = array<i32>} : memref<16x1024xf32, #tpu.memory_space<vmem>>, vector<1x16xf32>,
        %swap3A_1996 = vector.shape_cast %swap3A_1995 : vector<1x16xf32> to vector<16xf32>
        %swap3A_1997 = vector.shape_cast %select_n3A_1992 : vector<16xf32> to vector<1x16xf32>
        tpu.vector_store %arg5[%swap3A_1993, %swap3A_1994], %swap3A_1997 {strides = array<i32>} : memref<16x1024xf32, #tpu.memory_space<vmem>>, vector<1x16xf32>,
        %get3A_1998 = arith.index_cast %scan3A_36 : i32 to index
        %get3A_1999 = arith.constant 640 : index
        %get3A_2000 = tpu.vector_load %arg4[%get3A_1998, %get3A_1999] {strides = array<i32>} : memref<16x1024xf32, #tpu.memory_space<vmem>>, vector<1x16xf32>,
        %get3A_2001 = vector.shape_cast %get3A_2000 : vector<1x16xf32> to vector<16xf32>
        %ge3A_2002 = arith.cmpf oge, %get3A_2001, %bitcast_convert_type3A_941 : vector<16xf32>
        %select_n3A_2003 = arith.select %ge3A_2002, %mul3A_1557, %broadcast_in_dim3A_9 : vector<16xi1>, vector<16xf32>
        %swap3A_2004 = arith.index_cast %scan3A_36 : i32 to index
        %swap3A_2005 = arith.constant 640 : index
        %swap3A_2006 = tpu.vector_load %arg5[%swap3A_2004, %swap3A_2005] {strides = array<i32>} : memref<16x1024xf32, #tpu.memory_space<vmem>>, vector<1x16xf32>,
        %swap3A_2007 = vector.shape_cast %swap3A_2006 : vector<1x16xf32> to vector<16xf32>
        %swap3A_2008 = vector.shape_cast %select_n3A_2003 : vector<16xf32> to vector<1x16xf32>
        tpu.vector_store %arg5[%swap3A_2004, %swap3A_2005], %swap3A_2008 {strides = array<i32>} : memref<16x1024xf32, #tpu.memory_space<vmem>>, vector<1x16xf32>,
        %get3A_2009 = arith.index_cast %scan3A_36 : i32 to index
        %get3A_2010 = arith.constant 656 : index
        %get3A_2011 = tpu.vector_load %arg4[%get3A_2009, %get3A_2010] {strides = array<i32>} : memref<16x1024xf32, #tpu.memory_space<vmem>>, vector<1x16xf32>,
        %get3A_2012 = vector.shape_cast %get3A_2011 : vector<1x16xf32> to vector<16xf32>
        %ge3A_2013 = arith.cmpf oge, %get3A_2012, %bitcast_convert_type3A_941 : vector<16xf32>
        %select_n3A_2014 = arith.select %ge3A_2013, %mul3A_1557, %broadcast_in_dim3A_9 : vector<16xi1>, vector<16xf32>
        %swap3A_2015 = arith.index_cast %scan3A_36 : i32 to index
        %swap3A_2016 = arith.constant 656 : index
        %swap3A_2017 = tpu.vector_load %arg5[%swap3A_2015, %swap3A_2016] {strides = array<i32>} : memref<16x1024xf32, #tpu.memory_space<vmem>>, vector<1x16xf32>,
        %swap3A_2018 = vector.shape_cast %swap3A_2017 : vector<1x16xf32> to vector<16xf32>
        %swap3A_2019 = vector.shape_cast %select_n3A_2014 : vector<16xf32> to vector<1x16xf32>
        tpu.vector_store %arg5[%swap3A_2015, %swap3A_2016], %swap3A_2019 {strides = array<i32>} : memref<16x1024xf32, #tpu.memory_space<vmem>>, vector<1x16xf32>,
        %get3A_2020 = arith.index_cast %scan3A_36 : i32 to index
        %get3A_2021 = arith.constant 672 : index
        %get3A_2022 = tpu.vector_load %arg4[%get3A_2020, %get3A_2021] {strides = array<i32>} : memref<16x1024xf32, #tpu.memory_space<vmem>>, vector<1x16xf32>,
        %get3A_2023 = vector.shape_cast %get3A_2022 : vector<1x16xf32> to vector<16xf32>
        %ge3A_2024 = arith.cmpf oge, %get3A_2023, %bitcast_convert_type3A_941 : vector<16xf32>
        %select_n3A_2025 = arith.select %ge3A_2024, %mul3A_1557, %broadcast_in_dim3A_9 : vector<16xi1>, vector<16xf32>
        %swap3A_2026 = arith.index_cast %scan3A_36 : i32 to index
        %swap3A_2027 = arith.constant 672 : index
        %swap3A_2028 = tpu.vector_load %arg5[%swap3A_2026, %swap3A_2027] {strides = array<i32>} : memref<16x1024xf32, #tpu.memory_space<vmem>>, vector<1x16xf32>,
        %swap3A_2029 = vector.shape_cast %swap3A_2028 : vector<1x16xf32> to vector<16xf32>
        %swap3A_2030 = vector.shape_cast %select_n3A_2025 : vector<16xf32> to vector<1x16xf32>
        tpu.vector_store %arg5[%swap3A_2026, %swap3A_2027], %swap3A_2030 {strides = array<i32>} : memref<16x1024xf32, #tpu.memory_space<vmem>>, vector<1x16xf32>,
        %get3A_2031 = arith.index_cast %scan3A_36 : i32 to index
        %get3A_2032 = arith.constant 688 : index
        %get3A_2033 = tpu.vector_load %arg4[%get3A_2031, %get3A_2032] {strides = array<i32>} : memref<16x1024xf32, #tpu.memory_space<vmem>>, vector<1x16xf32>,
        %get3A_2034 = vector.shape_cast %get3A_2033 : vector<1x16xf32> to vector<16xf32>
        %ge3A_2035 = arith.cmpf oge, %get3A_2034, %bitcast_convert_type3A_941 : vector<16xf32>
        %select_n3A_2036 = arith.select %ge3A_2035, %mul3A_1557, %broadcast_in_dim3A_9 : vector<16xi1>, vector<16xf32>
        %swap3A_2037 = arith.index_cast %scan3A_36 : i32 to index
        %swap3A_2038 = arith.constant 688 : index
        %swap3A_2039 = tpu.vector_load %arg5[%swap3A_2037, %swap3A_2038] {strides = array<i32>} : memref<16x1024xf32, #tpu.memory_space<vmem>>, vector<1x16xf32>,
        %swap3A_2040 = vector.shape_cast %swap3A_2039 : vector<1x16xf32> to vector<16xf32>
        %swap3A_2041 = vector.shape_cast %select_n3A_2036 : vector<16xf32> to vector<1x16xf32>
        tpu.vector_store %arg5[%swap3A_2037, %swap3A_2038], %swap3A_2041 {strides = array<i32>} : memref<16x1024xf32, #tpu.memory_space<vmem>>, vector<1x16xf32>,
        %get3A_2042 = arith.index_cast %scan3A_36 : i32 to index
        %get3A_2043 = arith.constant 704 : index
        %get3A_2044 = tpu.vector_load %arg4[%get3A_2042, %get3A_2043] {strides = array<i32>} : memref<16x1024xf32, #tpu.memory_space<vmem>>, vector<1x16xf32>,
        %get3A_2045 = vector.shape_cast %get3A_2044 : vector<1x16xf32> to vector<16xf32>
        %ge3A_2046 = arith.cmpf oge, %get3A_2045, %bitcast_convert_type3A_941 : vector<16xf32>
        %select_n3A_2047 = arith.select %ge3A_2046, %mul3A_1557, %broadcast_in_dim3A_9 : vector<16xi1>, vector<16xf32>
        %swap3A_2048 = arith.index_cast %scan3A_36 : i32 to index
        %swap3A_2049 = arith.constant 704 : index
        %swap3A_2050 = tpu.vector_load %arg5[%swap3A_2048, %swap3A_2049] {strides = array<i32>} : memref<16x1024xf32, #tpu.memory_space<vmem>>, vector<1x16xf32>,
        %swap3A_2051 = vector.shape_cast %swap3A_2050 : vector<1x16xf32> to vector<16xf32>
        %swap3A_2052 = vector.shape_cast %select_n3A_2047 : vector<16xf32> to vector<1x16xf32>
        tpu.vector_store %arg5[%swap3A_2048, %swap3A_2049], %swap3A_2052 {strides = array<i32>} : memref<16x1024xf32, #tpu.memory_space<vmem>>, vector<1x16xf32>,
        %get3A_2053 = arith.index_cast %scan3A_36 : i32 to index
        %get3A_2054 = arith.constant 720 : index
        %get3A_2055 = tpu.vector_load %arg4[%get3A_2053, %get3A_2054] {strides = array<i32>} : memref<16x1024xf32, #tpu.memory_space<vmem>>, vector<1x16xf32>,
        %get3A_2056 = vector.shape_cast %get3A_2055 : vector<1x16xf32> to vector<16xf32>
        %ge3A_2057 = arith.cmpf oge, %get3A_2056, %bitcast_convert_type3A_941 : vector<16xf32>
        %select_n3A_2058 = arith.select %ge3A_2057, %mul3A_1557, %broadcast_in_dim3A_9 : vector<16xi1>, vector<16xf32>
        %swap3A_2059 = arith.index_cast %scan3A_36 : i32 to index
        %swap3A_2060 = arith.constant 720 : index
        %swap3A_2061 = tpu.vector_load %arg5[%swap3A_2059, %swap3A_2060] {strides = array<i32>} : memref<16x1024xf32, #tpu.memory_space<vmem>>, vector<1x16xf32>,
        %swap3A_2062 = vector.shape_cast %swap3A_2061 : vector<1x16xf32> to vector<16xf32>
        %swap3A_2063 = vector.shape_cast %select_n3A_2058 : vector<16xf32> to vector<1x16xf32>
        tpu.vector_store %arg5[%swap3A_2059, %swap3A_2060], %swap3A_2063 {strides = array<i32>} : memref<16x1024xf32, #tpu.memory_space<vmem>>, vector<1x16xf32>,
        %get3A_2064 = arith.index_cast %scan3A_36 : i32 to index
        %get3A_2065 = arith.constant 736 : index
        %get3A_2066 = tpu.vector_load %arg4[%get3A_2064, %get3A_2065] {strides = array<i32>} : memref<16x1024xf32, #tpu.memory_space<vmem>>, vector<1x16xf32>,
        %get3A_2067 = vector.shape_cast %get3A_2066 : vector<1x16xf32> to vector<16xf32>
        %ge3A_2068 = arith.cmpf oge, %get3A_2067, %bitcast_convert_type3A_941 : vector<16xf32>
        %select_n3A_2069 = arith.select %ge3A_2068, %mul3A_1557, %broadcast_in_dim3A_9 : vector<16xi1>, vector<16xf32>
        %swap3A_2070 = arith.index_cast %scan3A_36 : i32 to index
        %swap3A_2071 = arith.constant 736 : index
        %swap3A_2072 = tpu.vector_load %arg5[%swap3A_2070, %swap3A_2071] {strides = array<i32>} : memref<16x1024xf32, #tpu.memory_space<vmem>>, vector<1x16xf32>,
        %swap3A_2073 = vector.shape_cast %swap3A_2072 : vector<1x16xf32> to vector<16xf32>
        %swap3A_2074 = vector.shape_cast %select_n3A_2069 : vector<16xf32> to vector<1x16xf32>
        tpu.vector_store %arg5[%swap3A_2070, %swap3A_2071], %swap3A_2074 {strides = array<i32>} : memref<16x1024xf32, #tpu.memory_space<vmem>>, vector<1x16xf32>,
        %get3A_2075 = arith.index_cast %scan3A_36 : i32 to index
        %get3A_2076 = arith.constant 752 : index
        %get3A_2077 = tpu.vector_load %arg4[%get3A_2075, %get3A_2076] {strides = array<i32>} : memref<16x1024xf32, #tpu.memory_space<vmem>>, vector<1x16xf32>,
        %get3A_2078 = vector.shape_cast %get3A_2077 : vector<1x16xf32> to vector<16xf32>
        %ge3A_2079 = arith.cmpf oge, %get3A_2078, %bitcast_convert_type3A_941 : vector<16xf32>
        %select_n3A_2080 = arith.select %ge3A_2079, %mul3A_1557, %broadcast_in_dim3A_9 : vector<16xi1>, vector<16xf32>
        %swap3A_2081 = arith.index_cast %scan3A_36 : i32 to index
        %swap3A_2082 = arith.constant 752 : index
        %swap3A_2083 = tpu.vector_load %arg5[%swap3A_2081, %swap3A_2082] {strides = array<i32>} : memref<16x1024xf32, #tpu.memory_space<vmem>>, vector<1x16xf32>,
        %swap3A_2084 = vector.shape_cast %swap3A_2083 : vector<1x16xf32> to vector<16xf32>
        %swap3A_2085 = vector.shape_cast %select_n3A_2080 : vector<16xf32> to vector<1x16xf32>
        tpu.vector_store %arg5[%swap3A_2081, %swap3A_2082], %swap3A_2085 {strides = array<i32>} : memref<16x1024xf32, #tpu.memory_space<vmem>>, vector<1x16xf32>,
        %get3A_2086 = arith.index_cast %scan3A_36 : i32 to index
        %get3A_2087 = arith.constant 768 : index
        %get3A_2088 = tpu.vector_load %arg4[%get3A_2086, %get3A_2087] {strides = array<i32>} : memref<16x1024xf32, #tpu.memory_space<vmem>>, vector<1x16xf32>,
        %get3A_2089 = vector.shape_cast %get3A_2088 : vector<1x16xf32> to vector<16xf32>
        %ge3A_2090 = arith.cmpf oge, %get3A_2089, %bitcast_convert_type3A_941 : vector<16xf32>
        %select_n3A_2091 = arith.select %ge3A_2090, %mul3A_1557, %broadcast_in_dim3A_9 : vector<16xi1>, vector<16xf32>
        %swap3A_2092 = arith.index_cast %scan3A_36 : i32 to index
        %swap3A_2093 = arith.constant 768 : index
        %swap3A_2094 = tpu.vector_load %arg5[%swap3A_2092, %swap3A_2093] {strides = array<i32>} : memref<16x1024xf32, #tpu.memory_space<vmem>>, vector<1x16xf32>,
        %swap3A_2095 = vector.shape_cast %swap3A_2094 : vector<1x16xf32> to vector<16xf32>
        %swap3A_2096 = vector.shape_cast %select_n3A_2091 : vector<16xf32> to vector<1x16xf32>
        tpu.vector_store %arg5[%swap3A_2092, %swap3A_2093], %swap3A_2096 {strides = array<i32>} : memref<16x1024xf32, #tpu.memory_space<vmem>>, vector<1x16xf32>,
        %get3A_2097 = arith.index_cast %scan3A_36 : i32 to index
        %get3A_2098 = arith.constant 784 : index
        %get3A_2099 = tpu.vector_load %arg4[%get3A_2097, %get3A_2098] {strides = array<i32>} : memref<16x1024xf32, #tpu.memory_space<vmem>>, vector<1x16xf32>,
        %get3A_2100 = vector.shape_cast %get3A_2099 : vector<1x16xf32> to vector<16xf32>
        %ge3A_2101 = arith.cmpf oge, %get3A_2100, %bitcast_convert_type3A_941 : vector<16xf32>
        %select_n3A_2102 = arith.select %ge3A_2101, %mul3A_1557, %broadcast_in_dim3A_9 : vector<16xi1>, vector<16xf32>
        %swap3A_2103 = arith.index_cast %scan3A_36 : i32 to index
        %swap3A_2104 = arith.constant 784 : index
        %swap3A_2105 = tpu.vector_load %arg5[%swap3A_2103, %swap3A_2104] {strides = array<i32>} : memref<16x1024xf32, #tpu.memory_space<vmem>>, vector<1x16xf32>,
        %swap3A_2106 = vector.shape_cast %swap3A_2105 : vector<1x16xf32> to vector<16xf32>
        %swap3A_2107 = vector.shape_cast %select_n3A_2102 : vector<16xf32> to vector<1x16xf32>
        tpu.vector_store %arg5[%swap3A_2103, %swap3A_2104], %swap3A_2107 {strides = array<i32>} : memref<16x1024xf32, #tpu.memory_space<vmem>>, vector<1x16xf32>,
        %get3A_2108 = arith.index_cast %scan3A_36 : i32 to index
        %get3A_2109 = arith.constant 800 : index
        %get3A_2110 = tpu.vector_load %arg4[%get3A_2108, %get3A_2109] {strides = array<i32>} : memref<16x1024xf32, #tpu.memory_space<vmem>>, vector<1x16xf32>,
        %get3A_2111 = vector.shape_cast %get3A_2110 : vector<1x16xf32> to vector<16xf32>
        %ge3A_2112 = arith.cmpf oge, %get3A_2111, %bitcast_convert_type3A_941 : vector<16xf32>
        %select_n3A_2113 = arith.select %ge3A_2112, %mul3A_1557, %broadcast_in_dim3A_9 : vector<16xi1>, vector<16xf32>
        %swap3A_2114 = arith.index_cast %scan3A_36 : i32 to index
        %swap3A_2115 = arith.constant 800 : index
        %swap3A_2116 = tpu.vector_load %arg5[%swap3A_2114, %swap3A_2115] {strides = array<i32>} : memref<16x1024xf32, #tpu.memory_space<vmem>>, vector<1x16xf32>,
        %swap3A_2117 = vector.shape_cast %swap3A_2116 : vector<1x16xf32> to vector<16xf32>
        %swap3A_2118 = vector.shape_cast %select_n3A_2113 : vector<16xf32> to vector<1x16xf32>
        tpu.vector_store %arg5[%swap3A_2114, %swap3A_2115], %swap3A_2118 {strides = array<i32>} : memref<16x1024xf32, #tpu.memory_space<vmem>>, vector<1x16xf32>,
        %get3A_2119 = arith.index_cast %scan3A_36 : i32 to index
        %get3A_2120 = arith.constant 816 : index
        %get3A_2121 = tpu.vector_load %arg4[%get3A_2119, %get3A_2120] {strides = array<i32>} : memref<16x1024xf32, #tpu.memory_space<vmem>>, vector<1x16xf32>,
        %get3A_2122 = vector.shape_cast %get3A_2121 : vector<1x16xf32> to vector<16xf32>
        %ge3A_2123 = arith.cmpf oge, %get3A_2122, %bitcast_convert_type3A_941 : vector<16xf32>
        %select_n3A_2124 = arith.select %ge3A_2123, %mul3A_1557, %broadcast_in_dim3A_9 : vector<16xi1>, vector<16xf32>
        %swap3A_2125 = arith.index_cast %scan3A_36 : i32 to index
        %swap3A_2126 = arith.constant 816 : index
        %swap3A_2127 = tpu.vector_load %arg5[%swap3A_2125, %swap3A_2126] {strides = array<i32>} : memref<16x1024xf32, #tpu.memory_space<vmem>>, vector<1x16xf32>,
        %swap3A_2128 = vector.shape_cast %swap3A_2127 : vector<1x16xf32> to vector<16xf32>
        %swap3A_2129 = vector.shape_cast %select_n3A_2124 : vector<16xf32> to vector<1x16xf32>
        tpu.vector_store %arg5[%swap3A_2125, %swap3A_2126], %swap3A_2129 {strides = array<i32>} : memref<16x1024xf32, #tpu.memory_space<vmem>>, vector<1x16xf32>,
        %get3A_2130 = arith.index_cast %scan3A_36 : i32 to index
        %get3A_2131 = arith.constant 832 : index
        %get3A_2132 = tpu.vector_load %arg4[%get3A_2130, %get3A_2131] {strides = array<i32>} : memref<16x1024xf32, #tpu.memory_space<vmem>>, vector<1x16xf32>,
        %get3A_2133 = vector.shape_cast %get3A_2132 : vector<1x16xf32> to vector<16xf32>
        %ge3A_2134 = arith.cmpf oge, %get3A_2133, %bitcast_convert_type3A_941 : vector<16xf32>
        %select_n3A_2135 = arith.select %ge3A_2134, %mul3A_1557, %broadcast_in_dim3A_9 : vector<16xi1>, vector<16xf32>
        %swap3A_2136 = arith.index_cast %scan3A_36 : i32 to index
        %swap3A_2137 = arith.constant 832 : index
        %swap3A_2138 = tpu.vector_load %arg5[%swap3A_2136, %swap3A_2137] {strides = array<i32>} : memref<16x1024xf32, #tpu.memory_space<vmem>>, vector<1x16xf32>,
        %swap3A_2139 = vector.shape_cast %swap3A_2138 : vector<1x16xf32> to vector<16xf32>
        %swap3A_2140 = vector.shape_cast %select_n3A_2135 : vector<16xf32> to vector<1x16xf32>
        tpu.vector_store %arg5[%swap3A_2136, %swap3A_2137], %swap3A_2140 {strides = array<i32>} : memref<16x1024xf32, #tpu.memory_space<vmem>>, vector<1x16xf32>,
        %get3A_2141 = arith.index_cast %scan3A_36 : i32 to index
        %get3A_2142 = arith.constant 848 : index
        %get3A_2143 = tpu.vector_load %arg4[%get3A_2141, %get3A_2142] {strides = array<i32>} : memref<16x1024xf32, #tpu.memory_space<vmem>>, vector<1x16xf32>,
        %get3A_2144 = vector.shape_cast %get3A_2143 : vector<1x16xf32> to vector<16xf32>
        %ge3A_2145 = arith.cmpf oge, %get3A_2144, %bitcast_convert_type3A_941 : vector<16xf32>
        %select_n3A_2146 = arith.select %ge3A_2145, %mul3A_1557, %broadcast_in_dim3A_9 : vector<16xi1>, vector<16xf32>
        %swap3A_2147 = arith.index_cast %scan3A_36 : i32 to index
        %swap3A_2148 = arith.constant 848 : index
        %swap3A_2149 = tpu.vector_load %arg5[%swap3A_2147, %swap3A_2148] {strides = array<i32>} : memref<16x1024xf32, #tpu.memory_space<vmem>>, vector<1x16xf32>,
        %swap3A_2150 = vector.shape_cast %swap3A_2149 : vector<1x16xf32> to vector<16xf32>
        %swap3A_2151 = vector.shape_cast %select_n3A_2146 : vector<16xf32> to vector<1x16xf32>
        tpu.vector_store %arg5[%swap3A_2147, %swap3A_2148], %swap3A_2151 {strides = array<i32>} : memref<16x1024xf32, #tpu.memory_space<vmem>>, vector<1x16xf32>,
        %get3A_2152 = arith.index_cast %scan3A_36 : i32 to index
        %get3A_2153 = arith.constant 864 : index
        %get3A_2154 = tpu.vector_load %arg4[%get3A_2152, %get3A_2153] {strides = array<i32>} : memref<16x1024xf32, #tpu.memory_space<vmem>>, vector<1x16xf32>,
        %get3A_2155 = vector.shape_cast %get3A_2154 : vector<1x16xf32> to vector<16xf32>
        %ge3A_2156 = arith.cmpf oge, %get3A_2155, %bitcast_convert_type3A_941 : vector<16xf32>
        %select_n3A_2157 = arith.select %ge3A_2156, %mul3A_1557, %broadcast_in_dim3A_9 : vector<16xi1>, vector<16xf32>
        %swap3A_2158 = arith.index_cast %scan3A_36 : i32 to index
        %swap3A_2159 = arith.constant 864 : index
        %swap3A_2160 = tpu.vector_load %arg5[%swap3A_2158, %swap3A_2159] {strides = array<i32>} : memref<16x1024xf32, #tpu.memory_space<vmem>>, vector<1x16xf32>,
        %swap3A_2161 = vector.shape_cast %swap3A_2160 : vector<1x16xf32> to vector<16xf32>
        %swap3A_2162 = vector.shape_cast %select_n3A_2157 : vector<16xf32> to vector<1x16xf32>
        tpu.vector_store %arg5[%swap3A_2158, %swap3A_2159], %swap3A_2162 {strides = array<i32>} : memref<16x1024xf32, #tpu.memory_space<vmem>>, vector<1x16xf32>,
        %get3A_2163 = arith.index_cast %scan3A_36 : i32 to index
        %get3A_2164 = arith.constant 880 : index
        %get3A_2165 = tpu.vector_load %arg4[%get3A_2163, %get3A_2164] {strides = array<i32>} : memref<16x1024xf32, #tpu.memory_space<vmem>>, vector<1x16xf32>,
        %get3A_2166 = vector.shape_cast %get3A_2165 : vector<1x16xf32> to vector<16xf32>
        %ge3A_2167 = arith.cmpf oge, %get3A_2166, %bitcast_convert_type3A_941 : vector<16xf32>
        %select_n3A_2168 = arith.select %ge3A_2167, %mul3A_1557, %broadcast_in_dim3A_9 : vector<16xi1>, vector<16xf32>
        %swap3A_2169 = arith.index_cast %scan3A_36 : i32 to index
        %swap3A_2170 = arith.constant 880 : index
        %swap3A_2171 = tpu.vector_load %arg5[%swap3A_2169, %swap3A_2170] {strides = array<i32>} : memref<16x1024xf32, #tpu.memory_space<vmem>>, vector<1x16xf32>,
        %swap3A_2172 = vector.shape_cast %swap3A_2171 : vector<1x16xf32> to vector<16xf32>
        %swap3A_2173 = vector.shape_cast %select_n3A_2168 : vector<16xf32> to vector<1x16xf32>
        tpu.vector_store %arg5[%swap3A_2169, %swap3A_2170], %swap3A_2173 {strides = array<i32>} : memref<16x1024xf32, #tpu.memory_space<vmem>>, vector<1x16xf32>,
        %get3A_2174 = arith.index_cast %scan3A_36 : i32 to index
        %get3A_2175 = arith.constant 896 : index
        %get3A_2176 = tpu.vector_load %arg4[%get3A_2174, %get3A_2175] {strides = array<i32>} : memref<16x1024xf32, #tpu.memory_space<vmem>>, vector<1x16xf32>,
        %get3A_2177 = vector.shape_cast %get3A_2176 : vector<1x16xf32> to vector<16xf32>
        %ge3A_2178 = arith.cmpf oge, %get3A_2177, %bitcast_convert_type3A_941 : vector<16xf32>
        %select_n3A_2179 = arith.select %ge3A_2178, %mul3A_1557, %broadcast_in_dim3A_9 : vector<16xi1>, vector<16xf32>
        %swap3A_2180 = arith.index_cast %scan3A_36 : i32 to index
        %swap3A_2181 = arith.constant 896 : index
        %swap3A_2182 = tpu.vector_load %arg5[%swap3A_2180, %swap3A_2181] {strides = array<i32>} : memref<16x1024xf32, #tpu.memory_space<vmem>>, vector<1x16xf32>,
        %swap3A_2183 = vector.shape_cast %swap3A_2182 : vector<1x16xf32> to vector<16xf32>
        %swap3A_2184 = vector.shape_cast %select_n3A_2179 : vector<16xf32> to vector<1x16xf32>
        tpu.vector_store %arg5[%swap3A_2180, %swap3A_2181], %swap3A_2184 {strides = array<i32>} : memref<16x1024xf32, #tpu.memory_space<vmem>>, vector<1x16xf32>,
        %get3A_2185 = arith.index_cast %scan3A_36 : i32 to index
        %get3A_2186 = arith.constant 912 : index
        %get3A_2187 = tpu.vector_load %arg4[%get3A_2185, %get3A_2186] {strides = array<i32>} : memref<16x1024xf32, #tpu.memory_space<vmem>>, vector<1x16xf32>,
        %get3A_2188 = vector.shape_cast %get3A_2187 : vector<1x16xf32> to vector<16xf32>
        %ge3A_2189 = arith.cmpf oge, %get3A_2188, %bitcast_convert_type3A_941 : vector<16xf32>
        %select_n3A_2190 = arith.select %ge3A_2189, %mul3A_1557, %broadcast_in_dim3A_9 : vector<16xi1>, vector<16xf32>
        %swap3A_2191 = arith.index_cast %scan3A_36 : i32 to index
        %swap3A_2192 = arith.constant 912 : index
        %swap3A_2193 = tpu.vector_load %arg5[%swap3A_2191, %swap3A_2192] {strides = array<i32>} : memref<16x1024xf32, #tpu.memory_space<vmem>>, vector<1x16xf32>,
        %swap3A_2194 = vector.shape_cast %swap3A_2193 : vector<1x16xf32> to vector<16xf32>
        %swap3A_2195 = vector.shape_cast %select_n3A_2190 : vector<16xf32> to vector<1x16xf32>
        tpu.vector_store %arg5[%swap3A_2191, %swap3A_2192], %swap3A_2195 {strides = array<i32>} : memref<16x1024xf32, #tpu.memory_space<vmem>>, vector<1x16xf32>,
        %get3A_2196 = arith.index_cast %scan3A_36 : i32 to index
        %get3A_2197 = arith.constant 928 : index
        %get3A_2198 = tpu.vector_load %arg4[%get3A_2196, %get3A_2197] {strides = array<i32>} : memref<16x1024xf32, #tpu.memory_space<vmem>>, vector<1x16xf32>,
        %get3A_2199 = vector.shape_cast %get3A_2198 : vector<1x16xf32> to vector<16xf32>
        %ge3A_2200 = arith.cmpf oge, %get3A_2199, %bitcast_convert_type3A_941 : vector<16xf32>
        %select_n3A_2201 = arith.select %ge3A_2200, %mul3A_1557, %broadcast_in_dim3A_9 : vector<16xi1>, vector<16xf32>
        %swap3A_2202 = arith.index_cast %scan3A_36 : i32 to index
        %swap3A_2203 = arith.constant 928 : index
        %swap3A_2204 = tpu.vector_load %arg5[%swap3A_2202, %swap3A_2203] {strides = array<i32>} : memref<16x1024xf32, #tpu.memory_space<vmem>>, vector<1x16xf32>,
        %swap3A_2205 = vector.shape_cast %swap3A_2204 : vector<1x16xf32> to vector<16xf32>
        %swap3A_2206 = vector.shape_cast %select_n3A_2201 : vector<16xf32> to vector<1x16xf32>
        tpu.vector_store %arg5[%swap3A_2202, %swap3A_2203], %swap3A_2206 {strides = array<i32>} : memref<16x1024xf32, #tpu.memory_space<vmem>>, vector<1x16xf32>,
        %get3A_2207 = arith.index_cast %scan3A_36 : i32 to index
        %get3A_2208 = arith.constant 944 : index
        %get3A_2209 = tpu.vector_load %arg4[%get3A_2207, %get3A_2208] {strides = array<i32>} : memref<16x1024xf32, #tpu.memory_space<vmem>>, vector<1x16xf32>,
        %get3A_2210 = vector.shape_cast %get3A_2209 : vector<1x16xf32> to vector<16xf32>
        %ge3A_2211 = arith.cmpf oge, %get3A_2210, %bitcast_convert_type3A_941 : vector<16xf32>
        %select_n3A_2212 = arith.select %ge3A_2211, %mul3A_1557, %broadcast_in_dim3A_9 : vector<16xi1>, vector<16xf32>
        %swap3A_2213 = arith.index_cast %scan3A_36 : i32 to index
        %swap3A_2214 = arith.constant 944 : index
        %swap3A_2215 = tpu.vector_load %arg5[%swap3A_2213, %swap3A_2214] {strides = array<i32>} : memref<16x1024xf32, #tpu.memory_space<vmem>>, vector<1x16xf32>,
        %swap3A_2216 = vector.shape_cast %swap3A_2215 : vector<1x16xf32> to vector<16xf32>
        %swap3A_2217 = vector.shape_cast %select_n3A_2212 : vector<16xf32> to vector<1x16xf32>
        tpu.vector_store %arg5[%swap3A_2213, %swap3A_2214], %swap3A_2217 {strides = array<i32>} : memref<16x1024xf32, #tpu.memory_space<vmem>>, vector<1x16xf32>,
        %get3A_2218 = arith.index_cast %scan3A_36 : i32 to index
        %get3A_2219 = arith.constant 960 : index
        %get3A_2220 = tpu.vector_load %arg4[%get3A_2218, %get3A_2219] {strides = array<i32>} : memref<16x1024xf32, #tpu.memory_space<vmem>>, vector<1x16xf32>,
        %get3A_2221 = vector.shape_cast %get3A_2220 : vector<1x16xf32> to vector<16xf32>
        %ge3A_2222 = arith.cmpf oge, %get3A_2221, %bitcast_convert_type3A_941 : vector<16xf32>
        %select_n3A_2223 = arith.select %ge3A_2222, %mul3A_1557, %broadcast_in_dim3A_9 : vector<16xi1>, vector<16xf32>
        %swap3A_2224 = arith.index_cast %scan3A_36 : i32 to index
        %swap3A_2225 = arith.constant 960 : index
        %swap3A_2226 = tpu.vector_load %arg5[%swap3A_2224, %swap3A_2225] {strides = array<i32>} : memref<16x1024xf32, #tpu.memory_space<vmem>>, vector<1x16xf32>,
        %swap3A_2227 = vector.shape_cast %swap3A_2226 : vector<1x16xf32> to vector<16xf32>
        %swap3A_2228 = vector.shape_cast %select_n3A_2223 : vector<16xf32> to vector<1x16xf32>
        tpu.vector_store %arg5[%swap3A_2224, %swap3A_2225], %swap3A_2228 {strides = array<i32>} : memref<16x1024xf32, #tpu.memory_space<vmem>>, vector<1x16xf32>,
        %get3A_2229 = arith.index_cast %scan3A_36 : i32 to index
        %get3A_2230 = arith.constant 976 : index
        %get3A_2231 = tpu.vector_load %arg4[%get3A_2229, %get3A_2230] {strides = array<i32>} : memref<16x1024xf32, #tpu.memory_space<vmem>>, vector<1x16xf32>,
        %get3A_2232 = vector.shape_cast %get3A_2231 : vector<1x16xf32> to vector<16xf32>
        %ge3A_2233 = arith.cmpf oge, %get3A_2232, %bitcast_convert_type3A_941 : vector<16xf32>
        %select_n3A_2234 = arith.select %ge3A_2233, %mul3A_1557, %broadcast_in_dim3A_9 : vector<16xi1>, vector<16xf32>
        %swap3A_2235 = arith.index_cast %scan3A_36 : i32 to index
        %swap3A_2236 = arith.constant 976 : index
        %swap3A_2237 = tpu.vector_load %arg5[%swap3A_2235, %swap3A_2236] {strides = array<i32>} : memref<16x1024xf32, #tpu.memory_space<vmem>>, vector<1x16xf32>,
        %swap3A_2238 = vector.shape_cast %swap3A_2237 : vector<1x16xf32> to vector<16xf32>
        %swap3A_2239 = vector.shape_cast %select_n3A_2234 : vector<16xf32> to vector<1x16xf32>
        tpu.vector_store %arg5[%swap3A_2235, %swap3A_2236], %swap3A_2239 {strides = array<i32>} : memref<16x1024xf32, #tpu.memory_space<vmem>>, vector<1x16xf32>,
        %get3A_2240 = arith.index_cast %scan3A_36 : i32 to index
        %get3A_2241 = arith.constant 992 : index
        %get3A_2242 = tpu.vector_load %arg4[%get3A_2240, %get3A_2241] {strides = array<i32>} : memref<16x1024xf32, #tpu.memory_space<vmem>>, vector<1x16xf32>,
        %get3A_2243 = vector.shape_cast %get3A_2242 : vector<1x16xf32> to vector<16xf32>
        %ge3A_2244 = arith.cmpf oge, %get3A_2243, %bitcast_convert_type3A_941 : vector<16xf32>
        %select_n3A_2245 = arith.select %ge3A_2244, %mul3A_1557, %broadcast_in_dim3A_9 : vector<16xi1>, vector<16xf32>
        %swap3A_2246 = arith.index_cast %scan3A_36 : i32 to index
        %swap3A_2247 = arith.constant 992 : index
        %swap3A_2248 = tpu.vector_load %arg5[%swap3A_2246, %swap3A_2247] {strides = array<i32>} : memref<16x1024xf32, #tpu.memory_space<vmem>>, vector<1x16xf32>,
        %swap3A_2249 = vector.shape_cast %swap3A_2248 : vector<1x16xf32> to vector<16xf32>
        %swap3A_2250 = vector.shape_cast %select_n3A_2245 : vector<16xf32> to vector<1x16xf32>
        tpu.vector_store %arg5[%swap3A_2246, %swap3A_2247], %swap3A_2250 {strides = array<i32>} : memref<16x1024xf32, #tpu.memory_space<vmem>>, vector<1x16xf32>,
        %get3A_2251 = arith.index_cast %scan3A_36 : i32 to index
        %get3A_2252 = arith.constant 1008 : index
        %get3A_2253 = tpu.vector_load %arg4[%get3A_2251, %get3A_2252] {strides = array<i32>} : memref<16x1024xf32, #tpu.memory_space<vmem>>, vector<1x16xf32>,
        %get3A_2254 = vector.shape_cast %get3A_2253 : vector<1x16xf32> to vector<16xf32>
        %ge3A_2255 = arith.cmpf oge, %get3A_2254, %bitcast_convert_type3A_941 : vector<16xf32>
        %select_n3A_2256 = arith.select %ge3A_2255, %mul3A_1557, %broadcast_in_dim3A_9 : vector<16xi1>, vector<16xf32>
        %swap3A_2257 = arith.index_cast %scan3A_36 : i32 to index
        %swap3A_2258 = arith.constant 1008 : index
        %swap3A_2259 = tpu.vector_load %arg5[%swap3A_2257, %swap3A_2258] {strides = array<i32>} : memref<16x1024xf32, #tpu.memory_space<vmem>>, vector<1x16xf32>,
        %swap3A_2260 = vector.shape_cast %swap3A_2259 : vector<1x16xf32> to vector<16xf32>
        %swap3A_2261 = vector.shape_cast %select_n3A_2256 : vector<16xf32> to vector<1x16xf32>
        tpu.vector_store %arg5[%swap3A_2257, %swap3A_2258], %swap3A_2261 {strides = array<i32>} : memref<16x1024xf32, #tpu.memory_space<vmem>>, vector<1x16xf32>,
      }
      %scan3A_35 = arith.constant 16 : i32
      "tpu.region"() ({
        %run_scoped3A = tpu.sem_alloc : memref<!tpu.dma_semaphore, #tpu.memory_space<semaphore_mem>>
        %dma_start3A = arith.constant 0 : i32
        %dma_start3A_36 = tpu.memref_slice %arg3[%add3A_29, %dma_start3A] : memref<3584x1024xf32, #tpu.memory_space<hbm>> -> memref<16x1024xf32, #tpu.memory_space<hbm>>
        %dma_start3A_37 = arith.constant 0 : i32
        %dma_start3A_38 = tpu.memref_slice %arg3[%add3A_29, %dma_start3A_37] : memref<3584x1024xf32, #tpu.memory_space<hbm>> -> memref<16x1024xf32, #tpu.memory_space<hbm>>
        tpu.enqueue_dma source(%arg5 : memref<16x1024xf32, #tpu.memory_space<vmem>>) target(%dma_start3A_38 : memref<16x1024xf32, #tpu.memory_space<hbm>>) target_semaphore(%run_scoped3A : memref<!tpu.dma_semaphore, #tpu.memory_space<semaphore_mem>>)
        %dma_wait3A = arith.constant 0 : i32
        %dma_wait3A_39 = tpu.memref_slice %arg3[%add3A_29, %dma_wait3A] : memref<3584x1024xf32, #tpu.memory_space<hbm>> -> memref<16x1024xf32, #tpu.memory_space<hbm>>
        %dma_wait3A_40 = arith.constant 0 : i32
        %dma_wait3A_41 = tpu.memref_slice %arg3[%add3A_29, %dma_wait3A_40] : memref<3584x1024xf32, #tpu.memory_space<hbm>> -> memref<16x1024xf32, #tpu.memory_space<hbm>>
        tpu.wait_dma2 semaphore(%run_scoped3A : memref<!tpu.dma_semaphore, #tpu.memory_space<semaphore_mem>>) src(%arg5 : memref<16x1024xf32, #tpu.memory_space<vmem>>) dst(%dma_wait3A_41 : memref<16x1024xf32, #tpu.memory_space<hbm>>)
        tpu.yield
      }) : () -> ()
    }
    %scan3A_25 = arith.constant 7 : i32
    return
  }
}

module attributes {stable_mosaic.version = 14 : i64} {
  func.func @_tc_body(%arg0: i32, %arg1: memref<512x1024xf32, #tpu.memory_space<vmem>>, %arg2: memref<512x1024xf32, #tpu.memory_space<vmem>>) attributes {dimension_semantics = [#tpu.dimension_semantics<arbitrary>], iteration_bounds = array<i64: 17>, scalar_prefetch = 0 : i64, scratch_operands = 0 : i64, tpu.core_type = #tpu.core_type<tc>, window_params = [{transform_indices = @transform_0, window_bounds = array<i64: 512, 1024>}, {transform_indices = @transform_1, window_bounds = array<i64: 512, 1024>}]} {
    %get3A = arith.constant 0 : index
    %get3A_0 = arith.constant 0 : index
    %get3A_1 = vector.load %arg1[%get3A, %get3A_0] : memref<512x1024xf32, #tpu.memory_space<vmem>>, vector<512x1024xf32>
    %bitcast_convert_type3A = tpu.bitcast %get3A_1 : vector<512x1024xf32> -> vector<512x1024xi32>
    %ge3A = arith.constant 0 : i32
    %ge3A_2 = vector.broadcast %ge3A : i32 to vector<512x1024xi32>
    %ge3A_3 = arith.cmpi sge, %bitcast_convert_type3A, %ge3A_2 : vector<512x1024xi32>
    %sub3A = arith.constant -2147483648 : i32
    %sub3A_4 = vector.broadcast %sub3A : i32 to vector<512x1024xi32>
    %sub3A_5 = arith.subi %sub3A_4, %bitcast_convert_type3A : vector<512x1024xi32>
    %select_n3A = arith.select %ge3A_3, %bitcast_convert_type3A, %sub3A_5 : vector<512x1024xi1>, vector<512x1024xi32>
    %broadcast_in_dim3A = arith.constant 0 : i32
    %broadcast_in_dim3A_6 = vector.broadcast %broadcast_in_dim3A : i32 to vector<512x1xi32>
    %broadcast_in_dim3A_7 = arith.constant -2147483648 : i32
    %broadcast_in_dim3A_8 = vector.broadcast %broadcast_in_dim3A_7 : i32 to vector<512x1xi32>
    %scan3A = arith.constant 0 : i32
    %scan3A_9 = arith.constant 32 : i32
    %scan3A_10 = arith.addi %scan3A, %scan3A_9 : i32
    %scan3A_11 = arith.constant 1 : i32
    %scan3A_12:2 = scf.for %scan3A_47 = %scan3A to %scan3A_10 step %scan3A_11 iter_args(%scan3A_48 = %broadcast_in_dim3A_6, %scan3A_49 = %broadcast_in_dim3A_8) -> (vector<512x1xi32>, vector<512x1xi32>)  : i32 {
      %or3A = arith.ori %scan3A_48, %scan3A_49 : vector<512x1xi32>
      %xor3A_50 = arith.constant -2147483648 : i32
      %xor3A_51 = vector.broadcast %xor3A_50 : i32 to vector<512x1xi32>
      %xor3A_52 = arith.xori %or3A, %xor3A_51 : vector<512x1xi32>
      %ge3A_53 = vector.broadcast %xor3A_52 : vector<512x1xi32> to vector<512x1024xi32>
      %ge3A_54 = arith.cmpi sge, %select_n3A, %ge3A_53 : vector<512x1024xi32>
      %convert_element_type3A_55 = arith.extui %ge3A_54 : vector<512x1024xi1> to vector<512x1024xi32>
      %reduce_sum3A_56 = arith.constant dense<0> : vector<512xi32>
      %reduce_sum3A_57 = vector.multi_reduction <add>, %convert_element_type3A_55, %reduce_sum3A_56 [1] : vector<512x1024xi32> to vector<512xi32>
      %broadcast_in_dim3A_58 = vector.shape_cast %reduce_sum3A_57 : vector<512xi32> to vector<512x1xi32>
      %ge3A_59 = arith.constant 128 : i32
      %ge3A_60 = vector.broadcast %ge3A_59 : i32 to vector<512x1xi32>
      %ge3A_61 = arith.cmpi sge, %broadcast_in_dim3A_58, %ge3A_60 : vector<512x1xi32>
      %select_n3A_62 = arith.select %ge3A_61, %or3A, %scan3A_48 : vector<512x1xi1>, vector<512x1xi32>
      %shift_right_logical3A = arith.constant 1 : i32
      %shift_right_logical3A_63 = vector.broadcast %shift_right_logical3A : i32 to vector<512x1xi32>
      %shift_right_logical3A_64 = arith.shrui %scan3A_49, %shift_right_logical3A_63 : vector<512x1xi32>
      scf.yield %select_n3A_62, %shift_right_logical3A_64 : vector<512x1xi32>, vector<512x1xi32>
    }
    %xor3A = arith.constant -2147483648 : i32
    %xor3A_13 = vector.broadcast %xor3A : i32 to vector<512x1xi32>
    %xor3A_14 = arith.xori %scan3A_12#0, %xor3A_13 : vector<512x1xi32>
    %ge3A_15 = arith.constant 0 : i32
    %ge3A_16 = vector.broadcast %ge3A_15 : i32 to vector<512x1xi32>
    %ge3A_17 = arith.cmpi sge, %xor3A_14, %ge3A_16 : vector<512x1xi32>
    %sub3A_18 = arith.constant -2147483648 : i32
    %sub3A_19 = vector.broadcast %sub3A_18 : i32 to vector<512x1xi32>
    %sub3A_20 = arith.subi %sub3A_19, %xor3A_14 : vector<512x1xi32>
    %select_n3A_21 = arith.select %ge3A_17, %xor3A_14, %sub3A_20 : vector<512x1xi1>, vector<512x1xi32>
    %bitcast_convert_type3A_22 = tpu.bitcast %select_n3A_21 : vector<512x1xi32> -> vector<512x1xf32>
    %gt3A = vector.broadcast %bitcast_convert_type3A_22 : vector<512x1xf32> to vector<512x1024xf32>
    %gt3A_23 = arith.cmpf ogt, %get3A_1, %gt3A : vector<512x1024xf32>
    %jit3A = arith.constant 0.000000e+00 : f32
    %broadcast_in_dim3A_24 = vector.broadcast %jit3A : f32 to vector<512x1024xf32>
    %select_n3A_25 = arith.select %gt3A_23, %get3A_1, %broadcast_in_dim3A_24 : vector<512x1024xi1>, vector<512x1024xf32>
    %reduce_sum3A = arith.constant dense<0.000000e+00> : vector<512xf32>
    %reduce_sum3A_26 = vector.multi_reduction <add>, %select_n3A_25, %reduce_sum3A [1] : vector<512x1024xf32> to vector<512xf32>
    %broadcast_in_dim3A_27 = vector.shape_cast %reduce_sum3A_26 : vector<512xf32> to vector<512x1xf32>
    %convert_element_type3A = arith.extui %gt3A_23 : vector<512x1024xi1> to vector<512x1024xi32>
    %reduce_sum3A_28 = arith.constant dense<0> : vector<512xi32>
    %reduce_sum3A_29 = vector.multi_reduction <add>, %convert_element_type3A, %reduce_sum3A_28 [1] : vector<512x1024xi32> to vector<512xi32>
    %broadcast_in_dim3A_30 = vector.shape_cast %reduce_sum3A_29 : vector<512xi32> to vector<512x1xi32>
    %convert_element_type3A_31 = arith.sitofp %broadcast_in_dim3A_30 : vector<512x1xi32> to vector<512x1xf32>
    %sub3A_32 = arith.constant 1.280000e+02 : f32
    %sub3A_33 = vector.broadcast %sub3A_32 : f32 to vector<512x1xf32>
    %sub3A_34 = arith.subf %sub3A_33, %convert_element_type3A_31 : vector<512x1xf32>
    %mul3A = arith.mulf %sub3A_34, %bitcast_convert_type3A_22 : vector<512x1xf32>
    %add3A = arith.addf %broadcast_in_dim3A_27, %mul3A : vector<512x1xf32>
    %mul3A_35 = arith.constant 7.812500e-03 : f32
    %mul3A_36 = vector.broadcast %mul3A_35 : f32 to vector<512x1xf32>
    %mul3A_37 = arith.mulf %add3A, %mul3A_36 : vector<512x1xf32>
    %ge3A_38 = vector.broadcast %bitcast_convert_type3A_22 : vector<512x1xf32> to vector<512x1024xf32>
    %ge3A_39 = arith.cmpf oge, %get3A_1, %ge3A_38 : vector<512x1024xf32>
    %jit3A_40 = arith.constant 0.000000e+00 : f32
    %broadcast_in_dim3A_41 = vector.shape_cast %mul3A_37 : vector<512x1xf32> to vector<512x1xf32>
    %broadcast_in_dim3A_42 = vector.broadcast %broadcast_in_dim3A_41 : vector<512x1xf32> to vector<512x1024xf32>
    %broadcast_in_dim3A_43 = vector.broadcast %jit3A_40 : f32 to vector<512x1024xf32>
    %select_n3A_44 = arith.select %ge3A_39, %broadcast_in_dim3A_42, %broadcast_in_dim3A_43 : vector<512x1024xi1>, vector<512x1024xf32>
    %swap3A = arith.constant 0 : index
    %swap3A_45 = arith.constant 0 : index
    %swap3A_46 = vector.load %arg2[%swap3A, %swap3A_45] : memref<512x1024xf32, #tpu.memory_space<vmem>>, vector<512x1024xf32>
    tpu.vector_store %arg2[%swap3A, %swap3A_45], %select_n3A_44 {strides = array<i32>} : memref<512x1024xf32, #tpu.memory_space<vmem>>, vector<512x1024xf32>,
    return
  }
  func.func @transform_0(%arg0: i32) -> (i32, i32) {
    %c0_i32 = arith.constant 0 : i32
    %c0_i32_0 = arith.constant 0 : i32
    return %arg0, %c0_i32 : i32, i32
  }
  func.func @transform_1(%arg0: i32) -> (i32, i32) {
    %c0_i32 = arith.constant 0 : i32
    %c0_i32_0 = arith.constant 0 : i32
    return %arg0, %c0_i32 : i32, i32
  }
}

</mosaic_0001>

<sc_bundles>
// kernel: kernel.4.cloned.1.call-start
scs
__scs_entry_jumppad:
0x0: {  	(pc) =	sbr.rel $0x88, $3  }
0x1: {  	(tag) =	ssettag $0x0;
	lr =	simm.s32 $0x1  }
0x2: {  	[smem:$0x3FA0] =	sst lr;
	_ =	strace $0xD0000000  }
0x3: {  	_ = 	snop  }
0x4: {  	_ = 	snop  }
0x5: {  	_ = 	snop  }
0x6: {  	_ = 	snop  }
0x7: {  	_ = 	snop  }
__scs_overlays_trampoline_lowered:
0x8: {  	[smem:$0x3FAF] =	sst s0  }
0x9: {  	[smem:$0x3FB0] =	sst s1  }
0xa: {  	[smem:$0x3FB1] =	sst s2  }
0xb: {  	[smem:$0x3FB2] =	sst s3  }
0xc: {  	[smem:$0x3FB3] =	sst s4  }
0xd: {  	[smem:$0x3FB4] =	sst s5  }
0xe: {  	[smem:$0x3FB5] =	sst s6  }
0xf: {  	[smem:$0x3FB6] =	sst s7  }
0x10: {  	[smem:$0x3FB7] =	sst s8  }
0x11: {  	[smem:$0x3FB8] =	sst s9;
	s0 =	simm.s32 @!p0 $0x0  }
0x12: {  	s1 =	sld [smem:$0x3F9E];
	s0 =	simm.s32 @p0 $0x1  }
0x13: {  	[smem:$0x3FB9] =	sst s0;
	s0 =	simm.s32 @!p1 $0x0  }
0x14: {  	s2 =	sld [smem:$0x3F9D];
	s0 =	simm.s32 @p1 $0x1  }
0x15: {  	[smem:$0x3FBA] =	sst s0;
	s0 =	simm.s32 @!p2 $0x0  }
0x16: {  	s3 =	sld [smem:$0x3FDB];
	s0 =	simm.s32 @p2 $0x1  }
0x17: {  	s4 =	simm.s32 $0x1BF5;
	[smem:$0x3FBC] =	sst s0  }
0x18: {  	s0 =	sld [smem:$0x3F9F];
	_ =	swait.ge [sflag:s4], $0x0  }
0x19: {  	s7 =	sld [smem:$0x3FA0]  }
0x1a: {  	s8 =	sadd.s32 $0xFFFFE003, lr  }
0x1b: {  	s9 =	sadd.s32 $0xFFFFFEF7, lr;
	s5 =	simm.s32 $0xFFFFFFFF;
	p2 =	slt.u32 s8, $0xFFFFF086  }
0x1c: {  	p1 =	slt.u32 s9, $0xF7A;
	s5 =	simm.s32 @!p2 $0x0  }
0x1d: {  	s5 =	simm.s32 @p1 $0x1;
	p0 =	seq.s32 s7, s2  }
0x1e: {  	s7 =	smul.u32 @!p0 $0xF7A, s2;
	p2 =	seq.s32 @!p0 s5, $0x0  }
0x1f: {  	s9 =	smul.u32 $0xF7A, s1;
	s8 =	simm.s32 @!p0 $0x1BF5;
	p2 =	por !p2, p0  }
0x20: {  	[sflag:s8] =	ssyncset.s32 @!p0 $0xFFFFF086;
	s6 =	sadd.s32 @!p0 s3, s7;
	s7 =	simm.s32 @!p0 $0x108  }
0x21: {  	s3 =	sadd.s32 s3, s9;
	s6 =	sadd.s32 @!p0 $0x88, s6;
	s7 =	simm.s32 @p2 $0x1082  }
0x22: {  	[simem:s7], [sflag:s8] =	dma.local @!p0 [hbm:s6], $0xF7A  }
0x23: {  	s9 =	sor.u32 $0xD0000000, s2;
	s6 =	simm.s32 $0x108;
	_ =	swait.ge @!p0 [sflag:s8], $0x0  }
0x24: {  	s3 =	sadd.s32 $0x88, s3;
	s6 =	simm.s32 @!p1 $0x1082;
	[sflag:s4] =	ssyncset.s32 $0xFFFFF086  }
0x25: {  	[simem:s6], [sflag:s4] =	dma.local [hbm:s3], $0xF7A  }
0x26: {  	[smem:$0x3FA0] =	sst s1;
	(tag) =	ssettag s2;
	_ =	strace s9  }
0x27: {  	s1 =	sld [smem:$0x3FB0]  }
0x28: {  	s2 =	sld [smem:$0x3FB1]  }
0x29: {  	s4 =	sld [smem:$0x3FB3]  }
0x2a: {  	p0 =	seq.s32 s5, $0x0;
	s5 =	sld [smem:$0x3FB4]  }
0x2b: {  	s6 =	sld [smem:$0x3FB5]  }
0x2c: {  	s7 =	sld [smem:$0x3FB6]  }
0x2d: {  	s3 =	simm.s32 $0x108;
	s8 =	sld [smem:$0x3FB7]  }
0x2e: {  	s3 =	simm.s32 @!p0 $0x1082;
	s9 =	sld [smem:$0x3FB8]  }
0x2f: {  	lr =	sadd.s32 s0, s3;
	s0 =	sld [smem:$0x3FAF]  }
0x30: {  	s3 =	sld [smem:$0x3FB2]  }
0x31: {  	[smem:$0x3FBB] =	sst s10  }
0x32: {  	s10 =	sld [smem:$0x3FB9];
	_ =	sdelay $0x3  }
0x33: {  	p0 =	seq.s32 s10, $0x1;
	s10 =	sld [smem:$0x3FBB];
	_ =	sdelay $0x3  }
0x34: {  	[smem:$0x3FBB] =	sst s10  }
0x35: {  	s10 =	sld [smem:$0x3FBA];
	_ =	sdelay $0x3  }
0x36: {  	p1 =	seq.s32 s10, $0x1;
	s10 =	sld [smem:$0x3FBB];
	_ =	sdelay $0x3  }
0x37: {  	[smem:$0x3FBB] =	sst s10  }
0x38: {  	s10 =	sld [smem:$0x3FBC]  }
0x39: {  	_ = 	snop;
	(pc) =	sbr.ind lr, $3  }
0x3a: {  	_ = 	snop  }
0x3b: {  	_ = 	snop  }
0x3c: {  	p2 =	seq.s32 s10, $0x1;
	s10 =	sld [smem:$0x3FBB]  }
0x3d: {  	_ =	shalt  }
0x3e: {  	_ =	shalt  }
0x3f: {  	_ =	shalt  }
0x40: {  	_ =	shalt  }
0x41: {  	_ =	shalt  }
0x42: {  	_ =	shalt  }
0x43: {  	_ =	shalt  }
0x44: {  	_ =	shalt  }
0x45: {  	_ =	shalt  }
0x46: {  	_ =	shalt  }
0x47: {  	_ =	shalt  }
0x48: {  	_ =	shalt  }
0x49: {  	_ =	shalt  }
0x4a: {  	_ =	shalt  }
0x4b: {  	_ =	shalt  }
0x4c: {  	_ =	shalt  }
0x4d: {  	_ =	shalt  }
0x4e: {  	_ =	shalt  }
0x4f: {  	_ =	shalt  }
0x50: {  	_ =	shalt  }
0x51: {  	_ =	shalt  }
0x52: {  	_ =	shalt  }
0x53: {  	_ =	shalt  }
0x54: {  	_ =	shalt  }
0x55: {  	_ =	shalt  }
0x56: {  	_ =	shalt  }
0x57: {  	_ =	shalt  }
0x58: {  	_ =	shalt  }
0x59: {  	_ =	shalt  }
0x5a: {  	_ =	shalt  }
0x5b: {  	_ =	shalt  }
0x5c: {  	_ =	shalt  }
0x5d: {  	_ =	shalt  }
0x5e: {  	_ =	shalt  }
0x5f: {  	_ =	shalt  }
0x60: {  	_ =	shalt  }
0x61: {  	_ =	shalt  }
0x62: {  	_ =	shalt  }
0x63: {  	_ =	shalt  }
0x64: {  	_ =	shalt  }
0x65: {  	_ =	shalt  }
0x66: {  	_ =	shalt  }
0x67: {  	_ =	shalt  }
0x68: {  	_ =	shalt  }
0x69: {  	_ =	shalt  }
0x6a: {  	_ =	shalt  }
0x6b: {  	_ =	shalt  }
0x6c: {  	_ =	shalt  }
0x6d: {  	_ =	shalt  }
0x6e: {  	_ =	shalt  }
0x6f: {  	_ =	shalt  }
0x70: {  	_ =	shalt  }
0x71: {  	_ =	shalt  }
0x72: {  	_ =	shalt  }
0x73: {  	_ =	shalt  }
0x74: {  	_ =	shalt  }
0x75: {  	_ =	shalt  }
0x76: {  	_ =	shalt  }
0x77: {  	_ =	shalt  }
0x78: {  	_ =	shalt  }
0x79: {  	_ =	shalt  }
0x7a: {  	_ =	shalt  }
0x7b: {  	_ =	shalt  }
0x7c: {  	_ =	shalt  }
0x7d: {  	_ =	shalt  }
0x7e: {  	_ =	shalt  }
0x7f: {  	_ =	shalt  }
0x80: {  	_ =	shalt  }
0x81: {  	_ =	shalt  }
0x82: {  	_ =	shalt  }
0x83: {  	_ =	shalt  }
0x84: {  	_ =	shalt  }
0x85: {  	_ =	shalt  }
0x86: {  	_ =	shalt  }
0x87: {  	_ =	shalt  }
.Lfunc_end0:
.L_simem_size_0:
called_computation.4_lowered:
.L_overlay_start_0:
0x88: {  	s2 =	sld [smem:$0x3FD9]  }
0x89: {  	s3 =	sld [smem:$0x3FFE];
	_ =	sdelay $0x1  }
0x8a: {  	s1 =	srdreg.scid  }
0x8b: {  	s0 =	sand.u32 $0x1, s1  }
0x8c: {  	s16 =	sshll.u32 s0, $0xA;
	s2 =	sadd.s32 s3, s2  }
0x8d: {  	s2 =	sadd.s32 s2, s16  }
0x8e: {  	[smem:$0x3FC7] =	sst s2  }
0x8f: {  	_ = 	snop  }
0x90: {  	(tm) =	ssettm $0x1  }
0x91: {  	s17 =	sld [smem:$0x3FFB];
	_ =	sdelay $0x3  }
0x92: {  	_ =	strace s17  }
0x93: {  	s2 =	sld [smem:$0x3FFC];
	_ =	sdelay $0x3  }
0x94: {  	_ =	strace s2  }
0x95: {  	s2 =	sld [smem:$0x3FFD];
	_ =	sdelay $0x3  }
0x96: {  	_ =	strace s2  }
0x97: {  	_ =	strace $0x8FFFFFFF  }
0x98: {  	s18 =	sld [smem:$0x3FDB];
	_ =	sdelay $0x1  }
0x99: {  	s19 =	simm.s32 $_scs_section_size  }
0x9a: {  	s4 =	simm.s32 $_size__tile_overlayer_lowered;
	s5 =	simm.s32 $_tile_overlayer_lowered  }
0x9b: {  	s22 =	simm.s32 $0x1BFF;
	s21 =	sshll.u32 s5, $0x1;
	s2 =	sadd.s32 s19, s18  }
0x9c: {  	s6 =	simm.s32 $0x0;
	s20 =	sshll.u32 s4, $0x1;
	s4 =	sadd.s32 s21, s2  }
0x9d: {  	[timem:s6], [sflag:s22] =	dma.local [hbm:s4], s20  }
0x9e: {  	_ =	swait.ge [sflag:s22], s20  }
0x9f: {  	s3 =	ssub.s32 $0x0, s20;
	[sflag:s22] =	ssyncset.done $0x0  }
0xa0: {  	[sflag:s22] =	ssyncadd.s32 s3;
	_ =	sdelay $0x1  }
0xa1: {  	s23 =	simm.s32 $0x1B8B  }
0xa2: {  	_ =	swait.ge [sflag:s23], $0x1  }
0xa3: {  	[sflag:s23] =	ssyncset.done $0x0  }
0xa4: {  	s25 =	simm.s32 $0x1B8E;
	s24 =	sld [smem:$0x3FFE];
	[sflag:s23] =	ssyncadd.s32 $0xFFFFFFFF  }
0xa5: {  	s26 =	simm.s32 $execute0_lowered;
	[smem:$0x3FD2] =	sst s25  }
0xa6: {  	s4 =	sshll.u32 s26, $0x1;
	_ =	strace $0x80000049;
	[dreg:$0x1] =	wrdreg $0xFFFFFFFF  }
0xa7: {  	s28 =	simm.s32 $_size_execute0_lowered;
	s2 =	sadd.s32 s2, s4;
	[dreg:$0x0] =	wrdreg $0x0  }
0xa8: {  	s4 =	sshll.u32 s28, $0x1;
	[dreg:$0x2] =	wrdreg s2  }
0xa9: {  	[dreg:$0x3] =	wrdreg s4  }
0xaa: {  	[dreg:$0x4] =	wrdreg $0xC0  }
0xab: {  	_ =	task [dreg:s6], $0x5FFFF  }
0xac: {  	[dreg:$0x1] =	wrdreg $0xFFFFFFFF  }
0xad: {  	[dreg:$0x0] =	wrdreg $0x60  }
0xae: {  	[dreg:$0x2] =	wrdreg s24  }
0xaf: {  	[dreg:$0x3] =	wrdreg $0x9  }
0xb0: {  	_ =	task.clear_ibuf [dreg:s6], $0x4FFFF;
	_ =	strace $0x90000049  }
0xb1: {  	s29 =	simm.s32 $0x9;
	_ =	strace $0x8000004B  }
0xb2: {  	_ =	swait.ge [sflag:s29], $0x1  }
0xb3: {  	[sflag:s29] =	ssyncadd.s32 $0xFFFFFFFF  }
0xb4: {  	_ =	strace $0x9000004B  }
0xb5: {  	_ =	sfence  }
0xb6: {  	s30 =	sld [smem:$0x0];
	_ =	sdelay $0x2  }
0xb7: {  	s31 =	sshll.u32 s1, $0xD;
	s1 =	sshrl.u32 s1, $0x2  }
0xb8: {  	s3 =	sand.u32 $0x4000, s31;
	s1 =	sadd.s32 s1, s30  }
0xb9: {  	s0 =	sor.u32 s3, s0;
	s1 =	sshll.u32 s1, $0x11  }
0xba: {  	s0 =	sor.u32 s1, s0  }
0xbb: {  	s0 =	sadd.s32 $0x8F2B, s0  }
0xbc: {  	[sflag:s0] =	ssyncadd.remote.s32 $0x1  }
0xbd: {  	_ =	sfence.sel $0xFFFF  }
0xbe: {  	[dreg:$0x0] =	wrdreg $0xFFFFFFFF;
	(pc) =	sbr.abs _section_cstart, $3  }
0xbf: {  	[dreg:$0x1] =	wrdreg $0xFFFFFFFF  }
0xc0: {  	_ =	task.clear_ibuf [dreg:s6], $0x2FFFF;
	_ =	strace $0x9FFFFFFF  }
0xc1: {  	(tm) =	ssettm $0x7FFFFFFF  }
tec
execute0_lowered:
.L_overlay_start_1:
0x0: {  	(tag) =	ssettag $0x1  }
0x1: {  	v0 =	vimm.s32 $0xEFCDAB89  }
0x2: {  	v1 =	vimm.s32 $0x67452301;
	v2 =	vimm.s32 $0xDCFE98BA;
	v3 =	vimm.s32 $0x54761032  }
0x3: {  	v4 =	vimm.s32 $0xBA98FEDC;
	v5 =	vimm.s32 $0x32107654;
	v6 =	vimm.s32 $0xFEDCBA98  }
0x4: {  	s0 =	rddreg [dreg:$0x0];
	s1 =	srdreg.scid;
	s2 =	simm.s32 $0x0;
	v7 =	vimm.s32 $0x76543210;
	v0 =	vunpack.c.l.s4.s8 v0;
	v1 =	vunpack.c.l.s4.s8 v1  }
0x5: {  	s4 =	stileid.u32;
	v2 =	vunpack.c.l.s4.s8 v2;
	v3 =	vunpack.c.l.s4.s8 v3;
	v4 =	vunpack.c.l.s4.s8 v4;
	s1 =	sand.u32 $0x1, s1;
	[smem:$0x7FF] =	sst s2  }
0x6: {  	v5 =	vunpack.c.l.s4.s8 v5;
	v6 =	vunpack.c.l.s4.s8 v6;
	v7 =	vunpack.c.l.s4.s8 v7;
	s4 =	sshll.u32 s4, $0x1;
	s5 =	sadd.s32 $0x181400, s0;
	s0 =	sadd.s32 $0x1F1400, s0  }
0x7: {  	s29 =	ssub.s32 $0x2, s1;
	_ =	strace $0x8000004A;
	s1 =	sor.u32 s1, s4;
	v0 =	vunpack.c.0.s8.s32 v0;
	v1 =	vunpack.c.0.s8.s32 v1;
	v2 =	vunpack.c.0.s8.s32 v2  }
0x8: {  	[dreg:$0x2] =	wrdreg s5;
	v3 =	vunpack.c.0.s8.s32 v3;
	s3 =	sshrl.u32 s29, $0x1;
	v4 =	vunpack.c.0.s8.s32 v4;
	v6 =	vunpack.c.0.s8.s32 v6;
	s30 =	smul.u32 $0x1C000, s1  }
0x9: {  	[dreg:$0x3] =	wrdreg s0;
	v5 =	vunpack.c.0.s8.s32 v5;
	s2 =	ssub.s32 s29, s3;
	v14 =	vcombine.low v1, v0;
	v0 =	vunpack.c.0.s8.s32 v7  }
0xa: {  	v15 =	vcombine.low v3, v2;
	[dreg:$0x4] =	wrdreg s30;
	s31 =	smax.u32 s2, $0x1;
	v1 =	vand.u32 $0xF, v6  }
0xb: {  	s1 =	simm.s32 $0x0;
	v16 =	vcombine.low v5, v4;
	s2 =	simm.s32 $0x1;
	v3 =	vimm.f32 $1.000000000e+00;
	[dreg:$0x5] =	wrdreg s31;
	v18 =	vcombine.low v1, v0  }
.LBB2_1:
0xc: {  	[dreg:$0x6] =	wrdreg s1;
	s0 =	simm.s32 $0x0  }
.LBB2_2:
0xd: {  	s30 =	sshll.u32 s0, $0xE;
	s1 =	rddreg [dreg:$0x4]  }
0xe: {  	[dreg:$0x7] =	wrdreg s0;
	s0 =	sadd.s32 s1, s30  }
0xf: {  	s31 =	rddreg [dreg:$0x2];
	s1 =	sshrl.u32 s0, $0x3  }
0x10: {  	[dreg:$0x8] =	wrdreg s1;
	s0 =	sadd.s32 s31, s1;
	s1 =	simm.s32 $0x0  }
0x11: {  	[tilespmem:s1], [sflag:$0x1] =	stream.linear.gather [hbm4b:s0+s1], $0x4000, $0x38;
	[tilespmem:$0x8400] =	vst v63  }
0x12: {  	_ =	swait.ge [sflag:s2], $0x4000  }
0x13: {  	[sflag:s2] =	ssyncset.done $0x0  }
0x14: {  	[sflag:s2] =	ssyncadd.s32 $0xFFFFC000  }
.LBB2_3:
0x15: {  	s0 =	sshll.u32 s1, $0xA;
	s16 =	sshll.u32 s1, $0x7  }
0x16: {  	[dreg:$0x13] =	wrdreg s1;
	s2 =	sand.u32 $0x2000, s0;
	s1 =	sand.u32 $0x380, s16  }
0x17: {  	s13 =	sor.u32 s1, s2  }
0x18: {  	v0 =	vld [tilespmem:s13+$0x0];
	_ =	sdelay $0x4  }
0x19: {  	v1 =	vsub.s32 $0x80000000, v0;
	vm0 =	vlt.s32 v0, $0x0  }
0x1a: {  	v0 =	vsel vm0, v1, v0  }
0x1b: {  	[tilespmem:$0x8000] =	vst v0  }
0x1c: {  	[tilespmem:$0x1FF20] =	vst v0;
	v0 =	vld [tilespmem:s13+$0x10];
	_ =	sdelay $0x4  }
0x1d: {  	v1 =	vsub.s32 $0x80000000, v0;
	vm13 =	vlt.s32 v0, $0x0  }
0x1e: {  	v0 =	vsel vm13, v1, v0  }
0x1f: {  	[tilespmem:$0x8010] =	vst v0  }
0x20: {  	[tilespmem:$0x1FF30] =	vst v0;
	v0 =	vld [tilespmem:s13+$0x20];
	_ =	sdelay $0x4  }
0x21: {  	v1 =	vsub.s32 $0x80000000, v0;
	vm14 =	vlt.s32 v0, $0x0  }
0x22: {  	v0 =	vsel vm14, v1, v0  }
0x23: {  	[tilespmem:$0x8020] =	vst v0  }
0x24: {  	[tilespmem:$0x1FF40] =	vst v0;
	v0 =	vld [tilespmem:s13+$0x30];
	_ =	sdelay $0x4  }
0x25: {  	v1 =	vsub.s32 $0x80000000, v0;
	vm15 =	vlt.s32 v0, $0x0  }
0x26: {  	v0 =	vsel vm15, v1, v0  }
0x27: {  	[tilespmem:$0x8030] =	vst v0  }
0x28: {  	[tilespmem:$0x1FF50] =	vst v0;
	v0 =	vld [tilespmem:s13+$0x40];
	_ =	sdelay $0x4  }
0x29: {  	v1 =	vsub.s32 $0x80000000, v0;
	vm4 =	vlt.s32 v0, $0x0  }
0x2a: {  	v0 =	vsel vm4, v1, v0  }
0x2b: {  	[tilespmem:$0x8040] =	vst v0  }
0x2c: {  	[tilespmem:$0x1FF60] =	vst v0;
	v0 =	vld [tilespmem:s13+$0x50];
	_ =	sdelay $0x4  }
0x2d: {  	v1 =	vsub.s32 $0x80000000, v0;
	vm5 =	vlt.s32 v0, $0x0  }
0x2e: {  	v0 =	vsel vm5, v1, v0  }
0x2f: {  	[tilespmem:$0x8050] =	vst v0  }
0x30: {  	[tilespmem:$0x1FF70] =	vst v0;
	v0 =	vld [tilespmem:s13+$0x60];
	_ =	sdelay $0x4  }
0x31: {  	v1 =	vsub.s32 $0x80000000, v0;
	vm6 =	vlt.s32 v0, $0x0  }
0x32: {  	v0 =	vsel vm6, v1, v0  }
0x33: {  	[tilespmem:$0x8060] =	vst v0  }
0x34: {  	[tilespmem:$0x1FF80] =	vst v0;
	v0 =	vld [tilespmem:s13+$0x70];
	_ =	sdelay $0x4  }
0x35: {  	v1 =	vsub.s32 $0x80000000, v0;
	vm7 =	vlt.s32 v0, $0x0  }
0x36: {  	v0 =	vsel vm7, v1, v0  }
0x37: {  	[tilespmem:$0x8070] =	vst v0  }
0x38: {  	[tilespmem:$0x1FF90] =	vst v0;
	v0 =	vld [tilespmem:s13+$0x400];
	_ =	sdelay $0x4  }
0x39: {  	v1 =	vsub.s32 $0x80000000, v0;
	vm8 =	vlt.s32 v0, $0x0  }
0x3a: {  	v0 =	vsel vm8, v1, v0  }
0x3b: {  	[tilespmem:$0x8080] =	vst v0  }
0x3c: {  	[tilespmem:$0x1FFA0] =	vst v0;
	v0 =	vld [tilespmem:s13+$0x410];
	_ =	sdelay $0x4  }
0x3d: {  	v1 =	vsub.s32 $0x80000000, v0;
	vm9 =	vlt.s32 v0, $0x0  }
0x3e: {  	v0 =	vsel vm9, v1, v0  }
0x3f: {  	[tilespmem:$0x8090] =	vst v0  }
0x40: {  	[tilespmem:$0x1FFB0] =	vst v0;
	v0 =	vld [tilespmem:s13+$0x420];
	_ =	sdelay $0x4  }
0x41: {  	v1 =	vsub.s32 $0x80000000, v0;
	vm10 =	vlt.s32 v0, $0x0  }
0x42: {  	v0 =	vsel vm10, v1, v0  }
0x43: {  	[tilespmem:$0x80A0] =	vst v0  }
0x44: {  	[tilespmem:$0x1FFC0] =	vst v0;
	v0 =	vld [tilespmem:s13+$0x430];
	_ =	sdelay $0x4  }
0x45: {  	v1 =	vsub.s32 $0x80000000, v0;
	vm11 =	vlt.s32 v0, $0x0  }
0x46: {  	v0 =	vsel vm11, v1, v0  }
0x47: {  	[tilespmem:$0x80B0] =	vst v0  }
0x48: {  	[tilespmem:$0x1FFD0] =	vst v0;
	v0 =	vld [tilespmem:s13+$0x440];
	_ =	sdelay $0x4  }
0x49: {  	v1 =	vsub.s32 $0x80000000, v0;
	vm12 =	vlt.s32 v0, $0x0  }
0x4a: {  	v0 =	vsel vm12, v1, v0  }
0x4b: {  	[tilespmem:$0x80C0] =	vst v0  }
0x4c: {  	[tilespmem:$0x1FFE0] =	vst v0;
	v0 =	vld [tilespmem:s13+$0x450];
	_ =	sdelay $0x4  }
0x4d: {  	v1 =	vsub.s32 $0x80000000, v0;
	vm13 =	vlt.s32 v0, $0x0  }
0x4e: {  	v0 =	vsel vm13, v1, v0  }
0x4f: {  	[tilespmem:$0x80D0] =	vst v0  }
0x50: {  	[tilespmem:$0x1FFF0] =	vst v0;
	v0 =	vld [tilespmem:s13+$0x460];
	_ =	sdelay $0x4  }
0x51: {  	v1 =	vsub.s32 $0x80000000, v0;
	vm14 =	vlt.s32 v0, $0x0  }
0x52: {  	v0 =	vsel vm14, v1, v0  }
0x53: {  	[tilespmem:$0x80E0] =	vst v0  }
0x54: {  	v20 =	vmov v0;
	v0 =	vld [tilespmem:s13+$0x470];
	_ =	sdelay $0x4  }
0x55: {  	v1 =	vsub.s32 $0x80000000, v0;
	vm15 =	vlt.s32 v0, $0x0  }
0x56: {  	v0 =	vsel vm15, v1, v0  }
0x57: {  	[tilespmem:$0x80F0] =	vst v0  }
0x58: {  	v21 =	vmov v0;
	v0 =	vld [tilespmem:s13+$0x800];
	_ =	sdelay $0x4  }
0x59: {  	v1 =	vsub.s32 $0x80000000, v0;
	vm4 =	vlt.s32 v0, $0x0  }
0x5a: {  	v22 =	vsel vm4, v1, v0  }
0x5b: {  	[tilespmem:$0x8100] =	vst v22  }
0x5c: {  	v0 =	vld [tilespmem:s13+$0x810];
	_ =	sdelay $0x4  }
0x5d: {  	v1 =	vsub.s32 $0x80000000, v0;
	vm5 =	vlt.s32 v0, $0x0  }
0x5e: {  	v23 =	vsel vm5, v1, v0  }
0x5f: {  	[tilespmem:$0x8110] =	vst v23  }
0x60: {  	v0 =	vld [tilespmem:s13+$0x820];
	_ =	sdelay $0x4  }
0x61: {  	v1 =	vsub.s32 $0x80000000, v0;
	vm6 =	vlt.s32 v0, $0x0  }
0x62: {  	v24 =	vsel vm6, v1, v0  }
0x63: {  	[tilespmem:$0x8120] =	vst v24  }
0x64: {  	v0 =	vld [tilespmem:s13+$0x830];
	_ =	sdelay $0x4  }
0x65: {  	v1 =	vsub.s32 $0x80000000, v0;
	vm7 =	vlt.s32 v0, $0x0  }
0x66: {  	v25 =	vsel vm7, v1, v0  }
0x67: {  	[tilespmem:$0x8130] =	vst v25  }
0x68: {  	v0 =	vld [tilespmem:s13+$0x840];
	_ =	sdelay $0x4  }
0x69: {  	v1 =	vsub.s32 $0x80000000, v0;
	vm8 =	vlt.s32 v0, $0x0  }
0x6a: {  	v26 =	vsel vm8, v1, v0  }
0x6b: {  	[tilespmem:$0x8140] =	vst v26  }
0x6c: {  	v0 =	vld [tilespmem:s13+$0x850];
	_ =	sdelay $0x4  }
0x6d: {  	v1 =	vsub.s32 $0x80000000, v0;
	vm9 =	vlt.s32 v0, $0x0  }
0x6e: {  	v27 =	vsel vm9, v1, v0  }
0x6f: {  	[tilespmem:$0x8150] =	vst v27  }
0x70: {  	v0 =	vld [tilespmem:s13+$0x860];
	_ =	sdelay $0x4  }
0x71: {  	v1 =	vsub.s32 $0x80000000, v0;
	vm10 =	vlt.s32 v0, $0x0  }
0x72: {  	v28 =	vsel vm10, v1, v0  }
0x73: {  	[tilespmem:$0x8160] =	vst v28  }
0x74: {  	v0 =	vld [tilespmem:s13+$0x870];
	_ =	sdelay $0x4  }
0x75: {  	v1 =	vsub.s32 $0x80000000, v0;
	vm11 =	vlt.s32 v0, $0x0  }
0x76: {  	v29 =	vsel vm11, v1, v0  }
0x77: {  	[tilespmem:$0x8170] =	vst v29  }
0x78: {  	v0 =	vld [tilespmem:s13+$0xC00];
	_ =	sdelay $0x4  }
0x79: {  	v1 =	vsub.s32 $0x80000000, v0;
	vm12 =	vlt.s32 v0, $0x0  }
0x7a: {  	v30 =	vsel vm12, v1, v0  }
0x7b: {  	[tilespmem:$0x8180] =	vst v30  }
0x7c: {  	v0 =	vld [tilespmem:s13+$0xC10];
	_ =	sdelay $0x4  }
0x7d: {  	v1 =	vsub.s32 $0x80000000, v0;
	vm13 =	vlt.s32 v0, $0x0  }
0x7e: {  	v31 =	vsel vm13, v1, v0  }
0x7f: {  	[tilespmem:$0x8190] =	vst v31  }
0x80: {  	v0 =	vld [tilespmem:s13+$0xC20];
	_ =	sdelay $0x4  }
0x81: {  	v1 =	vsub.s32 $0x80000000, v0;
	vm14 =	vlt.s32 v0, $0x0  }
0x82: {  	v32 =	vsel vm14, v1, v0  }
0x83: {  	[tilespmem:$0x81A0] =	vst v32  }
0x84: {  	v0 =	vld [tilespmem:s13+$0xC30];
	_ =	sdelay $0x4  }
0x85: {  	v1 =	vsub.s32 $0x80000000, v0;
	vm15 =	vlt.s32 v0, $0x0  }
0x86: {  	v33 =	vsel vm15, v1, v0  }
0x87: {  	[tilespmem:$0x81B0] =	vst v33  }
0x88: {  	v0 =	vld [tilespmem:s13+$0xC40];
	_ =	sdelay $0x4  }
0x89: {  	v1 =	vsub.s32 $0x80000000, v0;
	vm4 =	vlt.s32 v0, $0x0  }
0x8a: {  	v34 =	vsel vm4, v1, v0  }
0x8b: {  	[tilespmem:$0x81C0] =	vst v34  }
0x8c: {  	v0 =	vld [tilespmem:s13+$0xC50];
	_ =	sdelay $0x4  }
0x8d: {  	v1 =	vsub.s32 $0x80000000, v0;
	vm5 =	vlt.s32 v0, $0x0  }
0x8e: {  	v35 =	vsel vm5, v1, v0  }
0x8f: {  	[tilespmem:$0x81D0] =	vst v35  }
0x90: {  	v0 =	vld [tilespmem:s13+$0xC60];
	_ =	sdelay $0x4  }
0x91: {  	v1 =	vsub.s32 $0x80000000, v0;
	vm6 =	vlt.s32 v0, $0x0  }
0x92: {  	v36 =	vsel vm6, v1, v0  }
0x93: {  	[tilespmem:$0x81E0] =	vst v36  }
0x94: {  	v0 =	vld [tilespmem:s13+$0xC70];
	_ =	sdelay $0x4  }
0x95: {  	v1 =	vsub.s32 $0x80000000, v0;
	vm7 =	vlt.s32 v0, $0x0  }
0x96: {  	v37 =	vsel vm7, v1, v0  }
0x97: {  	[tilespmem:$0x81F0] =	vst v37  }
0x98: {  	v0 =	vld [tilespmem:s13+$0x1000];
	_ =	sdelay $0x4  }
0x99: {  	v1 =	vsub.s32 $0x80000000, v0;
	vm8 =	vlt.s32 v0, $0x0  }
0x9a: {  	v38 =	vsel vm8, v1, v0  }
0x9b: {  	[tilespmem:$0x8200] =	vst v38  }
0x9c: {  	v0 =	vld [tilespmem:s13+$0x1010];
	_ =	sdelay $0x4  }
0x9d: {  	v1 =	vsub.s32 $0x80000000, v0;
	vm9 =	vlt.s32 v0, $0x0  }
0x9e: {  	v39 =	vsel vm9, v1, v0  }
0x9f: {  	[tilespmem:$0x8210] =	vst v39  }
0xa0: {  	v0 =	vld [tilespmem:s13+$0x1020];
	_ =	sdelay $0x4  }
0xa1: {  	v1 =	vsub.s32 $0x80000000, v0;
	vm10 =	vlt.s32 v0, $0x0  }
0xa2: {  	v40 =	vsel vm10, v1, v0  }
0xa3: {  	[tilespmem:$0x8220] =	vst v40  }
0xa4: {  	v0 =	vld [tilespmem:s13+$0x1030];
	_ =	sdelay $0x4  }
0xa5: {  	v1 =	vsub.s32 $0x80000000, v0;
	vm11 =	vlt.s32 v0, $0x0  }
0xa6: {  	v41 =	vsel vm11, v1, v0  }
0xa7: {  	[tilespmem:$0x8230] =	vst v41  }
0xa8: {  	v0 =	vld [tilespmem:s13+$0x1040];
	_ =	sdelay $0x4  }
0xa9: {  	v1 =	vsub.s32 $0x80000000, v0;
	vm12 =	vlt.s32 v0, $0x0  }
0xaa: {  	v42 =	vsel vm12, v1, v0  }
0xab: {  	[tilespmem:$0x8240] =	vst v42  }
0xac: {  	v0 =	vld [tilespmem:s13+$0x1050];
	_ =	sdelay $0x4  }
0xad: {  	v1 =	vsub.s32 $0x80000000, v0;
	vm13 =	vlt.s32 v0, $0x0  }
0xae: {  	v43 =	vsel vm13, v1, v0  }
0xaf: {  	[tilespmem:$0x8250] =	vst v43  }
0xb0: {  	v0 =	vld [tilespmem:s13+$0x1060];
	_ =	sdelay $0x4  }
0xb1: {  	v1 =	vsub.s32 $0x80000000, v0;
	vm14 =	vlt.s32 v0, $0x0  }
0xb2: {  	v44 =	vsel vm14, v1, v0  }
0xb3: {  	[tilespmem:$0x8260] =	vst v44  }
0xb4: {  	v0 =	vld [tilespmem:s13+$0x1070];
	_ =	sdelay $0x4  }
0xb5: {  	v1 =	vsub.s32 $0x80000000, v0;
	vm15 =	vlt.s32 v0, $0x0  }
0xb6: {  	v45 =	vsel vm15, v1, v0  }
0xb7: {  	[tilespmem:$0x8270] =	vst v45  }
0xb8: {  	v0 =	vld [tilespmem:s13+$0x1400];
	_ =	sdelay $0x4  }
0xb9: {  	v1 =	vsub.s32 $0x80000000, v0;
	vm4 =	vlt.s32 v0, $0x0  }
0xba: {  	v46 =	vsel vm4, v1, v0  }
0xbb: {  	[tilespmem:$0x8280] =	vst v46  }
0xbc: {  	v0 =	vld [tilespmem:s13+$0x1410];
	_ =	sdelay $0x4  }
0xbd: {  	v1 =	vsub.s32 $0x80000000, v0;
	vm5 =	vlt.s32 v0, $0x0  }
0xbe: {  	v47 =	vsel vm5, v1, v0  }
0xbf: {  	[tilespmem:$0x8290] =	vst v47  }
0xc0: {  	v0 =	vld [tilespmem:s13+$0x1420];
	_ =	sdelay $0x4  }
0xc1: {  	v1 =	vsub.s32 $0x80000000, v0;
	vm6 =	vlt.s32 v0, $0x0  }
0xc2: {  	v48 =	vsel vm6, v1, v0  }
0xc3: {  	[tilespmem:$0x82A0] =	vst v48  }
0xc4: {  	v0 =	vld [tilespmem:s13+$0x1430];
	_ =	sdelay $0x4  }
0xc5: {  	v1 =	vsub.s32 $0x80000000, v0;
	vm7 =	vlt.s32 v0, $0x0  }
0xc6: {  	v49 =	vsel vm7, v1, v0  }
0xc7: {  	[tilespmem:$0x82B0] =	vst v49  }
0xc8: {  	v0 =	vld [tilespmem:s13+$0x1440];
	_ =	sdelay $0x4  }
0xc9: {  	v1 =	vsub.s32 $0x80000000, v0;
	vm8 =	vlt.s32 v0, $0x0  }
0xca: {  	v50 =	vsel vm8, v1, v0  }
0xcb: {  	[tilespmem:$0x82C0] =	vst v50  }
0xcc: {  	v0 =	vld [tilespmem:s13+$0x1450];
	_ =	sdelay $0x4  }
0xcd: {  	v1 =	vsub.s32 $0x80000000, v0;
	vm9 =	vlt.s32 v0, $0x0  }
0xce: {  	v51 =	vsel vm9, v1, v0  }
0xcf: {  	[tilespmem:$0x82D0] =	vst v51  }
0xd0: {  	v0 =	vld [tilespmem:s13+$0x1460];
	_ =	sdelay $0x4  }
0xd1: {  	v1 =	vsub.s32 $0x80000000, v0;
	vm10 =	vlt.s32 v0, $0x0  }
0xd2: {  	v52 =	vsel vm10, v1, v0  }
0xd3: {  	[tilespmem:$0x82E0] =	vst v52  }
0xd4: {  	v0 =	vld [tilespmem:s13+$0x1470];
	_ =	sdelay $0x4  }
0xd5: {  	v1 =	vsub.s32 $0x80000000, v0;
	vm11 =	vlt.s32 v0, $0x0  }
0xd6: {  	v53 =	vsel vm11, v1, v0  }
0xd7: {  	[tilespmem:$0x82F0] =	vst v53  }
0xd8: {  	v0 =	vld [tilespmem:s13+$0x1800];
	_ =	sdelay $0x4  }
0xd9: {  	v1 =	vsub.s32 $0x80000000, v0;
	vm12 =	vlt.s32 v0, $0x0  }
0xda: {  	v54 =	vsel vm12, v1, v0  }
0xdb: {  	[tilespmem:$0x8300] =	vst v54  }
0xdc: {  	v0 =	vld [tilespmem:s13+$0x1810];
	_ =	sdelay $0x4  }
0xdd: {  	v1 =	vsub.s32 $0x80000000, v0;
	vm13 =	vlt.s32 v0, $0x0  }
0xde: {  	v55 =	vsel vm13, v1, v0  }
0xdf: {  	[tilespmem:$0x8310] =	vst v55  }
0xe0: {  	v0 =	vld [tilespmem:s13+$0x1820];
	_ =	sdelay $0x4  }
0xe1: {  	v1 =	vsub.s32 $0x80000000, v0;
	vm14 =	vlt.s32 v0, $0x0  }
0xe2: {  	v56 =	vsel vm14, v1, v0  }
0xe3: {  	[tilespmem:$0x8320] =	vst v56  }
0xe4: {  	v0 =	vld [tilespmem:s13+$0x1830];
	_ =	sdelay $0x4  }
0xe5: {  	v1 =	vsub.s32 $0x80000000, v0;
	vm15 =	vlt.s32 v0, $0x0  }
0xe6: {  	v57 =	vsel vm15, v1, v0  }
0xe7: {  	[tilespmem:$0x8330] =	vst v57  }
0xe8: {  	v0 =	vld [tilespmem:s13+$0x1840];
	_ =	sdelay $0x4  }
0xe9: {  	v1 =	vsub.s32 $0x80000000, v0;
	vm4 =	vlt.s32 v0, $0x0  }
0xea: {  	v58 =	vsel vm4, v1, v0  }
0xeb: {  	[tilespmem:$0x8340] =	vst v58  }
0xec: {  	v0 =	vld [tilespmem:s13+$0x1850];
	_ =	sdelay $0x4  }
0xed: {  	v1 =	vsub.s32 $0x80000000, v0;
	vm5 =	vlt.s32 v0, $0x0  }
0xee: {  	v59 =	vsel vm5, v1, v0  }
0xef: {  	[tilespmem:$0x8350] =	vst v59  }
0xf0: {  	v0 =	vld [tilespmem:s13+$0x1860];
	_ =	sdelay $0x4  }
0xf1: {  	v1 =	vsub.s32 $0x80000000, v0;
	vm6 =	vlt.s32 v0, $0x0  }
0xf2: {  	v60 =	vsel vm6, v1, v0  }
0xf3: {  	[tilespmem:$0x8360] =	vst v60  }
0xf4: {  	v0 =	vld [tilespmem:s13+$0x1870];
	_ =	sdelay $0x4  }
0xf5: {  	v1 =	vsub.s32 $0x80000000, v0;
	vm7 =	vlt.s32 v0, $0x0  }
0xf6: {  	s1 =	sor.u32 s0, s1;
	v61 =	vsel vm7, v1, v0  }
0xf7: {  	s0 =	sor.u32 $0x1C00, s1;
	[tilespmem:$0x8370] =	vst v61  }
0xf8: {  	v0 =	vld [tilespmem:s0+$0x0];
	_ =	sdelay $0x4  }
0xf9: {  	v1 =	vsub.s32 $0x80000000, v0;
	vm8 =	vlt.s32 v0, $0x0  }
0xfa: {  	v62 =	vsel vm8, v1, v0  }
0xfb: {  	s17 =	sor.u32 $0x1C10, s1;
	[tilespmem:$0x8380] =	vst v62  }
0xfc: {  	v0 =	vld [tilespmem:s17+$0x0];
	_ =	sdelay $0x4  }
0xfd: {  	v1 =	vsub.s32 $0x80000000, v0;
	vm9 =	vlt.s32 v0, $0x0  }
0xfe: {  	v63 =	vsel vm9, v1, v0  }
0xff: {  	s18 =	sor.u32 $0x1C20, s1;
	[tilespmem:$0x8390] =	vst v63  }
0x100: {  	v0 =	vld [tilespmem:s18+$0x0];
	_ =	sdelay $0x4  }
0x101: {  	v1 =	vsub.s32 $0x80000000, v0;
	vm10 =	vlt.s32 v0, $0x0  }
0x102: {  	v5 =	vsel vm10, v1, v0  }
0x103: {  	s19 =	sor.u32 $0x1C30, s1;
	[tilespmem:$0x83A0] =	vst v5  }
0x104: {  	v0 =	vld [tilespmem:s19+$0x0];
	_ =	sdelay $0x1  }
0x105: {  	[dreg:$0xb] =	wrdreg s0  }
0x106: {  	[dreg:$0xc] =	wrdreg s17  }
0x107: {  	[dreg:$0xd] =	wrdreg s18  }
0x108: {  	s20 =	sor.u32 $0x1C40, s1;
	[dreg:$0xe] =	wrdreg s19;
	v1 =	vsub.s32 $0x80000000, v0;
	vm11 =	vlt.s32 v0, $0x0  }
0x109: {  	s21 =	sor.u32 $0x1C50, s1;
	[dreg:$0xf] =	wrdreg s20;
	v0 =	vsel vm11, v1, v0  }
0x10a: {  	s22 =	sor.u32 $0x40, s13;
	[dreg:$0x10] =	wrdreg s21;
	[tilespmem:$0x83B0] =	vst v0  }
0x10b: {  	s23 =	sor.u32 $0x50, s13;
	[smem:$0x7F2] =	sst s22;
	v1 =	vld [tilespmem:s20+$0x0]  }
0x10c: {  	s24 =	sor.u32 $0x60, s13;
	[smem:$0x7F3] =	sst s23  }
0x10d: {  	s2 =	sor.u32 $0x70, s13;
	[smem:$0x7F4] =	sst s24  }
0x10e: {  	s26 =	sor.u32 $0x400, s13;
	[smem:$0x7F5] =	sst s2  }
0x10f: {  	s3 =	sor.u32 $0x410, s13;
	[smem:$0x7F6] =	sst s26  }
0x110: {  	s25 =	sor.u32 $0x1C60, s1;
	[smem:$0x7F7] =	sst s3;
	v2 =	vsub.s32 $0x80000000, v1;
	vm12 =	vlt.s32 v1, $0x0  }
0x111: {  	s4 =	sor.u32 $0x420, s13;
	[dreg:$0x11] =	wrdreg s25;
	v1 =	vsel vm12, v2, v1  }
0x112: {  	s5 =	sor.u32 $0x430, s13;
	[smem:$0x7F8] =	sst s4;
	[tilespmem:$0x83C0] =	vst v1  }
0x113: {  	s6 =	sor.u32 $0x440, s13;
	[smem:$0x7F9] =	sst s5;
	v2 =	vld [tilespmem:s21+$0x0]  }
0x114: {  	s7 =	sor.u32 $0x450, s13;
	[smem:$0x7FA] =	sst s6  }
0x115: {  	s8 =	sor.u32 $0x460, s13;
	[dreg:$0x1f] =	wrdreg s7  }
0x116: {  	s12 =	sor.u32 $0x30, s13;
	s9 =	sor.u32 $0x470, s13;
	[dreg:$0x1e] =	wrdreg s8  }
0x117: {  	s10 =	sor.u32 $0x800, s13;
	s11 =	sor.u32 $0x810, s13;
	[dreg:$0x1d] =	wrdreg s9  }
0x118: {  	s14 =	sor.u32 $0x1C70, s1;
	s15 =	sor.u32 $0x820, s13;
	[dreg:$0x1c] =	wrdreg s10;
	v4 =	vsub.s32 $0x80000000, v2;
	vm13 =	vlt.s32 v2, $0x0  }
0x119: {  	s16 =	sor.u32 $0x830, s13;
	s31 =	sor.u32 $0x1060, s13;
	[dreg:$0x1b] =	wrdreg s11;
	v2 =	vsel vm13, v4, v2  }
0x11a: {  	s30 =	sor.u32 $0x1070, s13;
	s29 =	sor.u32 $0x1400, s13;
	[dreg:$0x1a] =	wrdreg s15;
	[tilespmem:$0x83D0] =	vst v2  }
0x11b: {  	s28 =	sor.u32 $0x1410, s13;
	s1 =	sor.u32 $0x1860, s13;
	[dreg:$0x19] =	wrdreg s16;
	v4 =	vld [tilespmem:s25+$0x0]  }
0x11c: {  	s22 =	sor.u32 $0x870, s13;
	s23 =	sor.u32 $0xC00, s13;
	s24 =	sor.u32 $0xC10, s13  }
0x11d: {  	[dreg:$0x12] =	wrdreg s14;
	s16 =	sor.u32 $0xC60, s13;
	s15 =	sor.u32 $0xC70, s13  }
0x11e: {  	s26 =	sor.u32 $0x1010, s13;
	s9 =	sor.u32 $0x1020, s13;
	s6 =	sor.u32 $0x1030, s13  }
0x11f: {  	s2 =	sor.u32 $0x1040, s13;
	s11 =	sor.u32 $0x1470, s13;
	[dreg:$0xa] =	wrdreg s1  }
0x120: {  	s10 =	sor.u32 $0x1800, s13;
	s7 =	sor.u32 $0x1810, s13;
	[dreg:$0x15] =	wrdreg s22;
	v6 =	vsub.s32 $0x80000000, v4;
	vm14 =	vlt.s32 v4, $0x0  }
0x121: {  	s5 =	sor.u32 $0x1820, s13;
	s4 =	sor.u32 $0x1830, s13;
	[dreg:$0x14] =	wrdreg s23;
	v4 =	vsel vm14, v6, v4  }
0x122: {  	s3 =	sor.u32 $0x1840, s13;
	s8 =	sor.u32 $0x1850, s13;
	[smem:$0x7FB] =	sst s24;
	[tilespmem:$0x83E0] =	vst v4  }
0x123: {  	s1 =	sor.u32 $0x1870, s13;
	[smem:$0x7FD] =	sst s26;
	s26 =	sor.u32 $0x1420, s13;
	v7 =	vld [tilespmem:s14+$0x0]  }
0x124: {  	s24 =	sor.u32 $0x1440, s13;
	s23 =	sor.u32 $0x1450, s13;
	s22 =	sor.u32 $0x1460, s13  }
0x125: {  	[dreg:$0x9] =	wrdreg s1;
	s1 =	simm.s32 $0x1F;
	s17 =	sor.u32 $0x840, s13  }
0x126: {  	s0 =	sor.u32 $0x1050, s13;
	[dreg:$0x18] =	wrdreg s17;
	s18 =	sor.u32 $0x850, s13  }
0x127: {  	v10 =	vimm.s32 $0x80000000;
	s17 =	sor.u32 $0xC50, s13;
	[dreg:$0x17] =	wrdreg s18;
	s19 =	sor.u32 $0x860, s13  }
0x128: {  	s18 =	sor.u32 $0xC40, s13;
	[dreg:$0x16] =	wrdreg s19;
	s19 =	sor.u32 $0xC30, s13;
	v6 =	vimm.s32 $0x0;
	vm15 =	vlt.s32 v7, $0x0;
	v8 =	vsub.s32 $0x80000000, v7  }
0x129: {  	s20 =	sor.u32 $0x20, s13;
	s21 =	sor.u32 $0x10, s13;
	s25 =	sor.u32 $0xC20, s13;
	v8 =	vsel vm15, v8, v7;
	v7 =	vor.u32 v6, v10  }
0x12a: {  	[smem:$0x7FC] =	sst s25;
	s25 =	sor.u32 $0x1430, s13;
	s14 =	sor.u32 $0x1000, s13;
	[tilespmem:$0x83F0] =	vst v8;
	v9 =	vxor.u32 $0x80000000, v7  }
.LBB2_4:
0x12b: {  	v11 =	vld [tilespmem:$0x1FF20];
	_ =	sdelay $0x4  }
0x12c: {  	vm0 =	vlt.s32 v11, v9;
	v11 =	vld [tilespmem:$0x1FF30];
	_ =	sdelay $0x3  }
0x12d: {  	v12 =	vld [tilespmem:$0x1FF40]  }
0x12e: {  	vm1 =	vlt.s32 v11, v9;
	v11 =	vld [tilespmem:$0x1FF60];
	_ =	sdelay $0x3  }
0x12f: {  	vm15 =	vlt.s32 v12, v9  }
0x130: {  	v13 =	vsel vm15, $0x0, v3;
	vm2 =	vlt.s32 v11, v9;
	v11 =	vsel vm0, $0x0, v3  }
0x131: {  	v11 =	vadd.f32 v13, v11;
	v13 =	vld [tilespmem:$0x1FF70];
	_ =	sdelay $0x4  }
0x132: {  	v19 =	vld [tilespmem:$0x1FF80];
	vm4 =	vlt.s32 v13, v9;
	v13 =	vsel vm2, $0x0, v3  }
0x133: {  	v11 =	vadd.f32 v11, v13;
	v13 =	vld [tilespmem:$0x1FF90];
	_ =	sdelay $0x3  }
0x134: {  	vm5 =	vlt.s32 v19, v9  }
0x135: {  	v19 =	vld [tilespmem:$0x1FFA0];
	vm6 =	vlt.s32 v13, v9;
	v13 =	vsel vm5, $0x0, v3  }
0x136: {  	v11 =	vadd.f32 v11, v13;
	v13 =	vld [tilespmem:$0x1FFB0];
	_ =	sdelay $0x1  }
0x137: {  	v12 =	vld [tilespmem:$0x1FF50];
	_ =	sdelay $0x1  }
0x138: {  	vm7 =	vlt.s32 v19, v9  }
0x139: {  	v19 =	vld [tilespmem:$0x1FFC0];
	vm8 =	vlt.s32 v13, v9;
	v13 =	vsel vm7, $0x0, v3  }
0x13a: {  	v11 =	vadd.f32 v11, v13;
	v13 =	vld [tilespmem:$0x1FFD0]  }
0x13b: {  	vm3 =	vlt.s32 v12, v9  }
0x13c: {  	v17 =	vmovc v16;
	v16 =	vmovc v15;
	v15 =	vmov v14;
	v12 =	vsel vm1, $0x0, v3;
	v14 =	vsel vm3, $0x0, v3  }
0x13d: {  	v12 =	vadd.f32 v14, v12  }
0x13e: {  	vm9 =	vlt.s32 v19, v9;
	v14 =	vsel vm4, $0x0, v3  }
0x13f: {  	v19 =	vld [tilespmem:$0x1FFE0];
	v12 =	vadd.f32 v12, v14;
	vm10 =	vlt.s32 v13, v9;
	v13 =	vsel vm9, $0x0, v3  }
0x140: {  	v14 =	vsel vm6, $0x0, v3;
	v11 =	vadd.f32 v11, v13;
	v13 =	vld [tilespmem:$0x1FFF0]  }
0x141: {  	v12 =	vadd.f32 v12, v14  }
0x142: {  	v14 =	vsel vm8, $0x0, v3  }
0x143: {  	v12 =	vadd.f32 v12, v14  }
0x144: {  	v14 =	vsel vm10, $0x0, v3  }
0x145: {  	vm11 =	vlt.s32 v19, v9;
	v12 =	vadd.f32 v12, v14;
	vm12 =	vlt.s32 v13, v9  }
0x146: {  	vm13 =	vlt.s32 v20, v9;
	v13 =	vsel vm11, $0x0, v3;
	v14 =	vsel vm12, $0x0, v3  }
0x147: {  	vm14 =	vlt.s32 v21, v9;
	v11 =	vadd.f32 v11, v13;
	v12 =	vadd.f32 v12, v14  }
0x148: {  	vm15 =	vlt.s32 v22, v9;
	v13 =	vsel vm13, $0x0, v3;
	v14 =	vsel vm14, $0x0, v3  }
0x149: {  	vm4 =	vlt.s32 v23, v9;
	v11 =	vadd.f32 v11, v13;
	v12 =	vadd.f32 v12, v14  }
0x14a: {  	vm5 =	vlt.s32 v24, v9;
	v13 =	vsel vm15, $0x0, v3;
	v14 =	vsel vm4, $0x0, v3  }
0x14b: {  	vm6 =	vlt.s32 v25, v9;
	v11 =	vadd.f32 v11, v13;
	v12 =	vadd.f32 v12, v14  }
0x14c: {  	vm7 =	vlt.s32 v26, v9;
	v13 =	vsel vm5, $0x0, v3;
	v14 =	vsel vm6, $0x0, v3  }
0x14d: {  	vm8 =	vlt.s32 v27, v9;
	v11 =	vadd.f32 v11, v13;
	v12 =	vadd.f32 v12, v14  }
0x14e: {  	vm9 =	vlt.s32 v28, v9;
	v13 =	vsel vm7, $0x0, v3;
	v14 =	vsel vm8, $0x0, v3  }
0x14f: {  	vm10 =	vlt.s32 v29, v9;
	v11 =	vadd.f32 v11, v13;
	v12 =	vadd.f32 v12, v14  }
0x150: {  	vm11 =	vlt.s32 v30, v9;
	v13 =	vsel vm9, $0x0, v3;
	v14 =	vsel vm10, $0x0, v3  }
0x151: {  	vm12 =	vlt.s32 v31, v9;
	v11 =	vadd.f32 v11, v13;
	v12 =	vadd.f32 v12, v14  }
0x152: {  	vm13 =	vlt.s32 v32, v9;
	v13 =	vsel vm11, $0x0, v3;
	v14 =	vsel vm12, $0x0, v3  }
0x153: {  	vm14 =	vlt.s32 v33, v9;
	v11 =	vadd.f32 v11, v13;
	v12 =	vadd.f32 v12, v14  }
0x154: {  	vm15 =	vlt.s32 v34, v9;
	v13 =	vsel vm13, $0x0, v3;
	v14 =	vsel vm14, $0x0, v3  }
0x155: {  	vm4 =	vlt.s32 v35, v9;
	v11 =	vadd.f32 v11, v13;
	v12 =	vadd.f32 v12, v14  }
0x156: {  	vm5 =	vlt.s32 v36, v9;
	v13 =	vsel vm15, $0x0, v3;
	v14 =	vsel vm4, $0x0, v3  }
0x157: {  	vm6 =	vlt.s32 v37, v9;
	v11 =	vadd.f32 v11, v13;
	v12 =	vadd.f32 v12, v14  }
0x158: {  	vm7 =	vlt.s32 v38, v9;
	v13 =	vsel vm5, $0x0, v3;
	v14 =	vsel vm6, $0x0, v3  }
0x159: {  	vm8 =	vlt.s32 v39, v9;
	v11 =	vadd.f32 v11, v13;
	v12 =	vadd.f32 v12, v14  }
0x15a: {  	vm9 =	vlt.s32 v40, v9;
	v13 =	vsel vm7, $0x0, v3;
	v14 =	vsel vm8, $0x0, v3  }
0x15b: {  	vm10 =	vlt.s32 v41, v9;
	v11 =	vadd.f32 v11, v13;
	v12 =	vadd.f32 v12, v14  }
0x15c: {  	vm11 =	vlt.s32 v42, v9;
	v13 =	vsel vm9, $0x0, v3;
	v14 =	vsel vm10, $0x0, v3  }
0x15d: {  	vm12 =	vlt.s32 v43, v9;
	v11 =	vadd.f32 v11, v13;
	v12 =	vadd.f32 v12, v14  }
0x15e: {  	vm13 =	vlt.s32 v44, v9;
	v13 =	vsel vm11, $0x0, v3;
	v14 =	vsel vm12, $0x0, v3  }
0x15f: {  	vm14 =	vlt.s32 v45, v9;
	v11 =	vadd.f32 v11, v13;
	v12 =	vadd.f32 v12, v14  }
0x160: {  	vm15 =	vlt.s32 v46, v9;
	v13 =	vsel vm13, $0x0, v3;
	v14 =	vsel vm14, $0x0, v3  }
0x161: {  	vm4 =	vlt.s32 v47, v9;
	v11 =	vadd.f32 v11, v13;
	v12 =	vadd.f32 v12, v14  }
0x162: {  	vm5 =	vlt.s32 v48, v9;
	v13 =	vsel vm15, $0x0, v3;
	v14 =	vsel vm4, $0x0, v3  }
0x163: {  	vm6 =	vlt.s32 v49, v9;
	v11 =	vadd.f32 v11, v13;
	v12 =	vadd.f32 v12, v14  }
0x164: {  	vm7 =	vlt.s32 v50, v9;
	v13 =	vsel vm5, $0x0, v3;
	v14 =	vsel vm6, $0x0, v3  }
0x165: {  	vm8 =	vlt.s32 v51, v9;
	v11 =	vadd.f32 v11, v13;
	v12 =	vadd.f32 v12, v14  }
0x166: {  	vm9 =	vlt.s32 v52, v9;
	v13 =	vsel vm7, $0x0, v3;
	v14 =	vsel vm8, $0x0, v3  }
0x167: {  	vm10 =	vlt.s32 v53, v9;
	v11 =	vadd.f32 v11, v13;
	v12 =	vadd.f32 v12, v14  }
0x168: {  	vm11 =	vlt.s32 v54, v9;
	v13 =	vsel vm9, $0x0, v3;
	v14 =	vsel vm10, $0x0, v3  }
0x169: {  	vm12 =	vlt.s32 v55, v9;
	v11 =	vadd.f32 v11, v13;
	v12 =	vadd.f32 v12, v14  }
0x16a: {  	vm13 =	vlt.s32 v56, v9;
	v13 =	vsel vm11, $0x0, v3;
	v14 =	vsel vm12, $0x0, v3  }
0x16b: {  	vm14 =	vlt.s32 v57, v9;
	v11 =	vadd.f32 v11, v13;
	v12 =	vadd.f32 v12, v14  }
0x16c: {  	vm15 =	vlt.s32 v58, v9;
	v13 =	vsel vm13, $0x0, v3;
	v14 =	vsel vm14, $0x0, v3  }
0x16d: {  	vm4 =	vlt.s32 v59, v9;
	v11 =	vadd.f32 v11, v13;
	v12 =	vadd.f32 v12, v14  }
0x16e: {  	vm5 =	vlt.s32 v60, v9;
	v13 =	vsel vm15, $0x0, v3;
	v14 =	vsel vm4, $0x0, v3  }
0x16f: {  	vm6 =	vlt.s32 v61, v9;
	v11 =	vadd.f32 v11, v13;
	v12 =	vadd.f32 v12, v14  }
0x170: {  	vm7 =	vlt.s32 v62, v9;
	v13 =	vsel vm5, $0x0, v3;
	v14 =	vsel vm6, $0x0, v3  }
0x171: {  	vm8 =	vlt.s32 v63, v9;
	v11 =	vadd.f32 v11, v13;
	v12 =	vadd.f32 v12, v14  }
0x172: {  	vm9 =	vlt.s32 v5, v9;
	v13 =	vsel vm7, $0x0, v3;
	v14 =	vsel vm8, $0x0, v3  }
0x173: {  	vm10 =	vlt.s32 v0, v9;
	v11 =	vadd.f32 v11, v13;
	v12 =	vadd.f32 v12, v14  }
0x174: {  	vm11 =	vlt.s32 v1, v9;
	v13 =	vsel vm9, $0x0, v3;
	v14 =	vsel vm10, $0x0, v3  }
0x175: {  	vm12 =	vlt.s32 v2, v9;
	v11 =	vadd.f32 v11, v13;
	v12 =	vadd.f32 v12, v14  }
0x176: {  	v19 =	vsel vm12, $0x0, v3;
	vm13 =	vlt.s32 v4, v9;
	v13 =	vsel vm11, $0x0, v3  }
0x177: {  	vm14 =	vlt.s32 v8, v9;
	v11 =	vadd.f32 v11, v13;
	v12 =	vadd.f32 v12, v19  }
0x178: {  	v9 =	vsel vm13, $0x0, v3;
	v13 =	vsel vm14, $0x0, v3  }
0x179: {  	v9 =	vadd.f32 v11, v9;
	v11 =	vadd.f32 v12, v13;
	_ =	sdelay $0x1  }
0x17a: {  	v9 =	vadd.f32 v11, v9  }
0x17b: {  	v14 =	vmov v15  }
0x17c: {  	v11 =	vperm.xlane v9, v14;
	_ =	sdelay $0x1  }
0x17d: {  	v9 =	vadd.f32 v11, v9  }
0x17e: {  	v15 =	vmov v16  }
0x17f: {  	v11 =	vperm.xlane v9, v15;
	_ =	sdelay $0x1  }
0x180: {  	v9 =	vadd.f32 v11, v9;
	_ =	sdelay $0x1  }
0x181: {  	v11 =	vperm.xlane v9, v17;
	_ =	sdelay $0x1  }
0x182: {  	v9 =	vadd.f32 v11, v9;
	_ =	sdelay $0x1  }
0x183: {  	v11 =	vperm.xlane v9, v18;
	_ =	sdelay $0x1  }
0x184: {  	p0 =	sne.s32 s1, $0x1;
	v9 =	vadd.f32 v11, v9  }
.Ltmp0:
0x185: {  	_ = 	snop;
	(pc) =	sbr.rel @p0 .LBB2_4-.Ltmp0, $4  }
0x186: {  	vm15 =	vge.f32 v9, $1.280000000e+02  }
0x187: {  	v10 =	vshrl.u32 v10, $0x1;
	v6 =	vsel vm15, v7, v6  }
0x188: {  	v7 =	vor.u32 v6, v10  }
0x189: {  	s1 =	sadd.s32 $0xFFFFFFFF, s1;
	v16 =	vmov v17;
	v9 =	vxor.u32 $0x80000000, v7  }
0x18a: {  	v10 =	vld [tilespmem:$0x1FF20];
	_ =	sdelay $0x4  }
0x18b: {  	vm0 =	vlt.s32 v10, v9;
	v10 =	vld [tilespmem:$0x1FF30];
	_ =	sdelay $0x4  }
0x18c: {  	vm1 =	vlt.s32 v10, v9;
	v10 =	vld [tilespmem:$0x1FF60];
	_ =	sdelay $0x4  }
0x18d: {  	vm2 =	vlt.s32 v10, v9;
	v10 =	vld [tilespmem:$0x1FF40];
	_ =	sdelay $0x4  }
0x18e: {  	v11 =	vld [tilespmem:$0x1FF50];
	vm3 =	vlt.s32 v10, v9  }
0x18f: {  	v10 =	vsel vm0, $0x0, v3;
	v12 =	vsel vm3, $0x0, v3  }
0x190: {  	v10 =	vadd.f32 v12, v10;
	v12 =	vld [tilespmem:$0x1FF70];
	_ =	sdelay $0x2  }
0x191: {  	vm8 =	vlt.s32 v11, v9  }
0x192: {  	v13 =	vsel vm8, $0x0, v3;
	v11 =	vsel vm1, $0x0, v3  }
0x193: {  	v11 =	vadd.f32 v13, v11;
	v13 =	vld [tilespmem:$0x1FF80];
	vm9 =	vlt.s32 v12, v9;
	v12 =	vsel vm2, $0x0, v3  }
0x194: {  	v10 =	vadd.f32 v10, v12;
	v12 =	vld [tilespmem:$0x1FF90];
	_ =	sdelay $0x3  }
0x195: {  	vm10 =	vlt.s32 v13, v9;
	v13 =	vsel vm9, $0x0, v3  }
0x196: {  	v11 =	vadd.f32 v11, v13;
	v13 =	vld [tilespmem:$0x1FFA0];
	vm11 =	vlt.s32 v12, v9;
	v12 =	vsel vm10, $0x0, v3  }
0x197: {  	v10 =	vadd.f32 v10, v12;
	v12 =	vld [tilespmem:$0x1FFB0];
	_ =	sdelay $0x3  }
0x198: {  	vm12 =	vlt.s32 v13, v9;
	v13 =	vsel vm11, $0x0, v3  }
0x199: {  	v11 =	vadd.f32 v11, v13;
	v13 =	vld [tilespmem:$0x1FFC0];
	vm13 =	vlt.s32 v12, v9;
	v12 =	vsel vm12, $0x0, v3  }
0x19a: {  	v10 =	vadd.f32 v10, v12;
	v12 =	vld [tilespmem:$0x1FFD0];
	_ =	sdelay $0x3  }
0x19b: {  	vm14 =	vlt.s32 v13, v9;
	v13 =	vsel vm13, $0x0, v3  }
0x19c: {  	v11 =	vadd.f32 v11, v13;
	v13 =	vld [tilespmem:$0x1FFE0];
	vm15 =	vlt.s32 v12, v9;
	v12 =	vsel vm14, $0x0, v3  }
0x19d: {  	v10 =	vadd.f32 v10, v12;
	v12 =	vld [tilespmem:$0x1FFF0];
	_ =	sdelay $0x3  }
0x19e: {  	vm4 =	vlt.s32 v13, v9;
	v13 =	vsel vm15, $0x0, v3  }
0x19f: {  	v11 =	vadd.f32 v11, v13;
	vm5 =	vlt.s32 v12, v9  }
0x1a0: {  	vm6 =	vlt.s32 v20, v9;
	v12 =	vsel vm4, $0x0, v3;
	v13 =	vsel vm5, $0x0, v3  }
0x1a1: {  	vm7 =	vlt.s32 v21, v9;
	v10 =	vadd.f32 v10, v12;
	v11 =	vadd.f32 v11, v13  }
0x1a2: {  	vm8 =	vlt.s32 v22, v9;
	v12 =	vsel vm6, $0x0, v3;
	v13 =	vsel vm7, $0x0, v3  }
0x1a3: {  	vm9 =	vlt.s32 v23, v9;
	v10 =	vadd.f32 v10, v12;
	v11 =	vadd.f32 v11, v13  }
0x1a4: {  	vm10 =	vlt.s32 v24, v9;
	v12 =	vsel vm8, $0x0, v3;
	v13 =	vsel vm9, $0x0, v3  }
0x1a5: {  	vm11 =	vlt.s32 v25, v9;
	v10 =	vadd.f32 v10, v12;
	v11 =	vadd.f32 v11, v13  }
0x1a6: {  	vm12 =	vlt.s32 v26, v9;
	v12 =	vsel vm10, $0x0, v3;
	v13 =	vsel vm11, $0x0, v3  }
0x1a7: {  	vm13 =	vlt.s32 v27, v9;
	v10 =	vadd.f32 v10, v12;
	v11 =	vadd.f32 v11, v13  }
0x1a8: {  	vm14 =	vlt.s32 v28, v9;
	v12 =	vsel vm12, $0x0, v3;
	v13 =	vsel vm13, $0x0, v3  }
0x1a9: {  	vm15 =	vlt.s32 v29, v9;
	v10 =	vadd.f32 v10, v12;
	v11 =	vadd.f32 v11, v13  }
0x1aa: {  	vm4 =	vlt.s32 v30, v9;
	v12 =	vsel vm14, $0x0, v3;
	v13 =	vsel vm15, $0x0, v3  }
0x1ab: {  	vm5 =	vlt.s32 v31, v9;
	v10 =	vadd.f32 v10, v12;
	v11 =	vadd.f32 v11, v13  }
0x1ac: {  	vm6 =	vlt.s32 v32, v9;
	v12 =	vsel vm4, $0x0, v3;
	v13 =	vsel vm5, $0x0, v3  }
0x1ad: {  	vm7 =	vlt.s32 v33, v9;
	v10 =	vadd.f32 v10, v12;
	v11 =	vadd.f32 v11, v13  }
0x1ae: {  	vm8 =	vlt.s32 v34, v9;
	v12 =	vsel vm6, $0x0, v3;
	v13 =	vsel vm7, $0x0, v3  }
0x1af: {  	vm9 =	vlt.s32 v35, v9;
	v10 =	vadd.f32 v10, v12;
	v11 =	vadd.f32 v11, v13  }
0x1b0: {  	vm10 =	vlt.s32 v36, v9;
	v12 =	vsel vm8, $0x0, v3;
	v13 =	vsel vm9, $0x0, v3  }
0x1b1: {  	vm11 =	vlt.s32 v37, v9;
	v10 =	vadd.f32 v10, v12;
	v11 =	vadd.f32 v11, v13  }
0x1b2: {  	vm12 =	vlt.s32 v38, v9;
	v12 =	vsel vm10, $0x0, v3;
	v13 =	vsel vm11, $0x0, v3  }
0x1b3: {  	vm13 =	vlt.s32 v39, v9;
	v10 =	vadd.f32 v10, v12;
	v11 =	vadd.f32 v11, v13  }
0x1b4: {  	vm14 =	vlt.s32 v40, v9;
	v12 =	vsel vm12, $0x0, v3;
	v13 =	vsel vm13, $0x0, v3  }
0x1b5: {  	vm15 =	vlt.s32 v41, v9;
	v10 =	vadd.f32 v10, v12;
	v11 =	vadd.f32 v11, v13  }
0x1b6: {  	vm4 =	vlt.s32 v42, v9;
	v12 =	vsel vm14, $0x0, v3;
	v13 =	vsel vm15, $0x0, v3  }
0x1b7: {  	vm5 =	vlt.s32 v43, v9;
	v10 =	vadd.f32 v10, v12;
	v11 =	vadd.f32 v11, v13  }
0x1b8: {  	vm6 =	vlt.s32 v44, v9;
	v12 =	vsel vm4, $0x0, v3;
	v13 =	vsel vm5, $0x0, v3  }
0x1b9: {  	vm7 =	vlt.s32 v45, v9;
	v10 =	vadd.f32 v10, v12;
	v11 =	vadd.f32 v11, v13  }
0x1ba: {  	vm8 =	vlt.s32 v46, v9;
	v12 =	vsel vm6, $0x0, v3;
	v13 =	vsel vm7, $0x0, v3  }
0x1bb: {  	vm9 =	vlt.s32 v47, v9;
	v10 =	vadd.f32 v10, v12;
	v11 =	vadd.f32 v11, v13  }
0x1bc: {  	vm10 =	vlt.s32 v48, v9;
	v12 =	vsel vm8, $0x0, v3;
	v13 =	vsel vm9, $0x0, v3  }
0x1bd: {  	vm11 =	vlt.s32 v49, v9;
	v10 =	vadd.f32 v10, v12;
	v11 =	vadd.f32 v11, v13  }
0x1be: {  	vm12 =	vlt.s32 v50, v9;
	v12 =	vsel vm10, $0x0, v3;
	v13 =	vsel vm11, $0x0, v3  }
0x1bf: {  	vm13 =	vlt.s32 v51, v9;
	v10 =	vadd.f32 v10, v12;
	v11 =	vadd.f32 v11, v13  }
0x1c0: {  	vm14 =	vlt.s32 v52, v9;
	v12 =	vsel vm12, $0x0, v3;
	v13 =	vsel vm13, $0x0, v3  }
0x1c1: {  	vm15 =	vlt.s32 v53, v9;
	v10 =	vadd.f32 v10, v12;
	v11 =	vadd.f32 v11, v13  }
0x1c2: {  	vm4 =	vlt.s32 v54, v9;
	v12 =	vsel vm14, $0x0, v3;
	v13 =	vsel vm15, $0x0, v3  }
0x1c3: {  	vm5 =	vlt.s32 v55, v9;
	v10 =	vadd.f32 v10, v12;
	v11 =	vadd.f32 v11, v13  }
0x1c4: {  	vm6 =	vlt.s32 v56, v9;
	v12 =	vsel vm4, $0x0, v3;
	v13 =	vsel vm5, $0x0, v3  }
0x1c5: {  	vm7 =	vlt.s32 v57, v9;
	v10 =	vadd.f32 v10, v12;
	v11 =	vadd.f32 v11, v13  }
0x1c6: {  	vm8 =	vlt.s32 v58, v9;
	v12 =	vsel vm6, $0x0, v3;
	v13 =	vsel vm7, $0x0, v3  }
0x1c7: {  	vm9 =	vlt.s32 v59, v9;
	v10 =	vadd.f32 v10, v12;
	v11 =	vadd.f32 v11, v13  }
0x1c8: {  	vm10 =	vlt.s32 v60, v9;
	v12 =	vsel vm8, $0x0, v3;
	v13 =	vsel vm9, $0x0, v3  }
0x1c9: {  	vm11 =	vlt.s32 v61, v9;
	v10 =	vadd.f32 v10, v12;
	v11 =	vadd.f32 v11, v13  }
0x1ca: {  	vm12 =	vlt.s32 v62, v9;
	v12 =	vsel vm10, $0x0, v3;
	v13 =	vsel vm11, $0x0, v3  }
0x1cb: {  	vm13 =	vlt.s32 v63, v9;
	v10 =	vadd.f32 v10, v12;
	v11 =	vadd.f32 v11, v13  }
0x1cc: {  	vm14 =	vlt.s32 v5, v9;
	v5 =	vsel vm13, $0x0, v3;
	v12 =	vsel vm12, $0x0, v3  }
0x1cd: {  	vm15 =	vlt.s32 v0, v9;
	v10 =	vadd.f32 v10, v12;
	v5 =	vadd.f32 v11, v5  }
0x1ce: {  	v0 =	vsel vm14, $0x0, v3;
	v40 =	vsel vm15, $0x0, v3;
	vm4 =	vlt.s32 v1, v9  }
0x1cf: {  	vm5 =	vlt.s32 v2, v9;
	v0 =	vadd.f32 v10, v0;
	v1 =	vadd.f32 v5, v40  }
0x1d0: {  	v2 =	vsel vm4, $0x0, v3;
	vm6 =	vlt.s32 v4, v9;
	v5 =	vsel vm5, $0x0, v3  }
0x1d1: {  	vm7 =	vlt.s32 v8, v9;
	v0 =	vadd.f32 v0, v2;
	v1 =	vadd.f32 v1, v5  }
0x1d2: {  	v4 =	vsel vm7, $0x0, v3;
	v2 =	vsel vm6, $0x0, v3  }
0x1d3: {  	v0 =	vadd.f32 v0, v2;
	v1 =	vadd.f32 v1, v4;
	_ =	sdelay $0x1  }
0x1d4: {  	v0 =	vadd.f32 v1, v0;
	_ =	sdelay $0x1  }
0x1d5: {  	v1 =	vperm.xlane v0, v14;
	_ =	sdelay $0x1  }
0x1d6: {  	v0 =	vadd.f32 v1, v0;
	_ =	sdelay $0x1  }
0x1d7: {  	v1 =	vperm.xlane v0, v15;
	_ =	sdelay $0x1  }
0x1d8: {  	v0 =	vadd.f32 v1, v0;
	_ =	sdelay $0x1  }
0x1d9: {  	v1 =	vperm.xlane v0, v16;
	_ =	sdelay $0x1  }
0x1da: {  	v0 =	vadd.f32 v1, v0;
	_ =	sdelay $0x1  }
0x1db: {  	v1 =	vperm.xlane v0, v18;
	_ =	sdelay $0x1  }
0x1dc: {  	v1 =	vadd.f32 v1, v0  }
0x1dd: {  	v0 =	vld [tilespmem:s13+$0x0]  }
0x1de: {  	vm8 =	vge.f32 v1, $1.280000000e+02;
	v1 =	vld [tilespmem:s21+$0x0]  }
0x1df: {  	v2 =	vsel vm8, v7, v6  }
0x1e0: {  	v5 =	vld [tilespmem:s20+$0x0];
	v4 =	vxor.u32 $0x80000000, v2  }
0x1e1: {  	s1 =	sld [smem:$0x7F2];
	vm0 =	vlt.s32 v2, $0x0;
	v2 =	vsub.s32 $0x80000000, v4  }
0x1e2: {  	[smem:$0x7E8] =	sst s12;
	v6 =	vsel vm0, v4, v2;
	v2 =	vld [tilespmem:s12+$0x0]  }
0x1e3: {  	v12 =	vimm.f32 $0.0e+00;
	s12 =	sld [smem:$0x7F3];
	vm0 =	vgt.f32 v0, v6;
	vm9 =	vgt.f32 v1, v6  }
0x1e4: {  	[smem:$0x7E7] =	sst s20;
	v42 =	vld [tilespmem:s1+$0x0];
	v4 =	vsel vm0, $0x3F800000, v12;
	v41 =	vsel vm9, $0x3F800000, v12  }
0x1e5: {  	s20 =	sld [smem:$0x7F4];
	vm10 =	vgt.f32 v5, v6;
	v4 =	vadd.f32 v41, v4  }
0x1e6: {  	[smem:$0x7E6] =	sst s21;
	v43 =	vadd.f32 $0.0e+00, v0;
	v44 =	vsel vm10, $0x3F800000, v12;
	v45 =	vld [tilespmem:s12+$0x0]  }
0x1e7: {  	s21 =	sld [smem:$0x7F5];
	v4 =	vadd.f32 v44, v4;
	vm11 =	vgt.f32 v2, v6  }
0x1e8: {  	v47 =	vld [tilespmem:s20+$0x0];
	v7 =	vnsel vm0, $0x0, v43;
	v1 =	vnsel vm9, $0x0, v1;
	v46 =	vsel vm11, $0x3F800000, v12  }
0x1e9: {  	vm12 =	vgt.f32 v42, v6;
	v1 =	vadd.f32 v1, v7;
	s12 =	sld [smem:$0x7F6];
	v4 =	vadd.f32 v46, v4  }
0x1ea: {  	v49 =	vld [tilespmem:s21+$0x0];
	v5 =	vnsel vm10, $0x0, v5;
	v48 =	vsel vm12, $0x3F800000, v12  }
0x1eb: {  	s20 =	sld [smem:$0x7F7];
	v1 =	vadd.f32 v5, v1;
	vm13 =	vgt.f32 v45, v6;
	v4 =	vadd.f32 v48, v4  }
0x1ec: {  	v2 =	vnsel vm11, $0x0, v2;
	v50 =	vld [tilespmem:s12+$0x0];
	v5 =	vsel vm13, $0x3F800000, v12  }
0x1ed: {  	s21 =	sld [smem:$0x7F8];
	vm14 =	vgt.f32 v47, v6;
	v1 =	vadd.f32 v2, v1;
	v2 =	vadd.f32 v5, v4  }
0x1ee: {  	v51 =	vld [tilespmem:s20+$0x0];
	v4 =	vnsel vm12, $0x0, v42;
	v5 =	vsel vm14, $0x3F800000, v12  }
0x1ef: {  	vm15 =	vgt.f32 v49, v6;
	s12 =	sld [smem:$0x7F9];
	v1 =	vadd.f32 v4, v1;
	v2 =	vadd.f32 v5, v2  }
0x1f0: {  	v52 =	vld [tilespmem:s21+$0x0];
	v4 =	vnsel vm13, $0x0, v45;
	v5 =	vsel vm15, $0x3F800000, v12  }
0x1f1: {  	s20 =	sld [smem:$0x7FA];
	vm4 =	vgt.f32 v50, v6;
	v1 =	vadd.f32 v4, v1;
	v2 =	vadd.f32 v5, v2  }
0x1f2: {  	v53 =	vld [tilespmem:s12+$0x0];
	v4 =	vnsel vm14, $0x0, v47;
	v5 =	vsel vm4, $0x3F800000, v12  }
0x1f3: {  	vm5 =	vgt.f32 v51, v6;
	v1 =	vadd.f32 v4, v1;
	v2 =	vadd.f32 v5, v2  }
0x1f4: {  	v54 =	vld [tilespmem:s20+$0x0];
	v4 =	vnsel vm15, $0x0, v49;
	v5 =	vsel vm5, $0x3F800000, v12  }
0x1f5: {  	s21 =	rddreg [dreg:$0x1f];
	vm6 =	vgt.f32 v52, v6;
	v1 =	vadd.f32 v4, v1;
	v2 =	vadd.f32 v5, v2  }
0x1f6: {  	v55 =	vld [tilespmem:s21+$0x0];
	v4 =	vnsel vm4, $0x0, v50;
	v5 =	vsel vm6, $0x3F800000, v12  }
0x1f7: {  	s12 =	rddreg [dreg:$0x1e];
	vm7 =	vgt.f32 v53, v6;
	v1 =	vadd.f32 v4, v1;
	v2 =	vadd.f32 v5, v2  }
0x1f8: {  	v56 =	vld [tilespmem:s12+$0x0];
	v4 =	vnsel vm5, $0x0, v51;
	v5 =	vsel vm7, $0x3F800000, v12  }
0x1f9: {  	s20 =	rddreg [dreg:$0x1d];
	vm8 =	vgt.f32 v54, v6;
	v1 =	vadd.f32 v4, v1;
	v2 =	vadd.f32 v5, v2  }
0x1fa: {  	v57 =	vld [tilespmem:s20+$0x0];
	v4 =	vnsel vm6, $0x0, v52;
	v5 =	vsel vm8, $0x3F800000, v12  }
0x1fb: {  	s21 =	rddreg [dreg:$0x1c];
	vm9 =	vgt.f32 v55, v6;
	v1 =	vadd.f32 v4, v1;
	v2 =	vadd.f32 v5, v2  }
0x1fc: {  	v58 =	vld [tilespmem:s21+$0x0];
	v4 =	vnsel vm7, $0x0, v53;
	v5 =	vsel vm9, $0x3F800000, v12  }
0x1fd: {  	s12 =	rddreg [dreg:$0x1b];
	vm10 =	vgt.f32 v56, v6;
	v1 =	vadd.f32 v4, v1;
	v2 =	vadd.f32 v5, v2  }
0x1fe: {  	v59 =	vld [tilespmem:s12+$0x0];
	v4 =	vnsel vm8, $0x0, v54;
	v5 =	vsel vm10, $0x3F800000, v12  }
0x1ff: {  	s20 =	rddreg [dreg:$0x1a];
	vm11 =	vgt.f32 v57, v6;
	v1 =	vadd.f32 v4, v1;
	v2 =	vadd.f32 v5, v2  }
0x200: {  	v60 =	vld [tilespmem:s20+$0x0];
	v4 =	vnsel vm9, $0x0, v55;
	v5 =	vsel vm11, $0x3F800000, v12  }
0x201: {  	s21 =	rddreg [dreg:$0x19];
	vm12 =	vgt.f32 v58, v6;
	v1 =	vadd.f32 v4, v1;
	v2 =	vadd.f32 v5, v2  }
0x202: {  	v61 =	vld [tilespmem:s21+$0x0];
	v4 =	vnsel vm10, $0x0, v56;
	v5 =	vsel vm12, $0x3F800000, v12  }
0x203: {  	s12 =	rddreg [dreg:$0x18];
	vm13 =	vgt.f32 v59, v6;
	v1 =	vadd.f32 v4, v1;
	v2 =	vadd.f32 v5, v2  }
0x204: {  	v62 =	vld [tilespmem:s12+$0x0];
	v4 =	vnsel vm11, $0x0, v57;
	v5 =	vsel vm13, $0x3F800000, v12  }
0x205: {  	s20 =	rddreg [dreg:$0x17];
	vm14 =	vgt.f32 v60, v6;
	v1 =	vadd.f32 v4, v1;
	v2 =	vadd.f32 v5, v2  }
0x206: {  	v63 =	vld [tilespmem:s20+$0x0];
	v4 =	vnsel vm12, $0x0, v58;
	v5 =	vsel vm14, $0x3F800000, v12  }
0x207: {  	s21 =	rddreg [dreg:$0x16];
	vm15 =	vgt.f32 v61, v6;
	v1 =	vadd.f32 v4, v1;
	v2 =	vadd.f32 v5, v2  }
0x208: {  	v21 =	vld [tilespmem:s21+$0x0];
	v4 =	vnsel vm13, $0x0, v59;
	v5 =	vsel vm15, $0x3F800000, v12  }
0x209: {  	s12 =	rddreg [dreg:$0x15];
	vm4 =	vgt.f32 v62, v6;
	v1 =	vadd.f32 v4, v1;
	v2 =	vadd.f32 v5, v2  }
0x20a: {  	s20 =	rddreg [dreg:$0x14];
	v22 =	vld [tilespmem:s12+$0x0];
	v4 =	vnsel vm14, $0x0, v60;
	v5 =	vsel vm4, $0x3F800000, v12  }
0x20b: {  	s21 =	sld [smem:$0x7FB];
	vm5 =	vgt.f32 v63, v6;
	v1 =	vadd.f32 v4, v1;
	v2 =	vadd.f32 v5, v2  }
0x20c: {  	v23 =	vld [tilespmem:s20+$0x0];
	v4 =	vnsel vm15, $0x0, v61;
	v5 =	vsel vm5, $0x3F800000, v12  }
0x20d: {  	s20 =	sld [smem:$0x7FC];
	vm6 =	vgt.f32 v21, v6;
	v1 =	vadd.f32 v4, v1;
	v2 =	vadd.f32 v5, v2  }
0x20e: {  	v24 =	vld [tilespmem:s21+$0x0];
	v4 =	vnsel vm4, $0x0, v62;
	v5 =	vsel vm6, $0x3F800000, v12  }
0x20f: {  	vm7 =	vgt.f32 v22, v6;
	v1 =	vadd.f32 v4, v1;
	v2 =	vadd.f32 v5, v2  }
0x210: {  	v25 =	vld [tilespmem:s20+$0x0];
	v4 =	vnsel vm5, $0x0, v63;
	v5 =	vsel vm7, $0x3F800000, v12  }
0x211: {  	vm8 =	vgt.f32 v23, v6;
	v1 =	vadd.f32 v4, v1;
	v2 =	vadd.f32 v5, v2  }
0x212: {  	v26 =	vld [tilespmem:s19+$0x0];
	v4 =	vnsel vm6, $0x0, v21;
	v5 =	vsel vm8, $0x3F800000, v12  }
0x213: {  	vm9 =	vgt.f32 v24, v6;
	v1 =	vadd.f32 v4, v1;
	v2 =	vadd.f32 v5, v2  }
0x214: {  	v27 =	vld [tilespmem:s18+$0x0];
	v4 =	vnsel vm7, $0x0, v22;
	v5 =	vsel vm9, $0x3F800000, v12  }
0x215: {  	vm10 =	vgt.f32 v25, v6;
	v1 =	vadd.f32 v4, v1;
	v2 =	vadd.f32 v5, v2  }
0x216: {  	v28 =	vld [tilespmem:s17+$0x0];
	v4 =	vnsel vm8, $0x0, v23;
	v5 =	vsel vm10, $0x3F800000, v12  }
0x217: {  	vm11 =	vgt.f32 v26, v6;
	v1 =	vadd.f32 v4, v1;
	v2 =	vadd.f32 v5, v2  }
0x218: {  	v29 =	vld [tilespmem:s16+$0x0];
	v4 =	vnsel vm9, $0x0, v24;
	v5 =	vsel vm11, $0x3F800000, v12  }
0x219: {  	vm12 =	vgt.f32 v27, v6;
	v1 =	vadd.f32 v4, v1;
	v2 =	vadd.f32 v5, v2  }
0x21a: {  	v30 =	vld [tilespmem:s15+$0x0];
	v4 =	vnsel vm10, $0x0, v25;
	v5 =	vsel vm12, $0x3F800000, v12  }
0x21b: {  	s12 =	sld [smem:$0x7FD];
	vm13 =	vgt.f32 v28, v6;
	v1 =	vadd.f32 v4, v1;
	v2 =	vadd.f32 v5, v2  }
0x21c: {  	v31 =	vld [tilespmem:s14+$0x0];
	v4 =	vnsel vm11, $0x0, v26;
	v5 =	vsel vm13, $0x3F800000, v12  }
0x21d: {  	vm14 =	vgt.f32 v29, v6;
	v1 =	vadd.f32 v4, v1;
	v2 =	vadd.f32 v5, v2  }
0x21e: {  	v32 =	vld [tilespmem:s12+$0x0];
	v4 =	vnsel vm12, $0x0, v27;
	v5 =	vsel vm14, $0x3F800000, v12  }
0x21f: {  	vm15 =	vgt.f32 v30, v6;
	v1 =	vadd.f32 v4, v1;
	v2 =	vadd.f32 v5, v2  }
0x220: {  	v33 =	vld [tilespmem:s9+$0x0];
	v4 =	vnsel vm13, $0x0, v28;
	v5 =	vsel vm15, $0x3F800000, v12  }
0x221: {  	vm4 =	vgt.f32 v31, v6;
	v1 =	vadd.f32 v4, v1;
	v2 =	vadd.f32 v5, v2  }
0x222: {  	v34 =	vld [tilespmem:s6+$0x0];
	v4 =	vnsel vm14, $0x0, v29;
	v5 =	vsel vm4, $0x3F800000, v12  }
0x223: {  	vm5 =	vgt.f32 v32, v6;
	v1 =	vadd.f32 v4, v1;
	v2 =	vadd.f32 v5, v2  }
0x224: {  	v35 =	vld [tilespmem:s2+$0x0];
	v4 =	vnsel vm15, $0x0, v30;
	v5 =	vsel vm5, $0x3F800000, v12  }
0x225: {  	vm6 =	vgt.f32 v33, v6;
	v1 =	vadd.f32 v4, v1;
	v2 =	vadd.f32 v5, v2  }
0x226: {  	v36 =	vld [tilespmem:s0+$0x0];
	v4 =	vnsel vm4, $0x0, v31;
	v5 =	vsel vm6, $0x3F800000, v12  }
0x227: {  	vm7 =	vgt.f32 v34, v6;
	v1 =	vadd.f32 v4, v1;
	v2 =	vadd.f32 v5, v2  }
0x228: {  	v37 =	vld [tilespmem:s31+$0x0];
	v4 =	vnsel vm5, $0x0, v32;
	v5 =	vsel vm7, $0x3F800000, v12  }
0x229: {  	vm8 =	vgt.f32 v35, v6;
	v1 =	vadd.f32 v4, v1;
	v2 =	vadd.f32 v5, v2  }
0x22a: {  	v38 =	vld [tilespmem:s30+$0x0];
	v4 =	vnsel vm6, $0x0, v33;
	v5 =	vsel vm8, $0x3F800000, v12  }
0x22b: {  	vm9 =	vgt.f32 v36, v6;
	v1 =	vadd.f32 v4, v1;
	v2 =	vadd.f32 v5, v2  }
0x22c: {  	v39 =	vld [tilespmem:s29+$0x0];
	v4 =	vnsel vm7, $0x0, v34;
	v5 =	vsel vm9, $0x3F800000, v12  }
0x22d: {  	vm10 =	vgt.f32 v37, v6;
	v1 =	vadd.f32 v4, v1;
	v2 =	vadd.f32 v5, v2  }
0x22e: {  	v40 =	vld [tilespmem:s28+$0x0];
	v4 =	vnsel vm8, $0x0, v35;
	v5 =	vsel vm10, $0x3F800000, v12  }
0x22f: {  	vm11 =	vgt.f32 v38, v6;
	v1 =	vadd.f32 v4, v1;
	v2 =	vadd.f32 v5, v2  }
0x230: {  	v41 =	vld [tilespmem:s26+$0x0];
	v4 =	vnsel vm9, $0x0, v36;
	v5 =	vsel vm11, $0x3F800000, v12  }
0x231: {  	vm12 =	vgt.f32 v39, v6;
	v1 =	vadd.f32 v4, v1;
	v2 =	vadd.f32 v5, v2  }
0x232: {  	v42 =	vld [tilespmem:s25+$0x0];
	v4 =	vnsel vm10, $0x0, v37;
	v5 =	vsel vm12, $0x3F800000, v12  }
0x233: {  	vm13 =	vgt.f32 v40, v6;
	v1 =	vadd.f32 v4, v1;
	v2 =	vadd.f32 v5, v2  }
0x234: {  	v43 =	vld [tilespmem:s24+$0x0];
	v4 =	vnsel vm11, $0x0, v38;
	v5 =	vsel vm13, $0x3F800000, v12  }
0x235: {  	vm14 =	vgt.f32 v41, v6;
	v1 =	vadd.f32 v4, v1;
	v2 =	vadd.f32 v5, v2  }
0x236: {  	v44 =	vld [tilespmem:s23+$0x0];
	v4 =	vnsel vm12, $0x0, v39;
	v5 =	vsel vm14, $0x3F800000, v12  }
0x237: {  	vm15 =	vgt.f32 v42, v6;
	v1 =	vadd.f32 v4, v1;
	v2 =	vadd.f32 v5, v2  }
0x238: {  	v45 =	vld [tilespmem:s22+$0x0];
	v4 =	vnsel vm13, $0x0, v40;
	v5 =	vsel vm15, $0x3F800000, v12  }
0x239: {  	vm4 =	vgt.f32 v43, v6;
	v1 =	vadd.f32 v4, v1;
	v2 =	vadd.f32 v5, v2  }
0x23a: {  	v46 =	vld [tilespmem:s11+$0x0];
	v4 =	vnsel vm14, $0x0, v41;
	v5 =	vsel vm4, $0x3F800000, v12  }
0x23b: {  	vm5 =	vgt.f32 v44, v6;
	v1 =	vadd.f32 v4, v1;
	v2 =	vadd.f32 v5, v2  }
0x23c: {  	v47 =	vld [tilespmem:s10+$0x0];
	v4 =	vnsel vm15, $0x0, v42;
	v5 =	vsel vm5, $0x3F800000, v12  }
0x23d: {  	vm6 =	vgt.f32 v45, v6;
	v1 =	vadd.f32 v4, v1;
	v2 =	vadd.f32 v5, v2  }
0x23e: {  	v48 =	vld [tilespmem:s7+$0x0];
	v4 =	vnsel vm4, $0x0, v43;
	v5 =	vsel vm6, $0x3F800000, v12  }
0x23f: {  	vm7 =	vgt.f32 v46, v6;
	v1 =	vadd.f32 v4, v1;
	v2 =	vadd.f32 v5, v2  }
0x240: {  	v49 =	vld [tilespmem:s5+$0x0];
	v4 =	vnsel vm5, $0x0, v44;
	v5 =	vsel vm7, $0x3F800000, v12  }
0x241: {  	vm8 =	vgt.f32 v47, v6;
	v1 =	vadd.f32 v4, v1;
	v2 =	vadd.f32 v5, v2  }
0x242: {  	v50 =	vld [tilespmem:s4+$0x0];
	v4 =	vnsel vm6, $0x0, v45;
	v5 =	vsel vm8, $0x3F800000, v12  }
0x243: {  	vm9 =	vgt.f32 v48, v6;
	v1 =	vadd.f32 v4, v1;
	v2 =	vadd.f32 v5, v2  }
0x244: {  	v51 =	vld [tilespmem:s3+$0x0];
	v4 =	vnsel vm7, $0x0, v46;
	v5 =	vsel vm9, $0x3F800000, v12  }
0x245: {  	vm10 =	vgt.f32 v49, v6;
	v1 =	vadd.f32 v4, v1;
	v2 =	vadd.f32 v5, v2  }
0x246: {  	[smem:$0x7EC] =	sst s10;
	v52 =	vld [tilespmem:s8+$0x0];
	v4 =	vnsel vm8, $0x0, v47;
	v5 =	vsel vm10, $0x3F800000, v12  }
0x247: {  	s10 =	rddreg [dreg:$0xa];
	vm11 =	vgt.f32 v50, v6;
	v1 =	vadd.f32 v4, v1;
	v2 =	vadd.f32 v5, v2  }
0x248: {  	[smem:$0x7F1] =	sst s8;
	v53 =	vld [tilespmem:s10+$0x0];
	v4 =	vnsel vm9, $0x0, v48;
	v5 =	vsel vm11, $0x3F800000, v12  }
0x249: {  	s8 =	rddreg [dreg:$0x9];
	vm12 =	vgt.f32 v51, v6;
	v1 =	vadd.f32 v4, v1;
	v2 =	vadd.f32 v5, v2  }
0x24a: {  	[smem:$0x7EB] =	sst s11;
	v54 =	vld [tilespmem:s8+$0x0];
	v4 =	vnsel vm10, $0x0, v49;
	v5 =	vsel vm12, $0x3F800000, v12  }
0x24b: {  	s11 =	smov.u32 s6;
	s6 =	rddreg [dreg:$0xb];
	vm13 =	vgt.f32 v52, v6;
	v1 =	vadd.f32 v4, v1;
	v2 =	vadd.f32 v5, v2  }
0x24c: {  	[smem:$0x7ED] =	sst s7;
	v55 =	vld [tilespmem:s6+$0x0];
	v4 =	vnsel vm11, $0x0, v50;
	v5 =	vsel vm13, $0x3F800000, v12  }
0x24d: {  	s7 =	rddreg [dreg:$0xc];
	vm14 =	vgt.f32 v53, v6;
	v1 =	vadd.f32 v4, v1;
	v2 =	vadd.f32 v5, v2  }
0x24e: {  	[smem:$0x7EE] =	sst s5;
	v56 =	vld [tilespmem:s7+$0x0];
	v4 =	vnsel vm12, $0x0, v51;
	v5 =	vsel vm14, $0x3F800000, v12  }
0x24f: {  	s5 =	rddreg [dreg:$0xd];
	vm15 =	vgt.f32 v54, v6;
	v1 =	vadd.f32 v4, v1;
	v2 =	vadd.f32 v5, v2  }
0x250: {  	[smem:$0x7EF] =	sst s4;
	v57 =	vld [tilespmem:s5+$0x0];
	v4 =	vnsel vm13, $0x0, v52;
	v5 =	vsel vm15, $0x3F800000, v12  }
0x251: {  	s4 =	rddreg [dreg:$0xe];
	vm4 =	vgt.f32 v55, v6;
	v1 =	vadd.f32 v4, v1;
	v2 =	vadd.f32 v5, v2  }
0x252: {  	[smem:$0x7F0] =	sst s3;
	v58 =	vld [tilespmem:s4+$0x0];
	v4 =	vnsel vm14, $0x0, v53;
	v5 =	vsel vm4, $0x3F800000, v12  }
0x253: {  	s3 =	rddreg [dreg:$0xf];
	vm5 =	vgt.f32 v56, v6;
	v1 =	vadd.f32 v4, v1;
	v2 =	vadd.f32 v5, v2  }
0x254: {  	[smem:$0x7EA] =	sst s22;
	v59 =	vld [tilespmem:s3+$0x0];
	v4 =	vnsel vm15, $0x0, v54;
	v5 =	vsel vm5, $0x3F800000, v12  }
0x255: {  	s22 =	smov.u32 s2;
	s2 =	rddreg [dreg:$0x10];
	vm6 =	vgt.f32 v57, v6;
	v1 =	vadd.f32 v4, v1;
	v2 =	vadd.f32 v5, v2  }
0x256: {  	v60 =	vld [tilespmem:s2+$0x0];
	v4 =	vnsel vm4, $0x0, v55;
	v5 =	vsel vm6, $0x3F800000, v12  }
0x257: {  	s1 =	rddreg [dreg:$0x11];
	vm7 =	vgt.f32 v58, v6;
	v1 =	vadd.f32 v4, v1;
	v2 =	vadd.f32 v5, v2  }
0x258: {  	[smem:$0x7E9] =	sst s23;
	v61 =	vld [tilespmem:s1+$0x0];
	v4 =	vnsel vm5, $0x0, v56;
	v5 =	vsel vm7, $0x3F800000, v12  }
0x259: {  	s23 =	smov.u32 s0;
	s0 =	rddreg [dreg:$0x12];
	vm8 =	vgt.f32 v59, v6;
	v1 =	vadd.f32 v4, v1;
	v2 =	vadd.f32 v5, v2  }
0x25a: {  	v62 =	vld [tilespmem:s0+$0x0];
	v4 =	vnsel vm6, $0x0, v57;
	v5 =	vsel vm8, $0x3F800000, v12  }
0x25b: {  	vm9 =	vgt.f32 v60, v6;
	v1 =	vadd.f32 v4, v1;
	v2 =	vadd.f32 v5, v2  }
0x25c: {  	v4 =	vnsel vm7, $0x0, v58;
	v5 =	vsel vm9, $0x3F800000, v12  }
0x25d: {  	vm10 =	vgt.f32 v61, v6;
	v1 =	vadd.f32 v4, v1;
	v2 =	vadd.f32 v5, v2  }
0x25e: {  	v4 =	vnsel vm8, $0x0, v59;
	v5 =	vsel vm10, $0x3F800000, v12  }
0x25f: {  	vm11 =	vgt.f32 v62, v6;
	v1 =	vadd.f32 v4, v1;
	v2 =	vadd.f32 v5, v2  }
0x260: {  	v4 =	vnsel vm9, $0x0, v60;
	v5 =	vsel vm11, $0x3F800000, v12  }
0x261: {  	v1 =	vadd.f32 v4, v1;
	v2 =	vadd.f32 v5, v2  }
0x262: {  	v4 =	vnsel vm10, $0x0, v61;
	v5 =	vand.u32 $0xF, v14  }
0x263: {  	v1 =	vadd.f32 v4, v1;
	v4 =	vperm.xlane v2, v5  }
0x264: {  	v7 =	vnsel vm11, $0x0, v62  }
0x265: {  	v1 =	vadd.f32 v7, v1;
	v2 =	vadd.f32 v4, v2  }
0x266: {  	v4 =	vand.u32 $0xF, v15  }
0x267: {  	v5 =	vperm.xlane v1, v5;
	v63 =	vperm.xlane v2, v4;
	_ =	sdelay $0x1  }
0x268: {  	v1 =	vadd.f32 v1, v5;
	v2 =	vadd.f32 v63, v2  }
0x269: {  	v5 =	vand.u32 $0xF, v16  }
0x26a: {  	v4 =	vperm.xlane v1, v4;
	v7 =	vperm.xlane v2, v5;
	_ =	sdelay $0x1  }
0x26b: {  	v1 =	vadd.f32 v1, v4;
	v2 =	vadd.f32 v7, v2;
	_ =	sdelay $0x1  }
0x26c: {  	v4 =	vperm.xlane v1, v5;
	v5 =	vperm.xlane v2, v18;
	_ =	sdelay $0x1  }
0x26d: {  	v1 =	vadd.f32 v1, v4;
	v2 =	vadd.f32 v5, v2;
	_ =	sdelay $0x1  }
0x26e: {  	v4 =	vperm.xlane v1, v18;
	v2 =	vsub.f32 $1.280000000e+02, v2;
	_ =	sdelay $0x1  }
0x26f: {  	v1 =	vadd.f32 v1, v4;
	v2 =	vmul.f32 v6, v2;
	_ =	sdelay $0x1  }
0x270: {  	v1 =	vadd.f32 v2, v1;
	_ =	sdelay $0x1  }
0x271: {  	v1 =	vmul.f32 $7.812500000e-03, v1  }
0x272: {  	vm12 =	vge.f32 v0, v6  }
0x273: {  	v0 =	vnsel vm12, $0x0, v1  }
0x274: {  	[tilespmem:s13+$0x4000] =	vst v0;
	s13 =	sld [smem:$0x7E6];
	_ =	sdelay $0x2  }
0x275: {  	v0 =	vld [tilespmem:s13+$0x0];
	_ =	sdelay $0x4  }
0x276: {  	vm13 =	vge.f32 v0, v6  }
0x277: {  	v0 =	vnsel vm13, $0x0, v1  }
0x278: {  	[tilespmem:s13+$0x4000] =	vst v0;
	s13 =	sld [smem:$0x7E7];
	_ =	sdelay $0x2  }
0x279: {  	v0 =	vld [tilespmem:s13+$0x0];
	_ =	sdelay $0x4  }
0x27a: {  	vm14 =	vge.f32 v0, v6  }
0x27b: {  	v0 =	vnsel vm14, $0x0, v1  }
0x27c: {  	[tilespmem:s13+$0x4000] =	vst v0;
	s13 =	sld [smem:$0x7E8];
	_ =	sdelay $0x2  }
0x27d: {  	v0 =	vld [tilespmem:s13+$0x0];
	_ =	sdelay $0x4  }
0x27e: {  	vm15 =	vge.f32 v0, v6  }
0x27f: {  	v0 =	vnsel vm15, $0x0, v1  }
0x280: {  	[tilespmem:s13+$0x4000] =	vst v0;
	s13 =	sld [smem:$0x7F2];
	_ =	sdelay $0x2  }
0x281: {  	v0 =	vld [tilespmem:s13+$0x0];
	_ =	sdelay $0x4  }
0x282: {  	vm4 =	vge.f32 v0, v6  }
0x283: {  	v0 =	vnsel vm4, $0x0, v1  }
0x284: {  	[tilespmem:s13+$0x4000] =	vst v0;
	s13 =	sld [smem:$0x7F3];
	_ =	sdelay $0x2  }
0x285: {  	v0 =	vld [tilespmem:s13+$0x0];
	_ =	sdelay $0x4  }
0x286: {  	vm5 =	vge.f32 v0, v6  }
0x287: {  	v0 =	vnsel vm5, $0x0, v1  }
0x288: {  	[tilespmem:s13+$0x4000] =	vst v0;
	s13 =	sld [smem:$0x7F4];
	_ =	sdelay $0x2  }
0x289: {  	v0 =	vld [tilespmem:s13+$0x0];
	_ =	sdelay $0x4  }
0x28a: {  	vm6 =	vge.f32 v0, v6  }
0x28b: {  	v0 =	vnsel vm6, $0x0, v1  }
0x28c: {  	[tilespmem:s13+$0x4000] =	vst v0;
	s13 =	sld [smem:$0x7F5];
	_ =	sdelay $0x2  }
0x28d: {  	v0 =	vld [tilespmem:s13+$0x0];
	_ =	sdelay $0x4  }
0x28e: {  	vm7 =	vge.f32 v0, v6  }
0x28f: {  	v0 =	vnsel vm7, $0x0, v1  }
0x290: {  	[tilespmem:s13+$0x4000] =	vst v0;
	s13 =	sld [smem:$0x7F6];
	_ =	sdelay $0x2  }
0x291: {  	v0 =	vld [tilespmem:s13+$0x0];
	_ =	sdelay $0x4  }
0x292: {  	vm8 =	vge.f32 v0, v6  }
0x293: {  	v0 =	vnsel vm8, $0x0, v1  }
0x294: {  	[tilespmem:s13+$0x4000] =	vst v0;
	s13 =	sld [smem:$0x7F7];
	_ =	sdelay $0x2  }
0x295: {  	v0 =	vld [tilespmem:s13+$0x0];
	_ =	sdelay $0x4  }
0x296: {  	vm9 =	vge.f32 v0, v6  }
0x297: {  	v0 =	vnsel vm9, $0x0, v1  }
0x298: {  	[tilespmem:s13+$0x4000] =	vst v0;
	s13 =	sld [smem:$0x7F8];
	_ =	sdelay $0x2  }
0x299: {  	v0 =	vld [tilespmem:s13+$0x0];
	_ =	sdelay $0x4  }
0x29a: {  	vm10 =	vge.f32 v0, v6  }
0x29b: {  	v0 =	vnsel vm10, $0x0, v1  }
0x29c: {  	[tilespmem:s13+$0x4000] =	vst v0;
	s13 =	sld [smem:$0x7F9];
	_ =	sdelay $0x2  }
0x29d: {  	v0 =	vld [tilespmem:s13+$0x0];
	_ =	sdelay $0x4  }
0x29e: {  	vm11 =	vge.f32 v0, v6  }
0x29f: {  	v0 =	vnsel vm11, $0x0, v1  }
0x2a0: {  	[tilespmem:s13+$0x4000] =	vst v0;
	s13 =	sld [smem:$0x7FA];
	_ =	sdelay $0x2  }
0x2a1: {  	v0 =	vld [tilespmem:s13+$0x0];
	_ =	sdelay $0x4  }
0x2a2: {  	vm12 =	vge.f32 v0, v6  }
0x2a3: {  	v0 =	vnsel vm12, $0x0, v1  }
0x2a4: {  	[tilespmem:s13+$0x4000] =	vst v0;
	s13 =	rddreg [dreg:$0x1f]  }
0x2a5: {  	v0 =	vld [tilespmem:s13+$0x0];
	_ =	sdelay $0x4  }
0x2a6: {  	vm13 =	vge.f32 v0, v6  }
0x2a7: {  	v0 =	vnsel vm13, $0x0, v1  }
0x2a8: {  	[tilespmem:s13+$0x4000] =	vst v0;
	s13 =	rddreg [dreg:$0x1e]  }
0x2a9: {  	v0 =	vld [tilespmem:s13+$0x0];
	_ =	sdelay $0x4  }
0x2aa: {  	vm14 =	vge.f32 v0, v6  }
0x2ab: {  	v0 =	vnsel vm14, $0x0, v1  }
0x2ac: {  	[tilespmem:s13+$0x4000] =	vst v0;
	s13 =	rddreg [dreg:$0x1d]  }
0x2ad: {  	v0 =	vld [tilespmem:s13+$0x0];
	_ =	sdelay $0x4  }
0x2ae: {  	vm15 =	vge.f32 v0, v6  }
0x2af: {  	v0 =	vnsel vm15, $0x0, v1  }
0x2b0: {  	[tilespmem:s13+$0x4000] =	vst v0;
	s13 =	rddreg [dreg:$0x1c]  }
0x2b1: {  	v0 =	vld [tilespmem:s13+$0x0];
	_ =	sdelay $0x4  }
0x2b2: {  	vm4 =	vge.f32 v0, v6  }
0x2b3: {  	v0 =	vnsel vm4, $0x0, v1  }
0x2b4: {  	[tilespmem:s13+$0x4000] =	vst v0;
	s13 =	rddreg [dreg:$0x1b]  }
0x2b5: {  	v0 =	vld [tilespmem:s13+$0x0];
	_ =	sdelay $0x4  }
0x2b6: {  	vm5 =	vge.f32 v0, v6  }
0x2b7: {  	v0 =	vnsel vm5, $0x0, v1  }
0x2b8: {  	[tilespmem:s13+$0x4000] =	vst v0;
	s13 =	rddreg [dreg:$0x1a]  }
0x2b9: {  	v0 =	vld [tilespmem:s13+$0x0];
	_ =	sdelay $0x4  }
0x2ba: {  	vm6 =	vge.f32 v0, v6  }
0x2bb: {  	v0 =	vnsel vm6, $0x0, v1  }
0x2bc: {  	[tilespmem:s13+$0x4000] =	vst v0;
	s13 =	rddreg [dreg:$0x19]  }
0x2bd: {  	v0 =	vld [tilespmem:s13+$0x0];
	_ =	sdelay $0x4  }
0x2be: {  	vm7 =	vge.f32 v0, v6  }
0x2bf: {  	v0 =	vnsel vm7, $0x0, v1  }
0x2c0: {  	[tilespmem:s13+$0x4000] =	vst v0;
	s13 =	rddreg [dreg:$0x18]  }
0x2c1: {  	v0 =	vld [tilespmem:s13+$0x0];
	_ =	sdelay $0x4  }
0x2c2: {  	vm8 =	vge.f32 v0, v6  }
0x2c3: {  	v0 =	vnsel vm8, $0x0, v1  }
0x2c4: {  	[tilespmem:s13+$0x4000] =	vst v0;
	s13 =	rddreg [dreg:$0x17]  }
0x2c5: {  	v0 =	vld [tilespmem:s13+$0x0];
	_ =	sdelay $0x4  }
0x2c6: {  	vm9 =	vge.f32 v0, v6  }
0x2c7: {  	v0 =	vnsel vm9, $0x0, v1  }
0x2c8: {  	[tilespmem:s13+$0x4000] =	vst v0;
	s13 =	rddreg [dreg:$0x16]  }
0x2c9: {  	v0 =	vld [tilespmem:s13+$0x0];
	_ =	sdelay $0x4  }
0x2ca: {  	vm10 =	vge.f32 v0, v6  }
0x2cb: {  	v0 =	vnsel vm10, $0x0, v1  }
0x2cc: {  	[tilespmem:s13+$0x4000] =	vst v0;
	s13 =	rddreg [dreg:$0x15]  }
0x2cd: {  	v0 =	vld [tilespmem:s13+$0x0];
	_ =	sdelay $0x4  }
0x2ce: {  	vm11 =	vge.f32 v0, v6  }
0x2cf: {  	v0 =	vnsel vm11, $0x0, v1  }
0x2d0: {  	[tilespmem:s13+$0x4000] =	vst v0;
	s13 =	rddreg [dreg:$0x14]  }
0x2d1: {  	v0 =	vld [tilespmem:s13+$0x0];
	_ =	sdelay $0x4  }
0x2d2: {  	vm12 =	vge.f32 v0, v6  }
0x2d3: {  	v0 =	vnsel vm12, $0x0, v1  }
0x2d4: {  	[tilespmem:s13+$0x4000] =	vst v0  }
0x2d5: {  	v0 =	vld [tilespmem:s21+$0x0];
	_ =	sdelay $0x4  }
0x2d6: {  	vm13 =	vge.f32 v0, v6  }
0x2d7: {  	v0 =	vnsel vm13, $0x0, v1  }
0x2d8: {  	[tilespmem:s21+$0x4000] =	vst v0  }
0x2d9: {  	v0 =	vld [tilespmem:s20+$0x0];
	_ =	sdelay $0x4  }
0x2da: {  	vm14 =	vge.f32 v0, v6  }
0x2db: {  	v0 =	vnsel vm14, $0x0, v1  }
0x2dc: {  	[tilespmem:s20+$0x4000] =	vst v0  }
0x2dd: {  	v0 =	vld [tilespmem:s19+$0x0];
	_ =	sdelay $0x4  }
0x2de: {  	vm15 =	vge.f32 v0, v6  }
0x2df: {  	v0 =	vnsel vm15, $0x0, v1  }
0x2e0: {  	[tilespmem:s19+$0x4000] =	vst v0  }
0x2e1: {  	v0 =	vld [tilespmem:s18+$0x0];
	_ =	sdelay $0x4  }
0x2e2: {  	vm4 =	vge.f32 v0, v6  }
0x2e3: {  	v0 =	vnsel vm4, $0x0, v1  }
0x2e4: {  	[tilespmem:s18+$0x4000] =	vst v0  }
0x2e5: {  	v0 =	vld [tilespmem:s17+$0x0];
	_ =	sdelay $0x4  }
0x2e6: {  	vm5 =	vge.f32 v0, v6  }
0x2e7: {  	v0 =	vnsel vm5, $0x0, v1  }
0x2e8: {  	[tilespmem:s17+$0x4000] =	vst v0  }
0x2e9: {  	v0 =	vld [tilespmem:s16+$0x0];
	_ =	sdelay $0x4  }
0x2ea: {  	vm6 =	vge.f32 v0, v6  }
0x2eb: {  	v0 =	vnsel vm6, $0x0, v1  }
0x2ec: {  	[tilespmem:s16+$0x4000] =	vst v0  }
0x2ed: {  	v0 =	vld [tilespmem:s15+$0x0];
	_ =	sdelay $0x4  }
0x2ee: {  	vm7 =	vge.f32 v0, v6  }
0x2ef: {  	v0 =	vnsel vm7, $0x0, v1  }
0x2f0: {  	[tilespmem:s15+$0x4000] =	vst v0  }
0x2f1: {  	v0 =	vld [tilespmem:s14+$0x0];
	_ =	sdelay $0x4  }
0x2f2: {  	vm8 =	vge.f32 v0, v6  }
0x2f3: {  	v0 =	vnsel vm8, $0x0, v1  }
0x2f4: {  	[tilespmem:s14+$0x4000] =	vst v0  }
0x2f5: {  	v0 =	vld [tilespmem:s12+$0x0];
	_ =	sdelay $0x4  }
0x2f6: {  	vm9 =	vge.f32 v0, v6  }
0x2f7: {  	v0 =	vnsel vm9, $0x0, v1  }
0x2f8: {  	[tilespmem:s12+$0x4000] =	vst v0  }
0x2f9: {  	v0 =	vld [tilespmem:s9+$0x0];
	_ =	sdelay $0x4  }
0x2fa: {  	vm10 =	vge.f32 v0, v6  }
0x2fb: {  	v0 =	vnsel vm10, $0x0, v1  }
0x2fc: {  	[tilespmem:s9+$0x4000] =	vst v0  }
0x2fd: {  	v0 =	vld [tilespmem:s11+$0x0];
	_ =	sdelay $0x4  }
0x2fe: {  	vm11 =	vge.f32 v0, v6  }
0x2ff: {  	v0 =	vnsel vm11, $0x0, v1  }
0x300: {  	[tilespmem:s11+$0x4000] =	vst v0  }
0x301: {  	v0 =	vld [tilespmem:s22+$0x0];
	_ =	sdelay $0x4  }
0x302: {  	vm12 =	vge.f32 v0, v6  }
0x303: {  	v0 =	vnsel vm12, $0x0, v1  }
0x304: {  	[tilespmem:s22+$0x4000] =	vst v0  }
0x305: {  	v0 =	vld [tilespmem:s23+$0x0];
	_ =	sdelay $0x4  }
0x306: {  	vm13 =	vge.f32 v0, v6  }
0x307: {  	v0 =	vnsel vm13, $0x0, v1  }
0x308: {  	[tilespmem:s23+$0x4000] =	vst v0  }
0x309: {  	v0 =	vld [tilespmem:s31+$0x0];
	_ =	sdelay $0x4  }
0x30a: {  	vm14 =	vge.f32 v0, v6  }
0x30b: {  	v0 =	vnsel vm14, $0x0, v1  }
0x30c: {  	[tilespmem:s31+$0x4000] =	vst v0  }
0x30d: {  	v0 =	vld [tilespmem:s30+$0x0];
	_ =	sdelay $0x4  }
0x30e: {  	vm15 =	vge.f32 v0, v6  }
0x30f: {  	v0 =	vnsel vm15, $0x0, v1  }
0x310: {  	[tilespmem:s30+$0x4000] =	vst v0  }
0x311: {  	v0 =	vld [tilespmem:s29+$0x0];
	_ =	sdelay $0x4  }
0x312: {  	vm4 =	vge.f32 v0, v6  }
0x313: {  	v0 =	vnsel vm4, $0x0, v1  }
0x314: {  	[tilespmem:s29+$0x4000] =	vst v0  }
0x315: {  	v0 =	vld [tilespmem:s28+$0x0];
	_ =	sdelay $0x4  }
0x316: {  	vm5 =	vge.f32 v0, v6  }
0x317: {  	v0 =	vnsel vm5, $0x0, v1  }
0x318: {  	[tilespmem:s28+$0x4000] =	vst v0  }
0x319: {  	v0 =	vld [tilespmem:s26+$0x0];
	_ =	sdelay $0x4  }
0x31a: {  	vm6 =	vge.f32 v0, v6  }
0x31b: {  	v0 =	vnsel vm6, $0x0, v1  }
0x31c: {  	[tilespmem:s26+$0x4000] =	vst v0  }
0x31d: {  	v0 =	vld [tilespmem:s25+$0x0];
	_ =	sdelay $0x4  }
0x31e: {  	vm7 =	vge.f32 v0, v6  }
0x31f: {  	v0 =	vnsel vm7, $0x0, v1  }
0x320: {  	[tilespmem:s25+$0x4000] =	vst v0  }
0x321: {  	v0 =	vld [tilespmem:s24+$0x0];
	_ =	sdelay $0x4  }
0x322: {  	s21 =	sld [smem:$0x7E9];
	vm8 =	vge.f32 v0, v6  }
0x323: {  	v0 =	vnsel vm8, $0x0, v1  }
0x324: {  	[tilespmem:s24+$0x4000] =	vst v0  }
0x325: {  	v0 =	vld [tilespmem:s21+$0x0];
	_ =	sdelay $0x4  }
0x326: {  	s22 =	sld [smem:$0x7EA];
	vm9 =	vge.f32 v0, v6  }
0x327: {  	v0 =	vnsel vm9, $0x0, v1  }
0x328: {  	[tilespmem:s21+$0x4000] =	vst v0  }
0x329: {  	v0 =	vld [tilespmem:s22+$0x0];
	_ =	sdelay $0x4  }
0x32a: {  	s23 =	sld [smem:$0x7EB];
	vm10 =	vge.f32 v0, v6  }
0x32b: {  	v0 =	vnsel vm10, $0x0, v1  }
0x32c: {  	[tilespmem:s22+$0x4000] =	vst v0  }
0x32d: {  	v0 =	vld [tilespmem:s23+$0x0];
	_ =	sdelay $0x4  }
0x32e: {  	s24 =	sld [smem:$0x7EC];
	vm11 =	vge.f32 v0, v6  }
0x32f: {  	v0 =	vnsel vm11, $0x0, v1  }
0x330: {  	[tilespmem:s23+$0x4000] =	vst v0  }
0x331: {  	v0 =	vld [tilespmem:s24+$0x0];
	_ =	sdelay $0x4  }
0x332: {  	s25 =	sld [smem:$0x7ED];
	vm12 =	vge.f32 v0, v6  }
0x333: {  	v0 =	vnsel vm12, $0x0, v1  }
0x334: {  	[tilespmem:s24+$0x4000] =	vst v0  }
0x335: {  	v0 =	vld [tilespmem:s25+$0x0];
	_ =	sdelay $0x4  }
0x336: {  	s26 =	sld [smem:$0x7EE];
	vm13 =	vge.f32 v0, v6  }
0x337: {  	v0 =	vnsel vm13, $0x0, v1  }
0x338: {  	[tilespmem:s25+$0x4000] =	vst v0  }
0x339: {  	v0 =	vld [tilespmem:s26+$0x0];
	_ =	sdelay $0x4  }
0x33a: {  	s28 =	sld [smem:$0x7EF];
	vm14 =	vge.f32 v0, v6  }
0x33b: {  	v0 =	vnsel vm14, $0x0, v1  }
0x33c: {  	[tilespmem:s26+$0x4000] =	vst v0  }
0x33d: {  	v0 =	vld [tilespmem:s28+$0x0];
	_ =	sdelay $0x4  }
0x33e: {  	s29 =	sld [smem:$0x7F0];
	vm15 =	vge.f32 v0, v6  }
0x33f: {  	v0 =	vnsel vm15, $0x0, v1  }
0x340: {  	[tilespmem:s28+$0x4000] =	vst v0  }
0x341: {  	v0 =	vld [tilespmem:s29+$0x0];
	_ =	sdelay $0x4  }
0x342: {  	s30 =	sld [smem:$0x7F1];
	vm4 =	vge.f32 v0, v6  }
0x343: {  	v0 =	vnsel vm4, $0x0, v1  }
0x344: {  	[tilespmem:s29+$0x4000] =	vst v0  }
0x345: {  	v0 =	vld [tilespmem:s30+$0x0];
	_ =	sdelay $0x4  }
0x346: {  	vm5 =	vge.f32 v0, v6  }
0x347: {  	v0 =	vnsel vm5, $0x0, v1  }
0x348: {  	[tilespmem:s30+$0x4000] =	vst v0  }
0x349: {  	v0 =	vld [tilespmem:s10+$0x0];
	_ =	sdelay $0x4  }
0x34a: {  	vm6 =	vge.f32 v0, v6  }
0x34b: {  	v0 =	vnsel vm6, $0x0, v1  }
0x34c: {  	[tilespmem:s10+$0x4000] =	vst v0  }
0x34d: {  	v0 =	vld [tilespmem:s8+$0x0];
	_ =	sdelay $0x4  }
0x34e: {  	vm7 =	vge.f32 v0, v6  }
0x34f: {  	v0 =	vnsel vm7, $0x0, v1  }
0x350: {  	[tilespmem:s8+$0x4000] =	vst v0  }
0x351: {  	v0 =	vld [tilespmem:s6+$0x0];
	_ =	sdelay $0x4  }
0x352: {  	vm8 =	vge.f32 v0, v6  }
0x353: {  	v0 =	vnsel vm8, $0x0, v1  }
0x354: {  	[tilespmem:s6+$0x4000] =	vst v0  }
0x355: {  	v0 =	vld [tilespmem:s7+$0x0];
	_ =	sdelay $0x4  }
0x356: {  	vm9 =	vge.f32 v0, v6  }
0x357: {  	v0 =	vnsel vm9, $0x0, v1  }
0x358: {  	[tilespmem:s7+$0x4000] =	vst v0  }
0x359: {  	v0 =	vld [tilespmem:s5+$0x0];
	_ =	sdelay $0x4  }
0x35a: {  	vm10 =	vge.f32 v0, v6  }
0x35b: {  	v0 =	vnsel vm10, $0x0, v1  }
0x35c: {  	[tilespmem:s5+$0x4000] =	vst v0  }
0x35d: {  	v0 =	vld [tilespmem:s4+$0x0];
	_ =	sdelay $0x4  }
0x35e: {  	vm11 =	vge.f32 v0, v6  }
0x35f: {  	v0 =	vnsel vm11, $0x0, v1  }
0x360: {  	[tilespmem:s4+$0x4000] =	vst v0  }
0x361: {  	v0 =	vld [tilespmem:s3+$0x0];
	_ =	sdelay $0x4  }
0x362: {  	vm12 =	vge.f32 v0, v6  }
0x363: {  	v0 =	vnsel vm12, $0x0, v1  }
0x364: {  	[tilespmem:s3+$0x4000] =	vst v0  }
0x365: {  	v0 =	vld [tilespmem:s2+$0x0];
	_ =	sdelay $0x4  }
0x366: {  	vm13 =	vge.f32 v0, v6  }
0x367: {  	v0 =	vnsel vm13, $0x0, v1  }
0x368: {  	[tilespmem:s2+$0x4000] =	vst v0  }
0x369: {  	v0 =	vld [tilespmem:s1+$0x0];
	_ =	sdelay $0x4  }
0x36a: {  	vm14 =	vge.f32 v0, v6  }
0x36b: {  	v0 =	vnsel vm14, $0x0, v1  }
0x36c: {  	[tilespmem:s1+$0x4000] =	vst v0  }
0x36d: {  	s31 =	rddreg [dreg:$0x13];
	v0 =	vld [tilespmem:s0+$0x0]  }
0x36e: {  	s1 =	sadd.s32 $0x1, s31  }
0x36f: {  	p0 =	sne.s32 s1, $0x10  }
.Ltmp1:
0x370: {  	_ = 	snop;
	(pc) =	sbr.rel @p0 .LBB2_3-.Ltmp1, $4  }
0x371: {  	_ = 	snop  }
0x372: {  	vm15 =	vge.f32 v0, v6  }
0x373: {  	v0 =	vnsel vm15, $0x0, v1  }
0x374: {  	[tilespmem:s0+$0x4000] =	vst v0  }
0x375: {  	s0 =	rddreg [dreg:$0x3]  }
0x376: {  	s1 =	rddreg [dreg:$0x8]  }
0x377: {  	s30 =	simm.s32 $0x0;
	s2 =	simm.s32 $0x4000;
	s0 =	sadd.s32 s0, s1  }
0x378: {  	[hbm4b:s0+s30] =	stream.linear.scatter [tilespmem:s2], [sflag:$0x1], $0x4000, $0x38;
	[tilespmem:$0x8400] =	vst v63  }
0x379: {  	s2 =	simm.s32 $0x1  }
0x37a: {  	_ =	swait.ge [sflag:s2], $0x4000  }
0x37b: {  	s31 =	rddreg [dreg:$0x7]  }
0x37c: {  	s0 =	sadd.s32 $0x1, s31  }
0x37d: {  	p0 =	sne.s32 s0, $0x7  }
.Ltmp2:
0x37e: {  	_ = 	snop;
	(pc) =	sbr.rel @p0 .LBB2_2-.Ltmp2, $3  }
0x37f: {  	_ =	sdelay $0x1  }
0x380: {  	[sflag:s2] =	ssyncset.done $0x0  }
0x381: {  	[sflag:s2] =	ssyncadd.s32 $0xFFFFC000  }
0x382: {  	s1 =	rddreg [dreg:$0x6]  }
0x383: {  	s0 =	rddreg [dreg:$0x5];
	s1 =	sadd.s32 $0x1, s1  }
0x384: {  	p0 =	sne.s32 s1, s0  }
.Ltmp3:
0x385: {  	_ = 	snop;
	(pc) =	sbr.rel @p0 .LBB2_1-.Ltmp3, $1  }
0x386: {  	_ =	sdelay $0x3  }
0x387: {  	_ =	sfence.sel $0x180000  }
0x388: {  	[bflag:$0x0] =	sbarrier.arrive $0xFFFF  }
0x389: {  	_ =	strace $0x9000004A  }
0x38a: {  	s0 =	stileid.u32;
	[bflag:$0x2] =	sbarrier.arrive $0xFFFF  }
0x38b: {  	p0 =	sne.s32 s0, $0x0;
	s0 =	rddreg [dreg:$0x1]  }
0x38c: {  	s0 =	sadd.s32 @!p0 $0x100000, s0  }
0x38d: {  	[sflag:s0] =	ssyncadd.tile.s32 @!p0 $0x1;
	_ =	shalt  }
.Lfunc_end2:
_tile_overlayer_lowered:
.L_overlay_start_2:
0x38e: {  	(tag) =	ssettag $0x2  }
0x38f: {  	s0 =	rddreg [dreg:$0x0];
	s2 =	stileid.u32  }
0x390: {  	s1 =	rddreg [dreg:$0x1];
	p0 =	sne.s32 s2, $0x0  }
0x391: {  	s3 =	rddreg [dreg:$0x2];
	[bflag:$0x3] =	sbarrier.arrive $0xFFFF;
	s2 =	simm.s32 @!p0 $0x1C01  }
0x392: {  	[timem:s3], [sflag:s2] =	dma.local @!p0 [hbm:s0], s1  }
0x393: {  	s0 =	simm.s32 @!p0 $0x1  }
0x394: {  	_ =	swait.ge @!p0 [sflag:s0], s1  }
0x395: {  	s1 =	ssub.s32 @!p0 $0x0, s1;
	[sflag:s0] =	ssyncset.done @!p0 $0x0  }
0x396: {  	[sflag:s0] =	ssyncadd.s32 @!p0 s1  }
0x397: {  	[bflag:$0x3] =	sbarrier.arrive $0xFFFF  }
0x398: {  	_ =	shalt  }

// kernel: sparse-core-data-format-call.1.cloned.1.call-start
scs
called_computation.1_lowered:
.L_overlay_start_0:
0x0: {  	s1 =	sld [smem:$0x3FD9]  }
0x1: {  	s2 =	sld [smem:$0x3FFE];
	_ =	sdelay $0x1  }
0x2: {  	s3 =	srdreg.scid  }
0x3: {  	s0 =	sand.u32 $0x1, s3  }
0x4: {  	s17 =	sshll.u32 s0, $0xA;
	s1 =	sadd.s32 s2, s1  }
0x5: {  	s1 =	sadd.s32 s1, s17  }
0x6: {  	[smem:$0x3FC7] =	sst s1  }
0x7: {  	_ = 	snop  }
0x8: {  	(tm) =	ssettm $0x1  }
0x9: {  	s18 =	sld [smem:$0x3FFB];
	_ =	sdelay $0x3  }
0xa: {  	_ =	strace s18  }
0xb: {  	s1 =	sld [smem:$0x3FFC];
	_ =	sdelay $0x3  }
0xc: {  	_ =	strace s1  }
0xd: {  	s1 =	sld [smem:$0x3FFD];
	_ =	sdelay $0x3  }
0xe: {  	_ =	strace s1  }
0xf: {  	_ =	strace $0x8FFFFFFF  }
0x10: {  	s19 =	sld [smem:$0x3FDB];
	_ =	sdelay $0x1  }
0x11: {  	s20 =	simm.s32 $_scs_section_size  }
0x12: {  	s4 =	simm.s32 $_size__tile_overlayer_lowered;
	s5 =	simm.s32 $_tile_overlayer_lowered  }
0x13: {  	s23 =	simm.s32 $0x1BFF;
	s22 =	sshll.u32 s5, $0x1;
	s1 =	sadd.s32 s20, s19  }
0x14: {  	s6 =	simm.s32 $0x0;
	s21 =	sshll.u32 s4, $0x1;
	s4 =	sadd.s32 s22, s1  }
0x15: {  	[timem:s6], [sflag:s23] =	dma.local [hbm:s4], s21  }
0x16: {  	_ =	swait.ge [sflag:s23], s21  }
0x17: {  	s2 =	ssub.s32 $0x0, s21;
	[sflag:s23] =	ssyncset.done $0x0  }
0x18: {  	[sflag:s23] =	ssyncadd.s32 s2;
	_ =	sdelay $0x1  }
0x19: {  	s24 =	simm.s32 $0x1B8B  }
0x1a: {  	_ =	swait.ge [sflag:s24], $0x1  }
0x1b: {  	[sflag:s24] =	ssyncset.done $0x0  }
0x1c: {  	s26 =	simm.s32 $0x1B8E;
	s25 =	sld [smem:$0x3FFE];
	[sflag:s24] =	ssyncadd.s32 $0xFFFFFFFF  }
0x1d: {  	s27 =	simm.s32 $execute0_lowered;
	[smem:$0x3FD2] =	sst s26  }
0x1e: {  	s4 =	sshll.u32 s27, $0x1;
	_ =	strace $0x8000004F;
	[dreg:$0x1] =	wrdreg $0xFFFFFFFF  }
0x1f: {  	s28 =	simm.s32 $_size_execute0_lowered;
	s1 =	sadd.s32 s1, s4;
	[dreg:$0x0] =	wrdreg $0x0  }
0x20: {  	s4 =	sshll.u32 s28, $0x1;
	[dreg:$0x2] =	wrdreg s1  }
0x21: {  	[dreg:$0x3] =	wrdreg s4  }
0x22: {  	[dreg:$0x4] =	wrdreg $0xC0  }
0x23: {  	_ =	task [dreg:s6], $0x5FFFF  }
0x24: {  	[dreg:$0x1] =	wrdreg $0xFFFFFFFF  }
0x25: {  	[dreg:$0x0] =	wrdreg $0x60  }
0x26: {  	[dreg:$0x2] =	wrdreg s25  }
0x27: {  	[dreg:$0x3] =	wrdreg $0x9  }
0x28: {  	_ =	task.clear_ibuf [dreg:s6], $0x4FFFF;
	_ =	strace $0x9000004F  }
0x29: {  	s29 =	simm.s32 $0x9;
	_ =	strace $0x80000051  }
0x2a: {  	_ =	swait.ge [sflag:s29], $0x1  }
0x2b: {  	[sflag:s29] =	ssyncadd.s32 $0xFFFFFFFF  }
0x2c: {  	_ =	strace $0x90000051  }
0x2d: {  	_ =	sfence  }
0x2e: {  	s30 =	sld [smem:$0x0];
	_ =	sdelay $0x2  }
0x2f: {  	s31 =	sshll.u32 s3, $0xD;
	s3 =	sshrl.u32 s3, $0x2  }
0x30: {  	s2 =	sand.u32 $0x4000, s31;
	s1 =	sadd.s32 s3, s30  }
0x31: {  	s0 =	sor.u32 s2, s0;
	s1 =	sshll.u32 s1, $0x11  }
0x32: {  	s0 =	sor.u32 s1, s0  }
0x33: {  	s0 =	sadd.s32 $0x8F2B, s0  }
0x34: {  	[sflag:s0] =	ssyncadd.remote.s32 $0x1  }
0x35: {  	_ =	sfence.sel $0xFFFF  }
0x36: {  	[dreg:$0x0] =	wrdreg $0xFFFFFFFF;
	(pc) =	sbr.abs _section_cstart, $3  }
0x37: {  	[dreg:$0x1] =	wrdreg $0xFFFFFFFF  }
0x38: {  	_ =	task.clear_ibuf [dreg:s6], $0x2FFFF;
	_ =	strace $0x9FFFFFFF  }
0x39: {  	(tm) =	ssettm $0x7FFFFFFF  }
tec
execute0_lowered:
.L_overlay_start_1:
0x0: {  	(tag) =	ssettag $0x1  }
0x1: {  	s1 =	rddreg [dreg:$0x0]  }
0x2: {  	s0 =	rddreg [dreg:$0x1]  }
0x3: {  	_ =	strace $0x80000050;
	s4 =	srdreg.scid;
	s6 =	simm.s32 $0x2  }
0x4: {  	s13 =	simm.s32 $0x0;
	p0 =	por $0x0, $0x0;
	s12 =	simm.s32 $0x0  }
0x5: {  	s15 =	simm.s32 $0x0;
	s14 =	simm.s32 $0x0;
	s8 =	simm.s32 $0x0  }
.Ltmp0:
0x6: {  	s9 =	simm.s32 $0x0;
	s10 =	simm.s32 $0x0;
	(pc) =	sbr.rel .LBB1_1-.Ltmp0, $4  }
0x7: {  	s2 =	sadd.s32 $0x1400, s1;
	s3 =	sadd.s32 $0x181400, s1;
	s5 =	sshll.u32 s4, $0x4  }
0x8: {  	s1 =	stileid.u32;
	s4 =	simm.s32 $0x1;
	s5 =	sand.u32 $0x10, s5  }
0x9: {  	s7 =	simm.s32 $0x0;
	[sflag:s4] =	ssyncpa.u1 $0x0;
	s5 =	sor.u32 s1, s5  }
0xa: {  	[sflag:s6] =	ssyncpa.u1 $0x0;
	s6 =	simm.s32 $0xC00;
	s11 =	smov.u32 s5  }
.LBB1_7:
0xb: {  	s16 =	sadd.s32 $0x80, s8  }
0xc: {  	s12 =	sadd.s32 $0x4, s9;
	s17 =	smov.u32 s9;
	p2 =	sgt.s32 s16, $0x17F  }
0xd: {  	s17 =	smov.u32 @p2 s12  }
0xe: {  	s18 =	smov.u32 s10;
	s12 =	sadd.s32 $0x20, s10;
	p3 =	sgt.s32 s17, $0x7  }
0xf: {  	s18 =	smov.u32 @p3 s12  }
0x10: {  	s19 =	smov.u32 s11;
	s12 =	sadd.s32 $0x20, s11;
	p4 =	sgt.s32 s18, $0x1F  }
0x11: {  	p1 =	slt.u32 s7, $0x2;
	s19 =	smov.u32 @p4 s12  }
0x12: {  	s7 =	sadd.s32 $0x1, s7;
	s16 =	simm.s32 @p2 $0x0;
	p2 =	sgt.s32 s19, $0x7F  }
0x13: {  	s13 =	smov.u32 s8;
	s19 =	smov.u32 @p2 s5;
	p2 =	sne.s32 s7, $0x1A  }
.Ltmp1:
0x14: {  	s15 =	smov.u32 s10;
	s20 =	simm.s32 @!p1 $0x2;
	(pc) =	sbr.rel @!p2 .LBB1_8-.Ltmp1, $4  }
0x15: {  	s14 =	smov.u32 s11;
	p0 =	por !p0, !p0;
	_ =	swait.ge @!p1 [sflag:s20], $0x4000  }
0x16: {  	[sflag:s20] =	ssyncset.done @!p1 $0x0;
	s8 =	smov.u32 s16;
	s17 =	simm.s32 @p3 $0x0  }
0x17: {  	[sflag:s20] =	ssyncadd.s32 @!p1 $0xFFFFC000;
	s18 =	simm.s32 @p4 $0x0;
	s12 =	smov.u32 s9  }
0x18: {  	s9 =	smov.u32 s17;
	s10 =	smov.u32 s18;
	s11 =	smov.u32 s19  }
.LBB1_1:
0x19: {  	p1 =	sgt.u32 s7, $0x17  }
0x1a: {  	s16 =	sshrl.u32 @!p1 s9, $0x3  }
0x1b: {  	s17 =	sshll.u32 @!p1 s8, $0x3;
	s16 =	smul.u32 @!p1 $0xC00, s16  }
0x1c: {  	s18 =	sshll.u32 @!p1 s9, $0x7;
	s17 =	sand.u32 @!p1 $0xFFFFFC00, s17  }
0x1d: {  	s16 =	sadd.s32 @!p1 s16, s17;
	s17 =	sand.u32 @!p1 $0x380, s18  }
0x1e: {  	s18 =	sand.u32 @!p1 $0x7F, s8;
	s16 =	sor.u32 @!p1 s17, s16  }
0x1f: {  	s17 =	sor.u32 @!p1 s18, s16  }
0x20: {  	s18 =	smulhi.u32 @!p1 $0xAAAAAAAB, s17  }
0x21: {  	s16 =	smulhi.u32 @!p1 $0xAAAAAAAB, s16  }
0x22: {  	s20 =	smul.u32 @!p1 $0x3000, s11;
	s18 =	sshrl.u32 @!p1 s18, $0x8  }
0x23: {  	s19 =	sxor.u32 @!p1 $0xFFFFFFFF, s7;
	s16 =	sshrl.u32 @!p1 s16, $0x8;
	s18 =	smul.u32 @!p1 $0x180, s18  }
0x24: {  	s21 =	smul.u32 @!p1 $0x180, s10;
	s19 =	sshll.u32 @!p1 s19, $0xE;
	s16 =	sand.u32 @!p1 $0x7, s16  }
0x25: {  	s16 =	smul.u32 @!p1 $0x30, s16;
	s17 =	ssub.s32 @!p1 s17, s18;
	s18 =	sadd.s32 @!p1 s2, s20  }
0x26: {  	s19 =	sand.u32 @!p1 $0x4000, s19;
	s18 =	sadd.s32 @!p1 s21, s18;
	s20 =	sand.u32 @!p1 $0x7, s17  }
0x27: {  	s17 =	sshrl.u32 @!p1 s17, $0x3;
	s16 =	sadd.s32 @!p1 s16, s18;
	s18 =	sshll.u32 @!p1 s20, $0x12  }
0x28: {  	s16 =	sadd.s32 @!p1 s17, s16;
	s17 =	sor.u32 @!p1 $0x200, s18;
	s18 =	simm.s32 @!p1 $0xC00  }
0x29: {  	[tilespmem:s19], [sflag:$0x1] =	stream.strided.gather @!p1 [hbm4b:s16+s17], $0x4000, s18, s17, $0x38;
	[tilespmem:$0x10000] =	vst v63  }
0x2a: {  	p1 =	seq.s32 s7, $0x0  }
0x2b: {  	p2 =	seq.s32 @!p1 s7, $0x19  }
0x2c: {  	p1 =	por p1, p2  }
.Ltmp2:
0x2d: {  	_ = 	snop;
	(pc) =	sbr.rel @p1 .LBB1_7-.Ltmp2, $1  }
0x2e: {  	_ =	sdelay $0x3  }
0x2f: {  	s16 =	simm.s32 $0x1;
	_ =	swait.ge [sflag:s4], $0x4000;
	s19 =	sshll.u32 s7, $0xE  }
0x30: {  	s16 =	simm.s32 @!p0 $0x0;
	[sflag:s4] =	ssyncset.done $0x0;
	s31 =	sand.u32 $0x4000, s19  }
0x31: {  	s19 =	simm.s32 $0x0;
	s16 =	sshll.u32 s16, $0xE;
	[sflag:s4] =	ssyncadd.s32 $0xFFFFC000  }
0x32: {  	s17 =	sor.u32 $0x8040, s16;
	s18 =	sor.u32 $0x40, s16;
	s16 =	sor.u32 $0x8000, s31  }
.LBB1_3:
0x33: {  	v0 =	vmov s18;
	_ =	sdelay $0x3  }
0x34: {  	s21 =	simm.s32 $0x0  }
0x35: {  	v6 =	vld.idx.msk [tilespmem:v0+s21+$0x30 ss:$0x1], $0xffff  }
0x36: {  	v7 =	vld.idx.msk [tilespmem:v0+s21+$0xFFFFFFC0 ss:$0x1], $0xffff  }
0x37: {  	v5 =	vld.idx.msk [tilespmem:v0+s21+$0xFFFFFFD0 ss:$0x1], $0xffff  }
0x38: {  	v4 =	vld.idx.msk [tilespmem:v0+s21+$0xFFFFFFE0 ss:$0x1], $0xffff  }
0x39: {  	v3 =	vld.idx.msk [tilespmem:v0+s21+$0xFFFFFFF0 ss:$0x1], $0xffff  }
0x3a: {  	v1 =	vld.idx.msk [tilespmem:v0+s21+$0x0 ss:$0x1], $0xffff  }
0x3b: {  	v2 =	vld.idx.msk [tilespmem:v0+s21+$0x10 ss:$0x1], $0xffff;
	[tilespmem:s17+$0x30] =	vst v6  }
0x3c: {  	s20 =	simm.s32 $0x80;
	s22 =	simm.s32 $0x400;
	[tilespmem:s17+$0xFFFFFFC0] =	vst v7;
	v6 =	vld.idx.msk [tilespmem:v0+s21+$0x20 ss:$0x1], $0xffff;
	s21 =	smov.u32 s17  }
.LBB1_4:
0x3d: {  	p1 =	sne.s32 s22, $0x600;
	v7 =	vld.idx.msk [tilespmem:v0+s20+$0x30 ss:$0x1], $0xffff;
	[tilespmem:s21+$0xFFFFFFD0] =	vst v5  }
0x3e: {  	v8 =	vld.idx.msk [tilespmem:v0+s20+$0xFFFFFFC0 ss:$0x1], $0xffff;
	[tilespmem:s21+$0xFFFFFFE0] =	vst v4  }
0x3f: {  	v5 =	vld.idx.msk [tilespmem:v0+s20+$0xFFFFFFD0 ss:$0x1], $0xffff;
	[tilespmem:s21+$0xFFFFFFF0] =	vst v3  }
.Ltmp3:
0x40: {  	v4 =	vld.idx.msk [tilespmem:v0+s20+$0xFFFFFFE0 ss:$0x1], $0xffff;
	[tilespmem:s21+$0x0] =	vst v1;
	(pc) =	sbr.rel @p1 .LBB1_4-.Ltmp3, $4  }
0x41: {  	v3 =	vld.idx.msk [tilespmem:v0+s20+$0xFFFFFFF0 ss:$0x1], $0xffff;
	[tilespmem:s21+$0x10] =	vst v2  }
0x42: {  	v1 =	vld.idx.msk [tilespmem:v0+s20+$0x0 ss:$0x1], $0xffff;
	[tilespmem:s21+$0x20] =	vst v6;
	s21 =	sadd.s32 $0x1000, s21  }
0x43: {  	v2 =	vld.idx.msk [tilespmem:v0+s20+$0x10 ss:$0x1], $0xffff;
	[tilespmem:s21+$0x30] =	vst v7  }
0x44: {  	[tilespmem:s21+$0xFFFFFFC0] =	vst v8;
	v6 =	vld.idx.msk [tilespmem:v0+s20+$0x20 ss:$0x1], $0xffff;
	s20 =	sshra.s32 s22, $0x2;
	s22 =	sadd.s32 $0x200, s22  }
0x45: {  	_ =	sdelay $0x2  }
0x46: {  	[tilespmem:s21+$0xFFFFFFD0] =	vst v5  }
0x47: {  	v56 =	vld.idx.msk [tilespmem:v0+s20+$0x30 ss:$0x1], $0xffff;
	[tilespmem:s21+$0xFFFFFFE0] =	vst v4  }
0x48: {  	v57 =	vld.idx.msk [tilespmem:v0+s20+$0xFFFFFFC0 ss:$0x1], $0xffff;
	[tilespmem:s21+$0xFFFFFFF0] =	vst v3  }
0x49: {  	v58 =	vld.idx.msk [tilespmem:v0+s20+$0xFFFFFFD0 ss:$0x1], $0xffff;
	[tilespmem:s21+$0x0] =	vst v1  }
0x4a: {  	v59 =	vld.idx.msk [tilespmem:v0+s20+$0xFFFFFFE0 ss:$0x1], $0xffff;
	[tilespmem:s21+$0x10] =	vst v2  }
0x4b: {  	v60 =	vld.idx.msk [tilespmem:v0+s20+$0xFFFFFFF0 ss:$0x1], $0xffff;
	s31 =	sadd.s32 $0x1000, s21;
	[tilespmem:s21+$0x20] =	vst v6  }
0x4c: {  	v61 =	vld.idx.msk [tilespmem:v0+s20+$0x0 ss:$0x1], $0xffff;
	[tilespmem:s31+$0x30] =	vst v56  }
0x4d: {  	v62 =	vld.idx.msk [tilespmem:v0+s20+$0x10 ss:$0x1], $0xffff;
	s19 =	sadd.s32 $0x1, s19;
	[tilespmem:s31+$0xFFFFFFC0] =	vst v57  }
0x4e: {  	v63 =	vld.idx.msk [tilespmem:v0+s20+$0x20 ss:$0x1], $0xffff;
	p1 =	sne.s32 s19, $0x20;
	[tilespmem:s31+$0xFFFFFFD0] =	vst v58  }
.Ltmp4:
0x4f: {  	[tilespmem:s31+$0xFFFFFFE0] =	vst v59;
	(pc) =	sbr.rel @p1 .LBB1_3-.Ltmp4, $4  }
0x50: {  	[tilespmem:s31+$0xFFFFFFF0] =	vst v60  }
0x51: {  	[tilespmem:s31+$0x0] =	vst v61  }
0x52: {  	[tilespmem:s31+$0x10] =	vst v62  }
0x53: {  	s17 =	sadd.s32 $0x80, s17;
	s18 =	sadd.s32 $0x200, s18;
	[tilespmem:s31+$0x20] =	vst v63  }
0x54: {  	s17 =	sshrl.u32 s15, $0x3  }
0x55: {  	s18 =	sshll.u32 s13, $0x3;
	s17 =	smul.u32 $0xC00, s17  }
0x56: {  	s27 =	sshll.u32 s15, $0x7;
	s18 =	sand.u32 $0xFFFFFC00, s18  }
0x57: {  	s15 =	sand.u32 $0x380, s27;
	s17 =	sadd.s32 s17, s18  }
0x58: {  	s28 =	sand.u32 $0x7F, s13;
	s15 =	sor.u32 s15, s17  }
0x59: {  	s13 =	sor.u32 s28, s15;
	s15 =	smulhi.u32 $0xAAAAAAAB, s15  }
0x5a: {  	s29 =	smulhi.u32 $0xAAAAAAAB, s13  }
0x5b: {  	s14 =	smul.u32 $0x3000, s14  }
0x5c: {  	s12 =	smul.u32 $0x600, s12;
	s15 =	sshrl.u32 s15, $0x8;
	s17 =	sshrl.u32 s29, $0x8  }
0x5d: {  	s15 =	sand.u32 $0x1F, s15;
	s17 =	smul.u32 $0x180, s17  }
0x5e: {  	s15 =	smul.u32 $0x30, s15  }
.Ltmp5:
0x5f: {  	s14 =	sadd.s32 s3, s14;
	s13 =	ssub.s32 s13, s17;
	(pc) =	sbr.rel .LBB1_7-.Ltmp5, $4  }
0x60: {  	s12 =	sadd.s32 s12, s14;
	s30 =	sand.u32 $0x7, s13  }
0x61: {  	s12 =	sadd.s32 s15, s12;
	s13 =	sshrl.u32 s13, $0x3;
	s14 =	sshll.u32 s30, $0x12  }
0x62: {  	s12 =	sadd.s32 s13, s12;
	s31 =	sor.u32 $0x400, s14  }
0x63: {  	[hbm4b:s12+s31] =	stream.strided.scatter [tilespmem:s16], [sflag:$0x2], $0x4000, s6, s31, $0x38;
	[tilespmem:$0x10000] =	vst v63  }
.LBB1_8:
0x64: {  	_ =	sfence.sel $0x180000  }
0x65: {  	s2 =	simm.s32 $0x1;
	[bflag:$0x0] =	sbarrier.arrive $0xFFFF  }
0x66: {  	s31 =	simm.s32 $0x2;
	[sflag:s2] =	ssyncpa.u1 $0x1  }
0x67: {  	[sflag:s31] =	ssyncpa.u1 $0x1  }
0x68: {  	p0 =	sne.s32 s1, $0x0;
	_ =	strace $0x90000050  }
0x69: {  	s0 =	sadd.s32 @!p0 $0x100000, s0;
	[bflag:$0x2] =	sbarrier.arrive $0xFFFF  }
0x6a: {  	[sflag:s0] =	ssyncadd.tile.s32 @!p0 $0x1;
	_ =	shalt  }
.Lfunc_end1:
_tile_overlayer_lowered:
.L_overlay_start_2:
0x6b: {  	(tag) =	ssettag $0x2  }
0x6c: {  	s0 =	rddreg [dreg:$0x0];
	s2 =	stileid.u32  }
0x6d: {  	s1 =	rddreg [dreg:$0x1];
	p0 =	sne.s32 s2, $0x0  }
0x6e: {  	s3 =	rddreg [dreg:$0x2];
	[bflag:$0x3] =	sbarrier.arrive $0xFFFF;
	s2 =	simm.s32 @!p0 $0x1C01  }
0x6f: {  	[timem:s3], [sflag:s2] =	dma.local @!p0 [hbm:s0], s1  }
0x70: {  	s0 =	simm.s32 @!p0 $0x1  }
0x71: {  	_ =	swait.ge @!p0 [sflag:s0], s1  }
0x72: {  	s1 =	ssub.s32 @!p0 $0x0, s1;
	[sflag:s0] =	ssyncset.done @!p0 $0x0  }
0x73: {  	[sflag:s0] =	ssyncadd.s32 @!p0 s1  }
0x74: {  	[bflag:$0x3] =	sbarrier.arrive $0xFFFF  }
0x75: {  	_ =	shalt  }

// kernel: sparse-core-data-format-call.2.cloned.1.call-start
scs
called_computation.2_lowered:
.L_overlay_start_0:
0x0: {  	s2 =	sld [smem:$0x3FD9]  }
0x1: {  	s3 =	sld [smem:$0x3FFE];
	_ =	sdelay $0x1  }
0x2: {  	s1 =	srdreg.scid  }
0x3: {  	s0 =	sand.u32 $0x1, s1  }
0x4: {  	s18 =	sshll.u32 s0, $0xA;
	s2 =	sadd.s32 s3, s2  }
0x5: {  	s2 =	sadd.s32 s2, s18  }
0x6: {  	[smem:$0x3FC7] =	sst s2  }
0x7: {  	_ = 	snop  }
0x8: {  	s2 =	sld [smem:$0x3FD0];
	(tm) =	ssettm $0x1  }
0x9: {  	s19 =	sld [smem:$0x3FFB];
	_ =	sdelay $0x3  }
0xa: {  	_ =	strace s19  }
0xb: {  	s3 =	sld [smem:$0x3FFC];
	_ =	sdelay $0x3  }
0xc: {  	_ =	strace s3  }
0xd: {  	s3 =	sld [smem:$0x3FFD];
	_ =	sdelay $0x3  }
0xe: {  	_ =	strace s3  }
0xf: {  	_ =	strace $0x8FFFFFFF  }
0x10: {  	s20 =	sld [smem:$0x3FDB];
	_ =	sdelay $0x1  }
0x11: {  	s4 =	simm.s32 $_scs_section_size  }
0x12: {  	s5 =	simm.s32 $_size__tile_overlayer_lowered;
	s6 =	simm.s32 $_tile_overlayer_lowered  }
0x13: {  	s23 =	simm.s32 $0x1BFF;
	s22 =	sshll.u32 s6, $0x1;
	s3 =	sadd.s32 s4, s20  }
0x14: {  	s7 =	simm.s32 $0x0;
	s21 =	sshll.u32 s5, $0x1;
	s5 =	sadd.s32 s22, s3  }
0x15: {  	[timem:s7], [sflag:s23] =	dma.local [hbm:s5], s21  }
0x16: {  	_ =	swait.ge [sflag:s23], s21  }
0x17: {  	s4 =	ssub.s32 $0x0, s21;
	[sflag:s23] =	ssyncset.done $0x0  }
0x18: {  	[sflag:s23] =	ssyncadd.s32 s4;
	_ =	sdelay $0x1  }
0x19: {  	s24 =	simm.s32 $0x1B8B  }
0x1a: {  	_ =	swait.ge [sflag:s24], $0x1  }
0x1b: {  	[sflag:s24] =	ssyncset.done $0x0  }
0x1c: {  	s26 =	simm.s32 $0x1B8E;
	s25 =	sld [smem:$0x3FFE];
	[sflag:s24] =	ssyncadd.s32 $0xFFFFFFFF  }
0x1d: {  	s27 =	simm.s32 $execute0_lowered;
	[smem:$0x3FD2] =	sst s26  }
0x1e: {  	s5 =	sshll.u32 s27, $0x1;
	_ =	strace $0x8000004C;
	[dreg:$0x1] =	wrdreg $0xFFFFFFFF  }
0x1f: {  	s28 =	simm.s32 $_size_execute0_lowered;
	s3 =	sadd.s32 s3, s5;
	[dreg:$0x0] =	wrdreg $0x0  }
0x20: {  	s5 =	sshll.u32 s28, $0x1;
	[dreg:$0x2] =	wrdreg s3  }
0x21: {  	[dreg:$0x3] =	wrdreg s5  }
0x22: {  	[dreg:$0x4] =	wrdreg $0xC0  }
0x23: {  	_ =	task [dreg:s7], $0x5FFFF  }
0x24: {  	[dreg:$0x1] =	wrdreg $0xFFFFFFFF  }
0x25: {  	[dreg:$0x0] =	wrdreg $0x60  }
0x26: {  	[dreg:$0x2] =	wrdreg s2  }
0x27: {  	[dreg:$0x3] =	wrdreg s25  }
0x28: {  	[dreg:$0x4] =	wrdreg $0x9  }
0x29: {  	_ =	task.clear_ibuf [dreg:s7], $0x5FFFF;
	_ =	strace $0x9000004C  }
0x2a: {  	s29 =	simm.s32 $0x9;
	_ =	strace $0x8000004E  }
0x2b: {  	_ =	swait.ge [sflag:s29], $0x1  }
0x2c: {  	[sflag:s29] =	ssyncadd.s32 $0xFFFFFFFF  }
0x2d: {  	_ =	strace $0x9000004E  }
0x2e: {  	_ =	sfence  }
0x2f: {  	s30 =	sld [smem:$0x0];
	_ =	sdelay $0x2  }
0x30: {  	s31 =	sshll.u32 s1, $0xD;
	s1 =	sshrl.u32 s1, $0x2  }
0x31: {  	s3 =	sand.u32 $0x4000, s31;
	s1 =	sadd.s32 s1, s30  }
0x32: {  	s0 =	sor.u32 s3, s0;
	s1 =	sshll.u32 s1, $0x11  }
0x33: {  	s0 =	sor.u32 s1, s0  }
0x34: {  	s0 =	sadd.s32 $0x8F2B, s0  }
0x35: {  	[sflag:s0] =	ssyncadd.remote.s32 $0x1  }
0x36: {  	_ =	sfence.sel $0xFFFF  }
0x37: {  	[dreg:$0x0] =	wrdreg $0xFFFFFFFF;
	(pc) =	sbr.abs _section_cstart, $3  }
0x38: {  	[dreg:$0x1] =	wrdreg $0xFFFFFFFF  }
0x39: {  	_ =	task.clear_ibuf [dreg:s7], $0x2FFFF;
	_ =	strace $0x9FFFFFFF  }
0x3a: {  	(tm) =	ssettm $0x7FFFFFFF  }
0x3b: {  	_ =	shalt  }
tec
execute0_lowered:
.L_overlay_start_1:
0x0: {  	(tag) =	ssettag $0x1  }
0x1: {  	s0 =	srdreg.scid  }
0x2: {  	s1 =	sshll.u32 s0, $0x4  }
0x3: {  	s3 =	rddreg [dreg:$0x0];
	s0 =	stileid.u32;
	s1 =	sand.u32 $0x10, s1  }
0x4: {  	s6 =	rddreg [dreg:$0x1];
	s5 =	simm.s32 $0x1;
	s1 =	sor.u32 s0, s1  }
0x5: {  	s31 =	simm.s32 $0x2;
	s12 =	simm.s32 $0x0;
	s2 =	sshll.u32 s1, $0x7  }
0x6: {  	s8 =	simm.s32 $0x18000;
	s13 =	simm.s32 $0x0;
	s4 =	ssub.s32 $0x3000, s2  }
0x7: {  	s9 =	simm.s32 $0x0;
	s11 =	simm.s32 $0x0;
	s30 =	sand.u32 $0xF80, s4  }
.Ltmp0:
0x8: {  	s6 =	sadd.s32 $0x1400, s6;
	p0 =	sne.s32 s30, $0x0;
	(pc) =	sbr.rel .LBB1_1-.Ltmp0, $4  }
0x9: {  	s1 =	rddreg [dreg:$0x2];
	s7 =	sshrl.u32 s4, $0xC;
	s5 =	simm.s32 @!p0 $0x0  }
0xa: {  	_ =	strace $0x8000004D;
	s4 =	simm.s32 $0x1;
	s5 =	sadd.s32 s5, s7  }
0xb: {  	s10 =	smov.u32 s2;
	[sflag:s4] =	ssyncpa.u1 $0x0;
	s5 =	sshll.u32 s5, $0x3  }
0xc: {  	[sflag:s31] =	ssyncpa.u1 $0x0;
	p0 =	por $0x0, $0x0;
	s7 =	sor.u32 $0x1, s5  }
.LBB1_4:
0xd: {  	s19 =	sshrl.u32 s12, $0x3  }
0xe: {  	s20 =	sshll.u32 s13, $0x3;
	s24 =	sshll.u32 s12, $0x7;
	s19 =	smul.u32 $0x18000, s19  }
0xf: {  	v5 =	vld [tilespmem:s17+$0xFFFFFFD0];
	[tilespmem:s16+$0x2040 ss:$0x81] =	vst.msk $0xffff, v4;
	s25 =	sand.u32 $0x7F, s13;
	s20 =	sand.u32 $0xFFFFFC00, s20;
	s12 =	sand.u32 $0x380, s24  }
0x10: {  	v58 =	vld [tilespmem:s17+$0xFFFFFFE0];
	[tilespmem:s16+$0x2850 ss:$0x81] =	vst.msk $0xffff, v2;
	s12 =	sor.u32 s25, s12;
	s19 =	sadd.s32 s20, s19  }
0x11: {  	s26 =	sshra.s32 s18, $0x2;
	v59 =	vld [tilespmem:s17+$0xFFFFFFF0];
	[tilespmem:s16+$0x3060 ss:$0x81] =	vst.msk $0xffff, v3;
	s12 =	sor.u32 s19, s12  }
0x12: {  	v60 =	vld [tilespmem:s17+$0x0];
	[tilespmem:s16+$0x0 ss:$0x81] =	vst.msk $0xffff, v0;
	s13 =	sadd.s32 s26, s15;
	s27 =	smulhi.u32 $0xAAAAAAAB, s12  }
0x13: {  	v61 =	vld [tilespmem:s17+$0x10];
	[tilespmem:s13+$0x3870 ss:$0x81] =	vst.msk $0xffff, v1  }
0x14: {  	v62 =	vld [tilespmem:s17+$0x20];
	s28 =	smulhi.u32 $0xAAAAAAAB, s19;
	[tilespmem:s13+$0x810 ss:$0x81] =	vst.msk $0xffff, v5;
	s15 =	sshrl.u32 s27, $0xD  }
0x15: {  	v63 =	vld [tilespmem:s17+$0xFFFFFFC0];
	[tilespmem:s13+$0x1020 ss:$0x81] =	vst.msk $0xffff, v58;
	s15 =	smul.u32 $0x3000, s15  }
0x16: {  	[tilespmem:s13+$0x1830 ss:$0x81] =	vst.msk $0xffff, v59;
	s16 =	sshrl.u32 s28, $0xD  }
0x17: {  	[tilespmem:s13+$0x2040 ss:$0x81] =	vst.msk $0xffff, v60;
	s29 =	sand.u32 $0x3FF, s16;
	s12 =	ssub.s32 s12, s15  }
0x18: {  	[tilespmem:s13+$0x2850 ss:$0x81] =	vst.msk $0xffff, v61;
	s15 =	smul.u32 $0x600, s29;
	s30 =	sshrl.u32 s12, $0x3;
	s12 =	sand.u32 $0x7, s12  }
0x19: {  	[tilespmem:s13+$0x3060 ss:$0x81] =	vst.msk $0xffff, v62;
	s16 =	sadd.s32 s6, s30;
	s12 =	sshll.u32 s12, $0x12  }
0x1a: {  	[tilespmem:s13+$0x0 ss:$0x81] =	vst.msk $0xffff, v63;
	s31 =	sadd.s32 s15, s16;
	s12 =	sor.u32 $0x400, s12  }
0x1b: {  	[hbm4b:s31+s12] =	stream.strided.scatter [tilespmem:s14], [sflag:$0x2], $0x4000, s8, s12, $0x20;
	[tilespmem:$0x10100] =	vst v63  }
.LBB1_5:
0x1c: {  	s14 =	sadd.s32 $0x80, s9  }
0x1d: {  	s12 =	sadd.s32 $0x1000, s10;
	s16 =	smov.u32 s10;
	p2 =	sgt.s32 s14, $0x3FF  }
0x1e: {  	s16 =	smov.u32 @p2 s12  }
0x1f: {  	s14 =	simm.s32 @p2 $0x0;
	p2 =	sgt.s32 s16, $0x2FFF  }
0x20: {  	s16 =	smov.u32 @p2 s2;
	p2 =	sne.s32 s11, s7  }
.Ltmp1:
0x21: {  	p1 =	slt.u32 s11, $0x2;
	(pc) =	sbr.rel @!p2 .LBB1_6-.Ltmp1, $4  }
0x22: {  	s15 =	simm.s32 @!p1 $0x2  }
0x23: {  	s13 =	smov.u32 s10;
	p0 =	por !p0, !p0;
	_ =	swait.ge @!p1 [sflag:s15], $0x4000  }
0x24: {  	s12 =	smov.u32 s9;
	[sflag:s15] =	ssyncset.done @!p1 $0x0;
	s9 =	smov.u32 s14  }
0x25: {  	s11 =	sadd.s32 $0x1, s11;
	[sflag:s15] =	ssyncadd.s32 @!p1 $0xFFFFC000;
	s10 =	smov.u32 s16  }
.LBB1_1:
0x26: {  	p1 =	sge.u32 s11, s5  }
0x27: {  	s14 =	sshll.u32 @!p1 s10, $0xA  }
0x28: {  	s15 =	sshll.u32 @!p1 s9, $0x3;
	s14 =	sand.u32 @!p1 $0xFFFFE000, s14  }
0x29: {  	s14 =	sadd.s32 @!p1 s14, s15  }
0x2a: {  	s14 =	sshrl.u32 @!p1 s14, $0xA  }
0x2b: {  	s15 =	smulhi.u32 @!p1 $0x2AAAAB, s14  }
0x2c: {  	s16 =	sxor.u32 @!p1 $0xFFFFFFFF, s11  }
0x2d: {  	s17 =	sshll.u32 @!p1 s10, $0x7;
	s18 =	sand.u32 @!p1 $0x78, s9;
	s15 =	sshrl.u32 @!p1 s15, $0x3  }
0x2e: {  	s16 =	sshll.u32 @!p1 s16, $0xE;
	s17 =	sand.u32 @!p1 $0x380, s17;
	s15 =	smul.u32 @!p1 $0x3000, s15  }
0x2f: {  	s31 =	sadd.s32 $0xFFFFFFFF, s11;
	s17 =	sor.u32 @!p1 s18, s17;
	s16 =	sand.u32 @!p1 $0x4000, s16  }
0x30: {  	s14 =	ssub.s32 @!p1 s14, s15;
	s15 =	sshrl.u32 @!p1 s17, $0x3;
	s17 =	sand.u32 @!p1 $0x7, s9  }
0x31: {  	s14 =	sshll.u32 @!p1 s14, $0x7;
	s15 =	sadd.s32 @!p1 s3, s15;
	s17 =	sshll.u32 @!p1 s17, $0x12  }
0x32: {  	s14 =	sadd.s32 @!p1 s14, s15;
	s15 =	sor.u32 @!p1 $0x400, s17;
	s17 =	simm.s32 @!p1 $0x2000  }
0x33: {  	[tilespmem:s16], [sflag:$0x1] =	stream.strided.gather @!p1 [hbm4b:s14+s15], $0x4000, s17, s15, $0x38;
	[tilespmem:$0x10100] =	vst v63  }
0x34: {  	p1 =	sge.u32 s31, s5  }
.Ltmp2:
0x35: {  	_ = 	snop;
	(pc) =	sbr.rel @p1 .LBB1_5-.Ltmp2, $1  }
0x36: {  	_ =	sdelay $0x3  }
0x37: {  	s14 =	simm.s32 $0x1  }
0x38: {  	_ =	swait.ge [sflag:s4], $0x4000;
	s14 =	simm.s32 @!p0 $0x0  }
0x39: {  	[sflag:s4] =	ssyncset.done $0x0;
	s15 =	sshll.u32 s14, $0xE  }
0x3a: {  	[sflag:s4] =	ssyncadd.s32 $0xFFFFC000;
	s17 =	sor.u32 $0x40, s15  }
0x3b: {  	s14 =	smul.u32 $0x10200, s14;
	v0 =	vld [tilespmem:s17+$0x30]  }
0x3c: {  	v1 =	vld [tilespmem:s17+$0xFFFFFFD0]  }
0x3d: {  	s14 =	sshrl.u32 s14, $0x2;
	v5 =	vld [tilespmem:s17+$0xFFFFFFE0]  }
0x3e: {  	v6 =	vld [tilespmem:s17+$0xFFFFFFF0];
	s15 =	sor.u32 $0x8000, s14  }
0x3f: {  	s31 =	sand.u32 $0x1, s11;
	v4 =	vld [tilespmem:s17+$0x0];
	s16 =	sadd.s32 $0x0, s15  }
0x40: {  	v2 =	vld [tilespmem:s17+$0x10];
	s14 =	smul.u32 $0x10200, s31;
	[tilespmem:s16+$0x3870 ss:$0x81] =	vst.msk $0xffff, v0  }
0x41: {  	v3 =	vld [tilespmem:s17+$0x20];
	[tilespmem:s16+$0x810 ss:$0x81] =	vst.msk $0xffff, v1  }
0x42: {  	s14 =	sshrl.u32 s14, $0x2;
	v0 =	vld [tilespmem:s17+$0xFFFFFFC0];
	[tilespmem:s16+$0x1020 ss:$0x81] =	vst.msk $0xffff, v5;
	s17 =	sadd.s32 $0x80, s17  }
0x43: {  	s18 =	simm.s32 $0x4;
	s19 =	simm.s32 $0x8;
	s14 =	sor.u32 $0x8000, s14;
	[tilespmem:s16+$0x1830 ss:$0x81] =	vst.msk $0xffff, v6;
	v1 =	vld [tilespmem:s17+$0x30]  }
.LBB1_3:
0x44: {  	p1 =	sne.s32 s19, $0x1FC;
	v5 =	vld [tilespmem:s17+$0xFFFFFFD0];
	[tilespmem:s16+$0x2040 ss:$0x81] =	vst.msk $0xffff, v4  }
0x45: {  	v6 =	vld [tilespmem:s17+$0xFFFFFFE0];
	[tilespmem:s16+$0x2850 ss:$0x81] =	vst.msk $0xffff, v2  }
0x46: {  	s20 =	sshra.s32 s18, $0x2;
	s18 =	smov.u32 s19;
	v7 =	vld [tilespmem:s17+$0xFFFFFFF0];
	[tilespmem:s16+$0x3060 ss:$0x81] =	vst.msk $0xffff, v3  }
.Ltmp3:
0x47: {  	v4 =	vld [tilespmem:s17+$0x0];
	[tilespmem:s16+$0x0 ss:$0x81] =	vst.msk $0xffff, v0;
	s16 =	sadd.s32 s20, s15;
	(pc) =	sbr.rel @p1 .LBB1_3-.Ltmp3, $4  }
0x48: {  	v2 =	vld [tilespmem:s17+$0x10];
	[tilespmem:s16+$0x3870 ss:$0x81] =	vst.msk $0xffff, v1  }
0x49: {  	[tilespmem:s16+$0x810 ss:$0x81] =	vst.msk $0xffff, v5;
	v3 =	vld [tilespmem:s17+$0x20]  }
0x4a: {  	v0 =	vld [tilespmem:s17+$0xFFFFFFC0];
	[tilespmem:s16+$0x1020 ss:$0x81] =	vst.msk $0xffff, v6;
	s17 =	sadd.s32 $0x80, s17  }
0x4b: {  	s19 =	sadd.s32 $0x4, s19;
	v1 =	vld [tilespmem:s17+$0x30];
	[tilespmem:s16+$0x1830 ss:$0x81] =	vst.msk $0xffff, v7  }
.Ltmp4:
0x4c: {  	_ = 	snop;
	(pc) =	sbr.rel .LBB1_4-.Ltmp4, $1  }
0x4d: {  	_ =	sdelay $0x3  }
.LBB1_6:
0x4e: {  	_ =	sfence.sel $0x180000  }
0x4f: {  	s2 =	simm.s32 $0x1;
	[bflag:$0x0] =	sbarrier.arrive $0xFFFF  }
0x50: {  	s31 =	simm.s32 $0x2;
	[sflag:s2] =	ssyncpa.u1 $0x1  }
0x51: {  	[sflag:s31] =	ssyncpa.u1 $0x1  }
0x52: {  	p0 =	sne.s32 s0, $0x0;
	_ =	strace $0x9000004D  }
0x53: {  	s0 =	sadd.s32 @!p0 $0x100000, s1;
	[bflag:$0x2] =	sbarrier.arrive $0xFFFF  }
0x54: {  	[sflag:s0] =	ssyncadd.tile.s32 @!p0 $0x1;
	_ =	shalt  }
.Lfunc_end1:
_tile_overlayer_lowered:
.L_overlay_start_2:
0x55: {  	(tag) =	ssettag $0x2  }
0x56: {  	s0 =	rddreg [dreg:$0x0];
	s2 =	stileid.u32  }
0x57: {  	s1 =	rddreg [dreg:$0x1];
	p0 =	sne.s32 s2, $0x0  }
0x58: {  	s3 =	rddreg [dreg:$0x2];
	[bflag:$0x3] =	sbarrier.arrive $0xFFFF;
	s2 =	simm.s32 @!p0 $0x1C01  }
0x59: {  	[timem:s3], [sflag:s2] =	dma.local @!p0 [hbm:s0], s1  }
0x5a: {  	s0 =	simm.s32 @!p0 $0x1  }
0x5b: {  	_ =	swait.ge @!p0 [sflag:s0], s1  }
0x5c: {  	s1 =	ssub.s32 @!p0 $0x0, s1;
	[sflag:s0] =	ssyncset.done @!p0 $0x0  }
0x5d: {  	[sflag:s0] =	ssyncadd.s32 @!p0 s1  }
0x5e: {  	[bflag:$0x3] =	sbarrier.arrive $0xFFFF  }
0x5f: {  	_ =	shalt  }

// kernel: sparse-core-data-format-call.3.cloned.1.call-start
scs
called_computation.3_lowered:
.L_overlay_start_0:
0x0: {  	s2 =	sld [smem:$0x3FD9]  }
0x1: {  	s3 =	sld [smem:$0x3FFE];
	_ =	sdelay $0x1  }
0x2: {  	s1 =	srdreg.scid  }
0x3: {  	s0 =	sand.u32 $0x1, s1  }
0x4: {  	s18 =	sshll.u32 s0, $0xA;
	s2 =	sadd.s32 s3, s2  }
0x5: {  	s2 =	sadd.s32 s2, s18  }
0x6: {  	[smem:$0x3FC7] =	sst s2  }
0x7: {  	_ = 	snop  }
0x8: {  	s2 =	sld [smem:$0x3FD0];
	(tm) =	ssettm $0x1  }
0x9: {  	s19 =	sld [smem:$0x3FFB];
	_ =	sdelay $0x3  }
0xa: {  	_ =	strace s19  }
0xb: {  	s3 =	sld [smem:$0x3FFC];
	_ =	sdelay $0x3  }
0xc: {  	_ =	strace s3  }
0xd: {  	s3 =	sld [smem:$0x3FFD];
	_ =	sdelay $0x3  }
0xe: {  	_ =	strace s3  }
0xf: {  	_ =	strace $0x8FFFFFFF  }
0x10: {  	s20 =	sld [smem:$0x3FDB];
	_ =	sdelay $0x1  }
0x11: {  	s4 =	simm.s32 $_scs_section_size  }
0x12: {  	s5 =	simm.s32 $_size__tile_overlayer_lowered;
	s6 =	simm.s32 $_tile_overlayer_lowered  }
0x13: {  	s23 =	simm.s32 $0x1BFF;
	s22 =	sshll.u32 s6, $0x1;
	s3 =	sadd.s32 s4, s20  }
0x14: {  	s7 =	simm.s32 $0x0;
	s21 =	sshll.u32 s5, $0x1;
	s5 =	sadd.s32 s22, s3  }
0x15: {  	[timem:s7], [sflag:s23] =	dma.local [hbm:s5], s21  }
0x16: {  	_ =	swait.ge [sflag:s23], s21  }
0x17: {  	s4 =	ssub.s32 $0x0, s21;
	[sflag:s23] =	ssyncset.done $0x0  }
0x18: {  	[sflag:s23] =	ssyncadd.s32 s4;
	_ =	sdelay $0x1  }
0x19: {  	s24 =	simm.s32 $0x1B8B  }
0x1a: {  	_ =	swait.ge [sflag:s24], $0x1  }
0x1b: {  	[sflag:s24] =	ssyncset.done $0x0  }
0x1c: {  	s26 =	simm.s32 $0x1B8E;
	s25 =	sld [smem:$0x3FFE];
	[sflag:s24] =	ssyncadd.s32 $0xFFFFFFFF  }
0x1d: {  	s27 =	simm.s32 $execute0_lowered;
	[smem:$0x3FD2] =	sst s26  }
0x1e: {  	s5 =	sshll.u32 s27, $0x1;
	_ =	strace $0x80000046;
	[dreg:$0x1] =	wrdreg $0xFFFFFFFF  }
0x1f: {  	s28 =	simm.s32 $_size_execute0_lowered;
	s3 =	sadd.s32 s3, s5;
	[dreg:$0x0] =	wrdreg $0x0  }
0x20: {  	s5 =	sshll.u32 s28, $0x1;
	[dreg:$0x2] =	wrdreg s3  }
0x21: {  	[dreg:$0x3] =	wrdreg s5  }
0x22: {  	[dreg:$0x4] =	wrdreg $0xC0  }
0x23: {  	_ =	task [dreg:s7], $0x5FFFF  }
0x24: {  	[dreg:$0x1] =	wrdreg $0xFFFFFFFF  }
0x25: {  	[dreg:$0x0] =	wrdreg $0x60  }
0x26: {  	[dreg:$0x2] =	wrdreg s2  }
0x27: {  	[dreg:$0x3] =	wrdreg s25  }
0x28: {  	[dreg:$0x4] =	wrdreg $0x9  }
0x29: {  	_ =	task.clear_ibuf [dreg:s7], $0x5FFFF;
	_ =	strace $0x90000046  }
0x2a: {  	s29 =	simm.s32 $0x9;
	_ =	strace $0x80000048  }
0x2b: {  	_ =	swait.ge [sflag:s29], $0x1  }
0x2c: {  	[sflag:s29] =	ssyncadd.s32 $0xFFFFFFFF  }
0x2d: {  	_ =	strace $0x90000048  }
0x2e: {  	_ =	sfence  }
0x2f: {  	s30 =	sld [smem:$0x0];
	_ =	sdelay $0x2  }
0x30: {  	s31 =	sshll.u32 s1, $0xD;
	s1 =	sshrl.u32 s1, $0x2  }
0x31: {  	s3 =	sand.u32 $0x4000, s31;
	s1 =	sadd.s32 s1, s30  }
0x32: {  	s0 =	sor.u32 s3, s0;
	s1 =	sshll.u32 s1, $0x11  }
0x33: {  	s0 =	sor.u32 s1, s0  }
0x34: {  	s0 =	sadd.s32 $0x8F2B, s0  }
0x35: {  	[sflag:s0] =	ssyncadd.remote.s32 $0x1  }
0x36: {  	_ =	sfence.sel $0xFFFF  }
0x37: {  	[dreg:$0x0] =	wrdreg $0xFFFFFFFF;
	(pc) =	sbr.abs _section_cstart, $3  }
0x38: {  	[dreg:$0x1] =	wrdreg $0xFFFFFFFF  }
0x39: {  	_ =	task.clear_ibuf [dreg:s7], $0x2FFFF;
	_ =	strace $0x9FFFFFFF  }
0x3a: {  	(tm) =	ssettm $0x7FFFFFFF  }
0x3b: {  	_ =	shalt  }
tec
execute0_lowered:
.L_overlay_start_1:
0x0: {  	(tag) =	ssettag $0x1  }
0x1: {  	s2 =	rddreg [dreg:$0x0]  }
0x2: {  	s1 =	rddreg [dreg:$0x1]  }
0x3: {  	s0 =	rddreg [dreg:$0x2];
	_ =	strace $0x80000047;
	s4 =	srdreg.scid  }
0x4: {  	s6 =	simm.s32 $0x2;
	s13 =	simm.s32 $0x0;
	p0 =	por $0x0, $0x0  }
0x5: {  	s12 =	simm.s32 $0x0;
	s15 =	simm.s32 $0x0;
	s14 =	simm.s32 $0x0  }
.Ltmp0:
0x6: {  	s8 =	simm.s32 $0x0;
	s9 =	simm.s32 $0x0;
	(pc) =	sbr.rel .LBB1_1-.Ltmp0, $4  }
0x7: {  	s10 =	simm.s32 $0x0;
	s3 =	sadd.s32 $0x1400, s1;
	s5 =	sshll.u32 s4, $0x4  }
0x8: {  	s1 =	stileid.u32;
	s4 =	simm.s32 $0x1;
	s5 =	sand.u32 $0x10, s5  }
0x9: {  	s7 =	simm.s32 $0x0;
	[sflag:s4] =	ssyncpa.u1 $0x0;
	s5 =	sor.u32 s1, s5  }
0xa: {  	[sflag:s6] =	ssyncpa.u1 $0x0;
	s6 =	simm.s32 $0xC00;
	s11 =	smov.u32 s5  }
.LBB1_7:
0xb: {  	s16 =	sadd.s32 $0x80, s8  }
0xc: {  	s12 =	sadd.s32 $0x20, s9;
	s17 =	smov.u32 s9;
	p2 =	sgt.s32 s16, $0x17F  }
0xd: {  	s17 =	smov.u32 @p2 s12  }
0xe: {  	s18 =	smov.u32 s10;
	s12 =	sadd.s32 $0x4, s10;
	p3 =	sgt.s32 s17, $0x1F  }
0xf: {  	s18 =	smov.u32 @p3 s12  }
0x10: {  	s19 =	smov.u32 s11;
	s12 =	sadd.s32 $0x20, s11;
	p4 =	sgt.s32 s18, $0x7  }
0x11: {  	p1 =	slt.u32 s7, $0x2;
	s19 =	smov.u32 @p4 s12  }
0x12: {  	s7 =	sadd.s32 $0x1, s7;
	s16 =	simm.s32 @p2 $0x0;
	p2 =	sgt.s32 s19, $0x7F  }
0x13: {  	s13 =	smov.u32 s8;
	s19 =	smov.u32 @p2 s5;
	p2 =	sne.s32 s7, $0x1A  }
.Ltmp1:
0x14: {  	s15 =	smov.u32 s10;
	s20 =	simm.s32 @!p1 $0x2;
	(pc) =	sbr.rel @!p2 .LBB1_8-.Ltmp1, $4  }
0x15: {  	s14 =	smov.u32 s11;
	p0 =	por !p0, !p0;
	_ =	swait.ge @!p1 [sflag:s20], $0x4000  }
0x16: {  	[sflag:s20] =	ssyncset.done @!p1 $0x0;
	s8 =	smov.u32 s16;
	s17 =	simm.s32 @p3 $0x0  }
0x17: {  	[sflag:s20] =	ssyncadd.s32 @!p1 $0xFFFFC000;
	s18 =	simm.s32 @p4 $0x0;
	s12 =	smov.u32 s9  }
0x18: {  	s9 =	smov.u32 s17;
	s10 =	smov.u32 s18;
	s11 =	smov.u32 s19  }
.LBB1_1:
0x19: {  	p1 =	sgt.u32 s7, $0x17  }
0x1a: {  	s16 =	sshrl.u32 @!p1 s9, $0x3  }
0x1b: {  	s17 =	sshll.u32 @!p1 s8, $0x3;
	s16 =	smul.u32 @!p1 $0xC00, s16  }
0x1c: {  	s18 =	sshll.u32 @!p1 s9, $0x7;
	s17 =	sand.u32 @!p1 $0xFFFFFC00, s17  }
0x1d: {  	s16 =	sadd.s32 @!p1 s16, s17;
	s17 =	sand.u32 @!p1 $0x380, s18  }
0x1e: {  	s18 =	sand.u32 @!p1 $0x7F, s8;
	s16 =	sor.u32 @!p1 s17, s16  }
0x1f: {  	s17 =	sor.u32 @!p1 s18, s16  }
0x20: {  	s18 =	smulhi.u32 @!p1 $0xAAAAAAAB, s17  }
0x21: {  	s16 =	smulhi.u32 @!p1 $0xAAAAAAAB, s16  }
0x22: {  	s20 =	smul.u32 @!p1 $0x3000, s11;
	s18 =	sshrl.u32 @!p1 s18, $0x8  }
0x23: {  	s19 =	sxor.u32 @!p1 $0xFFFFFFFF, s7;
	s16 =	sshrl.u32 @!p1 s16, $0x8;
	s18 =	smul.u32 @!p1 $0x180, s18  }
0x24: {  	s21 =	smul.u32 @!p1 $0x600, s10;
	s19 =	sshll.u32 @!p1 s19, $0xE;
	s16 =	sand.u32 @!p1 $0x1F, s16  }
0x25: {  	s16 =	smul.u32 @!p1 $0x30, s16;
	s17 =	ssub.s32 @!p1 s17, s18;
	s18 =	sadd.s32 @!p1 s2, s20  }
0x26: {  	s19 =	sand.u32 @!p1 $0x4000, s19;
	s18 =	sadd.s32 @!p1 s21, s18;
	s20 =	sand.u32 @!p1 $0x7, s17  }
0x27: {  	s17 =	sshrl.u32 @!p1 s17, $0x3;
	s16 =	sadd.s32 @!p1 s16, s18;
	s18 =	sshll.u32 @!p1 s20, $0x12  }
0x28: {  	s16 =	sadd.s32 @!p1 s17, s16;
	s17 =	sor.u32 @!p1 $0x400, s18;
	s18 =	simm.s32 @!p1 $0xC00  }
0x29: {  	[tilespmem:s19], [sflag:$0x1] =	stream.strided.gather @!p1 [hbm4b:s16+s17], $0x4000, s18, s17, $0x38;
	[tilespmem:$0x10000] =	vst v63  }
0x2a: {  	p1 =	seq.s32 s7, $0x0  }
0x2b: {  	p2 =	seq.s32 @!p1 s7, $0x19  }
0x2c: {  	p1 =	por p1, p2  }
.Ltmp2:
0x2d: {  	_ = 	snop;
	(pc) =	sbr.rel @p1 .LBB1_7-.Ltmp2, $1  }
0x2e: {  	_ =	sdelay $0x3  }
0x2f: {  	s16 =	simm.s32 $0x1;
	_ =	swait.ge [sflag:s4], $0x4000;
	s19 =	sshll.u32 s7, $0xE  }
0x30: {  	s16 =	simm.s32 @!p0 $0x0;
	[sflag:s4] =	ssyncset.done $0x0;
	s31 =	sand.u32 $0x4000, s19  }
0x31: {  	s19 =	simm.s32 $0x0;
	s16 =	sshll.u32 s16, $0xE;
	[sflag:s4] =	ssyncadd.s32 $0xFFFFC000  }
0x32: {  	s17 =	sor.u32 $0x8040, s16;
	s18 =	sor.u32 $0x40, s16;
	s16 =	sor.u32 $0x8000, s31  }
.LBB1_3:
0x33: {  	v0 =	vmov s18;
	_ =	sdelay $0x3  }
0x34: {  	s21 =	simm.s32 $0x0  }
0x35: {  	v6 =	vld.idx.msk [tilespmem:v0+s21+$0x30 ss:$0x1], $0xffff  }
0x36: {  	v7 =	vld.idx.msk [tilespmem:v0+s21+$0xFFFFFFC0 ss:$0x1], $0xffff  }
0x37: {  	v5 =	vld.idx.msk [tilespmem:v0+s21+$0xFFFFFFD0 ss:$0x1], $0xffff  }
0x38: {  	v4 =	vld.idx.msk [tilespmem:v0+s21+$0xFFFFFFE0 ss:$0x1], $0xffff  }
0x39: {  	v3 =	vld.idx.msk [tilespmem:v0+s21+$0xFFFFFFF0 ss:$0x1], $0xffff  }
0x3a: {  	v1 =	vld.idx.msk [tilespmem:v0+s21+$0x0 ss:$0x1], $0xffff  }
0x3b: {  	v2 =	vld.idx.msk [tilespmem:v0+s21+$0x10 ss:$0x1], $0xffff;
	[tilespmem:s17+$0x30] =	vst v6  }
0x3c: {  	s20 =	simm.s32 $0x80;
	s22 =	simm.s32 $0x400;
	[tilespmem:s17+$0xFFFFFFC0] =	vst v7;
	v6 =	vld.idx.msk [tilespmem:v0+s21+$0x20 ss:$0x1], $0xffff;
	s21 =	smov.u32 s17  }
.LBB1_4:
0x3d: {  	p1 =	sne.s32 s22, $0x3E00;
	v7 =	vld.idx.msk [tilespmem:v0+s20+$0x30 ss:$0x1], $0xffff;
	[tilespmem:s21+$0xFFFFFFD0] =	vst v5  }
0x3e: {  	v8 =	vld.idx.msk [tilespmem:v0+s20+$0xFFFFFFC0 ss:$0x1], $0xffff;
	[tilespmem:s21+$0xFFFFFFE0] =	vst v4  }
0x3f: {  	v5 =	vld.idx.msk [tilespmem:v0+s20+$0xFFFFFFD0 ss:$0x1], $0xffff;
	[tilespmem:s21+$0xFFFFFFF0] =	vst v3  }
.Ltmp3:
0x40: {  	v4 =	vld.idx.msk [tilespmem:v0+s20+$0xFFFFFFE0 ss:$0x1], $0xffff;
	[tilespmem:s21+$0x0] =	vst v1;
	(pc) =	sbr.rel @p1 .LBB1_4-.Ltmp3, $4  }
0x41: {  	v3 =	vld.idx.msk [tilespmem:v0+s20+$0xFFFFFFF0 ss:$0x1], $0xffff;
	[tilespmem:s21+$0x10] =	vst v2  }
0x42: {  	v1 =	vld.idx.msk [tilespmem:v0+s20+$0x0 ss:$0x1], $0xffff;
	[tilespmem:s21+$0x20] =	vst v6;
	s21 =	sadd.s32 $0x200, s21  }
0x43: {  	v2 =	vld.idx.msk [tilespmem:v0+s20+$0x10 ss:$0x1], $0xffff;
	[tilespmem:s21+$0x30] =	vst v7  }
0x44: {  	[tilespmem:s21+$0xFFFFFFC0] =	vst v8;
	v6 =	vld.idx.msk [tilespmem:v0+s20+$0x20 ss:$0x1], $0xffff;
	s20 =	sshra.s32 s22, $0x2;
	s22 =	sadd.s32 $0x200, s22  }
0x45: {  	_ =	sdelay $0x2  }
0x46: {  	[tilespmem:s21+$0xFFFFFFD0] =	vst v5  }
0x47: {  	v56 =	vld.idx.msk [tilespmem:v0+s20+$0x30 ss:$0x1], $0xffff;
	[tilespmem:s21+$0xFFFFFFE0] =	vst v4  }
0x48: {  	v57 =	vld.idx.msk [tilespmem:v0+s20+$0xFFFFFFC0 ss:$0x1], $0xffff;
	[tilespmem:s21+$0xFFFFFFF0] =	vst v3  }
0x49: {  	v58 =	vld.idx.msk [tilespmem:v0+s20+$0xFFFFFFD0 ss:$0x1], $0xffff;
	[tilespmem:s21+$0x0] =	vst v1  }
0x4a: {  	v59 =	vld.idx.msk [tilespmem:v0+s20+$0xFFFFFFE0 ss:$0x1], $0xffff;
	[tilespmem:s21+$0x10] =	vst v2  }
0x4b: {  	v60 =	vld.idx.msk [tilespmem:v0+s20+$0xFFFFFFF0 ss:$0x1], $0xffff;
	s31 =	sadd.s32 $0x200, s21;
	[tilespmem:s21+$0x20] =	vst v6  }
0x4c: {  	v61 =	vld.idx.msk [tilespmem:v0+s20+$0x0 ss:$0x1], $0xffff;
	[tilespmem:s31+$0x30] =	vst v56  }
0x4d: {  	v62 =	vld.idx.msk [tilespmem:v0+s20+$0x10 ss:$0x1], $0xffff;
	s19 =	sadd.s32 $0x1, s19;
	[tilespmem:s31+$0xFFFFFFC0] =	vst v57  }
0x4e: {  	v63 =	vld.idx.msk [tilespmem:v0+s20+$0x20 ss:$0x1], $0xffff;
	p1 =	sne.s32 s19, $0x4;
	[tilespmem:s31+$0xFFFFFFD0] =	vst v58  }
.Ltmp4:
0x4f: {  	[tilespmem:s31+$0xFFFFFFE0] =	vst v59;
	(pc) =	sbr.rel @p1 .LBB1_3-.Ltmp4, $4  }
0x50: {  	[tilespmem:s31+$0xFFFFFFF0] =	vst v60  }
0x51: {  	[tilespmem:s31+$0x0] =	vst v61  }
0x52: {  	[tilespmem:s31+$0x10] =	vst v62  }
0x53: {  	s17 =	sadd.s32 $0x80, s17;
	s18 =	sadd.s32 $0x1000, s18;
	[tilespmem:s31+$0x20] =	vst v63  }
0x54: {  	s17 =	sshrl.u32 s15, $0x3  }
0x55: {  	s18 =	sshll.u32 s13, $0x3;
	s17 =	smul.u32 $0xC00, s17  }
0x56: {  	s27 =	sshll.u32 s15, $0x7;
	s18 =	sand.u32 $0xFFFFFC00, s18  }
0x57: {  	s15 =	sand.u32 $0x380, s27;
	s17 =	sadd.s32 s17, s18  }
0x58: {  	s28 =	sand.u32 $0x7F, s13;
	s15 =	sor.u32 s15, s17  }
0x59: {  	s13 =	sor.u32 s28, s15;
	s15 =	smulhi.u32 $0xAAAAAAAB, s15  }
0x5a: {  	s29 =	smulhi.u32 $0xAAAAAAAB, s13  }
0x5b: {  	s14 =	smul.u32 $0x3000, s14  }
0x5c: {  	s12 =	smul.u32 $0x180, s12;
	s15 =	sshrl.u32 s15, $0x8;
	s17 =	sshrl.u32 s29, $0x8  }
0x5d: {  	s15 =	sand.u32 $0x7, s15;
	s17 =	smul.u32 $0x180, s17  }
0x5e: {  	s15 =	smul.u32 $0x30, s15  }
.Ltmp5:
0x5f: {  	s14 =	sadd.s32 s3, s14;
	s13 =	ssub.s32 s13, s17;
	(pc) =	sbr.rel .LBB1_7-.Ltmp5, $4  }
0x60: {  	s12 =	sadd.s32 s12, s14;
	s30 =	sand.u32 $0x7, s13  }
0x61: {  	s12 =	sadd.s32 s15, s12;
	s13 =	sshrl.u32 s13, $0x3;
	s14 =	sshll.u32 s30, $0x12  }
0x62: {  	s12 =	sadd.s32 s13, s12;
	s31 =	sor.u32 $0x200, s14  }
0x63: {  	[hbm4b:s12+s31] =	stream.strided.scatter [tilespmem:s16], [sflag:$0x2], $0x4000, s6, s31, $0x38;
	[tilespmem:$0x10000] =	vst v63  }
.LBB1_8:
0x64: {  	_ =	sfence.sel $0x180000  }
0x65: {  	s2 =	simm.s32 $0x1;
	[bflag:$0x0] =	sbarrier.arrive $0xFFFF  }
0x66: {  	s31 =	simm.s32 $0x2;
	[sflag:s2] =	ssyncpa.u1 $0x1  }
0x67: {  	[sflag:s31] =	ssyncpa.u1 $0x1  }
0x68: {  	p0 =	sne.s32 s1, $0x0;
	_ =	strace $0x90000047  }
0x69: {  	s0 =	sadd.s32 @!p0 $0x100000, s0;
	[bflag:$0x2] =	sbarrier.arrive $0xFFFF  }
0x6a: {  	[sflag:s0] =	ssyncadd.tile.s32 @!p0 $0x1;
	_ =	shalt  }
.Lfunc_end1:
_tile_overlayer_lowered:
.L_overlay_start_2:
0x6b: {  	(tag) =	ssettag $0x2  }
0x6c: {  	s0 =	rddreg [dreg:$0x0];
	s2 =	stileid.u32  }
0x6d: {  	s1 =	rddreg [dreg:$0x1];
	p0 =	sne.s32 s2, $0x0  }
0x6e: {  	s3 =	rddreg [dreg:$0x2];
	[bflag:$0x3] =	sbarrier.arrive $0xFFFF;
	s2 =	simm.s32 @!p0 $0x1C01  }
0x6f: {  	[timem:s3], [sflag:s2] =	dma.local @!p0 [hbm:s0], s1  }
0x70: {  	s0 =	simm.s32 @!p0 $0x1  }
0x71: {  	_ =	swait.ge @!p0 [sflag:s0], s1  }
0x72: {  	s1 =	ssub.s32 @!p0 $0x0, s1;
	[sflag:s0] =	ssyncset.done @!p0 $0x0  }
0x73: {  	[sflag:s0] =	ssyncadd.s32 @!p0 s1  }
0x74: {  	[bflag:$0x3] =	sbarrier.arrive $0xFFFF  }
0x75: {  	_ =	shalt  }

// kernel: sparse-core-data-format-call.cloned.1.call-start
scs
called_computation_lowered:
.L_overlay_start_0:
0x0: {  	s2 =	sld [smem:$0x3FD9]  }
0x1: {  	s3 =	sld [smem:$0x3FFE];
	_ =	sdelay $0x1  }
0x2: {  	s1 =	srdreg.scid  }
0x3: {  	s0 =	sand.u32 $0x1, s1  }
0x4: {  	s18 =	sshll.u32 s0, $0xA;
	s2 =	sadd.s32 s3, s2  }
0x5: {  	s2 =	sadd.s32 s2, s18  }
0x6: {  	[smem:$0x3FC7] =	sst s2  }
0x7: {  	_ = 	snop  }
0x8: {  	s2 =	sld [smem:$0x3FD0];
	(tm) =	ssettm $0x1  }
0x9: {  	s19 =	sld [smem:$0x3FFB];
	_ =	sdelay $0x3  }
0xa: {  	_ =	strace s19  }
0xb: {  	s3 =	sld [smem:$0x3FFC];
	_ =	sdelay $0x3  }
0xc: {  	_ =	strace s3  }
0xd: {  	s3 =	sld [smem:$0x3FFD];
	_ =	sdelay $0x3  }
0xe: {  	_ =	strace s3  }
0xf: {  	_ =	strace $0x8FFFFFFF  }
0x10: {  	s20 =	sld [smem:$0x3FDB];
	_ =	sdelay $0x1  }
0x11: {  	s4 =	simm.s32 $_scs_section_size  }
0x12: {  	s5 =	simm.s32 $_size__tile_overlayer_lowered;
	s6 =	simm.s32 $_tile_overlayer_lowered  }
0x13: {  	s23 =	simm.s32 $0x1BFF;
	s22 =	sshll.u32 s6, $0x1;
	s3 =	sadd.s32 s4, s20  }
0x14: {  	s7 =	simm.s32 $0x0;
	s21 =	sshll.u32 s5, $0x1;
	s5 =	sadd.s32 s22, s3  }
0x15: {  	[timem:s7], [sflag:s23] =	dma.local [hbm:s5], s21  }
0x16: {  	_ =	swait.ge [sflag:s23], s21  }
0x17: {  	s4 =	ssub.s32 $0x0, s21;
	[sflag:s23] =	ssyncset.done $0x0  }
0x18: {  	[sflag:s23] =	ssyncadd.s32 s4;
	_ =	sdelay $0x1  }
0x19: {  	s24 =	simm.s32 $0x1B8B  }
0x1a: {  	_ =	swait.ge [sflag:s24], $0x1  }
0x1b: {  	[sflag:s24] =	ssyncset.done $0x0  }
0x1c: {  	s26 =	simm.s32 $0x1B8E;
	s25 =	sld [smem:$0x3FFE];
	[sflag:s24] =	ssyncadd.s32 $0xFFFFFFFF  }
0x1d: {  	s27 =	simm.s32 $execute0_lowered;
	[smem:$0x3FD2] =	sst s26  }
0x1e: {  	s5 =	sshll.u32 s27, $0x1;
	_ =	strace $0x80000052;
	[dreg:$0x1] =	wrdreg $0xFFFFFFFF  }
0x1f: {  	s28 =	simm.s32 $_size_execute0_lowered;
	s3 =	sadd.s32 s3, s5;
	[dreg:$0x0] =	wrdreg $0x0  }
0x20: {  	s5 =	sshll.u32 s28, $0x1;
	[dreg:$0x2] =	wrdreg s3  }
0x21: {  	[dreg:$0x3] =	wrdreg s5  }
0x22: {  	[dreg:$0x4] =	wrdreg $0xC0  }
0x23: {  	_ =	task [dreg:s7], $0x5FFFF  }
0x24: {  	[dreg:$0x1] =	wrdreg $0xFFFFFFFF  }
0x25: {  	[dreg:$0x0] =	wrdreg $0x60  }
0x26: {  	[dreg:$0x2] =	wrdreg s25  }
0x27: {  	[dreg:$0x3] =	wrdreg s2  }
0x28: {  	[dreg:$0x4] =	wrdreg $0x9  }
0x29: {  	_ =	task.clear_ibuf [dreg:s7], $0x5FFFF;
	_ =	strace $0x90000052  }
0x2a: {  	s29 =	simm.s32 $0x9;
	_ =	strace $0x80000054  }
0x2b: {  	_ =	swait.ge [sflag:s29], $0x1  }
0x2c: {  	[sflag:s29] =	ssyncadd.s32 $0xFFFFFFFF  }
0x2d: {  	_ =	strace $0x90000054  }
0x2e: {  	_ =	sfence  }
0x2f: {  	s30 =	sld [smem:$0x0];
	_ =	sdelay $0x2  }
0x30: {  	s31 =	sshll.u32 s1, $0xD;
	s1 =	sshrl.u32 s1, $0x2  }
0x31: {  	s3 =	sand.u32 $0x4000, s31;
	s1 =	sadd.s32 s1, s30  }
0x32: {  	s0 =	sor.u32 s3, s0;
	s1 =	sshll.u32 s1, $0x11  }
0x33: {  	s0 =	sor.u32 s1, s0  }
0x34: {  	s0 =	sadd.s32 $0x8F2B, s0  }
0x35: {  	[sflag:s0] =	ssyncadd.remote.s32 $0x1  }
0x36: {  	_ =	sfence.sel $0xFFFF  }
0x37: {  	[dreg:$0x0] =	wrdreg $0xFFFFFFFF;
	(pc) =	sbr.abs _section_cstart, $3  }
0x38: {  	[dreg:$0x1] =	wrdreg $0xFFFFFFFF  }
0x39: {  	_ =	task.clear_ibuf [dreg:s7], $0x2FFFF;
	_ =	strace $0x9FFFFFFF  }
0x3a: {  	(tm) =	ssettm $0x7FFFFFFF  }
0x3b: {  	_ =	shalt  }
tec
execute0_lowered:
.L_overlay_start_1:
0x0: {  	(tag) =	ssettag $0x1  }
0x1: {  	s1 =	rddreg [dreg:$0x0]  }
0x2: {  	s2 =	rddreg [dreg:$0x1]  }
0x3: {  	s0 =	rddreg [dreg:$0x2];
	_ =	strace $0x80000053;
	s4 =	srdreg.scid  }
0x4: {  	s6 =	simm.s32 $0x2;
	s13 =	simm.s32 $0x0;
	p0 =	por $0x0, $0x0  }
0x5: {  	s12 =	simm.s32 $0x0;
	s15 =	simm.s32 $0x0;
	s14 =	simm.s32 $0x0  }
.Ltmp0:
0x6: {  	s8 =	simm.s32 $0x0;
	s9 =	simm.s32 $0x0;
	(pc) =	sbr.rel .LBB1_1-.Ltmp0, $4  }
0x7: {  	s10 =	simm.s32 $0x0;
	s3 =	sadd.s32 $0x181400, s1;
	s5 =	sshll.u32 s4, $0x4  }
0x8: {  	s1 =	stileid.u32;
	s4 =	simm.s32 $0x1;
	s5 =	sand.u32 $0x10, s5  }
0x9: {  	s7 =	simm.s32 $0x0;
	[sflag:s4] =	ssyncpa.u1 $0x0;
	s5 =	sor.u32 s1, s5  }
0xa: {  	[sflag:s6] =	ssyncpa.u1 $0x0;
	s6 =	simm.s32 $0x60000;
	s11 =	smov.u32 s5  }
.LBB1_7:
0xb: {  	s16 =	sadd.s32 $0x80, s8  }
0xc: {  	s12 =	sadd.s32 $0x20, s9;
	s17 =	smov.u32 s9;
	p2 =	sgt.s32 s16, $0x17F  }
0xd: {  	s17 =	smov.u32 @p2 s12  }
0xe: {  	s18 =	smov.u32 s10;
	s12 =	sadd.s32 $0x4, s10;
	p3 =	sgt.s32 s17, $0x1F  }
0xf: {  	s18 =	smov.u32 @p3 s12  }
0x10: {  	s19 =	smov.u32 s11;
	s12 =	sadd.s32 $0x20, s11;
	p4 =	sgt.s32 s18, $0x1F  }
0x11: {  	p1 =	slt.u32 s7, $0x2;
	s19 =	smov.u32 @p4 s12  }
0x12: {  	s7 =	sadd.s32 $0x1, s7;
	s16 =	simm.s32 @p2 $0x0;
	p2 =	sgt.s32 s19, $0x1F  }
0x13: {  	s13 =	smov.u32 s8;
	s19 =	smov.u32 @p2 s5;
	p2 =	sne.s32 s7, $0x1A  }
.Ltmp1:
0x14: {  	s15 =	smov.u32 s10;
	s20 =	simm.s32 @!p1 $0x2;
	(pc) =	sbr.rel @!p2 .LBB1_8-.Ltmp1, $4  }
0x15: {  	s14 =	smov.u32 s11;
	p0 =	por !p0, !p0;
	_ =	swait.ge @!p1 [sflag:s20], $0x4000  }
0x16: {  	[sflag:s20] =	ssyncset.done @!p1 $0x0;
	s8 =	smov.u32 s16;
	s17 =	simm.s32 @p3 $0x0  }
0x17: {  	[sflag:s20] =	ssyncadd.s32 @!p1 $0xFFFFC000;
	s18 =	simm.s32 @p4 $0x0;
	s12 =	smov.u32 s9  }
0x18: {  	s9 =	smov.u32 s17;
	s10 =	smov.u32 s18;
	s11 =	smov.u32 s19  }
.LBB1_1:
0x19: {  	p1 =	sgt.u32 s7, $0x17  }
0x1a: {  	s16 =	sshrl.u32 @!p1 s9, $0x3  }
0x1b: {  	s17 =	sshll.u32 @!p1 s8, $0x3;
	s16 =	smul.u32 @!p1 $0xC00, s16  }
0x1c: {  	s18 =	sshll.u32 @!p1 s9, $0x7;
	s17 =	sand.u32 @!p1 $0xFFFFFC00, s17  }
0x1d: {  	s16 =	sadd.s32 @!p1 s16, s17;
	s17 =	sand.u32 @!p1 $0x380, s18  }
0x1e: {  	s18 =	sand.u32 @!p1 $0x7F, s8;
	s16 =	sor.u32 @!p1 s17, s16  }
0x1f: {  	s17 =	sor.u32 @!p1 s18, s16  }
0x20: {  	s18 =	smulhi.u32 @!p1 $0xAAAAAAAB, s17  }
0x21: {  	s16 =	smulhi.u32 @!p1 $0xAAAAAAAB, s16  }
0x22: {  	s20 =	smul.u32 @!p1 $0xC000, s11;
	s18 =	sshrl.u32 @!p1 s18, $0x8  }
0x23: {  	s19 =	sxor.u32 @!p1 $0xFFFFFFFF, s7;
	s16 =	sshrl.u32 @!p1 s16, $0x8;
	s18 =	smul.u32 @!p1 $0x180, s18  }
0x24: {  	s21 =	smul.u32 @!p1 $0x600, s10;
	s19 =	sshll.u32 @!p1 s19, $0xE;
	s16 =	sand.u32 @!p1 $0x1F, s16  }
0x25: {  	s16 =	smul.u32 @!p1 $0x30, s16;
	s17 =	ssub.s32 @!p1 s17, s18;
	s18 =	sadd.s32 @!p1 s3, s20  }
0x26: {  	s19 =	sand.u32 @!p1 $0x4000, s19;
	s18 =	sadd.s32 @!p1 s21, s18;
	s20 =	sand.u32 @!p1 $0x7, s17  }
0x27: {  	s17 =	sshrl.u32 @!p1 s17, $0x3;
	s16 =	sadd.s32 @!p1 s16, s18;
	s18 =	sshll.u32 @!p1 s20, $0x12  }
0x28: {  	s16 =	sadd.s32 @!p1 s17, s16;
	s17 =	sor.u32 @!p1 $0x400, s18;
	s18 =	simm.s32 @!p1 $0xC00  }
0x29: {  	[tilespmem:s19], [sflag:$0x1] =	stream.strided.gather @!p1 [hbm4b:s16+s17], $0x4000, s18, s17, $0x38;
	[tilespmem:$0x10000] =	vst v63  }
0x2a: {  	p1 =	seq.s32 s7, $0x0  }
0x2b: {  	p2 =	seq.s32 @!p1 s7, $0x19  }
0x2c: {  	p1 =	por p1, p2  }
.Ltmp2:
0x2d: {  	_ = 	snop;
	(pc) =	sbr.rel @p1 .LBB1_7-.Ltmp2, $1  }
0x2e: {  	_ =	sdelay $0x3  }
0x2f: {  	s16 =	simm.s32 $0x1;
	_ =	swait.ge [sflag:s4], $0x4000;
	s19 =	sshll.u32 s7, $0xE  }
0x30: {  	s16 =	simm.s32 @!p0 $0x0;
	[sflag:s4] =	ssyncset.done $0x0;
	s31 =	sand.u32 $0x4000, s19  }
0x31: {  	s19 =	simm.s32 $0x0;
	s16 =	sshll.u32 s16, $0xE;
	[sflag:s4] =	ssyncadd.s32 $0xFFFFC000  }
0x32: {  	s17 =	sor.u32 $0x8040, s16;
	s18 =	sor.u32 $0x40, s16;
	s16 =	sor.u32 $0x8000, s31  }
.LBB1_3:
0x33: {  	v0 =	vmov s18;
	_ =	sdelay $0x3  }
0x34: {  	s21 =	simm.s32 $0x0  }
0x35: {  	v6 =	vld.idx.msk [tilespmem:v0+s21+$0x30 ss:$0x1], $0xffff  }
0x36: {  	v7 =	vld.idx.msk [tilespmem:v0+s21+$0xFFFFFFC0 ss:$0x1], $0xffff  }
0x37: {  	v5 =	vld.idx.msk [tilespmem:v0+s21+$0xFFFFFFD0 ss:$0x1], $0xffff  }
0x38: {  	v4 =	vld.idx.msk [tilespmem:v0+s21+$0xFFFFFFE0 ss:$0x1], $0xffff  }
0x39: {  	v3 =	vld.idx.msk [tilespmem:v0+s21+$0xFFFFFFF0 ss:$0x1], $0xffff  }
0x3a: {  	v1 =	vld.idx.msk [tilespmem:v0+s21+$0x0 ss:$0x1], $0xffff  }
0x3b: {  	v2 =	vld.idx.msk [tilespmem:v0+s21+$0x10 ss:$0x1], $0xffff;
	[tilespmem:s17+$0x30] =	vst v6  }
0x3c: {  	s20 =	simm.s32 $0x80;
	s22 =	simm.s32 $0x400;
	[tilespmem:s17+$0xFFFFFFC0] =	vst v7;
	v6 =	vld.idx.msk [tilespmem:v0+s21+$0x20 ss:$0x1], $0xffff;
	s21 =	smov.u32 s17  }
.LBB1_4:
0x3d: {  	p1 =	sne.s32 s22, $0x3E00;
	v7 =	vld.idx.msk [tilespmem:v0+s20+$0x30 ss:$0x1], $0xffff;
	[tilespmem:s21+$0xFFFFFFD0] =	vst v5  }
0x3e: {  	v8 =	vld.idx.msk [tilespmem:v0+s20+$0xFFFFFFC0 ss:$0x1], $0xffff;
	[tilespmem:s21+$0xFFFFFFE0] =	vst v4  }
0x3f: {  	v5 =	vld.idx.msk [tilespmem:v0+s20+$0xFFFFFFD0 ss:$0x1], $0xffff;
	[tilespmem:s21+$0xFFFFFFF0] =	vst v3  }
.Ltmp3:
0x40: {  	v4 =	vld.idx.msk [tilespmem:v0+s20+$0xFFFFFFE0 ss:$0x1], $0xffff;
	[tilespmem:s21+$0x0] =	vst v1;
	(pc) =	sbr.rel @p1 .LBB1_4-.Ltmp3, $4  }
0x41: {  	v3 =	vld.idx.msk [tilespmem:v0+s20+$0xFFFFFFF0 ss:$0x1], $0xffff;
	[tilespmem:s21+$0x10] =	vst v2  }
0x42: {  	v1 =	vld.idx.msk [tilespmem:v0+s20+$0x0 ss:$0x1], $0xffff;
	[tilespmem:s21+$0x20] =	vst v6;
	s21 =	sadd.s32 $0x200, s21  }
0x43: {  	v2 =	vld.idx.msk [tilespmem:v0+s20+$0x10 ss:$0x1], $0xffff;
	[tilespmem:s21+$0x30] =	vst v7  }
0x44: {  	[tilespmem:s21+$0xFFFFFFC0] =	vst v8;
	v6 =	vld.idx.msk [tilespmem:v0+s20+$0x20 ss:$0x1], $0xffff;
	s20 =	sshra.s32 s22, $0x2;
	s22 =	sadd.s32 $0x200, s22  }
0x45: {  	_ =	sdelay $0x2  }
0x46: {  	[tilespmem:s21+$0xFFFFFFD0] =	vst v5  }
0x47: {  	v56 =	vld.idx.msk [tilespmem:v0+s20+$0x30 ss:$0x1], $0xffff;
	[tilespmem:s21+$0xFFFFFFE0] =	vst v4  }
0x48: {  	v57 =	vld.idx.msk [tilespmem:v0+s20+$0xFFFFFFC0 ss:$0x1], $0xffff;
	[tilespmem:s21+$0xFFFFFFF0] =	vst v3  }
0x49: {  	v58 =	vld.idx.msk [tilespmem:v0+s20+$0xFFFFFFD0 ss:$0x1], $0xffff;
	[tilespmem:s21+$0x0] =	vst v1  }
0x4a: {  	v59 =	vld.idx.msk [tilespmem:v0+s20+$0xFFFFFFE0 ss:$0x1], $0xffff;
	[tilespmem:s21+$0x10] =	vst v2  }
0x4b: {  	v60 =	vld.idx.msk [tilespmem:v0+s20+$0xFFFFFFF0 ss:$0x1], $0xffff;
	s31 =	sadd.s32 $0x200, s21;
	[tilespmem:s21+$0x20] =	vst v6  }
0x4c: {  	v61 =	vld.idx.msk [tilespmem:v0+s20+$0x0 ss:$0x1], $0xffff;
	[tilespmem:s31+$0x30] =	vst v56  }
0x4d: {  	v62 =	vld.idx.msk [tilespmem:v0+s20+$0x10 ss:$0x1], $0xffff;
	s19 =	sadd.s32 $0x1, s19;
	[tilespmem:s31+$0xFFFFFFC0] =	vst v57  }
0x4e: {  	v63 =	vld.idx.msk [tilespmem:v0+s20+$0x20 ss:$0x1], $0xffff;
	p1 =	sne.s32 s19, $0x4;
	[tilespmem:s31+$0xFFFFFFD0] =	vst v58  }
.Ltmp4:
0x4f: {  	[tilespmem:s31+$0xFFFFFFE0] =	vst v59;
	(pc) =	sbr.rel @p1 .LBB1_3-.Ltmp4, $4  }
0x50: {  	[tilespmem:s31+$0xFFFFFFF0] =	vst v60  }
0x51: {  	[tilespmem:s31+$0x0] =	vst v61  }
0x52: {  	[tilespmem:s31+$0x10] =	vst v62  }
0x53: {  	s17 =	sadd.s32 $0x80, s17;
	s18 =	sadd.s32 $0x1000, s18;
	[tilespmem:s31+$0x20] =	vst v63  }
0x54: {  	s17 =	sshrl.u32 s15, $0x3  }
0x55: {  	s18 =	sshll.u32 s13, $0x3;
	s17 =	smul.u32 $0xC00, s17  }
0x56: {  	s27 =	sshll.u32 s15, $0x7;
	s18 =	sand.u32 $0xFFFFFC00, s18  }
0x57: {  	s15 =	sand.u32 $0x380, s27;
	s17 =	sadd.s32 s17, s18  }
0x58: {  	s28 =	sand.u32 $0x7F, s13;
	s15 =	sor.u32 s15, s17  }
0x59: {  	s13 =	sor.u32 s28, s15;
	s15 =	smulhi.u32 $0xAAAAAAAB, s15  }
0x5a: {  	s29 =	smulhi.u32 $0xAAAAAAAB, s13  }
0x5b: {  	s14 =	smul.u32 $0x600, s14  }
0x5c: {  	s12 =	smul.u32 $0xC000, s12;
	s15 =	sshrl.u32 s15, $0x8;
	s17 =	sshrl.u32 s29, $0x8  }
0x5d: {  	s15 =	sand.u32 $0x1F, s15;
	s17 =	smul.u32 $0x180, s17  }
0x5e: {  	s15 =	smul.u32 $0x30, s15  }
.Ltmp5:
0x5f: {  	s14 =	sadd.s32 s2, s14;
	s13 =	ssub.s32 s13, s17;
	(pc) =	sbr.rel .LBB1_7-.Ltmp5, $4  }
0x60: {  	s12 =	sadd.s32 s12, s14;
	s30 =	sand.u32 $0x7, s13  }
0x61: {  	s12 =	sadd.s32 s15, s12;
	s13 =	sshrl.u32 s13, $0x3;
	s14 =	sshll.u32 s30, $0x12  }
0x62: {  	s12 =	sadd.s32 s13, s12;
	s31 =	sor.u32 $0x200, s14  }
0x63: {  	[hbm4b:s12+s31] =	stream.strided.scatter [tilespmem:s16], [sflag:$0x2], $0x4000, s6, s31, $0x38;
	[tilespmem:$0x10000] =	vst v63  }
.LBB1_8:
0x64: {  	_ =	sfence.sel $0x180000  }
0x65: {  	s2 =	simm.s32 $0x1;
	[bflag:$0x0] =	sbarrier.arrive $0xFFFF  }
0x66: {  	s31 =	simm.s32 $0x2;
	[sflag:s2] =	ssyncpa.u1 $0x1  }
0x67: {  	[sflag:s31] =	ssyncpa.u1 $0x1  }
0x68: {  	p0 =	sne.s32 s1, $0x0;
	_ =	strace $0x90000053  }
0x69: {  	s0 =	sadd.s32 @!p0 $0x100000, s0;
	[bflag:$0x2] =	sbarrier.arrive $0xFFFF  }
0x6a: {  	[sflag:s0] =	ssyncadd.tile.s32 @!p0 $0x1;
	_ =	shalt  }
.Lfunc_end1:
_tile_overlayer_lowered:
.L_overlay_start_2:
0x6b: {  	(tag) =	ssettag $0x2  }
0x6c: {  	s0 =	rddreg [dreg:$0x0];
	s2 =	stileid.u32  }
0x6d: {  	s1 =	rddreg [dreg:$0x1];
	p0 =	sne.s32 s2, $0x0  }
0x6e: {  	s3 =	rddreg [dreg:$0x2];
	[bflag:$0x3] =	sbarrier.arrive $0xFFFF;
	s2 =	simm.s32 @!p0 $0x1C01  }
0x6f: {  	[timem:s3], [sflag:s2] =	dma.local @!p0 [hbm:s0], s1  }
0x70: {  	s0 =	simm.s32 @!p0 $0x1  }
0x71: {  	_ =	swait.ge @!p0 [sflag:s0], s1  }
0x72: {  	s1 =	ssub.s32 @!p0 $0x0, s1;
	[sflag:s0] =	ssyncset.done @!p0 $0x0  }
0x73: {  	[sflag:s0] =	ssyncadd.s32 @!p0 s1  }
0x74: {  	[bflag:$0x3] =	sbarrier.arrive $0xFFFF  }
0x75: {  	_ =	shalt  }

</sc_bundles>
